<compile_context>
chip_gen: v7x
topology: tpu7x:2x2x1
jax: 0.10.2.dev20260603
libtpu: 0.0.44.dev20260713+nightly
codegen_flags: <defaults>
</compile_context>

<pallas_src>
import jax
import jax.numpy as jnp
from jax import lax
from jax.experimental import pallas as pl
from jax.experimental.pallas import tpu as pltpu
from jax.experimental.pallas import tpu_sc as plsc

D = 128
E_EDGES = 320000

NC = 2
NS = 16
NW = NC * NS
NP = 10240
CH = D // NW
CE = 6400
NCH = E_EDGES // CE
NCH2 = NCH // 2
NEG_INF = float("-inf")


def _matmul_body(xt_ref, wat_ref, wjt_ref, b_ref, a_ref, bb_ref):
    xb = xt_ref[...]
    a_ref[...] = (
        jnp.dot(wat_ref[...], xb, preferred_element_type=jnp.float32)
        + b_ref[...]
    )
    bb_ref[...] = jnp.dot(wjt_ref[...], xb, preferred_element_type=jnp.float32)


def _node_transform(xt, wa, wj, bias):
    blk = NP // 8
    return pl.pallas_call(
        _matmul_body,
        grid=(8,),
        in_specs=[
            pl.BlockSpec((D, blk), lambda i: (0, i)),
            pl.BlockSpec((D, D), lambda i: (0, 0)),
            pl.BlockSpec((D, D), lambda i: (0, 0)),
            pl.BlockSpec((D, 1), lambda i: (0, 0)),
        ],
        out_specs=[
            pl.BlockSpec((D, blk), lambda i: (0, i)),
            pl.BlockSpec((D, blk), lambda i: (0, i)),
        ],
        out_shape=[
            jax.ShapeDtypeStruct((D, NP), jnp.float32),
            jax.ShapeDtypeStruct((D, NP), jnp.float32),
        ],
    )(xt, wa, wj, bias)


def _seg_max_kernel(at_hbm, bt_hbm, src_hbm, dst_hbm, out_hbm,
                    acc, bsl, sbuf0, dbuf0, sbuf1, dbuf1,
                    semc0, semc1):
    wid = lax.axis_index("s") * NC + lax.axis_index("c")
    c_lo = wid * CH
    iota = lax.iota(jnp.int32, 16)
    ch4 = iota % CH

    pltpu.sync_copy(bt_hbm.at[pl.ds(c_lo, CH), :], bsl)

    def init_acc(i, _):
        for c in range(CH):
            acc[c, pl.ds(i * 16, 16)] = jnp.full((16,), NEG_INF, jnp.float32)
        return 0
    lax.fori_loop(0, NP // 16, init_acc, 0)

    def issue_chunk(ch, sb, db, sem):
        pltpu.async_copy(src_hbm.at[pl.ds(ch * CE, CE)], sb, sem)
        pltpu.async_copy(dst_hbm.at[pl.ds(ch * CE, CE)], db, sem)

    def wait_chunk(sb, db, sem):
        pltpu.make_async_copy(src_hbm.at[pl.ds(0, CE)], sb, sem).wait()
        pltpu.make_async_copy(dst_hbm.at[pl.ds(0, CE)], db, sem).wait()

    def process(sbuf, dbuf):
        ngrp = CE // 16

        def load_grp(g):
            sv = sbuf[pl.ds(g * 16, 16)]
            dv = dbuf[pl.ds(g * 16, 16)]
            return sv, dv

        def fast(sv, dv):
            bvs = [
                plsc.load_gather(bsl, [jnp.full((16,), c, jnp.int32), sv])
                for c in range(CH)
            ]
            avs = [
                plsc.load_gather(acc, [jnp.full((16,), c, jnp.int32), dv])
                for c in range(CH)
            ]
            for c in range(CH):
                plsc.store_scatter(
                    acc,
                    [jnp.full((16,), c, jnp.int32), dv],
                    jnp.maximum(avs[c], bvs[c]),
                )

        def fixup(sv, dv):
            for j in range(16):
                sj = jnp.full((16,), sv[j], jnp.int32)
                dj = jnp.full((16,), dv[j], jnp.int32)
                bv = plsc.load_gather(bsl, [ch4, sj])
                av = plsc.load_gather(acc, [ch4, dj])
                plsc.store_scatter(acc, [ch4, dj], jnp.maximum(av, bv))

        def check(g):
            sv, dv = load_grp(g)
            _, lastm = plsc.scan_count(dv)
            npop = plsc.all_reduce_population_count(lastm)
            return sv, dv, npop[0] == 16

        UNROLL = 4

        def groupn(i, carry):
            for u in range(UNROLL):
                sv_a, dv_a, ok_a = carry
                nxt = UNROLL * i + u + 1
                if u == UNROLL - 1:
                    nxt = jnp.minimum(nxt, ngrp - 1)
                carry = check(nxt)
                fast(sv_a, dv_a)

                @pl.when(jnp.logical_not(ok_a))
                def _(sv_a=sv_a, dv_a=dv_a):
                    fixup(sv_a, dv_a)
            return carry

        carry0 = check(0)
        lax.fori_loop(0, ngrp // UNROLL, groupn, carry0)

    issue_chunk(0, sbuf0, dbuf0, semc0)

    def chpair(cp, _):
        ch0 = 2 * cp
        issue_chunk(ch0 + 1, sbuf1, dbuf1, semc1)
        wait_chunk(sbuf0, dbuf0, semc0)
        process(sbuf0, dbuf0)

        @pl.when(cp < NCH2 - 1)
        def _():
            issue_chunk(ch0 + 2, sbuf0, dbuf0, semc0)

        wait_chunk(sbuf1, dbuf1, semc1)
        process(sbuf1, dbuf1)
        return 0
    lax.fori_loop(0, NCH2, chpair, 0)

    pltpu.sync_copy(at_hbm.at[pl.ds(c_lo, CH), :], bsl)

    def comb(i, _):
        sl = pl.ds(i * 16, 16)
        for c in range(CH):
            acc[c, sl] = jnp.maximum(acc[c, sl] + bsl[c, sl], 0.0)
        return 0
    lax.fori_loop(0, NP // 16, comb, 0)

    pltpu.sync_copy(acc, out_hbm.at[pl.ds(c_lo, CH), :])


def _segment_max_combine(at2d, bt2d, src, dst):
    mesh = plsc.VectorSubcoreMesh(core_axis_name="c", subcore_axis_name="s")
    kfn = pl.kernel(
        _seg_max_kernel,
        mesh=mesh,
        out_type=jax.ShapeDtypeStruct((D, NP), jnp.float32),
        scratch_types=[
            pltpu.VMEM((CH, NP), jnp.float32),
            pltpu.VMEM((CH, NP), jnp.float32),
            pltpu.VMEM((CE,), jnp.int32),
            pltpu.VMEM((CE,), jnp.int32),
            pltpu.VMEM((CE,), jnp.int32),
            pltpu.VMEM((CE,), jnp.int32),
            pltpu.SemaphoreType.DMA,
            pltpu.SemaphoreType.DMA,
        ],
        compiler_params=pltpu.CompilerParams(needs_layout_passes=False),
    )
    return kfn(at2d, bt2d, src, dst)


def kernel(x_, edge_index, W, bias):
    b, HW, d = x_.shape
    x = x_.reshape(b * HW, d)
    xpad = jnp.pad(x, ((0, NP - b * HW), (0, 0)))

    wi = W[:, :d]
    wj = W[:, d:]
    wa = wi - wj

    at2d, bt2d = _node_transform(xpad.T, wa, wj, bias.reshape(-1, 1))

    outt = _segment_max_combine(at2d, bt2d, edge_index[0], edge_index[1])
    out = outt.T[: b * HW]
    return out.reshape(b, HW, -1)

# --- scband reference (transcript-rebuilt; emitter-appended) ---
"""Pipeline reference for scband-feature-extraction-91302414778573 (READ-ONLY COPY).

The authoritative reference and input builder live on the scoring server;
editing this copy changes nothing except your own understanding.
"""

import jax, jax.numpy as jnp
import numpy as np


def setup_inputs(seed: int = 0) -> dict:
    key = jax.random.key(seed)
    k1, k2, k3, k4 = jax.random.split(key, 4)
    b, HW, d = 2, 5000, 128
    N = b * HW
    E = N * 32
    out_ch = 128
    x_ = jax.random.normal(k1, (b, HW, d), dtype=jnp.float32)
    edge_index = jax.random.randint(k2, (2, E), 0, N, dtype=jnp.int32)
    # EdgeConv mlp: Linear(2*in_channels -> out_channels) followed by ReLU
    W = jax.random.normal(k3, (out_ch, 2 * d), dtype=jnp.float32) * 0.05
    bias = jax.random.normal(k4, (out_ch,), dtype=jnp.float32) * 0.05
    return {"x_": x_, "edge_index": edge_index, "W": W, "bias": bias}


def reference(x_, edge_index, W, bias):
    b, HW, d = x_.shape
    N = b * HW
    x = x_.reshape(N, d)
    # graphmode=1, num_convs=1, pretransform=0 -> Identity transform then EdgeConv
    src = edge_index[0]  # j (source)
    dst = edge_index[1]  # i (target)
    x_i = jnp.take(x, dst, axis=0)
    x_j = jnp.take(x, src, axis=0)
    tmp = jnp.concatenate([x_i, x_j - x_i], axis=1)
    msg = jax.nn.relu(tmp @ W.T + bias)
    agg = jax.ops.segment_max(msg, dst, num_segments=N)
    # PyG scatter-max fills empty segments with 0
    agg = jnp.where(jnp.isneginf(agg), 0.0, agg)
    out = agg.reshape(b, HW, -1)
    return out

if __name__ == "__main__":
    import jax
    _d = setup_inputs()
    print(jax.jit(kernel)(*tuple(_d.values())))

</pallas_src>

<mosaic_0001>
#map = affine_map<(d0, d1) -> (0, 0)>
#map1 = affine_map<(d0, d1) -> (0)>
module attributes {stable_mosaic.version = 14 : i64} {
  func.func @_seg_max_kernel(%arg0: i32, %arg1: i32, %arg2: memref<128x10240xf32, #tpu.memory_space<hbm>>, %arg3: memref<128x10240xf32, #tpu.memory_space<hbm>>, %arg4: memref<320000xi32, #tpu.memory_space<hbm>>, %arg5: memref<320000xi32, #tpu.memory_space<hbm>>, %arg6: memref<128x10240xf32, #tpu.memory_space<hbm>>, %arg7: memref<4x10240xf32, #tpu.memory_space<vmem>>, %arg8: memref<4x10240xf32, #tpu.memory_space<vmem>>, %arg9: memref<6400xi32, #tpu.memory_space<vmem>>, %arg10: memref<6400xi32, #tpu.memory_space<vmem>>, %arg11: memref<6400xi32, #tpu.memory_space<vmem>>, %arg12: memref<6400xi32, #tpu.memory_space<vmem>>, %arg13: memref<!tpu.dma_semaphore, #tpu.memory_space<semaphore_mem>>, %arg14: memref<!tpu.dma_semaphore, #tpu.memory_space<semaphore_mem>>) attributes {dimension_semantics = [#tpu.dimension_semantics<core_parallel>, #tpu.dimension_semantics<subcore_parallel>], iteration_bounds = array<i64: 2, 16>, scalar_prefetch = 0 : i64, scratch_operands = 8 : i64, tpu.core_type = #tpu.core_type<sc_vector_subcore>, window_params = [{transform_indices = #map}, {transform_indices = #map}, {transform_indices = #map1}, {transform_indices = #map1}, {transform_indices = #map}]} {
    %mul3A = arith.constant 2 : i32
    %mul3A_0 = arith.muli %arg1, %mul3A : i32
    %add3A = arith.addi %mul3A_0, %arg0 : i32
    %mul3A_1 = arith.constant 4 : i32
    %mul3A_2 = arith.muli %add3A, %mul3A_1 : i32
    %iota3A = tpu.iota {dimensions = array<i32: 0>} : vector<16xi32>
    %jit3A = arith.constant 4 : i32
    %eq3A = arith.constant 0 : i32
    %eq3A_3 = arith.cmpi eq, %jit3A, %eq3A : i32
    %jit3A_4 = arith.constant 1 : i32
    %select_n3A = arith.select %eq3A_3, %jit3A_4, %jit3A : i32
    %rem3A = vector.broadcast %select_n3A : i32 to vector<16xi32>
    %rem3A_5 = arith.remsi %iota3A, %rem3A : vector<16xi32>
    %ne3A = arith.constant 0 : i32
    %ne3A_6 = vector.broadcast %ne3A : i32 to vector<16xi32>
    %ne3A_7 = arith.cmpi ne, %rem3A_5, %ne3A_6 : vector<16xi32>
    %lt3A = arith.constant 0 : i32
    %lt3A_8 = vector.broadcast %lt3A : i32 to vector<16xi32>
    %lt3A_9 = arith.cmpi slt, %rem3A_5, %lt3A_8 : vector<16xi32>
    %lt3A_10 = arith.constant 0 : i32
    %lt3A_11 = arith.cmpi slt, %select_n3A, %lt3A_10 : i32
    %ne3A_12 = vector.broadcast %lt3A_11 : i1 to vector<16xi1>
    %ne3A_13 = vector.broadcast %ne3A_12 : vector<16xi1> to vector<16xi1>
    %ne3A_14 = arith.xori %lt3A_9, %ne3A_13 : vector<16xi1>
    %and3A = arith.andi %ne3A_14, %ne3A_7 : vector<16xi1>
    %add3A_15 = vector.broadcast %select_n3A : i32 to vector<16xi32>
    %add3A_16 = arith.addi %rem3A_5, %add3A_15 : vector<16xi32>
    %select_n3A_17 = arith.select %and3A, %add3A_16, %rem3A_5 : vector<16xi1>, vector<16xi32>
    "tpu.region"() ({
      %run_scoped3A = tpu.sem_alloc : memref<!tpu.dma_semaphore, #tpu.memory_space<semaphore_mem>>
      %dma_start3A_45 = arith.constant 0 : i32
      %dma_start3A_46 = tpu.memref_slice %arg3[%mul3A_2, %dma_start3A_45] : memref<128x10240xf32, #tpu.memory_space<hbm>> -> memref<4x10240xf32, #tpu.memory_space<hbm>>
      %dma_start3A_47 = arith.constant 0 : i32
      %dma_start3A_48 = tpu.memref_slice %arg3[%mul3A_2, %dma_start3A_47] : memref<128x10240xf32, #tpu.memory_space<hbm>> -> memref<4x10240xf32, #tpu.memory_space<hbm>>
      tpu.enqueue_dma source(%dma_start3A_48 : memref<4x10240xf32, #tpu.memory_space<hbm>>) target(%arg8 : memref<4x10240xf32, #tpu.memory_space<vmem>>) target_semaphore(%run_scoped3A : memref<!tpu.dma_semaphore, #tpu.memory_space<semaphore_mem>>)
      %dma_wait3A = arith.constant 0 : i32
      %dma_wait3A_49 = tpu.memref_slice %arg3[%mul3A_2, %dma_wait3A] : memref<128x10240xf32, #tpu.memory_space<hbm>> -> memref<4x10240xf32, #tpu.memory_space<hbm>>
      %dma_wait3A_50 = arith.constant 0 : i32
      %dma_wait3A_51 = tpu.memref_slice %arg3[%mul3A_2, %dma_wait3A_50] : memref<128x10240xf32, #tpu.memory_space<hbm>> -> memref<4x10240xf32, #tpu.memory_space<hbm>>
      tpu.wait_dma2 semaphore(%run_scoped3A : memref<!tpu.dma_semaphore, #tpu.memory_space<semaphore_mem>>) src(%dma_wait3A_51 : memref<4x10240xf32, #tpu.memory_space<hbm>>) dst(%arg8 : memref<4x10240xf32, #tpu.memory_space<vmem>>)
      tpu.yield
    }) : () -> ()
    %scan3A = arith.constant 0 : i32
    %scan3A_18 = arith.constant 0 : i32
    %scan3A_19 = arith.constant 640 : i32
    %scan3A_20 = arith.addi %scan3A_18, %scan3A_19 : i32
    %scan3A_21 = arith.constant 1 : i32
    %scan3A_22 = scf.for %scan3A_45 = %scan3A_18 to %scan3A_20 step %scan3A_21 iter_args(%scan3A_46 = %scan3A) -> (i32)  : i32 {
      %broadcast_in_dim3A = arith.constant 0xFF800000 : f32
      %broadcast_in_dim3A_47 = vector.broadcast %broadcast_in_dim3A : f32 to vector<16xf32>
      %mul3A_48 = arith.constant 16 : i32
      %mul3A_49 = arith.muli %scan3A_45, %mul3A_48 : i32
      %swap3A = arith.constant 0 : i32
      %swap3A_50 = arith.index_cast %swap3A : i32 to index
      %swap3A_51 = arith.index_cast %mul3A_49 : i32 to index
      %swap3A_52 = tpu.vector_load %arg7[%swap3A_50, %swap3A_51] {strides = array<i32>} : memref<4x10240xf32, #tpu.memory_space<vmem>>, vector<16xf32>,
      tpu.vector_store %arg7[%swap3A_50, %swap3A_51], %broadcast_in_dim3A_47 {strides = array<i32>} : memref<4x10240xf32, #tpu.memory_space<vmem>>, vector<16xf32>,
      %broadcast_in_dim3A_53 = arith.constant 0xFF800000 : f32
      %broadcast_in_dim3A_54 = vector.broadcast %broadcast_in_dim3A_53 : f32 to vector<16xf32>
      %mul3A_55 = arith.constant 16 : i32
      %mul3A_56 = arith.muli %scan3A_45, %mul3A_55 : i32
      %swap3A_57 = arith.constant 1 : i32
      %swap3A_58 = arith.index_cast %swap3A_57 : i32 to index
      %swap3A_59 = arith.index_cast %mul3A_56 : i32 to index
      %swap3A_60 = tpu.vector_load %arg7[%swap3A_58, %swap3A_59] {strides = array<i32>} : memref<4x10240xf32, #tpu.memory_space<vmem>>, vector<16xf32>,
      tpu.vector_store %arg7[%swap3A_58, %swap3A_59], %broadcast_in_dim3A_54 {strides = array<i32>} : memref<4x10240xf32, #tpu.memory_space<vmem>>, vector<16xf32>,
      %broadcast_in_dim3A_61 = arith.constant 0xFF800000 : f32
      %broadcast_in_dim3A_62 = vector.broadcast %broadcast_in_dim3A_61 : f32 to vector<16xf32>
      %mul3A_63 = arith.constant 16 : i32
      %mul3A_64 = arith.muli %scan3A_45, %mul3A_63 : i32
      %swap3A_65 = arith.constant 2 : i32
      %swap3A_66 = arith.index_cast %swap3A_65 : i32 to index
      %swap3A_67 = arith.index_cast %mul3A_64 : i32 to index
      %swap3A_68 = tpu.vector_load %arg7[%swap3A_66, %swap3A_67] {strides = array<i32>} : memref<4x10240xf32, #tpu.memory_space<vmem>>, vector<16xf32>,
      tpu.vector_store %arg7[%swap3A_66, %swap3A_67], %broadcast_in_dim3A_62 {strides = array<i32>} : memref<4x10240xf32, #tpu.memory_space<vmem>>, vector<16xf32>,
      %broadcast_in_dim3A_69 = arith.constant 0xFF800000 : f32
      %broadcast_in_dim3A_70 = vector.broadcast %broadcast_in_dim3A_69 : f32 to vector<16xf32>
      %mul3A_71 = arith.constant 16 : i32
      %mul3A_72 = arith.muli %scan3A_45, %mul3A_71 : i32
      %swap3A_73 = arith.constant 3 : i32
      %swap3A_74 = arith.index_cast %swap3A_73 : i32 to index
      %swap3A_75 = arith.index_cast %mul3A_72 : i32 to index
      %swap3A_76 = tpu.vector_load %arg7[%swap3A_74, %swap3A_75] {strides = array<i32>} : memref<4x10240xf32, #tpu.memory_space<vmem>>, vector<16xf32>,
      tpu.vector_store %arg7[%swap3A_74, %swap3A_75], %broadcast_in_dim3A_70 {strides = array<i32>} : memref<4x10240xf32, #tpu.memory_space<vmem>>, vector<16xf32>,
      %scan3A_77 = arith.constant 0 : i32
      scf.yield %scan3A_77 : i32
    }
    %scan3A_23 = arith.constant 640 : i32
    %dma_start3A = arith.constant 0 : i32
    %dma_start3A_24 = tpu.memref_slice %arg4[%dma_start3A] : memref<320000xi32, #tpu.memory_space<hbm>> -> memref<6400xi32, #tpu.memory_space<hbm>>
    %dma_start3A_25 = arith.constant 0 : i32
    %dma_start3A_26 = tpu.memref_slice %arg4[%dma_start3A_25] : memref<320000xi32, #tpu.memory_space<hbm>> -> memref<6400xi32, #tpu.memory_space<hbm>>
    tpu.enqueue_dma source(%dma_start3A_26 : memref<6400xi32, #tpu.memory_space<hbm>>) target(%arg9 : memref<6400xi32, #tpu.memory_space<vmem>>) target_semaphore(%arg13 : memref<!tpu.dma_semaphore, #tpu.memory_space<semaphore_mem>>)
    %dma_start3A_27 = arith.constant 0 : i32
    %dma_start3A_28 = tpu.memref_slice %arg5[%dma_start3A_27] : memref<320000xi32, #tpu.memory_space<hbm>> -> memref<6400xi32, #tpu.memory_space<hbm>>
    %dma_start3A_29 = arith.constant 0 : i32
    %dma_start3A_30 = tpu.memref_slice %arg5[%dma_start3A_29] : memref<320000xi32, #tpu.memory_space<hbm>> -> memref<6400xi32, #tpu.memory_space<hbm>>
    tpu.enqueue_dma source(%dma_start3A_30 : memref<6400xi32, #tpu.memory_space<hbm>>) target(%arg10 : memref<6400xi32, #tpu.memory_space<vmem>>) target_semaphore(%arg13 : memref<!tpu.dma_semaphore, #tpu.memory_space<semaphore_mem>>)
    %scan3A_31 = arith.constant 0 : i32
    %scan3A_32 = arith.constant 0 : i32
    %scan3A_33 = arith.constant 25 : i32
    %scan3A_34 = arith.addi %scan3A_32, %scan3A_33 : i32
    %scan3A_35 = arith.constant 1 : i32
    %scan3A_36 = scf.for %scan3A_45 = %scan3A_32 to %scan3A_34 step %scan3A_35 iter_args(%scan3A_46 = %scan3A_31) -> (i32)  : i32 {
      %mul3A_47 = arith.constant 2 : i32
      %mul3A_48 = arith.muli %mul3A_47, %scan3A_45 : i32
      %add3A_49 = arith.constant 1 : i32
      %add3A_50 = arith.addi %mul3A_48, %add3A_49 : i32
      %mul3A_51 = arith.constant 6400 : i32
      %mul3A_52 = arith.muli %add3A_50, %mul3A_51 : i32
      %dma_start3A_53 = tpu.memref_slice %arg4[%mul3A_52] : memref<320000xi32, #tpu.memory_space<hbm>> -> memref<6400xi32, #tpu.memory_space<hbm>>
      %dma_start3A_54 = tpu.memref_slice %arg4[%mul3A_52] : memref<320000xi32, #tpu.memory_space<hbm>> -> memref<6400xi32, #tpu.memory_space<hbm>>
      tpu.enqueue_dma source(%dma_start3A_54 : memref<6400xi32, #tpu.memory_space<hbm>>) target(%arg11 : memref<6400xi32, #tpu.memory_space<vmem>>) target_semaphore(%arg14 : memref<!tpu.dma_semaphore, #tpu.memory_space<semaphore_mem>>)
      %mul3A_55 = arith.constant 6400 : i32
      %mul3A_56 = arith.muli %add3A_50, %mul3A_55 : i32
      %dma_start3A_57 = tpu.memref_slice %arg5[%mul3A_56] : memref<320000xi32, #tpu.memory_space<hbm>> -> memref<6400xi32, #tpu.memory_space<hbm>>
      %dma_start3A_58 = tpu.memref_slice %arg5[%mul3A_56] : memref<320000xi32, #tpu.memory_space<hbm>> -> memref<6400xi32, #tpu.memory_space<hbm>>
      tpu.enqueue_dma source(%dma_start3A_58 : memref<6400xi32, #tpu.memory_space<hbm>>) target(%arg12 : memref<6400xi32, #tpu.memory_space<vmem>>) target_semaphore(%arg14 : memref<!tpu.dma_semaphore, #tpu.memory_space<semaphore_mem>>)
      %dma_wait3A = arith.constant 0 : i32
      %dma_wait3A_59 = tpu.memref_slice %arg4[%dma_wait3A] : memref<320000xi32, #tpu.memory_space<hbm>> -> memref<6400xi32, #tpu.memory_space<hbm>>
      %dma_wait3A_60 = arith.constant 0 : i32
      %dma_wait3A_61 = tpu.memref_slice %arg4[%dma_wait3A_60] : memref<320000xi32, #tpu.memory_space<hbm>> -> memref<6400xi32, #tpu.memory_space<hbm>>
      tpu.wait_dma2 semaphore(%arg13 : memref<!tpu.dma_semaphore, #tpu.memory_space<semaphore_mem>>) src(%dma_wait3A_61 : memref<6400xi32, #tpu.memory_space<hbm>>) dst(%arg9 : memref<6400xi32, #tpu.memory_space<vmem>>)
      %dma_wait3A_62 = arith.constant 0 : i32
      %dma_wait3A_63 = tpu.memref_slice %arg5[%dma_wait3A_62] : memref<320000xi32, #tpu.memory_space<hbm>> -> memref<6400xi32, #tpu.memory_space<hbm>>
      %dma_wait3A_64 = arith.constant 0 : i32
      %dma_wait3A_65 = tpu.memref_slice %arg5[%dma_wait3A_64] : memref<320000xi32, #tpu.memory_space<hbm>> -> memref<6400xi32, #tpu.memory_space<hbm>>
      tpu.wait_dma2 semaphore(%arg13 : memref<!tpu.dma_semaphore, #tpu.memory_space<semaphore_mem>>) src(%dma_wait3A_65 : memref<6400xi32, #tpu.memory_space<hbm>>) dst(%arg10 : memref<6400xi32, #tpu.memory_space<vmem>>)
      %get3A = arith.constant 0 : index
      %get3A_66 = tpu.vector_load %arg9[%get3A] {strides = array<i32>} : memref<6400xi32, #tpu.memory_space<vmem>>, vector<16xi32>,
      %get3A_67 = arith.constant 0 : index
      %get3A_68 = tpu.vector_load %arg10[%get3A_67] {strides = array<i32>} : memref<6400xi32, #tpu.memory_space<vmem>>, vector<16xi32>,
      %broadcast_in_dim3A = arith.constant true
      %broadcast_in_dim3A_69 = vector.broadcast %broadcast_in_dim3A : i1 to vector<16xi1>
      %unique3A, %unique3A_70 = tpu.scan_count mask(%broadcast_in_dim3A_69 : vector<16xi1>) value(%get3A_68 : vector<16xi32>) : vector<16xi1>, vector<16xi32>
      %all_reduce_population_count3A = tpu.all_reduce %unique3A {dim = 0 : i64, kind = #tpu.reduction_kind<sum>} : vector<16xi1> -> vector<16xi32>
      %slice3A = vector.extract_strided_slice %all_reduce_population_count3A {offsets = [0], sizes = [1], strides = [1]} : vector<16xi32> to vector<1xi32>
      %squeeze3A = vector.extract %slice3A[0] : i32 from vector<1xi32>
      %eq3A_71 = arith.constant 16 : i32
      %eq3A_72 = arith.cmpi eq, %squeeze3A, %eq3A_71 : i32
      %scan3A_73 = arith.constant 0 : i32
      %scan3A_74 = arith.constant 100 : i32
      %scan3A_75 = arith.addi %scan3A_73, %scan3A_74 : i32
      %scan3A_76 = arith.constant 1 : i32
      %scan3A_77:3 = scf.for %scan3A_110 = %scan3A_73 to %scan3A_75 step %scan3A_76 iter_args(%scan3A_111 = %get3A_66, %scan3A_112 = %get3A_68, %scan3A_113 = %eq3A_72) -> (vector<16xi32>, vector<16xi32>, i1)  : i32 {
        %mul3A_114 = arith.constant 4 : i32
        %mul3A_115 = arith.muli %mul3A_114, %scan3A_110 : i32
        %add3A_116 = arith.constant 0 : i32
        %add3A_117 = arith.addi %mul3A_115, %add3A_116 : i32
        %add3A_118 = arith.constant 1 : i32
        %add3A_119 = arith.addi %add3A_117, %add3A_118 : i32
        %mul3A_120 = arith.constant 16 : i32
        %mul3A_121 = arith.muli %add3A_119, %mul3A_120 : i32
        %get3A_122 = arith.index_cast %mul3A_121 : i32 to index
        %get3A_123 = tpu.vector_load %arg9[%get3A_122] {strides = array<i32>} : memref<6400xi32, #tpu.memory_space<vmem>>, vector<16xi32>,
        %mul3A_124 = arith.constant 16 : i32
        %mul3A_125 = arith.muli %add3A_119, %mul3A_124 : i32
        %get3A_126 = arith.index_cast %mul3A_125 : i32 to index
        %get3A_127 = tpu.vector_load %arg10[%get3A_126] {strides = array<i32>} : memref<6400xi32, #tpu.memory_space<vmem>>, vector<16xi32>,
        %broadcast_in_dim3A_128 = arith.constant true
        %broadcast_in_dim3A_129 = vector.broadcast %broadcast_in_dim3A_128 : i1 to vector<16xi1>
        %unique3A_130, %unique3A_131 = tpu.scan_count mask(%broadcast_in_dim3A_129 : vector<16xi1>) value(%get3A_127 : vector<16xi32>) : vector<16xi1>, vector<16xi32>
        %all_reduce_population_count3A_132 = tpu.all_reduce %unique3A_130 {dim = 0 : i64, kind = #tpu.reduction_kind<sum>} : vector<16xi1> -> vector<16xi32>
        %slice3A_133 = vector.extract_strided_slice %all_reduce_population_count3A_132 {offsets = [0], sizes = [1], strides = [1]} : vector<16xi32> to vector<1xi32>
        %squeeze3A_134 = vector.extract %slice3A_133[0] : i32 from vector<1xi32>
        %eq3A_135 = arith.constant 16 : i32
        %eq3A_136 = arith.cmpi eq, %squeeze3A_134, %eq3A_135 : i32
        %broadcast_in_dim3A_137 = arith.constant 0 : i32
        %broadcast_in_dim3A_138 = vector.broadcast %broadcast_in_dim3A_137 : i32 to vector<16xi32>
        %gather3A = tpu.vector_load_idx %arg8[%broadcast_in_dim3A_138, %scan3A_111] : memref<4x10240xf32, #tpu.memory_space<vmem>>[vector<16xi32>, vector<16xi32>], vector<16xf32>,
        %broadcast_in_dim3A_139 = arith.constant 1 : i32
        %broadcast_in_dim3A_140 = vector.broadcast %broadcast_in_dim3A_139 : i32 to vector<16xi32>
        %gather3A_141 = tpu.vector_load_idx %arg8[%broadcast_in_dim3A_140, %scan3A_111] : memref<4x10240xf32, #tpu.memory_space<vmem>>[vector<16xi32>, vector<16xi32>], vector<16xf32>,
        %broadcast_in_dim3A_142 = arith.constant 2 : i32
        %broadcast_in_dim3A_143 = vector.broadcast %broadcast_in_dim3A_142 : i32 to vector<16xi32>
        %gather3A_144 = tpu.vector_load_idx %arg8[%broadcast_in_dim3A_143, %scan3A_111] : memref<4x10240xf32, #tpu.memory_space<vmem>>[vector<16xi32>, vector<16xi32>], vector<16xf32>,
        %broadcast_in_dim3A_145 = arith.constant 3 : i32
        %broadcast_in_dim3A_146 = vector.broadcast %broadcast_in_dim3A_145 : i32 to vector<16xi32>
        %gather3A_147 = tpu.vector_load_idx %arg8[%broadcast_in_dim3A_146, %scan3A_111] : memref<4x10240xf32, #tpu.memory_space<vmem>>[vector<16xi32>, vector<16xi32>], vector<16xf32>,
        %broadcast_in_dim3A_148 = arith.constant 0 : i32
        %broadcast_in_dim3A_149 = vector.broadcast %broadcast_in_dim3A_148 : i32 to vector<16xi32>
        %gather3A_150 = tpu.vector_load_idx %arg7[%broadcast_in_dim3A_149, %scan3A_112] : memref<4x10240xf32, #tpu.memory_space<vmem>>[vector<16xi32>, vector<16xi32>], vector<16xf32>,
        %broadcast_in_dim3A_151 = arith.constant 1 : i32
        %broadcast_in_dim3A_152 = vector.broadcast %broadcast_in_dim3A_151 : i32 to vector<16xi32>
        %gather3A_153 = tpu.vector_load_idx %arg7[%broadcast_in_dim3A_152, %scan3A_112] : memref<4x10240xf32, #tpu.memory_space<vmem>>[vector<16xi32>, vector<16xi32>], vector<16xf32>,
        %broadcast_in_dim3A_154 = arith.constant 2 : i32
        %broadcast_in_dim3A_155 = vector.broadcast %broadcast_in_dim3A_154 : i32 to vector<16xi32>
        %gather3A_156 = tpu.vector_load_idx %arg7[%broadcast_in_dim3A_155, %scan3A_112] : memref<4x10240xf32, #tpu.memory_space<vmem>>[vector<16xi32>, vector<16xi32>], vector<16xf32>,
        %broadcast_in_dim3A_157 = arith.constant 3 : i32
        %broadcast_in_dim3A_158 = vector.broadcast %broadcast_in_dim3A_157 : i32 to vector<16xi32>
        %gather3A_159 = tpu.vector_load_idx %arg7[%broadcast_in_dim3A_158, %scan3A_112] : memref<4x10240xf32, #tpu.memory_space<vmem>>[vector<16xi32>, vector<16xi32>], vector<16xf32>,
        %broadcast_in_dim3A_160 = arith.constant 0 : i32
        %broadcast_in_dim3A_161 = vector.broadcast %broadcast_in_dim3A_160 : i32 to vector<16xi32>
        %max3A = arith.maximumf %gather3A_150, %gather3A : vector<16xf32>
        tpu.vector_store_idx %arg7[%broadcast_in_dim3A_161, %scan3A_112], %max3A : memref<4x10240xf32, #tpu.memory_space<vmem>>[vector<16xi32>, vector<16xi32>], vector<16xf32>,
        %broadcast_in_dim3A_162 = arith.constant 1 : i32
        %broadcast_in_dim3A_163 = vector.broadcast %broadcast_in_dim3A_162 : i32 to vector<16xi32>
        %max3A_164 = arith.maximumf %gather3A_153, %gather3A_141 : vector<16xf32>
        tpu.vector_store_idx %arg7[%broadcast_in_dim3A_163, %scan3A_112], %max3A_164 : memref<4x10240xf32, #tpu.memory_space<vmem>>[vector<16xi32>, vector<16xi32>], vector<16xf32>,
        %broadcast_in_dim3A_165 = arith.constant 2 : i32
        %broadcast_in_dim3A_166 = vector.broadcast %broadcast_in_dim3A_165 : i32 to vector<16xi32>
        %max3A_167 = arith.maximumf %gather3A_156, %gather3A_144 : vector<16xf32>
        tpu.vector_store_idx %arg7[%broadcast_in_dim3A_166, %scan3A_112], %max3A_167 : memref<4x10240xf32, #tpu.memory_space<vmem>>[vector<16xi32>, vector<16xi32>], vector<16xf32>,
        %broadcast_in_dim3A_168 = arith.constant 3 : i32
        %broadcast_in_dim3A_169 = vector.broadcast %broadcast_in_dim3A_168 : i32 to vector<16xi32>
        %max3A_170 = arith.maximumf %gather3A_159, %gather3A_147 : vector<16xf32>
        tpu.vector_store_idx %arg7[%broadcast_in_dim3A_169, %scan3A_112], %max3A_170 : memref<4x10240xf32, #tpu.memory_space<vmem>>[vector<16xi32>, vector<16xi32>], vector<16xf32>,
        %not3A = arith.constant true
        %not3A_171 = arith.xori %scan3A_113, %not3A : i1
        %convert_element_type3A_172 = arith.extui %not3A_171 : i1 to i32
        %cond3A_173 = arith.constant 0 : i32
        %cond3A_174 = arith.cmpi ne, %convert_element_type3A_172, %cond3A_173 : i32
        scf.if %cond3A_174 {
          %slice3A_368 = vector.extract_strided_slice %scan3A_111 {offsets = [0], sizes = [1], strides = [1]} : vector<16xi32> to vector<1xi32>
          %squeeze3A_369 = vector.extract %slice3A_368[0] : i32 from vector<1xi32>
          %broadcast_in_dim3A_370 = vector.broadcast %squeeze3A_369 : i32 to vector<16xi32>
          %slice3A_371 = vector.extract_strided_slice %scan3A_112 {offsets = [0], sizes = [1], strides = [1]} : vector<16xi32> to vector<1xi32>
          %squeeze3A_372 = vector.extract %slice3A_371[0] : i32 from vector<1xi32>
          %broadcast_in_dim3A_373 = vector.broadcast %squeeze3A_372 : i32 to vector<16xi32>
          %gather3A_374 = tpu.vector_load_idx %arg8[%select_n3A_17, %broadcast_in_dim3A_370] : memref<4x10240xf32, #tpu.memory_space<vmem>>[vector<16xi32>, vector<16xi32>], vector<16xf32>,
          %gather3A_375 = tpu.vector_load_idx %arg7[%select_n3A_17, %broadcast_in_dim3A_373] : memref<4x10240xf32, #tpu.memory_space<vmem>>[vector<16xi32>, vector<16xi32>], vector<16xf32>,
          %max3A_376 = arith.maximumf %gather3A_375, %gather3A_374 : vector<16xf32>
          tpu.vector_store_idx %arg7[%select_n3A_17, %broadcast_in_dim3A_373], %max3A_376 : memref<4x10240xf32, #tpu.memory_space<vmem>>[vector<16xi32>, vector<16xi32>], vector<16xf32>,
          %slice3A_377 = vector.extract_strided_slice %scan3A_111 {offsets = [1], sizes = [1], strides = [1]} : vector<16xi32> to vector<1xi32>
          %squeeze3A_378 = vector.extract %slice3A_377[0] : i32 from vector<1xi32>
          %broadcast_in_dim3A_379 = vector.broadcast %squeeze3A_378 : i32 to vector<16xi32>
          %slice3A_380 = vector.extract_strided_slice %scan3A_112 {offsets = [1], sizes = [1], strides = [1]} : vector<16xi32> to vector<1xi32>
          %squeeze3A_381 = vector.extract %slice3A_380[0] : i32 from vector<1xi32>
          %broadcast_in_dim3A_382 = vector.broadcast %squeeze3A_381 : i32 to vector<16xi32>
          %gather3A_383 = tpu.vector_load_idx %arg8[%select_n3A_17, %broadcast_in_dim3A_379] : memref<4x10240xf32, #tpu.memory_space<vmem>>[vector<16xi32>, vector<16xi32>], vector<16xf32>,
          %gather3A_384 = tpu.vector_load_idx %arg7[%select_n3A_17, %broadcast_in_dim3A_382] : memref<4x10240xf32, #tpu.memory_space<vmem>>[vector<16xi32>, vector<16xi32>], vector<16xf32>,
          %max3A_385 = arith.maximumf %gather3A_384, %gather3A_383 : vector<16xf32>
          tpu.vector_store_idx %arg7[%select_n3A_17, %broadcast_in_dim3A_382], %max3A_385 : memref<4x10240xf32, #tpu.memory_space<vmem>>[vector<16xi32>, vector<16xi32>], vector<16xf32>,
          %slice3A_386 = vector.extract_strided_slice %scan3A_111 {offsets = [2], sizes = [1], strides = [1]} : vector<16xi32> to vector<1xi32>
          %squeeze3A_387 = vector.extract %slice3A_386[0] : i32 from vector<1xi32>
          %broadcast_in_dim3A_388 = vector.broadcast %squeeze3A_387 : i32 to vector<16xi32>
          %slice3A_389 = vector.extract_strided_slice %scan3A_112 {offsets = [2], sizes = [1], strides = [1]} : vector<16xi32> to vector<1xi32>
          %squeeze3A_390 = vector.extract %slice3A_389[0] : i32 from vector<1xi32>
          %broadcast_in_dim3A_391 = vector.broadcast %squeeze3A_390 : i32 to vector<16xi32>
          %gather3A_392 = tpu.vector_load_idx %arg8[%select_n3A_17, %broadcast_in_dim3A_388] : memref<4x10240xf32, #tpu.memory_space<vmem>>[vector<16xi32>, vector<16xi32>], vector<16xf32>,
          %gather3A_393 = tpu.vector_load_idx %arg7[%select_n3A_17, %broadcast_in_dim3A_391] : memref<4x10240xf32, #tpu.memory_space<vmem>>[vector<16xi32>, vector<16xi32>], vector<16xf32>,
          %max3A_394 = arith.maximumf %gather3A_393, %gather3A_392 : vector<16xf32>
          tpu.vector_store_idx %arg7[%select_n3A_17, %broadcast_in_dim3A_391], %max3A_394 : memref<4x10240xf32, #tpu.memory_space<vmem>>[vector<16xi32>, vector<16xi32>], vector<16xf32>,
          %slice3A_395 = vector.extract_strided_slice %scan3A_111 {offsets = [3], sizes = [1], strides = [1]} : vector<16xi32> to vector<1xi32>
          %squeeze3A_396 = vector.extract %slice3A_395[0] : i32 from vector<1xi32>
          %broadcast_in_dim3A_397 = vector.broadcast %squeeze3A_396 : i32 to vector<16xi32>
          %slice3A_398 = vector.extract_strided_slice %scan3A_112 {offsets = [3], sizes = [1], strides = [1]} : vector<16xi32> to vector<1xi32>
          %squeeze3A_399 = vector.extract %slice3A_398[0] : i32 from vector<1xi32>
          %broadcast_in_dim3A_400 = vector.broadcast %squeeze3A_399 : i32 to vector<16xi32>
          %gather3A_401 = tpu.vector_load_idx %arg8[%select_n3A_17, %broadcast_in_dim3A_397] : memref<4x10240xf32, #tpu.memory_space<vmem>>[vector<16xi32>, vector<16xi32>], vector<16xf32>,
          %gather3A_402 = tpu.vector_load_idx %arg7[%select_n3A_17, %broadcast_in_dim3A_400] : memref<4x10240xf32, #tpu.memory_space<vmem>>[vector<16xi32>, vector<16xi32>], vector<16xf32>,
          %max3A_403 = arith.maximumf %gather3A_402, %gather3A_401 : vector<16xf32>
          tpu.vector_store_idx %arg7[%select_n3A_17, %broadcast_in_dim3A_400], %max3A_403 : memref<4x10240xf32, #tpu.memory_space<vmem>>[vector<16xi32>, vector<16xi32>], vector<16xf32>,
          %slice3A_404 = vector.extract_strided_slice %scan3A_111 {offsets = [4], sizes = [1], strides = [1]} : vector<16xi32> to vector<1xi32>
          %squeeze3A_405 = vector.extract %slice3A_404[0] : i32 from vector<1xi32>
          %broadcast_in_dim3A_406 = vector.broadcast %squeeze3A_405 : i32 to vector<16xi32>
          %slice3A_407 = vector.extract_strided_slice %scan3A_112 {offsets = [4], sizes = [1], strides = [1]} : vector<16xi32> to vector<1xi32>
          %squeeze3A_408 = vector.extract %slice3A_407[0] : i32 from vector<1xi32>
          %broadcast_in_dim3A_409 = vector.broadcast %squeeze3A_408 : i32 to vector<16xi32>
          %gather3A_410 = tpu.vector_load_idx %arg8[%select_n3A_17, %broadcast_in_dim3A_406] : memref<4x10240xf32, #tpu.memory_space<vmem>>[vector<16xi32>, vector<16xi32>], vector<16xf32>,
          %gather3A_411 = tpu.vector_load_idx %arg7[%select_n3A_17, %broadcast_in_dim3A_409] : memref<4x10240xf32, #tpu.memory_space<vmem>>[vector<16xi32>, vector<16xi32>], vector<16xf32>,
          %max3A_412 = arith.maximumf %gather3A_411, %gather3A_410 : vector<16xf32>
          tpu.vector_store_idx %arg7[%select_n3A_17, %broadcast_in_dim3A_409], %max3A_412 : memref<4x10240xf32, #tpu.memory_space<vmem>>[vector<16xi32>, vector<16xi32>], vector<16xf32>,
          %slice3A_413 = vector.extract_strided_slice %scan3A_111 {offsets = [5], sizes = [1], strides = [1]} : vector<16xi32> to vector<1xi32>
          %squeeze3A_414 = vector.extract %slice3A_413[0] : i32 from vector<1xi32>
          %broadcast_in_dim3A_415 = vector.broadcast %squeeze3A_414 : i32 to vector<16xi32>
          %slice3A_416 = vector.extract_strided_slice %scan3A_112 {offsets = [5], sizes = [1], strides = [1]} : vector<16xi32> to vector<1xi32>
          %squeeze3A_417 = vector.extract %slice3A_416[0] : i32 from vector<1xi32>
          %broadcast_in_dim3A_418 = vector.broadcast %squeeze3A_417 : i32 to vector<16xi32>
          %gather3A_419 = tpu.vector_load_idx %arg8[%select_n3A_17, %broadcast_in_dim3A_415] : memref<4x10240xf32, #tpu.memory_space<vmem>>[vector<16xi32>, vector<16xi32>], vector<16xf32>,
          %gather3A_420 = tpu.vector_load_idx %arg7[%select_n3A_17, %broadcast_in_dim3A_418] : memref<4x10240xf32, #tpu.memory_space<vmem>>[vector<16xi32>, vector<16xi32>], vector<16xf32>,
          %max3A_421 = arith.maximumf %gather3A_420, %gather3A_419 : vector<16xf32>
          tpu.vector_store_idx %arg7[%select_n3A_17, %broadcast_in_dim3A_418], %max3A_421 : memref<4x10240xf32, #tpu.memory_space<vmem>>[vector<16xi32>, vector<16xi32>], vector<16xf32>,
          %slice3A_422 = vector.extract_strided_slice %scan3A_111 {offsets = [6], sizes = [1], strides = [1]} : vector<16xi32> to vector<1xi32>
          %squeeze3A_423 = vector.extract %slice3A_422[0] : i32 from vector<1xi32>
          %broadcast_in_dim3A_424 = vector.broadcast %squeeze3A_423 : i32 to vector<16xi32>
          %slice3A_425 = vector.extract_strided_slice %scan3A_112 {offsets = [6], sizes = [1], strides = [1]} : vector<16xi32> to vector<1xi32>
          %squeeze3A_426 = vector.extract %slice3A_425[0] : i32 from vector<1xi32>
          %broadcast_in_dim3A_427 = vector.broadcast %squeeze3A_426 : i32 to vector<16xi32>
          %gather3A_428 = tpu.vector_load_idx %arg8[%select_n3A_17, %broadcast_in_dim3A_424] : memref<4x10240xf32, #tpu.memory_space<vmem>>[vector<16xi32>, vector<16xi32>], vector<16xf32>,
          %gather3A_429 = tpu.vector_load_idx %arg7[%select_n3A_17, %broadcast_in_dim3A_427] : memref<4x10240xf32, #tpu.memory_space<vmem>>[vector<16xi32>, vector<16xi32>], vector<16xf32>,
          %max3A_430 = arith.maximumf %gather3A_429, %gather3A_428 : vector<16xf32>
          tpu.vector_store_idx %arg7[%select_n3A_17, %broadcast_in_dim3A_427], %max3A_430 : memref<4x10240xf32, #tpu.memory_space<vmem>>[vector<16xi32>, vector<16xi32>], vector<16xf32>,
          %slice3A_431 = vector.extract_strided_slice %scan3A_111 {offsets = [7], sizes = [1], strides = [1]} : vector<16xi32> to vector<1xi32>
          %squeeze3A_432 = vector.extract %slice3A_431[0] : i32 from vector<1xi32>
          %broadcast_in_dim3A_433 = vector.broadcast %squeeze3A_432 : i32 to vector<16xi32>
          %slice3A_434 = vector.extract_strided_slice %scan3A_112 {offsets = [7], sizes = [1], strides = [1]} : vector<16xi32> to vector<1xi32>
          %squeeze3A_435 = vector.extract %slice3A_434[0] : i32 from vector<1xi32>
          %broadcast_in_dim3A_436 = vector.broadcast %squeeze3A_435 : i32 to vector<16xi32>
          %gather3A_437 = tpu.vector_load_idx %arg8[%select_n3A_17, %broadcast_in_dim3A_433] : memref<4x10240xf32, #tpu.memory_space<vmem>>[vector<16xi32>, vector<16xi32>], vector<16xf32>,
          %gather3A_438 = tpu.vector_load_idx %arg7[%select_n3A_17, %broadcast_in_dim3A_436] : memref<4x10240xf32, #tpu.memory_space<vmem>>[vector<16xi32>, vector<16xi32>], vector<16xf32>,
          %max3A_439 = arith.maximumf %gather3A_438, %gather3A_437 : vector<16xf32>
          tpu.vector_store_idx %arg7[%select_n3A_17, %broadcast_in_dim3A_436], %max3A_439 : memref<4x10240xf32, #tpu.memory_space<vmem>>[vector<16xi32>, vector<16xi32>], vector<16xf32>,
          %slice3A_440 = vector.extract_strided_slice %scan3A_111 {offsets = [8], sizes = [1], strides = [1]} : vector<16xi32> to vector<1xi32>
          %squeeze3A_441 = vector.extract %slice3A_440[0] : i32 from vector<1xi32>
          %broadcast_in_dim3A_442 = vector.broadcast %squeeze3A_441 : i32 to vector<16xi32>
          %slice3A_443 = vector.extract_strided_slice %scan3A_112 {offsets = [8], sizes = [1], strides = [1]} : vector<16xi32> to vector<1xi32>
          %squeeze3A_444 = vector.extract %slice3A_443[0] : i32 from vector<1xi32>
          %broadcast_in_dim3A_445 = vector.broadcast %squeeze3A_444 : i32 to vector<16xi32>
          %gather3A_446 = tpu.vector_load_idx %arg8[%select_n3A_17, %broadcast_in_dim3A_442] : memref<4x10240xf32, #tpu.memory_space<vmem>>[vector<16xi32>, vector<16xi32>], vector<16xf32>,
          %gather3A_447 = tpu.vector_load_idx %arg7[%select_n3A_17, %broadcast_in_dim3A_445] : memref<4x10240xf32, #tpu.memory_space<vmem>>[vector<16xi32>, vector<16xi32>], vector<16xf32>,
          %max3A_448 = arith.maximumf %gather3A_447, %gather3A_446 : vector<16xf32>
          tpu.vector_store_idx %arg7[%select_n3A_17, %broadcast_in_dim3A_445], %max3A_448 : memref<4x10240xf32, #tpu.memory_space<vmem>>[vector<16xi32>, vector<16xi32>], vector<16xf32>,
          %slice3A_449 = vector.extract_strided_slice %scan3A_111 {offsets = [9], sizes = [1], strides = [1]} : vector<16xi32> to vector<1xi32>
          %squeeze3A_450 = vector.extract %slice3A_449[0] : i32 from vector<1xi32>
          %broadcast_in_dim3A_451 = vector.broadcast %squeeze3A_450 : i32 to vector<16xi32>
          %slice3A_452 = vector.extract_strided_slice %scan3A_112 {offsets = [9], sizes = [1], strides = [1]} : vector<16xi32> to vector<1xi32>
          %squeeze3A_453 = vector.extract %slice3A_452[0] : i32 from vector<1xi32>
          %broadcast_in_dim3A_454 = vector.broadcast %squeeze3A_453 : i32 to vector<16xi32>
          %gather3A_455 = tpu.vector_load_idx %arg8[%select_n3A_17, %broadcast_in_dim3A_451] : memref<4x10240xf32, #tpu.memory_space<vmem>>[vector<16xi32>, vector<16xi32>], vector<16xf32>,
          %gather3A_456 = tpu.vector_load_idx %arg7[%select_n3A_17, %broadcast_in_dim3A_454] : memref<4x10240xf32, #tpu.memory_space<vmem>>[vector<16xi32>, vector<16xi32>], vector<16xf32>,
          %max3A_457 = arith.maximumf %gather3A_456, %gather3A_455 : vector<16xf32>
          tpu.vector_store_idx %arg7[%select_n3A_17, %broadcast_in_dim3A_454], %max3A_457 : memref<4x10240xf32, #tpu.memory_space<vmem>>[vector<16xi32>, vector<16xi32>], vector<16xf32>,
          %slice3A_458 = vector.extract_strided_slice %scan3A_111 {offsets = [10], sizes = [1], strides = [1]} : vector<16xi32> to vector<1xi32>
          %squeeze3A_459 = vector.extract %slice3A_458[0] : i32 from vector<1xi32>
          %broadcast_in_dim3A_460 = vector.broadcast %squeeze3A_459 : i32 to vector<16xi32>
          %slice3A_461 = vector.extract_strided_slice %scan3A_112 {offsets = [10], sizes = [1], strides = [1]} : vector<16xi32> to vector<1xi32>
          %squeeze3A_462 = vector.extract %slice3A_461[0] : i32 from vector<1xi32>
          %broadcast_in_dim3A_463 = vector.broadcast %squeeze3A_462 : i32 to vector<16xi32>
          %gather3A_464 = tpu.vector_load_idx %arg8[%select_n3A_17, %broadcast_in_dim3A_460] : memref<4x10240xf32, #tpu.memory_space<vmem>>[vector<16xi32>, vector<16xi32>], vector<16xf32>,
          %gather3A_465 = tpu.vector_load_idx %arg7[%select_n3A_17, %broadcast_in_dim3A_463] : memref<4x10240xf32, #tpu.memory_space<vmem>>[vector<16xi32>, vector<16xi32>], vector<16xf32>,
          %max3A_466 = arith.maximumf %gather3A_465, %gather3A_464 : vector<16xf32>
          tpu.vector_store_idx %arg7[%select_n3A_17, %broadcast_in_dim3A_463], %max3A_466 : memref<4x10240xf32, #tpu.memory_space<vmem>>[vector<16xi32>, vector<16xi32>], vector<16xf32>,
          %slice3A_467 = vector.extract_strided_slice %scan3A_111 {offsets = [11], sizes = [1], strides = [1]} : vector<16xi32> to vector<1xi32>
          %squeeze3A_468 = vector.extract %slice3A_467[0] : i32 from vector<1xi32>
          %broadcast_in_dim3A_469 = vector.broadcast %squeeze3A_468 : i32 to vector<16xi32>
          %slice3A_470 = vector.extract_strided_slice %scan3A_112 {offsets = [11], sizes = [1], strides = [1]} : vector<16xi32> to vector<1xi32>
          %squeeze3A_471 = vector.extract %slice3A_470[0] : i32 from vector<1xi32>
          %broadcast_in_dim3A_472 = vector.broadcast %squeeze3A_471 : i32 to vector<16xi32>
          %gather3A_473 = tpu.vector_load_idx %arg8[%select_n3A_17, %broadcast_in_dim3A_469] : memref<4x10240xf32, #tpu.memory_space<vmem>>[vector<16xi32>, vector<16xi32>], vector<16xf32>,
          %gather3A_474 = tpu.vector_load_idx %arg7[%select_n3A_17, %broadcast_in_dim3A_472] : memref<4x10240xf32, #tpu.memory_space<vmem>>[vector<16xi32>, vector<16xi32>], vector<16xf32>,
          %max3A_475 = arith.maximumf %gather3A_474, %gather3A_473 : vector<16xf32>
          tpu.vector_store_idx %arg7[%select_n3A_17, %broadcast_in_dim3A_472], %max3A_475 : memref<4x10240xf32, #tpu.memory_space<vmem>>[vector<16xi32>, vector<16xi32>], vector<16xf32>,
          %slice3A_476 = vector.extract_strided_slice %scan3A_111 {offsets = [12], sizes = [1], strides = [1]} : vector<16xi32> to vector<1xi32>
          %squeeze3A_477 = vector.extract %slice3A_476[0] : i32 from vector<1xi32>
          %broadcast_in_dim3A_478 = vector.broadcast %squeeze3A_477 : i32 to vector<16xi32>
          %slice3A_479 = vector.extract_strided_slice %scan3A_112 {offsets = [12], sizes = [1], strides = [1]} : vector<16xi32> to vector<1xi32>
          %squeeze3A_480 = vector.extract %slice3A_479[0] : i32 from vector<1xi32>
          %broadcast_in_dim3A_481 = vector.broadcast %squeeze3A_480 : i32 to vector<16xi32>
          %gather3A_482 = tpu.vector_load_idx %arg8[%select_n3A_17, %broadcast_in_dim3A_478] : memref<4x10240xf32, #tpu.memory_space<vmem>>[vector<16xi32>, vector<16xi32>], vector<16xf32>,
          %gather3A_483 = tpu.vector_load_idx %arg7[%select_n3A_17, %broadcast_in_dim3A_481] : memref<4x10240xf32, #tpu.memory_space<vmem>>[vector<16xi32>, vector<16xi32>], vector<16xf32>,
          %max3A_484 = arith.maximumf %gather3A_483, %gather3A_482 : vector<16xf32>
          tpu.vector_store_idx %arg7[%select_n3A_17, %broadcast_in_dim3A_481], %max3A_484 : memref<4x10240xf32, #tpu.memory_space<vmem>>[vector<16xi32>, vector<16xi32>], vector<16xf32>,
          %slice3A_485 = vector.extract_strided_slice %scan3A_111 {offsets = [13], sizes = [1], strides = [1]} : vector<16xi32> to vector<1xi32>
          %squeeze3A_486 = vector.extract %slice3A_485[0] : i32 from vector<1xi32>
          %broadcast_in_dim3A_487 = vector.broadcast %squeeze3A_486 : i32 to vector<16xi32>
          %slice3A_488 = vector.extract_strided_slice %scan3A_112 {offsets = [13], sizes = [1], strides = [1]} : vector<16xi32> to vector<1xi32>
          %squeeze3A_489 = vector.extract %slice3A_488[0] : i32 from vector<1xi32>
          %broadcast_in_dim3A_490 = vector.broadcast %squeeze3A_489 : i32 to vector<16xi32>
          %gather3A_491 = tpu.vector_load_idx %arg8[%select_n3A_17, %broadcast_in_dim3A_487] : memref<4x10240xf32, #tpu.memory_space<vmem>>[vector<16xi32>, vector<16xi32>], vector<16xf32>,
          %gather3A_492 = tpu.vector_load_idx %arg7[%select_n3A_17, %broadcast_in_dim3A_490] : memref<4x10240xf32, #tpu.memory_space<vmem>>[vector<16xi32>, vector<16xi32>], vector<16xf32>,
          %max3A_493 = arith.maximumf %gather3A_492, %gather3A_491 : vector<16xf32>
          tpu.vector_store_idx %arg7[%select_n3A_17, %broadcast_in_dim3A_490], %max3A_493 : memref<4x10240xf32, #tpu.memory_space<vmem>>[vector<16xi32>, vector<16xi32>], vector<16xf32>,
          %slice3A_494 = vector.extract_strided_slice %scan3A_111 {offsets = [14], sizes = [1], strides = [1]} : vector<16xi32> to vector<1xi32>
          %squeeze3A_495 = vector.extract %slice3A_494[0] : i32 from vector<1xi32>
          %broadcast_in_dim3A_496 = vector.broadcast %squeeze3A_495 : i32 to vector<16xi32>
          %slice3A_497 = vector.extract_strided_slice %scan3A_112 {offsets = [14], sizes = [1], strides = [1]} : vector<16xi32> to vector<1xi32>
          %squeeze3A_498 = vector.extract %slice3A_497[0] : i32 from vector<1xi32>
          %broadcast_in_dim3A_499 = vector.broadcast %squeeze3A_498 : i32 to vector<16xi32>
          %gather3A_500 = tpu.vector_load_idx %arg8[%select_n3A_17, %broadcast_in_dim3A_496] : memref<4x10240xf32, #tpu.memory_space<vmem>>[vector<16xi32>, vector<16xi32>], vector<16xf32>,
          %gather3A_501 = tpu.vector_load_idx %arg7[%select_n3A_17, %broadcast_in_dim3A_499] : memref<4x10240xf32, #tpu.memory_space<vmem>>[vector<16xi32>, vector<16xi32>], vector<16xf32>,
          %max3A_502 = arith.maximumf %gather3A_501, %gather3A_500 : vector<16xf32>
          tpu.vector_store_idx %arg7[%select_n3A_17, %broadcast_in_dim3A_499], %max3A_502 : memref<4x10240xf32, #tpu.memory_space<vmem>>[vector<16xi32>, vector<16xi32>], vector<16xf32>,
          %slice3A_503 = vector.extract_strided_slice %scan3A_111 {offsets = [15], sizes = [1], strides = [1]} : vector<16xi32> to vector<1xi32>
          %squeeze3A_504 = vector.extract %slice3A_503[0] : i32 from vector<1xi32>
          %broadcast_in_dim3A_505 = vector.broadcast %squeeze3A_504 : i32 to vector<16xi32>
          %slice3A_506 = vector.extract_strided_slice %scan3A_112 {offsets = [15], sizes = [1], strides = [1]} : vector<16xi32> to vector<1xi32>
          %squeeze3A_507 = vector.extract %slice3A_506[0] : i32 from vector<1xi32>
          %broadcast_in_dim3A_508 = vector.broadcast %squeeze3A_507 : i32 to vector<16xi32>
          %gather3A_509 = tpu.vector_load_idx %arg8[%select_n3A_17, %broadcast_in_dim3A_505] : memref<4x10240xf32, #tpu.memory_space<vmem>>[vector<16xi32>, vector<16xi32>], vector<16xf32>,
          %gather3A_510 = tpu.vector_load_idx %arg7[%select_n3A_17, %broadcast_in_dim3A_508] : memref<4x10240xf32, #tpu.memory_space<vmem>>[vector<16xi32>, vector<16xi32>], vector<16xf32>,
          %max3A_511 = arith.maximumf %gather3A_510, %gather3A_509 : vector<16xf32>
          tpu.vector_store_idx %arg7[%select_n3A_17, %broadcast_in_dim3A_508], %max3A_511 : memref<4x10240xf32, #tpu.memory_space<vmem>>[vector<16xi32>, vector<16xi32>], vector<16xf32>,
        } else {
        }
        %mul3A_175 = arith.constant 4 : i32
        %mul3A_176 = arith.muli %mul3A_175, %scan3A_110 : i32
        %add3A_177 = arith.constant 1 : i32
        %add3A_178 = arith.addi %mul3A_176, %add3A_177 : i32
        %add3A_179 = arith.constant 1 : i32
        %add3A_180 = arith.addi %add3A_178, %add3A_179 : i32
        %mul3A_181 = arith.constant 16 : i32
        %mul3A_182 = arith.muli %add3A_180, %mul3A_181 : i32
        %get3A_183 = arith.index_cast %mul3A_182 : i32 to index
        %get3A_184 = tpu.vector_load %arg9[%get3A_183] {strides = array<i32>} : memref<6400xi32, #tpu.memory_space<vmem>>, vector<16xi32>,
        %mul3A_185 = arith.constant 16 : i32
        %mul3A_186 = arith.muli %add3A_180, %mul3A_185 : i32
        %get3A_187 = arith.index_cast %mul3A_186 : i32 to index
        %get3A_188 = tpu.vector_load %arg10[%get3A_187] {strides = array<i32>} : memref<6400xi32, #tpu.memory_space<vmem>>, vector<16xi32>,
        %broadcast_in_dim3A_189 = arith.constant true
        %broadcast_in_dim3A_190 = vector.broadcast %broadcast_in_dim3A_189 : i1 to vector<16xi1>
        %unique3A_191, %unique3A_192 = tpu.scan_count mask(%broadcast_in_dim3A_190 : vector<16xi1>) value(%get3A_188 : vector<16xi32>) : vector<16xi1>, vector<16xi32>
        %all_reduce_population_count3A_193 = tpu.all_reduce %unique3A_191 {dim = 0 : i64, kind = #tpu.reduction_kind<sum>} : vector<16xi1> -> vector<16xi32>
        %slice3A_194 = vector.extract_strided_slice %all_reduce_population_count3A_193 {offsets = [0], sizes = [1], strides = [1]} : vector<16xi32> to vector<1xi32>
        %squeeze3A_195 = vector.extract %slice3A_194[0] : i32 from vector<1xi32>
        %eq3A_196 = arith.constant 16 : i32
        %eq3A_197 = arith.cmpi eq, %squeeze3A_195, %eq3A_196 : i32
        %broadcast_in_dim3A_198 = arith.constant 0 : i32
        %broadcast_in_dim3A_199 = vector.broadcast %broadcast_in_dim3A_198 : i32 to vector<16xi32>
        %gather3A_200 = tpu.vector_load_idx %arg8[%broadcast_in_dim3A_199, %get3A_123] : memref<4x10240xf32, #tpu.memory_space<vmem>>[vector<16xi32>, vector<16xi32>], vector<16xf32>,
        %broadcast_in_dim3A_201 = arith.constant 1 : i32
        %broadcast_in_dim3A_202 = vector.broadcast %broadcast_in_dim3A_201 : i32 to vector<16xi32>
        %gather3A_203 = tpu.vector_load_idx %arg8[%broadcast_in_dim3A_202, %get3A_123] : memref<4x10240xf32, #tpu.memory_space<vmem>>[vector<16xi32>, vector<16xi32>], vector<16xf32>,
        %broadcast_in_dim3A_204 = arith.constant 2 : i32
        %broadcast_in_dim3A_205 = vector.broadcast %broadcast_in_dim3A_204 : i32 to vector<16xi32>
        %gather3A_206 = tpu.vector_load_idx %arg8[%broadcast_in_dim3A_205, %get3A_123] : memref<4x10240xf32, #tpu.memory_space<vmem>>[vector<16xi32>, vector<16xi32>], vector<16xf32>,
        %broadcast_in_dim3A_207 = arith.constant 3 : i32
        %broadcast_in_dim3A_208 = vector.broadcast %broadcast_in_dim3A_207 : i32 to vector<16xi32>
        %gather3A_209 = tpu.vector_load_idx %arg8[%broadcast_in_dim3A_208, %get3A_123] : memref<4x10240xf32, #tpu.memory_space<vmem>>[vector<16xi32>, vector<16xi32>], vector<16xf32>,
        %broadcast_in_dim3A_210 = arith.constant 0 : i32
        %broadcast_in_dim3A_211 = vector.broadcast %broadcast_in_dim3A_210 : i32 to vector<16xi32>
        %gather3A_212 = tpu.vector_load_idx %arg7[%broadcast_in_dim3A_211, %get3A_127] : memref<4x10240xf32, #tpu.memory_space<vmem>>[vector<16xi32>, vector<16xi32>], vector<16xf32>,
        %broadcast_in_dim3A_213 = arith.constant 1 : i32
        %broadcast_in_dim3A_214 = vector.broadcast %broadcast_in_dim3A_213 : i32 to vector<16xi32>
        %gather3A_215 = tpu.vector_load_idx %arg7[%broadcast_in_dim3A_214, %get3A_127] : memref<4x10240xf32, #tpu.memory_space<vmem>>[vector<16xi32>, vector<16xi32>], vector<16xf32>,
        %broadcast_in_dim3A_216 = arith.constant 2 : i32
        %broadcast_in_dim3A_217 = vector.broadcast %broadcast_in_dim3A_216 : i32 to vector<16xi32>
        %gather3A_218 = tpu.vector_load_idx %arg7[%broadcast_in_dim3A_217, %get3A_127] : memref<4x10240xf32, #tpu.memory_space<vmem>>[vector<16xi32>, vector<16xi32>], vector<16xf32>,
        %broadcast_in_dim3A_219 = arith.constant 3 : i32
        %broadcast_in_dim3A_220 = vector.broadcast %broadcast_in_dim3A_219 : i32 to vector<16xi32>
        %gather3A_221 = tpu.vector_load_idx %arg7[%broadcast_in_dim3A_220, %get3A_127] : memref<4x10240xf32, #tpu.memory_space<vmem>>[vector<16xi32>, vector<16xi32>], vector<16xf32>,
        %broadcast_in_dim3A_222 = arith.constant 0 : i32
        %broadcast_in_dim3A_223 = vector.broadcast %broadcast_in_dim3A_222 : i32 to vector<16xi32>
        %max3A_224 = arith.maximumf %gather3A_212, %gather3A_200 : vector<16xf32>
        tpu.vector_store_idx %arg7[%broadcast_in_dim3A_223, %get3A_127], %max3A_224 : memref<4x10240xf32, #tpu.memory_space<vmem>>[vector<16xi32>, vector<16xi32>], vector<16xf32>,
        %broadcast_in_dim3A_225 = arith.constant 1 : i32
        %broadcast_in_dim3A_226 = vector.broadcast %broadcast_in_dim3A_225 : i32 to vector<16xi32>
        %max3A_227 = arith.maximumf %gather3A_215, %gather3A_203 : vector<16xf32>
        tpu.vector_store_idx %arg7[%broadcast_in_dim3A_226, %get3A_127], %max3A_227 : memref<4x10240xf32, #tpu.memory_space<vmem>>[vector<16xi32>, vector<16xi32>], vector<16xf32>,
        %broadcast_in_dim3A_228 = arith.constant 2 : i32
        %broadcast_in_dim3A_229 = vector.broadcast %broadcast_in_dim3A_228 : i32 to vector<16xi32>
        %max3A_230 = arith.maximumf %gather3A_218, %gather3A_206 : vector<16xf32>
        tpu.vector_store_idx %arg7[%broadcast_in_dim3A_229, %get3A_127], %max3A_230 : memref<4x10240xf32, #tpu.memory_space<vmem>>[vector<16xi32>, vector<16xi32>], vector<16xf32>,
        %broadcast_in_dim3A_231 = arith.constant 3 : i32
        %broadcast_in_dim3A_232 = vector.broadcast %broadcast_in_dim3A_231 : i32 to vector<16xi32>
        %max3A_233 = arith.maximumf %gather3A_221, %gather3A_209 : vector<16xf32>
        tpu.vector_store_idx %arg7[%broadcast_in_dim3A_232, %get3A_127], %max3A_233 : memref<4x10240xf32, #tpu.memory_space<vmem>>[vector<16xi32>, vector<16xi32>], vector<16xf32>,
        %not3A_234 = arith.constant true
        %not3A_235 = arith.xori %eq3A_136, %not3A_234 : i1
        %convert_element_type3A_236 = arith.extui %not3A_235 : i1 to i32
        %cond3A_237 = arith.constant 0 : i32
        %cond3A_238 = arith.cmpi ne, %convert_element_type3A_236, %cond3A_237 : i32
        scf.if %cond3A_238 {
          %slice3A_368 = vector.extract_strided_slice %get3A_123 {offsets = [0], sizes = [1], strides = [1]} : vector<16xi32> to vector<1xi32>
          %squeeze3A_369 = vector.extract %slice3A_368[0] : i32 from vector<1xi32>
          %broadcast_in_dim3A_370 = vector.broadcast %squeeze3A_369 : i32 to vector<16xi32>
          %slice3A_371 = vector.extract_strided_slice %get3A_127 {offsets = [0], sizes = [1], strides = [1]} : vector<16xi32> to vector<1xi32>
          %squeeze3A_372 = vector.extract %slice3A_371[0] : i32 from vector<1xi32>
          %broadcast_in_dim3A_373 = vector.broadcast %squeeze3A_372 : i32 to vector<16xi32>
          %gather3A_374 = tpu.vector_load_idx %arg8[%select_n3A_17, %broadcast_in_dim3A_370] : memref<4x10240xf32, #tpu.memory_space<vmem>>[vector<16xi32>, vector<16xi32>], vector<16xf32>,
          %gather3A_375 = tpu.vector_load_idx %arg7[%select_n3A_17, %broadcast_in_dim3A_373] : memref<4x10240xf32, #tpu.memory_space<vmem>>[vector<16xi32>, vector<16xi32>], vector<16xf32>,
          %max3A_376 = arith.maximumf %gather3A_375, %gather3A_374 : vector<16xf32>
          tpu.vector_store_idx %arg7[%select_n3A_17, %broadcast_in_dim3A_373], %max3A_376 : memref<4x10240xf32, #tpu.memory_space<vmem>>[vector<16xi32>, vector<16xi32>], vector<16xf32>,
          %slice3A_377 = vector.extract_strided_slice %get3A_123 {offsets = [1], sizes = [1], strides = [1]} : vector<16xi32> to vector<1xi32>
          %squeeze3A_378 = vector.extract %slice3A_377[0] : i32 from vector<1xi32>
          %broadcast_in_dim3A_379 = vector.broadcast %squeeze3A_378 : i32 to vector<16xi32>
          %slice3A_380 = vector.extract_strided_slice %get3A_127 {offsets = [1], sizes = [1], strides = [1]} : vector<16xi32> to vector<1xi32>
          %squeeze3A_381 = vector.extract %slice3A_380[0] : i32 from vector<1xi32>
          %broadcast_in_dim3A_382 = vector.broadcast %squeeze3A_381 : i32 to vector<16xi32>
          %gather3A_383 = tpu.vector_load_idx %arg8[%select_n3A_17, %broadcast_in_dim3A_379] : memref<4x10240xf32, #tpu.memory_space<vmem>>[vector<16xi32>, vector<16xi32>], vector<16xf32>,
          %gather3A_384 = tpu.vector_load_idx %arg7[%select_n3A_17, %broadcast_in_dim3A_382] : memref<4x10240xf32, #tpu.memory_space<vmem>>[vector<16xi32>, vector<16xi32>], vector<16xf32>,
          %max3A_385 = arith.maximumf %gather3A_384, %gather3A_383 : vector<16xf32>
          tpu.vector_store_idx %arg7[%select_n3A_17, %broadcast_in_dim3A_382], %max3A_385 : memref<4x10240xf32, #tpu.memory_space<vmem>>[vector<16xi32>, vector<16xi32>], vector<16xf32>,
          %slice3A_386 = vector.extract_strided_slice %get3A_123 {offsets = [2], sizes = [1], strides = [1]} : vector<16xi32> to vector<1xi32>
          %squeeze3A_387 = vector.extract %slice3A_386[0] : i32 from vector<1xi32>
          %broadcast_in_dim3A_388 = vector.broadcast %squeeze3A_387 : i32 to vector<16xi32>
          %slice3A_389 = vector.extract_strided_slice %get3A_127 {offsets = [2], sizes = [1], strides = [1]} : vector<16xi32> to vector<1xi32>
          %squeeze3A_390 = vector.extract %slice3A_389[0] : i32 from vector<1xi32>
          %broadcast_in_dim3A_391 = vector.broadcast %squeeze3A_390 : i32 to vector<16xi32>
          %gather3A_392 = tpu.vector_load_idx %arg8[%select_n3A_17, %broadcast_in_dim3A_388] : memref<4x10240xf32, #tpu.memory_space<vmem>>[vector<16xi32>, vector<16xi32>], vector<16xf32>,
          %gather3A_393 = tpu.vector_load_idx %arg7[%select_n3A_17, %broadcast_in_dim3A_391] : memref<4x10240xf32, #tpu.memory_space<vmem>>[vector<16xi32>, vector<16xi32>], vector<16xf32>,
          %max3A_394 = arith.maximumf %gather3A_393, %gather3A_392 : vector<16xf32>
          tpu.vector_store_idx %arg7[%select_n3A_17, %broadcast_in_dim3A_391], %max3A_394 : memref<4x10240xf32, #tpu.memory_space<vmem>>[vector<16xi32>, vector<16xi32>], vector<16xf32>,
          %slice3A_395 = vector.extract_strided_slice %get3A_123 {offsets = [3], sizes = [1], strides = [1]} : vector<16xi32> to vector<1xi32>
          %squeeze3A_396 = vector.extract %slice3A_395[0] : i32 from vector<1xi32>
          %broadcast_in_dim3A_397 = vector.broadcast %squeeze3A_396 : i32 to vector<16xi32>
          %slice3A_398 = vector.extract_strided_slice %get3A_127 {offsets = [3], sizes = [1], strides = [1]} : vector<16xi32> to vector<1xi32>
          %squeeze3A_399 = vector.extract %slice3A_398[0] : i32 from vector<1xi32>
          %broadcast_in_dim3A_400 = vector.broadcast %squeeze3A_399 : i32 to vector<16xi32>
          %gather3A_401 = tpu.vector_load_idx %arg8[%select_n3A_17, %broadcast_in_dim3A_397] : memref<4x10240xf32, #tpu.memory_space<vmem>>[vector<16xi32>, vector<16xi32>], vector<16xf32>,
          %gather3A_402 = tpu.vector_load_idx %arg7[%select_n3A_17, %broadcast_in_dim3A_400] : memref<4x10240xf32, #tpu.memory_space<vmem>>[vector<16xi32>, vector<16xi32>], vector<16xf32>,
          %max3A_403 = arith.maximumf %gather3A_402, %gather3A_401 : vector<16xf32>
          tpu.vector_store_idx %arg7[%select_n3A_17, %broadcast_in_dim3A_400], %max3A_403 : memref<4x10240xf32, #tpu.memory_space<vmem>>[vector<16xi32>, vector<16xi32>], vector<16xf32>,
          %slice3A_404 = vector.extract_strided_slice %get3A_123 {offsets = [4], sizes = [1], strides = [1]} : vector<16xi32> to vector<1xi32>
          %squeeze3A_405 = vector.extract %slice3A_404[0] : i32 from vector<1xi32>
          %broadcast_in_dim3A_406 = vector.broadcast %squeeze3A_405 : i32 to vector<16xi32>
          %slice3A_407 = vector.extract_strided_slice %get3A_127 {offsets = [4], sizes = [1], strides = [1]} : vector<16xi32> to vector<1xi32>
          %squeeze3A_408 = vector.extract %slice3A_407[0] : i32 from vector<1xi32>
          %broadcast_in_dim3A_409 = vector.broadcast %squeeze3A_408 : i32 to vector<16xi32>
          %gather3A_410 = tpu.vector_load_idx %arg8[%select_n3A_17, %broadcast_in_dim3A_406] : memref<4x10240xf32, #tpu.memory_space<vmem>>[vector<16xi32>, vector<16xi32>], vector<16xf32>,
          %gather3A_411 = tpu.vector_load_idx %arg7[%select_n3A_17, %broadcast_in_dim3A_409] : memref<4x10240xf32, #tpu.memory_space<vmem>>[vector<16xi32>, vector<16xi32>], vector<16xf32>,
          %max3A_412 = arith.maximumf %gather3A_411, %gather3A_410 : vector<16xf32>
          tpu.vector_store_idx %arg7[%select_n3A_17, %broadcast_in_dim3A_409], %max3A_412 : memref<4x10240xf32, #tpu.memory_space<vmem>>[vector<16xi32>, vector<16xi32>], vector<16xf32>,
          %slice3A_413 = vector.extract_strided_slice %get3A_123 {offsets = [5], sizes = [1], strides = [1]} : vector<16xi32> to vector<1xi32>
          %squeeze3A_414 = vector.extract %slice3A_413[0] : i32 from vector<1xi32>
          %broadcast_in_dim3A_415 = vector.broadcast %squeeze3A_414 : i32 to vector<16xi32>
          %slice3A_416 = vector.extract_strided_slice %get3A_127 {offsets = [5], sizes = [1], strides = [1]} : vector<16xi32> to vector<1xi32>
          %squeeze3A_417 = vector.extract %slice3A_416[0] : i32 from vector<1xi32>
          %broadcast_in_dim3A_418 = vector.broadcast %squeeze3A_417 : i32 to vector<16xi32>
          %gather3A_419 = tpu.vector_load_idx %arg8[%select_n3A_17, %broadcast_in_dim3A_415] : memref<4x10240xf32, #tpu.memory_space<vmem>>[vector<16xi32>, vector<16xi32>], vector<16xf32>,
          %gather3A_420 = tpu.vector_load_idx %arg7[%select_n3A_17, %broadcast_in_dim3A_418] : memref<4x10240xf32, #tpu.memory_space<vmem>>[vector<16xi32>, vector<16xi32>], vector<16xf32>,
          %max3A_421 = arith.maximumf %gather3A_420, %gather3A_419 : vector<16xf32>
          tpu.vector_store_idx %arg7[%select_n3A_17, %broadcast_in_dim3A_418], %max3A_421 : memref<4x10240xf32, #tpu.memory_space<vmem>>[vector<16xi32>, vector<16xi32>], vector<16xf32>,
          %slice3A_422 = vector.extract_strided_slice %get3A_123 {offsets = [6], sizes = [1], strides = [1]} : vector<16xi32> to vector<1xi32>
          %squeeze3A_423 = vector.extract %slice3A_422[0] : i32 from vector<1xi32>
          %broadcast_in_dim3A_424 = vector.broadcast %squeeze3A_423 : i32 to vector<16xi32>
          %slice3A_425 = vector.extract_strided_slice %get3A_127 {offsets = [6], sizes = [1], strides = [1]} : vector<16xi32> to vector<1xi32>
          %squeeze3A_426 = vector.extract %slice3A_425[0] : i32 from vector<1xi32>
          %broadcast_in_dim3A_427 = vector.broadcast %squeeze3A_426 : i32 to vector<16xi32>
          %gather3A_428 = tpu.vector_load_idx %arg8[%select_n3A_17, %broadcast_in_dim3A_424] : memref<4x10240xf32, #tpu.memory_space<vmem>>[vector<16xi32>, vector<16xi32>], vector<16xf32>,
          %gather3A_429 = tpu.vector_load_idx %arg7[%select_n3A_17, %broadcast_in_dim3A_427] : memref<4x10240xf32, #tpu.memory_space<vmem>>[vector<16xi32>, vector<16xi32>], vector<16xf32>,
          %max3A_430 = arith.maximumf %gather3A_429, %gather3A_428 : vector<16xf32>
          tpu.vector_store_idx %arg7[%select_n3A_17, %broadcast_in_dim3A_427], %max3A_430 : memref<4x10240xf32, #tpu.memory_space<vmem>>[vector<16xi32>, vector<16xi32>], vector<16xf32>,
          %slice3A_431 = vector.extract_strided_slice %get3A_123 {offsets = [7], sizes = [1], strides = [1]} : vector<16xi32> to vector<1xi32>
          %squeeze3A_432 = vector.extract %slice3A_431[0] : i32 from vector<1xi32>
          %broadcast_in_dim3A_433 = vector.broadcast %squeeze3A_432 : i32 to vector<16xi32>
          %slice3A_434 = vector.extract_strided_slice %get3A_127 {offsets = [7], sizes = [1], strides = [1]} : vector<16xi32> to vector<1xi32>
          %squeeze3A_435 = vector.extract %slice3A_434[0] : i32 from vector<1xi32>
          %broadcast_in_dim3A_436 = vector.broadcast %squeeze3A_435 : i32 to vector<16xi32>
          %gather3A_437 = tpu.vector_load_idx %arg8[%select_n3A_17, %broadcast_in_dim3A_433] : memref<4x10240xf32, #tpu.memory_space<vmem>>[vector<16xi32>, vector<16xi32>], vector<16xf32>,
          %gather3A_438 = tpu.vector_load_idx %arg7[%select_n3A_17, %broadcast_in_dim3A_436] : memref<4x10240xf32, #tpu.memory_space<vmem>>[vector<16xi32>, vector<16xi32>], vector<16xf32>,
          %max3A_439 = arith.maximumf %gather3A_438, %gather3A_437 : vector<16xf32>
          tpu.vector_store_idx %arg7[%select_n3A_17, %broadcast_in_dim3A_436], %max3A_439 : memref<4x10240xf32, #tpu.memory_space<vmem>>[vector<16xi32>, vector<16xi32>], vector<16xf32>,
          %slice3A_440 = vector.extract_strided_slice %get3A_123 {offsets = [8], sizes = [1], strides = [1]} : vector<16xi32> to vector<1xi32>
          %squeeze3A_441 = vector.extract %slice3A_440[0] : i32 from vector<1xi32>
          %broadcast_in_dim3A_442 = vector.broadcast %squeeze3A_441 : i32 to vector<16xi32>
          %slice3A_443 = vector.extract_strided_slice %get3A_127 {offsets = [8], sizes = [1], strides = [1]} : vector<16xi32> to vector<1xi32>
          %squeeze3A_444 = vector.extract %slice3A_443[0] : i32 from vector<1xi32>
          %broadcast_in_dim3A_445 = vector.broadcast %squeeze3A_444 : i32 to vector<16xi32>
          %gather3A_446 = tpu.vector_load_idx %arg8[%select_n3A_17, %broadcast_in_dim3A_442] : memref<4x10240xf32, #tpu.memory_space<vmem>>[vector<16xi32>, vector<16xi32>], vector<16xf32>,
          %gather3A_447 = tpu.vector_load_idx %arg7[%select_n3A_17, %broadcast_in_dim3A_445] : memref<4x10240xf32, #tpu.memory_space<vmem>>[vector<16xi32>, vector<16xi32>], vector<16xf32>,
          %max3A_448 = arith.maximumf %gather3A_447, %gather3A_446 : vector<16xf32>
          tpu.vector_store_idx %arg7[%select_n3A_17, %broadcast_in_dim3A_445], %max3A_448 : memref<4x10240xf32, #tpu.memory_space<vmem>>[vector<16xi32>, vector<16xi32>], vector<16xf32>,
          %slice3A_449 = vector.extract_strided_slice %get3A_123 {offsets = [9], sizes = [1], strides = [1]} : vector<16xi32> to vector<1xi32>
          %squeeze3A_450 = vector.extract %slice3A_449[0] : i32 from vector<1xi32>
          %broadcast_in_dim3A_451 = vector.broadcast %squeeze3A_450 : i32 to vector<16xi32>
          %slice3A_452 = vector.extract_strided_slice %get3A_127 {offsets = [9], sizes = [1], strides = [1]} : vector<16xi32> to vector<1xi32>
          %squeeze3A_453 = vector.extract %slice3A_452[0] : i32 from vector<1xi32>
          %broadcast_in_dim3A_454 = vector.broadcast %squeeze3A_453 : i32 to vector<16xi32>
          %gather3A_455 = tpu.vector_load_idx %arg8[%select_n3A_17, %broadcast_in_dim3A_451] : memref<4x10240xf32, #tpu.memory_space<vmem>>[vector<16xi32>, vector<16xi32>], vector<16xf32>,
          %gather3A_456 = tpu.vector_load_idx %arg7[%select_n3A_17, %broadcast_in_dim3A_454] : memref<4x10240xf32, #tpu.memory_space<vmem>>[vector<16xi32>, vector<16xi32>], vector<16xf32>,
          %max3A_457 = arith.maximumf %gather3A_456, %gather3A_455 : vector<16xf32>
          tpu.vector_store_idx %arg7[%select_n3A_17, %broadcast_in_dim3A_454], %max3A_457 : memref<4x10240xf32, #tpu.memory_space<vmem>>[vector<16xi32>, vector<16xi32>], vector<16xf32>,
          %slice3A_458 = vector.extract_strided_slice %get3A_123 {offsets = [10], sizes = [1], strides = [1]} : vector<16xi32> to vector<1xi32>
          %squeeze3A_459 = vector.extract %slice3A_458[0] : i32 from vector<1xi32>
          %broadcast_in_dim3A_460 = vector.broadcast %squeeze3A_459 : i32 to vector<16xi32>
          %slice3A_461 = vector.extract_strided_slice %get3A_127 {offsets = [10], sizes = [1], strides = [1]} : vector<16xi32> to vector<1xi32>
          %squeeze3A_462 = vector.extract %slice3A_461[0] : i32 from vector<1xi32>
          %broadcast_in_dim3A_463 = vector.broadcast %squeeze3A_462 : i32 to vector<16xi32>
          %gather3A_464 = tpu.vector_load_idx %arg8[%select_n3A_17, %broadcast_in_dim3A_460] : memref<4x10240xf32, #tpu.memory_space<vmem>>[vector<16xi32>, vector<16xi32>], vector<16xf32>,
          %gather3A_465 = tpu.vector_load_idx %arg7[%select_n3A_17, %broadcast_in_dim3A_463] : memref<4x10240xf32, #tpu.memory_space<vmem>>[vector<16xi32>, vector<16xi32>], vector<16xf32>,
          %max3A_466 = arith.maximumf %gather3A_465, %gather3A_464 : vector<16xf32>
          tpu.vector_store_idx %arg7[%select_n3A_17, %broadcast_in_dim3A_463], %max3A_466 : memref<4x10240xf32, #tpu.memory_space<vmem>>[vector<16xi32>, vector<16xi32>], vector<16xf32>,
          %slice3A_467 = vector.extract_strided_slice %get3A_123 {offsets = [11], sizes = [1], strides = [1]} : vector<16xi32> to vector<1xi32>
          %squeeze3A_468 = vector.extract %slice3A_467[0] : i32 from vector<1xi32>
          %broadcast_in_dim3A_469 = vector.broadcast %squeeze3A_468 : i32 to vector<16xi32>
          %slice3A_470 = vector.extract_strided_slice %get3A_127 {offsets = [11], sizes = [1], strides = [1]} : vector<16xi32> to vector<1xi32>
          %squeeze3A_471 = vector.extract %slice3A_470[0] : i32 from vector<1xi32>
          %broadcast_in_dim3A_472 = vector.broadcast %squeeze3A_471 : i32 to vector<16xi32>
          %gather3A_473 = tpu.vector_load_idx %arg8[%select_n3A_17, %broadcast_in_dim3A_469] : memref<4x10240xf32, #tpu.memory_space<vmem>>[vector<16xi32>, vector<16xi32>], vector<16xf32>,
          %gather3A_474 = tpu.vector_load_idx %arg7[%select_n3A_17, %broadcast_in_dim3A_472] : memref<4x10240xf32, #tpu.memory_space<vmem>>[vector<16xi32>, vector<16xi32>], vector<16xf32>,
          %max3A_475 = arith.maximumf %gather3A_474, %gather3A_473 : vector<16xf32>
          tpu.vector_store_idx %arg7[%select_n3A_17, %broadcast_in_dim3A_472], %max3A_475 : memref<4x10240xf32, #tpu.memory_space<vmem>>[vector<16xi32>, vector<16xi32>], vector<16xf32>,
          %slice3A_476 = vector.extract_strided_slice %get3A_123 {offsets = [12], sizes = [1], strides = [1]} : vector<16xi32> to vector<1xi32>
          %squeeze3A_477 = vector.extract %slice3A_476[0] : i32 from vector<1xi32>
          %broadcast_in_dim3A_478 = vector.broadcast %squeeze3A_477 : i32 to vector<16xi32>
          %slice3A_479 = vector.extract_strided_slice %get3A_127 {offsets = [12], sizes = [1], strides = [1]} : vector<16xi32> to vector<1xi32>
          %squeeze3A_480 = vector.extract %slice3A_479[0] : i32 from vector<1xi32>
          %broadcast_in_dim3A_481 = vector.broadcast %squeeze3A_480 : i32 to vector<16xi32>
          %gather3A_482 = tpu.vector_load_idx %arg8[%select_n3A_17, %broadcast_in_dim3A_478] : memref<4x10240xf32, #tpu.memory_space<vmem>>[vector<16xi32>, vector<16xi32>], vector<16xf32>,
          %gather3A_483 = tpu.vector_load_idx %arg7[%select_n3A_17, %broadcast_in_dim3A_481] : memref<4x10240xf32, #tpu.memory_space<vmem>>[vector<16xi32>, vector<16xi32>], vector<16xf32>,
          %max3A_484 = arith.maximumf %gather3A_483, %gather3A_482 : vector<16xf32>
          tpu.vector_store_idx %arg7[%select_n3A_17, %broadcast_in_dim3A_481], %max3A_484 : memref<4x10240xf32, #tpu.memory_space<vmem>>[vector<16xi32>, vector<16xi32>], vector<16xf32>,
          %slice3A_485 = vector.extract_strided_slice %get3A_123 {offsets = [13], sizes = [1], strides = [1]} : vector<16xi32> to vector<1xi32>
          %squeeze3A_486 = vector.extract %slice3A_485[0] : i32 from vector<1xi32>
          %broadcast_in_dim3A_487 = vector.broadcast %squeeze3A_486 : i32 to vector<16xi32>
          %slice3A_488 = vector.extract_strided_slice %get3A_127 {offsets = [13], sizes = [1], strides = [1]} : vector<16xi32> to vector<1xi32>
          %squeeze3A_489 = vector.extract %slice3A_488[0] : i32 from vector<1xi32>
          %broadcast_in_dim3A_490 = vector.broadcast %squeeze3A_489 : i32 to vector<16xi32>
          %gather3A_491 = tpu.vector_load_idx %arg8[%select_n3A_17, %broadcast_in_dim3A_487] : memref<4x10240xf32, #tpu.memory_space<vmem>>[vector<16xi32>, vector<16xi32>], vector<16xf32>,
          %gather3A_492 = tpu.vector_load_idx %arg7[%select_n3A_17, %broadcast_in_dim3A_490] : memref<4x10240xf32, #tpu.memory_space<vmem>>[vector<16xi32>, vector<16xi32>], vector<16xf32>,
          %max3A_493 = arith.maximumf %gather3A_492, %gather3A_491 : vector<16xf32>
          tpu.vector_store_idx %arg7[%select_n3A_17, %broadcast_in_dim3A_490], %max3A_493 : memref<4x10240xf32, #tpu.memory_space<vmem>>[vector<16xi32>, vector<16xi32>], vector<16xf32>,
          %slice3A_494 = vector.extract_strided_slice %get3A_123 {offsets = [14], sizes = [1], strides = [1]} : vector<16xi32> to vector<1xi32>
          %squeeze3A_495 = vector.extract %slice3A_494[0] : i32 from vector<1xi32>
          %broadcast_in_dim3A_496 = vector.broadcast %squeeze3A_495 : i32 to vector<16xi32>
          %slice3A_497 = vector.extract_strided_slice %get3A_127 {offsets = [14], sizes = [1], strides = [1]} : vector<16xi32> to vector<1xi32>
          %squeeze3A_498 = vector.extract %slice3A_497[0] : i32 from vector<1xi32>
          %broadcast_in_dim3A_499 = vector.broadcast %squeeze3A_498 : i32 to vector<16xi32>
          %gather3A_500 = tpu.vector_load_idx %arg8[%select_n3A_17, %broadcast_in_dim3A_496] : memref<4x10240xf32, #tpu.memory_space<vmem>>[vector<16xi32>, vector<16xi32>], vector<16xf32>,
          %gather3A_501 = tpu.vector_load_idx %arg7[%select_n3A_17, %broadcast_in_dim3A_499] : memref<4x10240xf32, #tpu.memory_space<vmem>>[vector<16xi32>, vector<16xi32>], vector<16xf32>,
          %max3A_502 = arith.maximumf %gather3A_501, %gather3A_500 : vector<16xf32>
          tpu.vector_store_idx %arg7[%select_n3A_17, %broadcast_in_dim3A_499], %max3A_502 : memref<4x10240xf32, #tpu.memory_space<vmem>>[vector<16xi32>, vector<16xi32>], vector<16xf32>,
          %slice3A_503 = vector.extract_strided_slice %get3A_123 {offsets = [15], sizes = [1], strides = [1]} : vector<16xi32> to vector<1xi32>
          %squeeze3A_504 = vector.extract %slice3A_503[0] : i32 from vector<1xi32>
          %broadcast_in_dim3A_505 = vector.broadcast %squeeze3A_504 : i32 to vector<16xi32>
          %slice3A_506 = vector.extract_strided_slice %get3A_127 {offsets = [15], sizes = [1], strides = [1]} : vector<16xi32> to vector<1xi32>
          %squeeze3A_507 = vector.extract %slice3A_506[0] : i32 from vector<1xi32>
          %broadcast_in_dim3A_508 = vector.broadcast %squeeze3A_507 : i32 to vector<16xi32>
          %gather3A_509 = tpu.vector_load_idx %arg8[%select_n3A_17, %broadcast_in_dim3A_505] : memref<4x10240xf32, #tpu.memory_space<vmem>>[vector<16xi32>, vector<16xi32>], vector<16xf32>,
          %gather3A_510 = tpu.vector_load_idx %arg7[%select_n3A_17, %broadcast_in_dim3A_508] : memref<4x10240xf32, #tpu.memory_space<vmem>>[vector<16xi32>, vector<16xi32>], vector<16xf32>,
          %max3A_511 = arith.maximumf %gather3A_510, %gather3A_509 : vector<16xf32>
          tpu.vector_store_idx %arg7[%select_n3A_17, %broadcast_in_dim3A_508], %max3A_511 : memref<4x10240xf32, #tpu.memory_space<vmem>>[vector<16xi32>, vector<16xi32>], vector<16xf32>,
        } else {
        }
        %mul3A_239 = arith.constant 4 : i32
        %mul3A_240 = arith.muli %mul3A_239, %scan3A_110 : i32
        %add3A_241 = arith.constant 2 : i32
        %add3A_242 = arith.addi %mul3A_240, %add3A_241 : i32
        %add3A_243 = arith.constant 1 : i32
        %add3A_244 = arith.addi %add3A_242, %add3A_243 : i32
        %mul3A_245 = arith.constant 16 : i32
        %mul3A_246 = arith.muli %add3A_244, %mul3A_245 : i32
        %get3A_247 = arith.index_cast %mul3A_246 : i32 to index
        %get3A_248 = tpu.vector_load %arg9[%get3A_247] {strides = array<i32>} : memref<6400xi32, #tpu.memory_space<vmem>>, vector<16xi32>,
        %mul3A_249 = arith.constant 16 : i32
        %mul3A_250 = arith.muli %add3A_244, %mul3A_249 : i32
        %get3A_251 = arith.index_cast %mul3A_250 : i32 to index
        %get3A_252 = tpu.vector_load %arg10[%get3A_251] {strides = array<i32>} : memref<6400xi32, #tpu.memory_space<vmem>>, vector<16xi32>,
        %broadcast_in_dim3A_253 = arith.constant true
        %broadcast_in_dim3A_254 = vector.broadcast %broadcast_in_dim3A_253 : i1 to vector<16xi1>
        %unique3A_255, %unique3A_256 = tpu.scan_count mask(%broadcast_in_dim3A_254 : vector<16xi1>) value(%get3A_252 : vector<16xi32>) : vector<16xi1>, vector<16xi32>
        %all_reduce_population_count3A_257 = tpu.all_reduce %unique3A_255 {dim = 0 : i64, kind = #tpu.reduction_kind<sum>} : vector<16xi1> -> vector<16xi32>
        %slice3A_258 = vector.extract_strided_slice %all_reduce_population_count3A_257 {offsets = [0], sizes = [1], strides = [1]} : vector<16xi32> to vector<1xi32>
        %squeeze3A_259 = vector.extract %slice3A_258[0] : i32 from vector<1xi32>
        %eq3A_260 = arith.constant 16 : i32
        %eq3A_261 = arith.cmpi eq, %squeeze3A_259, %eq3A_260 : i32
        %broadcast_in_dim3A_262 = arith.constant 0 : i32
        %broadcast_in_dim3A_263 = vector.broadcast %broadcast_in_dim3A_262 : i32 to vector<16xi32>
        %gather3A_264 = tpu.vector_load_idx %arg8[%broadcast_in_dim3A_263, %get3A_184] : memref<4x10240xf32, #tpu.memory_space<vmem>>[vector<16xi32>, vector<16xi32>], vector<16xf32>,
        %broadcast_in_dim3A_265 = arith.constant 1 : i32
        %broadcast_in_dim3A_266 = vector.broadcast %broadcast_in_dim3A_265 : i32 to vector<16xi32>
        %gather3A_267 = tpu.vector_load_idx %arg8[%broadcast_in_dim3A_266, %get3A_184] : memref<4x10240xf32, #tpu.memory_space<vmem>>[vector<16xi32>, vector<16xi32>], vector<16xf32>,
        %broadcast_in_dim3A_268 = arith.constant 2 : i32
        %broadcast_in_dim3A_269 = vector.broadcast %broadcast_in_dim3A_268 : i32 to vector<16xi32>
        %gather3A_270 = tpu.vector_load_idx %arg8[%broadcast_in_dim3A_269, %get3A_184] : memref<4x10240xf32, #tpu.memory_space<vmem>>[vector<16xi32>, vector<16xi32>], vector<16xf32>,
        %broadcast_in_dim3A_271 = arith.constant 3 : i32
        %broadcast_in_dim3A_272 = vector.broadcast %broadcast_in_dim3A_271 : i32 to vector<16xi32>
        %gather3A_273 = tpu.vector_load_idx %arg8[%broadcast_in_dim3A_272, %get3A_184] : memref<4x10240xf32, #tpu.memory_space<vmem>>[vector<16xi32>, vector<16xi32>], vector<16xf32>,
        %broadcast_in_dim3A_274 = arith.constant 0 : i32
        %broadcast_in_dim3A_275 = vector.broadcast %broadcast_in_dim3A_274 : i32 to vector<16xi32>
        %gather3A_276 = tpu.vector_load_idx %arg7[%broadcast_in_dim3A_275, %get3A_188] : memref<4x10240xf32, #tpu.memory_space<vmem>>[vector<16xi32>, vector<16xi32>], vector<16xf32>,
        %broadcast_in_dim3A_277 = arith.constant 1 : i32
        %broadcast_in_dim3A_278 = vector.broadcast %broadcast_in_dim3A_277 : i32 to vector<16xi32>
        %gather3A_279 = tpu.vector_load_idx %arg7[%broadcast_in_dim3A_278, %get3A_188] : memref<4x10240xf32, #tpu.memory_space<vmem>>[vector<16xi32>, vector<16xi32>], vector<16xf32>,
        %broadcast_in_dim3A_280 = arith.constant 2 : i32
        %broadcast_in_dim3A_281 = vector.broadcast %broadcast_in_dim3A_280 : i32 to vector<16xi32>
        %gather3A_282 = tpu.vector_load_idx %arg7[%broadcast_in_dim3A_281, %get3A_188] : memref<4x10240xf32, #tpu.memory_space<vmem>>[vector<16xi32>, vector<16xi32>], vector<16xf32>,
        %broadcast_in_dim3A_283 = arith.constant 3 : i32
        %broadcast_in_dim3A_284 = vector.broadcast %broadcast_in_dim3A_283 : i32 to vector<16xi32>
        %gather3A_285 = tpu.vector_load_idx %arg7[%broadcast_in_dim3A_284, %get3A_188] : memref<4x10240xf32, #tpu.memory_space<vmem>>[vector<16xi32>, vector<16xi32>], vector<16xf32>,
        %broadcast_in_dim3A_286 = arith.constant 0 : i32
        %broadcast_in_dim3A_287 = vector.broadcast %broadcast_in_dim3A_286 : i32 to vector<16xi32>
        %max3A_288 = arith.maximumf %gather3A_276, %gather3A_264 : vector<16xf32>
        tpu.vector_store_idx %arg7[%broadcast_in_dim3A_287, %get3A_188], %max3A_288 : memref<4x10240xf32, #tpu.memory_space<vmem>>[vector<16xi32>, vector<16xi32>], vector<16xf32>,
        %broadcast_in_dim3A_289 = arith.constant 1 : i32
        %broadcast_in_dim3A_290 = vector.broadcast %broadcast_in_dim3A_289 : i32 to vector<16xi32>
        %max3A_291 = arith.maximumf %gather3A_279, %gather3A_267 : vector<16xf32>
        tpu.vector_store_idx %arg7[%broadcast_in_dim3A_290, %get3A_188], %max3A_291 : memref<4x10240xf32, #tpu.memory_space<vmem>>[vector<16xi32>, vector<16xi32>], vector<16xf32>,
        %broadcast_in_dim3A_292 = arith.constant 2 : i32
        %broadcast_in_dim3A_293 = vector.broadcast %broadcast_in_dim3A_292 : i32 to vector<16xi32>
        %max3A_294 = arith.maximumf %gather3A_282, %gather3A_270 : vector<16xf32>
        tpu.vector_store_idx %arg7[%broadcast_in_dim3A_293, %get3A_188], %max3A_294 : memref<4x10240xf32, #tpu.memory_space<vmem>>[vector<16xi32>, vector<16xi32>], vector<16xf32>,
        %broadcast_in_dim3A_295 = arith.constant 3 : i32
        %broadcast_in_dim3A_296 = vector.broadcast %broadcast_in_dim3A_295 : i32 to vector<16xi32>
        %max3A_297 = arith.maximumf %gather3A_285, %gather3A_273 : vector<16xf32>
        tpu.vector_store_idx %arg7[%broadcast_in_dim3A_296, %get3A_188], %max3A_297 : memref<4x10240xf32, #tpu.memory_space<vmem>>[vector<16xi32>, vector<16xi32>], vector<16xf32>,
        %not3A_298 = arith.constant true
        %not3A_299 = arith.xori %eq3A_197, %not3A_298 : i1
        %convert_element_type3A_300 = arith.extui %not3A_299 : i1 to i32
        %cond3A_301 = arith.constant 0 : i32
        %cond3A_302 = arith.cmpi ne, %convert_element_type3A_300, %cond3A_301 : i32
        scf.if %cond3A_302 {
          %slice3A_368 = vector.extract_strided_slice %get3A_184 {offsets = [0], sizes = [1], strides = [1]} : vector<16xi32> to vector<1xi32>
          %squeeze3A_369 = vector.extract %slice3A_368[0] : i32 from vector<1xi32>
          %broadcast_in_dim3A_370 = vector.broadcast %squeeze3A_369 : i32 to vector<16xi32>
          %slice3A_371 = vector.extract_strided_slice %get3A_188 {offsets = [0], sizes = [1], strides = [1]} : vector<16xi32> to vector<1xi32>
          %squeeze3A_372 = vector.extract %slice3A_371[0] : i32 from vector<1xi32>
          %broadcast_in_dim3A_373 = vector.broadcast %squeeze3A_372 : i32 to vector<16xi32>
          %gather3A_374 = tpu.vector_load_idx %arg8[%select_n3A_17, %broadcast_in_dim3A_370] : memref<4x10240xf32, #tpu.memory_space<vmem>>[vector<16xi32>, vector<16xi32>], vector<16xf32>,
          %gather3A_375 = tpu.vector_load_idx %arg7[%select_n3A_17, %broadcast_in_dim3A_373] : memref<4x10240xf32, #tpu.memory_space<vmem>>[vector<16xi32>, vector<16xi32>], vector<16xf32>,
          %max3A_376 = arith.maximumf %gather3A_375, %gather3A_374 : vector<16xf32>
          tpu.vector_store_idx %arg7[%select_n3A_17, %broadcast_in_dim3A_373], %max3A_376 : memref<4x10240xf32, #tpu.memory_space<vmem>>[vector<16xi32>, vector<16xi32>], vector<16xf32>,
          %slice3A_377 = vector.extract_strided_slice %get3A_184 {offsets = [1], sizes = [1], strides = [1]} : vector<16xi32> to vector<1xi32>
          %squeeze3A_378 = vector.extract %slice3A_377[0] : i32 from vector<1xi32>
          %broadcast_in_dim3A_379 = vector.broadcast %squeeze3A_378 : i32 to vector<16xi32>
          %slice3A_380 = vector.extract_strided_slice %get3A_188 {offsets = [1], sizes = [1], strides = [1]} : vector<16xi32> to vector<1xi32>
          %squeeze3A_381 = vector.extract %slice3A_380[0] : i32 from vector<1xi32>
          %broadcast_in_dim3A_382 = vector.broadcast %squeeze3A_381 : i32 to vector<16xi32>
          %gather3A_383 = tpu.vector_load_idx %arg8[%select_n3A_17, %broadcast_in_dim3A_379] : memref<4x10240xf32, #tpu.memory_space<vmem>>[vector<16xi32>, vector<16xi32>], vector<16xf32>,
          %gather3A_384 = tpu.vector_load_idx %arg7[%select_n3A_17, %broadcast_in_dim3A_382] : memref<4x10240xf32, #tpu.memory_space<vmem>>[vector<16xi32>, vector<16xi32>], vector<16xf32>,
          %max3A_385 = arith.maximumf %gather3A_384, %gather3A_383 : vector<16xf32>
          tpu.vector_store_idx %arg7[%select_n3A_17, %broadcast_in_dim3A_382], %max3A_385 : memref<4x10240xf32, #tpu.memory_space<vmem>>[vector<16xi32>, vector<16xi32>], vector<16xf32>,
          %slice3A_386 = vector.extract_strided_slice %get3A_184 {offsets = [2], sizes = [1], strides = [1]} : vector<16xi32> to vector<1xi32>
          %squeeze3A_387 = vector.extract %slice3A_386[0] : i32 from vector<1xi32>
          %broadcast_in_dim3A_388 = vector.broadcast %squeeze3A_387 : i32 to vector<16xi32>
          %slice3A_389 = vector.extract_strided_slice %get3A_188 {offsets = [2], sizes = [1], strides = [1]} : vector<16xi32> to vector<1xi32>
          %squeeze3A_390 = vector.extract %slice3A_389[0] : i32 from vector<1xi32>
          %broadcast_in_dim3A_391 = vector.broadcast %squeeze3A_390 : i32 to vector<16xi32>
          %gather3A_392 = tpu.vector_load_idx %arg8[%select_n3A_17, %broadcast_in_dim3A_388] : memref<4x10240xf32, #tpu.memory_space<vmem>>[vector<16xi32>, vector<16xi32>], vector<16xf32>,
          %gather3A_393 = tpu.vector_load_idx %arg7[%select_n3A_17, %broadcast_in_dim3A_391] : memref<4x10240xf32, #tpu.memory_space<vmem>>[vector<16xi32>, vector<16xi32>], vector<16xf32>,
          %max3A_394 = arith.maximumf %gather3A_393, %gather3A_392 : vector<16xf32>
          tpu.vector_store_idx %arg7[%select_n3A_17, %broadcast_in_dim3A_391], %max3A_394 : memref<4x10240xf32, #tpu.memory_space<vmem>>[vector<16xi32>, vector<16xi32>], vector<16xf32>,
          %slice3A_395 = vector.extract_strided_slice %get3A_184 {offsets = [3], sizes = [1], strides = [1]} : vector<16xi32> to vector<1xi32>
          %squeeze3A_396 = vector.extract %slice3A_395[0] : i32 from vector<1xi32>
          %broadcast_in_dim3A_397 = vector.broadcast %squeeze3A_396 : i32 to vector<16xi32>
          %slice3A_398 = vector.extract_strided_slice %get3A_188 {offsets = [3], sizes = [1], strides = [1]} : vector<16xi32> to vector<1xi32>
          %squeeze3A_399 = vector.extract %slice3A_398[0] : i32 from vector<1xi32>
          %broadcast_in_dim3A_400 = vector.broadcast %squeeze3A_399 : i32 to vector<16xi32>
          %gather3A_401 = tpu.vector_load_idx %arg8[%select_n3A_17, %broadcast_in_dim3A_397] : memref<4x10240xf32, #tpu.memory_space<vmem>>[vector<16xi32>, vector<16xi32>], vector<16xf32>,
          %gather3A_402 = tpu.vector_load_idx %arg7[%select_n3A_17, %broadcast_in_dim3A_400] : memref<4x10240xf32, #tpu.memory_space<vmem>>[vector<16xi32>, vector<16xi32>], vector<16xf32>,
          %max3A_403 = arith.maximumf %gather3A_402, %gather3A_401 : vector<16xf32>
          tpu.vector_store_idx %arg7[%select_n3A_17, %broadcast_in_dim3A_400], %max3A_403 : memref<4x10240xf32, #tpu.memory_space<vmem>>[vector<16xi32>, vector<16xi32>], vector<16xf32>,
          %slice3A_404 = vector.extract_strided_slice %get3A_184 {offsets = [4], sizes = [1], strides = [1]} : vector<16xi32> to vector<1xi32>
          %squeeze3A_405 = vector.extract %slice3A_404[0] : i32 from vector<1xi32>
          %broadcast_in_dim3A_406 = vector.broadcast %squeeze3A_405 : i32 to vector<16xi32>
          %slice3A_407 = vector.extract_strided_slice %get3A_188 {offsets = [4], sizes = [1], strides = [1]} : vector<16xi32> to vector<1xi32>
          %squeeze3A_408 = vector.extract %slice3A_407[0] : i32 from vector<1xi32>
          %broadcast_in_dim3A_409 = vector.broadcast %squeeze3A_408 : i32 to vector<16xi32>
          %gather3A_410 = tpu.vector_load_idx %arg8[%select_n3A_17, %broadcast_in_dim3A_406] : memref<4x10240xf32, #tpu.memory_space<vmem>>[vector<16xi32>, vector<16xi32>], vector<16xf32>,
          %gather3A_411 = tpu.vector_load_idx %arg7[%select_n3A_17, %broadcast_in_dim3A_409] : memref<4x10240xf32, #tpu.memory_space<vmem>>[vector<16xi32>, vector<16xi32>], vector<16xf32>,
          %max3A_412 = arith.maximumf %gather3A_411, %gather3A_410 : vector<16xf32>
          tpu.vector_store_idx %arg7[%select_n3A_17, %broadcast_in_dim3A_409], %max3A_412 : memref<4x10240xf32, #tpu.memory_space<vmem>>[vector<16xi32>, vector<16xi32>], vector<16xf32>,
          %slice3A_413 = vector.extract_strided_slice %get3A_184 {offsets = [5], sizes = [1], strides = [1]} : vector<16xi32> to vector<1xi32>
          %squeeze3A_414 = vector.extract %slice3A_413[0] : i32 from vector<1xi32>
          %broadcast_in_dim3A_415 = vector.broadcast %squeeze3A_414 : i32 to vector<16xi32>
          %slice3A_416 = vector.extract_strided_slice %get3A_188 {offsets = [5], sizes = [1], strides = [1]} : vector<16xi32> to vector<1xi32>
          %squeeze3A_417 = vector.extract %slice3A_416[0] : i32 from vector<1xi32>
          %broadcast_in_dim3A_418 = vector.broadcast %squeeze3A_417 : i32 to vector<16xi32>
          %gather3A_419 = tpu.vector_load_idx %arg8[%select_n3A_17, %broadcast_in_dim3A_415] : memref<4x10240xf32, #tpu.memory_space<vmem>>[vector<16xi32>, vector<16xi32>], vector<16xf32>,
          %gather3A_420 = tpu.vector_load_idx %arg7[%select_n3A_17, %broadcast_in_dim3A_418] : memref<4x10240xf32, #tpu.memory_space<vmem>>[vector<16xi32>, vector<16xi32>], vector<16xf32>,
          %max3A_421 = arith.maximumf %gather3A_420, %gather3A_419 : vector<16xf32>
          tpu.vector_store_idx %arg7[%select_n3A_17, %broadcast_in_dim3A_418], %max3A_421 : memref<4x10240xf32, #tpu.memory_space<vmem>>[vector<16xi32>, vector<16xi32>], vector<16xf32>,
          %slice3A_422 = vector.extract_strided_slice %get3A_184 {offsets = [6], sizes = [1], strides = [1]} : vector<16xi32> to vector<1xi32>
          %squeeze3A_423 = vector.extract %slice3A_422[0] : i32 from vector<1xi32>
          %broadcast_in_dim3A_424 = vector.broadcast %squeeze3A_423 : i32 to vector<16xi32>
          %slice3A_425 = vector.extract_strided_slice %get3A_188 {offsets = [6], sizes = [1], strides = [1]} : vector<16xi32> to vector<1xi32>
          %squeeze3A_426 = vector.extract %slice3A_425[0] : i32 from vector<1xi32>
          %broadcast_in_dim3A_427 = vector.broadcast %squeeze3A_426 : i32 to vector<16xi32>
          %gather3A_428 = tpu.vector_load_idx %arg8[%select_n3A_17, %broadcast_in_dim3A_424] : memref<4x10240xf32, #tpu.memory_space<vmem>>[vector<16xi32>, vector<16xi32>], vector<16xf32>,
          %gather3A_429 = tpu.vector_load_idx %arg7[%select_n3A_17, %broadcast_in_dim3A_427] : memref<4x10240xf32, #tpu.memory_space<vmem>>[vector<16xi32>, vector<16xi32>], vector<16xf32>,
          %max3A_430 = arith.maximumf %gather3A_429, %gather3A_428 : vector<16xf32>
          tpu.vector_store_idx %arg7[%select_n3A_17, %broadcast_in_dim3A_427], %max3A_430 : memref<4x10240xf32, #tpu.memory_space<vmem>>[vector<16xi32>, vector<16xi32>], vector<16xf32>,
          %slice3A_431 = vector.extract_strided_slice %get3A_184 {offsets = [7], sizes = [1], strides = [1]} : vector<16xi32> to vector<1xi32>
          %squeeze3A_432 = vector.extract %slice3A_431[0] : i32 from vector<1xi32>
          %broadcast_in_dim3A_433 = vector.broadcast %squeeze3A_432 : i32 to vector<16xi32>
          %slice3A_434 = vector.extract_strided_slice %get3A_188 {offsets = [7], sizes = [1], strides = [1]} : vector<16xi32> to vector<1xi32>
          %squeeze3A_435 = vector.extract %slice3A_434[0] : i32 from vector<1xi32>
          %broadcast_in_dim3A_436 = vector.broadcast %squeeze3A_435 : i32 to vector<16xi32>
          %gather3A_437 = tpu.vector_load_idx %arg8[%select_n3A_17, %broadcast_in_dim3A_433] : memref<4x10240xf32, #tpu.memory_space<vmem>>[vector<16xi32>, vector<16xi32>], vector<16xf32>,
          %gather3A_438 = tpu.vector_load_idx %arg7[%select_n3A_17, %broadcast_in_dim3A_436] : memref<4x10240xf32, #tpu.memory_space<vmem>>[vector<16xi32>, vector<16xi32>], vector<16xf32>,
          %max3A_439 = arith.maximumf %gather3A_438, %gather3A_437 : vector<16xf32>
          tpu.vector_store_idx %arg7[%select_n3A_17, %broadcast_in_dim3A_436], %max3A_439 : memref<4x10240xf32, #tpu.memory_space<vmem>>[vector<16xi32>, vector<16xi32>], vector<16xf32>,
          %slice3A_440 = vector.extract_strided_slice %get3A_184 {offsets = [8], sizes = [1], strides = [1]} : vector<16xi32> to vector<1xi32>
          %squeeze3A_441 = vector.extract %slice3A_440[0] : i32 from vector<1xi32>
          %broadcast_in_dim3A_442 = vector.broadcast %squeeze3A_441 : i32 to vector<16xi32>
          %slice3A_443 = vector.extract_strided_slice %get3A_188 {offsets = [8], sizes = [1], strides = [1]} : vector<16xi32> to vector<1xi32>
          %squeeze3A_444 = vector.extract %slice3A_443[0] : i32 from vector<1xi32>
          %broadcast_in_dim3A_445 = vector.broadcast %squeeze3A_444 : i32 to vector<16xi32>
          %gather3A_446 = tpu.vector_load_idx %arg8[%select_n3A_17, %broadcast_in_dim3A_442] : memref<4x10240xf32, #tpu.memory_space<vmem>>[vector<16xi32>, vector<16xi32>], vector<16xf32>,
          %gather3A_447 = tpu.vector_load_idx %arg7[%select_n3A_17, %broadcast_in_dim3A_445] : memref<4x10240xf32, #tpu.memory_space<vmem>>[vector<16xi32>, vector<16xi32>], vector<16xf32>,
          %max3A_448 = arith.maximumf %gather3A_447, %gather3A_446 : vector<16xf32>
          tpu.vector_store_idx %arg7[%select_n3A_17, %broadcast_in_dim3A_445], %max3A_448 : memref<4x10240xf32, #tpu.memory_space<vmem>>[vector<16xi32>, vector<16xi32>], vector<16xf32>,
          %slice3A_449 = vector.extract_strided_slice %get3A_184 {offsets = [9], sizes = [1], strides = [1]} : vector<16xi32> to vector<1xi32>
          %squeeze3A_450 = vector.extract %slice3A_449[0] : i32 from vector<1xi32>
          %broadcast_in_dim3A_451 = vector.broadcast %squeeze3A_450 : i32 to vector<16xi32>
          %slice3A_452 = vector.extract_strided_slice %get3A_188 {offsets = [9], sizes = [1], strides = [1]} : vector<16xi32> to vector<1xi32>
          %squeeze3A_453 = vector.extract %slice3A_452[0] : i32 from vector<1xi32>
          %broadcast_in_dim3A_454 = vector.broadcast %squeeze3A_453 : i32 to vector<16xi32>
          %gather3A_455 = tpu.vector_load_idx %arg8[%select_n3A_17, %broadcast_in_dim3A_451] : memref<4x10240xf32, #tpu.memory_space<vmem>>[vector<16xi32>, vector<16xi32>], vector<16xf32>,
          %gather3A_456 = tpu.vector_load_idx %arg7[%select_n3A_17, %broadcast_in_dim3A_454] : memref<4x10240xf32, #tpu.memory_space<vmem>>[vector<16xi32>, vector<16xi32>], vector<16xf32>,
          %max3A_457 = arith.maximumf %gather3A_456, %gather3A_455 : vector<16xf32>
          tpu.vector_store_idx %arg7[%select_n3A_17, %broadcast_in_dim3A_454], %max3A_457 : memref<4x10240xf32, #tpu.memory_space<vmem>>[vector<16xi32>, vector<16xi32>], vector<16xf32>,
          %slice3A_458 = vector.extract_strided_slice %get3A_184 {offsets = [10], sizes = [1], strides = [1]} : vector<16xi32> to vector<1xi32>
          %squeeze3A_459 = vector.extract %slice3A_458[0] : i32 from vector<1xi32>
          %broadcast_in_dim3A_460 = vector.broadcast %squeeze3A_459 : i32 to vector<16xi32>
          %slice3A_461 = vector.extract_strided_slice %get3A_188 {offsets = [10], sizes = [1], strides = [1]} : vector<16xi32> to vector<1xi32>
          %squeeze3A_462 = vector.extract %slice3A_461[0] : i32 from vector<1xi32>
          %broadcast_in_dim3A_463 = vector.broadcast %squeeze3A_462 : i32 to vector<16xi32>
          %gather3A_464 = tpu.vector_load_idx %arg8[%select_n3A_17, %broadcast_in_dim3A_460] : memref<4x10240xf32, #tpu.memory_space<vmem>>[vector<16xi32>, vector<16xi32>], vector<16xf32>,
          %gather3A_465 = tpu.vector_load_idx %arg7[%select_n3A_17, %broadcast_in_dim3A_463] : memref<4x10240xf32, #tpu.memory_space<vmem>>[vector<16xi32>, vector<16xi32>], vector<16xf32>,
          %max3A_466 = arith.maximumf %gather3A_465, %gather3A_464 : vector<16xf32>
          tpu.vector_store_idx %arg7[%select_n3A_17, %broadcast_in_dim3A_463], %max3A_466 : memref<4x10240xf32, #tpu.memory_space<vmem>>[vector<16xi32>, vector<16xi32>], vector<16xf32>,
          %slice3A_467 = vector.extract_strided_slice %get3A_184 {offsets = [11], sizes = [1], strides = [1]} : vector<16xi32> to vector<1xi32>
          %squeeze3A_468 = vector.extract %slice3A_467[0] : i32 from vector<1xi32>
          %broadcast_in_dim3A_469 = vector.broadcast %squeeze3A_468 : i32 to vector<16xi32>
          %slice3A_470 = vector.extract_strided_slice %get3A_188 {offsets = [11], sizes = [1], strides = [1]} : vector<16xi32> to vector<1xi32>
          %squeeze3A_471 = vector.extract %slice3A_470[0] : i32 from vector<1xi32>
          %broadcast_in_dim3A_472 = vector.broadcast %squeeze3A_471 : i32 to vector<16xi32>
          %gather3A_473 = tpu.vector_load_idx %arg8[%select_n3A_17, %broadcast_in_dim3A_469] : memref<4x10240xf32, #tpu.memory_space<vmem>>[vector<16xi32>, vector<16xi32>], vector<16xf32>,
          %gather3A_474 = tpu.vector_load_idx %arg7[%select_n3A_17, %broadcast_in_dim3A_472] : memref<4x10240xf32, #tpu.memory_space<vmem>>[vector<16xi32>, vector<16xi32>], vector<16xf32>,
          %max3A_475 = arith.maximumf %gather3A_474, %gather3A_473 : vector<16xf32>
          tpu.vector_store_idx %arg7[%select_n3A_17, %broadcast_in_dim3A_472], %max3A_475 : memref<4x10240xf32, #tpu.memory_space<vmem>>[vector<16xi32>, vector<16xi32>], vector<16xf32>,
          %slice3A_476 = vector.extract_strided_slice %get3A_184 {offsets = [12], sizes = [1], strides = [1]} : vector<16xi32> to vector<1xi32>
          %squeeze3A_477 = vector.extract %slice3A_476[0] : i32 from vector<1xi32>
          %broadcast_in_dim3A_478 = vector.broadcast %squeeze3A_477 : i32 to vector<16xi32>
          %slice3A_479 = vector.extract_strided_slice %get3A_188 {offsets = [12], sizes = [1], strides = [1]} : vector<16xi32> to vector<1xi32>
          %squeeze3A_480 = vector.extract %slice3A_479[0] : i32 from vector<1xi32>
          %broadcast_in_dim3A_481 = vector.broadcast %squeeze3A_480 : i32 to vector<16xi32>
          %gather3A_482 = tpu.vector_load_idx %arg8[%select_n3A_17, %broadcast_in_dim3A_478] : memref<4x10240xf32, #tpu.memory_space<vmem>>[vector<16xi32>, vector<16xi32>], vector<16xf32>,
          %gather3A_483 = tpu.vector_load_idx %arg7[%select_n3A_17, %broadcast_in_dim3A_481] : memref<4x10240xf32, #tpu.memory_space<vmem>>[vector<16xi32>, vector<16xi32>], vector<16xf32>,
          %max3A_484 = arith.maximumf %gather3A_483, %gather3A_482 : vector<16xf32>
          tpu.vector_store_idx %arg7[%select_n3A_17, %broadcast_in_dim3A_481], %max3A_484 : memref<4x10240xf32, #tpu.memory_space<vmem>>[vector<16xi32>, vector<16xi32>], vector<16xf32>,
          %slice3A_485 = vector.extract_strided_slice %get3A_184 {offsets = [13], sizes = [1], strides = [1]} : vector<16xi32> to vector<1xi32>
          %squeeze3A_486 = vector.extract %slice3A_485[0] : i32 from vector<1xi32>
          %broadcast_in_dim3A_487 = vector.broadcast %squeeze3A_486 : i32 to vector<16xi32>
          %slice3A_488 = vector.extract_strided_slice %get3A_188 {offsets = [13], sizes = [1], strides = [1]} : vector<16xi32> to vector<1xi32>
          %squeeze3A_489 = vector.extract %slice3A_488[0] : i32 from vector<1xi32>
          %broadcast_in_dim3A_490 = vector.broadcast %squeeze3A_489 : i32 to vector<16xi32>
          %gather3A_491 = tpu.vector_load_idx %arg8[%select_n3A_17, %broadcast_in_dim3A_487] : memref<4x10240xf32, #tpu.memory_space<vmem>>[vector<16xi32>, vector<16xi32>], vector<16xf32>,
          %gather3A_492 = tpu.vector_load_idx %arg7[%select_n3A_17, %broadcast_in_dim3A_490] : memref<4x10240xf32, #tpu.memory_space<vmem>>[vector<16xi32>, vector<16xi32>], vector<16xf32>,
          %max3A_493 = arith.maximumf %gather3A_492, %gather3A_491 : vector<16xf32>
          tpu.vector_store_idx %arg7[%select_n3A_17, %broadcast_in_dim3A_490], %max3A_493 : memref<4x10240xf32, #tpu.memory_space<vmem>>[vector<16xi32>, vector<16xi32>], vector<16xf32>,
          %slice3A_494 = vector.extract_strided_slice %get3A_184 {offsets = [14], sizes = [1], strides = [1]} : vector<16xi32> to vector<1xi32>
          %squeeze3A_495 = vector.extract %slice3A_494[0] : i32 from vector<1xi32>
          %broadcast_in_dim3A_496 = vector.broadcast %squeeze3A_495 : i32 to vector<16xi32>
          %slice3A_497 = vector.extract_strided_slice %get3A_188 {offsets = [14], sizes = [1], strides = [1]} : vector<16xi32> to vector<1xi32>
          %squeeze3A_498 = vector.extract %slice3A_497[0] : i32 from vector<1xi32>
          %broadcast_in_dim3A_499 = vector.broadcast %squeeze3A_498 : i32 to vector<16xi32>
          %gather3A_500 = tpu.vector_load_idx %arg8[%select_n3A_17, %broadcast_in_dim3A_496] : memref<4x10240xf32, #tpu.memory_space<vmem>>[vector<16xi32>, vector<16xi32>], vector<16xf32>,
          %gather3A_501 = tpu.vector_load_idx %arg7[%select_n3A_17, %broadcast_in_dim3A_499] : memref<4x10240xf32, #tpu.memory_space<vmem>>[vector<16xi32>, vector<16xi32>], vector<16xf32>,
          %max3A_502 = arith.maximumf %gather3A_501, %gather3A_500 : vector<16xf32>
          tpu.vector_store_idx %arg7[%select_n3A_17, %broadcast_in_dim3A_499], %max3A_502 : memref<4x10240xf32, #tpu.memory_space<vmem>>[vector<16xi32>, vector<16xi32>], vector<16xf32>,
          %slice3A_503 = vector.extract_strided_slice %get3A_184 {offsets = [15], sizes = [1], strides = [1]} : vector<16xi32> to vector<1xi32>
          %squeeze3A_504 = vector.extract %slice3A_503[0] : i32 from vector<1xi32>
          %broadcast_in_dim3A_505 = vector.broadcast %squeeze3A_504 : i32 to vector<16xi32>
          %slice3A_506 = vector.extract_strided_slice %get3A_188 {offsets = [15], sizes = [1], strides = [1]} : vector<16xi32> to vector<1xi32>
          %squeeze3A_507 = vector.extract %slice3A_506[0] : i32 from vector<1xi32>
          %broadcast_in_dim3A_508 = vector.broadcast %squeeze3A_507 : i32 to vector<16xi32>
          %gather3A_509 = tpu.vector_load_idx %arg8[%select_n3A_17, %broadcast_in_dim3A_505] : memref<4x10240xf32, #tpu.memory_space<vmem>>[vector<16xi32>, vector<16xi32>], vector<16xf32>,
          %gather3A_510 = tpu.vector_load_idx %arg7[%select_n3A_17, %broadcast_in_dim3A_508] : memref<4x10240xf32, #tpu.memory_space<vmem>>[vector<16xi32>, vector<16xi32>], vector<16xf32>,
          %max3A_511 = arith.maximumf %gather3A_510, %gather3A_509 : vector<16xf32>
          tpu.vector_store_idx %arg7[%select_n3A_17, %broadcast_in_dim3A_508], %max3A_511 : memref<4x10240xf32, #tpu.memory_space<vmem>>[vector<16xi32>, vector<16xi32>], vector<16xf32>,
        } else {
        }
        %mul3A_303 = arith.constant 4 : i32
        %mul3A_304 = arith.muli %mul3A_303, %scan3A_110 : i32
        %add3A_305 = arith.constant 3 : i32
        %add3A_306 = arith.addi %mul3A_304, %add3A_305 : i32
        %add3A_307 = arith.constant 1 : i32
        %add3A_308 = arith.addi %add3A_306, %add3A_307 : i32
        %min3A = arith.constant 399 : i32
        %min3A_309 = arith.minsi %add3A_308, %min3A : i32
        %mul3A_310 = arith.constant 16 : i32
        %mul3A_311 = arith.muli %min3A_309, %mul3A_310 : i32
        %get3A_312 = arith.index_cast %mul3A_311 : i32 to index
        %get3A_313 = tpu.vector_load %arg9[%get3A_312] {strides = array<i32>} : memref<6400xi32, #tpu.memory_space<vmem>>, vector<16xi32>,
        %mul3A_314 = arith.constant 16 : i32
        %mul3A_315 = arith.muli %min3A_309, %mul3A_314 : i32
        %get3A_316 = arith.index_cast %mul3A_315 : i32 to index
        %get3A_317 = tpu.vector_load %arg10[%get3A_316] {strides = array<i32>} : memref<6400xi32, #tpu.memory_space<vmem>>, vector<16xi32>,
        %broadcast_in_dim3A_318 = arith.constant true
        %broadcast_in_dim3A_319 = vector.broadcast %broadcast_in_dim3A_318 : i1 to vector<16xi1>
        %unique3A_320, %unique3A_321 = tpu.scan_count mask(%broadcast_in_dim3A_319 : vector<16xi1>) value(%get3A_317 : vector<16xi32>) : vector<16xi1>, vector<16xi32>
        %all_reduce_population_count3A_322 = tpu.all_reduce %unique3A_320 {dim = 0 : i64, kind = #tpu.reduction_kind<sum>} : vector<16xi1> -> vector<16xi32>
        %slice3A_323 = vector.extract_strided_slice %all_reduce_population_count3A_322 {offsets = [0], sizes = [1], strides = [1]} : vector<16xi32> to vector<1xi32>
        %squeeze3A_324 = vector.extract %slice3A_323[0] : i32 from vector<1xi32>
        %eq3A_325 = arith.constant 16 : i32
        %eq3A_326 = arith.cmpi eq, %squeeze3A_324, %eq3A_325 : i32
        %broadcast_in_dim3A_327 = arith.constant 0 : i32
        %broadcast_in_dim3A_328 = vector.broadcast %broadcast_in_dim3A_327 : i32 to vector<16xi32>
        %gather3A_329 = tpu.vector_load_idx %arg8[%broadcast_in_dim3A_328, %get3A_248] : memref<4x10240xf32, #tpu.memory_space<vmem>>[vector<16xi32>, vector<16xi32>], vector<16xf32>,
        %broadcast_in_dim3A_330 = arith.constant 1 : i32
        %broadcast_in_dim3A_331 = vector.broadcast %broadcast_in_dim3A_330 : i32 to vector<16xi32>
        %gather3A_332 = tpu.vector_load_idx %arg8[%broadcast_in_dim3A_331, %get3A_248] : memref<4x10240xf32, #tpu.memory_space<vmem>>[vector<16xi32>, vector<16xi32>], vector<16xf32>,
        %broadcast_in_dim3A_333 = arith.constant 2 : i32
        %broadcast_in_dim3A_334 = vector.broadcast %broadcast_in_dim3A_333 : i32 to vector<16xi32>
        %gather3A_335 = tpu.vector_load_idx %arg8[%broadcast_in_dim3A_334, %get3A_248] : memref<4x10240xf32, #tpu.memory_space<vmem>>[vector<16xi32>, vector<16xi32>], vector<16xf32>,
        %broadcast_in_dim3A_336 = arith.constant 3 : i32
        %broadcast_in_dim3A_337 = vector.broadcast %broadcast_in_dim3A_336 : i32 to vector<16xi32>
        %gather3A_338 = tpu.vector_load_idx %arg8[%broadcast_in_dim3A_337, %get3A_248] : memref<4x10240xf32, #tpu.memory_space<vmem>>[vector<16xi32>, vector<16xi32>], vector<16xf32>,
        %broadcast_in_dim3A_339 = arith.constant 0 : i32
        %broadcast_in_dim3A_340 = vector.broadcast %broadcast_in_dim3A_339 : i32 to vector<16xi32>
        %gather3A_341 = tpu.vector_load_idx %arg7[%broadcast_in_dim3A_340, %get3A_252] : memref<4x10240xf32, #tpu.memory_space<vmem>>[vector<16xi32>, vector<16xi32>], vector<16xf32>,
        %broadcast_in_dim3A_342 = arith.constant 1 : i32
        %broadcast_in_dim3A_343 = vector.broadcast %broadcast_in_dim3A_342 : i32 to vector<16xi32>
        %gather3A_344 = tpu.vector_load_idx %arg7[%broadcast_in_dim3A_343, %get3A_252] : memref<4x10240xf32, #tpu.memory_space<vmem>>[vector<16xi32>, vector<16xi32>], vector<16xf32>,
        %broadcast_in_dim3A_345 = arith.constant 2 : i32
        %broadcast_in_dim3A_346 = vector.broadcast %broadcast_in_dim3A_345 : i32 to vector<16xi32>
        %gather3A_347 = tpu.vector_load_idx %arg7[%broadcast_in_dim3A_346, %get3A_252] : memref<4x10240xf32, #tpu.memory_space<vmem>>[vector<16xi32>, vector<16xi32>], vector<16xf32>,
        %broadcast_in_dim3A_348 = arith.constant 3 : i32
        %broadcast_in_dim3A_349 = vector.broadcast %broadcast_in_dim3A_348 : i32 to vector<16xi32>
        %gather3A_350 = tpu.vector_load_idx %arg7[%broadcast_in_dim3A_349, %get3A_252] : memref<4x10240xf32, #tpu.memory_space<vmem>>[vector<16xi32>, vector<16xi32>], vector<16xf32>,
        %broadcast_in_dim3A_351 = arith.constant 0 : i32
        %broadcast_in_dim3A_352 = vector.broadcast %broadcast_in_dim3A_351 : i32 to vector<16xi32>
        %max3A_353 = arith.maximumf %gather3A_341, %gather3A_329 : vector<16xf32>
        tpu.vector_store_idx %arg7[%broadcast_in_dim3A_352, %get3A_252], %max3A_353 : memref<4x10240xf32, #tpu.memory_space<vmem>>[vector<16xi32>, vector<16xi32>], vector<16xf32>,
        %broadcast_in_dim3A_354 = arith.constant 1 : i32
        %broadcast_in_dim3A_355 = vector.broadcast %broadcast_in_dim3A_354 : i32 to vector<16xi32>
        %max3A_356 = arith.maximumf %gather3A_344, %gather3A_332 : vector<16xf32>
        tpu.vector_store_idx %arg7[%broadcast_in_dim3A_355, %get3A_252], %max3A_356 : memref<4x10240xf32, #tpu.memory_space<vmem>>[vector<16xi32>, vector<16xi32>], vector<16xf32>,
        %broadcast_in_dim3A_357 = arith.constant 2 : i32
        %broadcast_in_dim3A_358 = vector.broadcast %broadcast_in_dim3A_357 : i32 to vector<16xi32>
        %max3A_359 = arith.maximumf %gather3A_347, %gather3A_335 : vector<16xf32>
        tpu.vector_store_idx %arg7[%broadcast_in_dim3A_358, %get3A_252], %max3A_359 : memref<4x10240xf32, #tpu.memory_space<vmem>>[vector<16xi32>, vector<16xi32>], vector<16xf32>,
        %broadcast_in_dim3A_360 = arith.constant 3 : i32
        %broadcast_in_dim3A_361 = vector.broadcast %broadcast_in_dim3A_360 : i32 to vector<16xi32>
        %max3A_362 = arith.maximumf %gather3A_350, %gather3A_338 : vector<16xf32>
        tpu.vector_store_idx %arg7[%broadcast_in_dim3A_361, %get3A_252], %max3A_362 : memref<4x10240xf32, #tpu.memory_space<vmem>>[vector<16xi32>, vector<16xi32>], vector<16xf32>,
        %not3A_363 = arith.constant true
        %not3A_364 = arith.xori %eq3A_261, %not3A_363 : i1
        %convert_element_type3A_365 = arith.extui %not3A_364 : i1 to i32
        %cond3A_366 = arith.constant 0 : i32
        %cond3A_367 = arith.cmpi ne, %convert_element_type3A_365, %cond3A_366 : i32
        scf.if %cond3A_367 {
          %slice3A_368 = vector.extract_strided_slice %get3A_248 {offsets = [0], sizes = [1], strides = [1]} : vector<16xi32> to vector<1xi32>
          %squeeze3A_369 = vector.extract %slice3A_368[0] : i32 from vector<1xi32>
          %broadcast_in_dim3A_370 = vector.broadcast %squeeze3A_369 : i32 to vector<16xi32>
          %slice3A_371 = vector.extract_strided_slice %get3A_252 {offsets = [0], sizes = [1], strides = [1]} : vector<16xi32> to vector<1xi32>
          %squeeze3A_372 = vector.extract %slice3A_371[0] : i32 from vector<1xi32>
          %broadcast_in_dim3A_373 = vector.broadcast %squeeze3A_372 : i32 to vector<16xi32>
          %gather3A_374 = tpu.vector_load_idx %arg8[%select_n3A_17, %broadcast_in_dim3A_370] : memref<4x10240xf32, #tpu.memory_space<vmem>>[vector<16xi32>, vector<16xi32>], vector<16xf32>,
          %gather3A_375 = tpu.vector_load_idx %arg7[%select_n3A_17, %broadcast_in_dim3A_373] : memref<4x10240xf32, #tpu.memory_space<vmem>>[vector<16xi32>, vector<16xi32>], vector<16xf32>,
          %max3A_376 = arith.maximumf %gather3A_375, %gather3A_374 : vector<16xf32>
          tpu.vector_store_idx %arg7[%select_n3A_17, %broadcast_in_dim3A_373], %max3A_376 : memref<4x10240xf32, #tpu.memory_space<vmem>>[vector<16xi32>, vector<16xi32>], vector<16xf32>,
          %slice3A_377 = vector.extract_strided_slice %get3A_248 {offsets = [1], sizes = [1], strides = [1]} : vector<16xi32> to vector<1xi32>
          %squeeze3A_378 = vector.extract %slice3A_377[0] : i32 from vector<1xi32>
          %broadcast_in_dim3A_379 = vector.broadcast %squeeze3A_378 : i32 to vector<16xi32>
          %slice3A_380 = vector.extract_strided_slice %get3A_252 {offsets = [1], sizes = [1], strides = [1]} : vector<16xi32> to vector<1xi32>
          %squeeze3A_381 = vector.extract %slice3A_380[0] : i32 from vector<1xi32>
          %broadcast_in_dim3A_382 = vector.broadcast %squeeze3A_381 : i32 to vector<16xi32>
          %gather3A_383 = tpu.vector_load_idx %arg8[%select_n3A_17, %broadcast_in_dim3A_379] : memref<4x10240xf32, #tpu.memory_space<vmem>>[vector<16xi32>, vector<16xi32>], vector<16xf32>,
          %gather3A_384 = tpu.vector_load_idx %arg7[%select_n3A_17, %broadcast_in_dim3A_382] : memref<4x10240xf32, #tpu.memory_space<vmem>>[vector<16xi32>, vector<16xi32>], vector<16xf32>,
          %max3A_385 = arith.maximumf %gather3A_384, %gather3A_383 : vector<16xf32>
          tpu.vector_store_idx %arg7[%select_n3A_17, %broadcast_in_dim3A_382], %max3A_385 : memref<4x10240xf32, #tpu.memory_space<vmem>>[vector<16xi32>, vector<16xi32>], vector<16xf32>,
          %slice3A_386 = vector.extract_strided_slice %get3A_248 {offsets = [2], sizes = [1], strides = [1]} : vector<16xi32> to vector<1xi32>
          %squeeze3A_387 = vector.extract %slice3A_386[0] : i32 from vector<1xi32>
          %broadcast_in_dim3A_388 = vector.broadcast %squeeze3A_387 : i32 to vector<16xi32>
          %slice3A_389 = vector.extract_strided_slice %get3A_252 {offsets = [2], sizes = [1], strides = [1]} : vector<16xi32> to vector<1xi32>
          %squeeze3A_390 = vector.extract %slice3A_389[0] : i32 from vector<1xi32>
          %broadcast_in_dim3A_391 = vector.broadcast %squeeze3A_390 : i32 to vector<16xi32>
          %gather3A_392 = tpu.vector_load_idx %arg8[%select_n3A_17, %broadcast_in_dim3A_388] : memref<4x10240xf32, #tpu.memory_space<vmem>>[vector<16xi32>, vector<16xi32>], vector<16xf32>,
          %gather3A_393 = tpu.vector_load_idx %arg7[%select_n3A_17, %broadcast_in_dim3A_391] : memref<4x10240xf32, #tpu.memory_space<vmem>>[vector<16xi32>, vector<16xi32>], vector<16xf32>,
          %max3A_394 = arith.maximumf %gather3A_393, %gather3A_392 : vector<16xf32>
          tpu.vector_store_idx %arg7[%select_n3A_17, %broadcast_in_dim3A_391], %max3A_394 : memref<4x10240xf32, #tpu.memory_space<vmem>>[vector<16xi32>, vector<16xi32>], vector<16xf32>,
          %slice3A_395 = vector.extract_strided_slice %get3A_248 {offsets = [3], sizes = [1], strides = [1]} : vector<16xi32> to vector<1xi32>
          %squeeze3A_396 = vector.extract %slice3A_395[0] : i32 from vector<1xi32>
          %broadcast_in_dim3A_397 = vector.broadcast %squeeze3A_396 : i32 to vector<16xi32>
          %slice3A_398 = vector.extract_strided_slice %get3A_252 {offsets = [3], sizes = [1], strides = [1]} : vector<16xi32> to vector<1xi32>
          %squeeze3A_399 = vector.extract %slice3A_398[0] : i32 from vector<1xi32>
          %broadcast_in_dim3A_400 = vector.broadcast %squeeze3A_399 : i32 to vector<16xi32>
          %gather3A_401 = tpu.vector_load_idx %arg8[%select_n3A_17, %broadcast_in_dim3A_397] : memref<4x10240xf32, #tpu.memory_space<vmem>>[vector<16xi32>, vector<16xi32>], vector<16xf32>,
          %gather3A_402 = tpu.vector_load_idx %arg7[%select_n3A_17, %broadcast_in_dim3A_400] : memref<4x10240xf32, #tpu.memory_space<vmem>>[vector<16xi32>, vector<16xi32>], vector<16xf32>,
          %max3A_403 = arith.maximumf %gather3A_402, %gather3A_401 : vector<16xf32>
          tpu.vector_store_idx %arg7[%select_n3A_17, %broadcast_in_dim3A_400], %max3A_403 : memref<4x10240xf32, #tpu.memory_space<vmem>>[vector<16xi32>, vector<16xi32>], vector<16xf32>,
          %slice3A_404 = vector.extract_strided_slice %get3A_248 {offsets = [4], sizes = [1], strides = [1]} : vector<16xi32> to vector<1xi32>
          %squeeze3A_405 = vector.extract %slice3A_404[0] : i32 from vector<1xi32>
          %broadcast_in_dim3A_406 = vector.broadcast %squeeze3A_405 : i32 to vector<16xi32>
          %slice3A_407 = vector.extract_strided_slice %get3A_252 {offsets = [4], sizes = [1], strides = [1]} : vector<16xi32> to vector<1xi32>
          %squeeze3A_408 = vector.extract %slice3A_407[0] : i32 from vector<1xi32>
          %broadcast_in_dim3A_409 = vector.broadcast %squeeze3A_408 : i32 to vector<16xi32>
          %gather3A_410 = tpu.vector_load_idx %arg8[%select_n3A_17, %broadcast_in_dim3A_406] : memref<4x10240xf32, #tpu.memory_space<vmem>>[vector<16xi32>, vector<16xi32>], vector<16xf32>,
          %gather3A_411 = tpu.vector_load_idx %arg7[%select_n3A_17, %broadcast_in_dim3A_409] : memref<4x10240xf32, #tpu.memory_space<vmem>>[vector<16xi32>, vector<16xi32>], vector<16xf32>,
          %max3A_412 = arith.maximumf %gather3A_411, %gather3A_410 : vector<16xf32>
          tpu.vector_store_idx %arg7[%select_n3A_17, %broadcast_in_dim3A_409], %max3A_412 : memref<4x10240xf32, #tpu.memory_space<vmem>>[vector<16xi32>, vector<16xi32>], vector<16xf32>,
          %slice3A_413 = vector.extract_strided_slice %get3A_248 {offsets = [5], sizes = [1], strides = [1]} : vector<16xi32> to vector<1xi32>
          %squeeze3A_414 = vector.extract %slice3A_413[0] : i32 from vector<1xi32>
          %broadcast_in_dim3A_415 = vector.broadcast %squeeze3A_414 : i32 to vector<16xi32>
          %slice3A_416 = vector.extract_strided_slice %get3A_252 {offsets = [5], sizes = [1], strides = [1]} : vector<16xi32> to vector<1xi32>
          %squeeze3A_417 = vector.extract %slice3A_416[0] : i32 from vector<1xi32>
          %broadcast_in_dim3A_418 = vector.broadcast %squeeze3A_417 : i32 to vector<16xi32>
          %gather3A_419 = tpu.vector_load_idx %arg8[%select_n3A_17, %broadcast_in_dim3A_415] : memref<4x10240xf32, #tpu.memory_space<vmem>>[vector<16xi32>, vector<16xi32>], vector<16xf32>,
          %gather3A_420 = tpu.vector_load_idx %arg7[%select_n3A_17, %broadcast_in_dim3A_418] : memref<4x10240xf32, #tpu.memory_space<vmem>>[vector<16xi32>, vector<16xi32>], vector<16xf32>,
          %max3A_421 = arith.maximumf %gather3A_420, %gather3A_419 : vector<16xf32>
          tpu.vector_store_idx %arg7[%select_n3A_17, %broadcast_in_dim3A_418], %max3A_421 : memref<4x10240xf32, #tpu.memory_space<vmem>>[vector<16xi32>, vector<16xi32>], vector<16xf32>,
          %slice3A_422 = vector.extract_strided_slice %get3A_248 {offsets = [6], sizes = [1], strides = [1]} : vector<16xi32> to vector<1xi32>
          %squeeze3A_423 = vector.extract %slice3A_422[0] : i32 from vector<1xi32>
          %broadcast_in_dim3A_424 = vector.broadcast %squeeze3A_423 : i32 to vector<16xi32>
          %slice3A_425 = vector.extract_strided_slice %get3A_252 {offsets = [6], sizes = [1], strides = [1]} : vector<16xi32> to vector<1xi32>
          %squeeze3A_426 = vector.extract %slice3A_425[0] : i32 from vector<1xi32>
          %broadcast_in_dim3A_427 = vector.broadcast %squeeze3A_426 : i32 to vector<16xi32>
          %gather3A_428 = tpu.vector_load_idx %arg8[%select_n3A_17, %broadcast_in_dim3A_424] : memref<4x10240xf32, #tpu.memory_space<vmem>>[vector<16xi32>, vector<16xi32>], vector<16xf32>,
          %gather3A_429 = tpu.vector_load_idx %arg7[%select_n3A_17, %broadcast_in_dim3A_427] : memref<4x10240xf32, #tpu.memory_space<vmem>>[vector<16xi32>, vector<16xi32>], vector<16xf32>,
          %max3A_430 = arith.maximumf %gather3A_429, %gather3A_428 : vector<16xf32>
          tpu.vector_store_idx %arg7[%select_n3A_17, %broadcast_in_dim3A_427], %max3A_430 : memref<4x10240xf32, #tpu.memory_space<vmem>>[vector<16xi32>, vector<16xi32>], vector<16xf32>,
          %slice3A_431 = vector.extract_strided_slice %get3A_248 {offsets = [7], sizes = [1], strides = [1]} : vector<16xi32> to vector<1xi32>
          %squeeze3A_432 = vector.extract %slice3A_431[0] : i32 from vector<1xi32>
          %broadcast_in_dim3A_433 = vector.broadcast %squeeze3A_432 : i32 to vector<16xi32>
          %slice3A_434 = vector.extract_strided_slice %get3A_252 {offsets = [7], sizes = [1], strides = [1]} : vector<16xi32> to vector<1xi32>
          %squeeze3A_435 = vector.extract %slice3A_434[0] : i32 from vector<1xi32>
          %broadcast_in_dim3A_436 = vector.broadcast %squeeze3A_435 : i32 to vector<16xi32>
          %gather3A_437 = tpu.vector_load_idx %arg8[%select_n3A_17, %broadcast_in_dim3A_433] : memref<4x10240xf32, #tpu.memory_space<vmem>>[vector<16xi32>, vector<16xi32>], vector<16xf32>,
          %gather3A_438 = tpu.vector_load_idx %arg7[%select_n3A_17, %broadcast_in_dim3A_436] : memref<4x10240xf32, #tpu.memory_space<vmem>>[vector<16xi32>, vector<16xi32>], vector<16xf32>,
          %max3A_439 = arith.maximumf %gather3A_438, %gather3A_437 : vector<16xf32>
          tpu.vector_store_idx %arg7[%select_n3A_17, %broadcast_in_dim3A_436], %max3A_439 : memref<4x10240xf32, #tpu.memory_space<vmem>>[vector<16xi32>, vector<16xi32>], vector<16xf32>,
          %slice3A_440 = vector.extract_strided_slice %get3A_248 {offsets = [8], sizes = [1], strides = [1]} : vector<16xi32> to vector<1xi32>
          %squeeze3A_441 = vector.extract %slice3A_440[0] : i32 from vector<1xi32>
          %broadcast_in_dim3A_442 = vector.broadcast %squeeze3A_441 : i32 to vector<16xi32>
          %slice3A_443 = vector.extract_strided_slice %get3A_252 {offsets = [8], sizes = [1], strides = [1]} : vector<16xi32> to vector<1xi32>
          %squeeze3A_444 = vector.extract %slice3A_443[0] : i32 from vector<1xi32>
          %broadcast_in_dim3A_445 = vector.broadcast %squeeze3A_444 : i32 to vector<16xi32>
          %gather3A_446 = tpu.vector_load_idx %arg8[%select_n3A_17, %broadcast_in_dim3A_442] : memref<4x10240xf32, #tpu.memory_space<vmem>>[vector<16xi32>, vector<16xi32>], vector<16xf32>,
          %gather3A_447 = tpu.vector_load_idx %arg7[%select_n3A_17, %broadcast_in_dim3A_445] : memref<4x10240xf32, #tpu.memory_space<vmem>>[vector<16xi32>, vector<16xi32>], vector<16xf32>,
          %max3A_448 = arith.maximumf %gather3A_447, %gather3A_446 : vector<16xf32>
          tpu.vector_store_idx %arg7[%select_n3A_17, %broadcast_in_dim3A_445], %max3A_448 : memref<4x10240xf32, #tpu.memory_space<vmem>>[vector<16xi32>, vector<16xi32>], vector<16xf32>,
          %slice3A_449 = vector.extract_strided_slice %get3A_248 {offsets = [9], sizes = [1], strides = [1]} : vector<16xi32> to vector<1xi32>
          %squeeze3A_450 = vector.extract %slice3A_449[0] : i32 from vector<1xi32>
          %broadcast_in_dim3A_451 = vector.broadcast %squeeze3A_450 : i32 to vector<16xi32>
          %slice3A_452 = vector.extract_strided_slice %get3A_252 {offsets = [9], sizes = [1], strides = [1]} : vector<16xi32> to vector<1xi32>
          %squeeze3A_453 = vector.extract %slice3A_452[0] : i32 from vector<1xi32>
          %broadcast_in_dim3A_454 = vector.broadcast %squeeze3A_453 : i32 to vector<16xi32>
          %gather3A_455 = tpu.vector_load_idx %arg8[%select_n3A_17, %broadcast_in_dim3A_451] : memref<4x10240xf32, #tpu.memory_space<vmem>>[vector<16xi32>, vector<16xi32>], vector<16xf32>,
          %gather3A_456 = tpu.vector_load_idx %arg7[%select_n3A_17, %broadcast_in_dim3A_454] : memref<4x10240xf32, #tpu.memory_space<vmem>>[vector<16xi32>, vector<16xi32>], vector<16xf32>,
          %max3A_457 = arith.maximumf %gather3A_456, %gather3A_455 : vector<16xf32>
          tpu.vector_store_idx %arg7[%select_n3A_17, %broadcast_in_dim3A_454], %max3A_457 : memref<4x10240xf32, #tpu.memory_space<vmem>>[vector<16xi32>, vector<16xi32>], vector<16xf32>,
          %slice3A_458 = vector.extract_strided_slice %get3A_248 {offsets = [10], sizes = [1], strides = [1]} : vector<16xi32> to vector<1xi32>
          %squeeze3A_459 = vector.extract %slice3A_458[0] : i32 from vector<1xi32>
          %broadcast_in_dim3A_460 = vector.broadcast %squeeze3A_459 : i32 to vector<16xi32>
          %slice3A_461 = vector.extract_strided_slice %get3A_252 {offsets = [10], sizes = [1], strides = [1]} : vector<16xi32> to vector<1xi32>
          %squeeze3A_462 = vector.extract %slice3A_461[0] : i32 from vector<1xi32>
          %broadcast_in_dim3A_463 = vector.broadcast %squeeze3A_462 : i32 to vector<16xi32>
          %gather3A_464 = tpu.vector_load_idx %arg8[%select_n3A_17, %broadcast_in_dim3A_460] : memref<4x10240xf32, #tpu.memory_space<vmem>>[vector<16xi32>, vector<16xi32>], vector<16xf32>,
          %gather3A_465 = tpu.vector_load_idx %arg7[%select_n3A_17, %broadcast_in_dim3A_463] : memref<4x10240xf32, #tpu.memory_space<vmem>>[vector<16xi32>, vector<16xi32>], vector<16xf32>,
          %max3A_466 = arith.maximumf %gather3A_465, %gather3A_464 : vector<16xf32>
          tpu.vector_store_idx %arg7[%select_n3A_17, %broadcast_in_dim3A_463], %max3A_466 : memref<4x10240xf32, #tpu.memory_space<vmem>>[vector<16xi32>, vector<16xi32>], vector<16xf32>,
          %slice3A_467 = vector.extract_strided_slice %get3A_248 {offsets = [11], sizes = [1], strides = [1]} : vector<16xi32> to vector<1xi32>
          %squeeze3A_468 = vector.extract %slice3A_467[0] : i32 from vector<1xi32>
          %broadcast_in_dim3A_469 = vector.broadcast %squeeze3A_468 : i32 to vector<16xi32>
          %slice3A_470 = vector.extract_strided_slice %get3A_252 {offsets = [11], sizes = [1], strides = [1]} : vector<16xi32> to vector<1xi32>
          %squeeze3A_471 = vector.extract %slice3A_470[0] : i32 from vector<1xi32>
          %broadcast_in_dim3A_472 = vector.broadcast %squeeze3A_471 : i32 to vector<16xi32>
          %gather3A_473 = tpu.vector_load_idx %arg8[%select_n3A_17, %broadcast_in_dim3A_469] : memref<4x10240xf32, #tpu.memory_space<vmem>>[vector<16xi32>, vector<16xi32>], vector<16xf32>,
          %gather3A_474 = tpu.vector_load_idx %arg7[%select_n3A_17, %broadcast_in_dim3A_472] : memref<4x10240xf32, #tpu.memory_space<vmem>>[vector<16xi32>, vector<16xi32>], vector<16xf32>,
          %max3A_475 = arith.maximumf %gather3A_474, %gather3A_473 : vector<16xf32>
          tpu.vector_store_idx %arg7[%select_n3A_17, %broadcast_in_dim3A_472], %max3A_475 : memref<4x10240xf32, #tpu.memory_space<vmem>>[vector<16xi32>, vector<16xi32>], vector<16xf32>,
          %slice3A_476 = vector.extract_strided_slice %get3A_248 {offsets = [12], sizes = [1], strides = [1]} : vector<16xi32> to vector<1xi32>
          %squeeze3A_477 = vector.extract %slice3A_476[0] : i32 from vector<1xi32>
          %broadcast_in_dim3A_478 = vector.broadcast %squeeze3A_477 : i32 to vector<16xi32>
          %slice3A_479 = vector.extract_strided_slice %get3A_252 {offsets = [12], sizes = [1], strides = [1]} : vector<16xi32> to vector<1xi32>
          %squeeze3A_480 = vector.extract %slice3A_479[0] : i32 from vector<1xi32>
          %broadcast_in_dim3A_481 = vector.broadcast %squeeze3A_480 : i32 to vector<16xi32>
          %gather3A_482 = tpu.vector_load_idx %arg8[%select_n3A_17, %broadcast_in_dim3A_478] : memref<4x10240xf32, #tpu.memory_space<vmem>>[vector<16xi32>, vector<16xi32>], vector<16xf32>,
          %gather3A_483 = tpu.vector_load_idx %arg7[%select_n3A_17, %broadcast_in_dim3A_481] : memref<4x10240xf32, #tpu.memory_space<vmem>>[vector<16xi32>, vector<16xi32>], vector<16xf32>,
          %max3A_484 = arith.maximumf %gather3A_483, %gather3A_482 : vector<16xf32>
          tpu.vector_store_idx %arg7[%select_n3A_17, %broadcast_in_dim3A_481], %max3A_484 : memref<4x10240xf32, #tpu.memory_space<vmem>>[vector<16xi32>, vector<16xi32>], vector<16xf32>,
          %slice3A_485 = vector.extract_strided_slice %get3A_248 {offsets = [13], sizes = [1], strides = [1]} : vector<16xi32> to vector<1xi32>
          %squeeze3A_486 = vector.extract %slice3A_485[0] : i32 from vector<1xi32>
          %broadcast_in_dim3A_487 = vector.broadcast %squeeze3A_486 : i32 to vector<16xi32>
          %slice3A_488 = vector.extract_strided_slice %get3A_252 {offsets = [13], sizes = [1], strides = [1]} : vector<16xi32> to vector<1xi32>
          %squeeze3A_489 = vector.extract %slice3A_488[0] : i32 from vector<1xi32>
          %broadcast_in_dim3A_490 = vector.broadcast %squeeze3A_489 : i32 to vector<16xi32>
          %gather3A_491 = tpu.vector_load_idx %arg8[%select_n3A_17, %broadcast_in_dim3A_487] : memref<4x10240xf32, #tpu.memory_space<vmem>>[vector<16xi32>, vector<16xi32>], vector<16xf32>,
          %gather3A_492 = tpu.vector_load_idx %arg7[%select_n3A_17, %broadcast_in_dim3A_490] : memref<4x10240xf32, #tpu.memory_space<vmem>>[vector<16xi32>, vector<16xi32>], vector<16xf32>,
          %max3A_493 = arith.maximumf %gather3A_492, %gather3A_491 : vector<16xf32>
          tpu.vector_store_idx %arg7[%select_n3A_17, %broadcast_in_dim3A_490], %max3A_493 : memref<4x10240xf32, #tpu.memory_space<vmem>>[vector<16xi32>, vector<16xi32>], vector<16xf32>,
          %slice3A_494 = vector.extract_strided_slice %get3A_248 {offsets = [14], sizes = [1], strides = [1]} : vector<16xi32> to vector<1xi32>
          %squeeze3A_495 = vector.extract %slice3A_494[0] : i32 from vector<1xi32>
          %broadcast_in_dim3A_496 = vector.broadcast %squeeze3A_495 : i32 to vector<16xi32>
          %slice3A_497 = vector.extract_strided_slice %get3A_252 {offsets = [14], sizes = [1], strides = [1]} : vector<16xi32> to vector<1xi32>
          %squeeze3A_498 = vector.extract %slice3A_497[0] : i32 from vector<1xi32>
          %broadcast_in_dim3A_499 = vector.broadcast %squeeze3A_498 : i32 to vector<16xi32>
          %gather3A_500 = tpu.vector_load_idx %arg8[%select_n3A_17, %broadcast_in_dim3A_496] : memref<4x10240xf32, #tpu.memory_space<vmem>>[vector<16xi32>, vector<16xi32>], vector<16xf32>,
          %gather3A_501 = tpu.vector_load_idx %arg7[%select_n3A_17, %broadcast_in_dim3A_499] : memref<4x10240xf32, #tpu.memory_space<vmem>>[vector<16xi32>, vector<16xi32>], vector<16xf32>,
          %max3A_502 = arith.maximumf %gather3A_501, %gather3A_500 : vector<16xf32>
          tpu.vector_store_idx %arg7[%select_n3A_17, %broadcast_in_dim3A_499], %max3A_502 : memref<4x10240xf32, #tpu.memory_space<vmem>>[vector<16xi32>, vector<16xi32>], vector<16xf32>,
          %slice3A_503 = vector.extract_strided_slice %get3A_248 {offsets = [15], sizes = [1], strides = [1]} : vector<16xi32> to vector<1xi32>
          %squeeze3A_504 = vector.extract %slice3A_503[0] : i32 from vector<1xi32>
          %broadcast_in_dim3A_505 = vector.broadcast %squeeze3A_504 : i32 to vector<16xi32>
          %slice3A_506 = vector.extract_strided_slice %get3A_252 {offsets = [15], sizes = [1], strides = [1]} : vector<16xi32> to vector<1xi32>
          %squeeze3A_507 = vector.extract %slice3A_506[0] : i32 from vector<1xi32>
          %broadcast_in_dim3A_508 = vector.broadcast %squeeze3A_507 : i32 to vector<16xi32>
          %gather3A_509 = tpu.vector_load_idx %arg8[%select_n3A_17, %broadcast_in_dim3A_505] : memref<4x10240xf32, #tpu.memory_space<vmem>>[vector<16xi32>, vector<16xi32>], vector<16xf32>,
          %gather3A_510 = tpu.vector_load_idx %arg7[%select_n3A_17, %broadcast_in_dim3A_508] : memref<4x10240xf32, #tpu.memory_space<vmem>>[vector<16xi32>, vector<16xi32>], vector<16xf32>,
          %max3A_511 = arith.maximumf %gather3A_510, %gather3A_509 : vector<16xf32>
          tpu.vector_store_idx %arg7[%select_n3A_17, %broadcast_in_dim3A_508], %max3A_511 : memref<4x10240xf32, #tpu.memory_space<vmem>>[vector<16xi32>, vector<16xi32>], vector<16xf32>,
        } else {
        }
        scf.yield %get3A_313, %get3A_317, %eq3A_326 : vector<16xi32>, vector<16xi32>, i1
      }
      %scan3A_78 = arith.constant 100 : i32
      %lt3A_79 = arith.constant 24 : i32
      %lt3A_80 = arith.cmpi slt, %scan3A_45, %lt3A_79 : i32
      %convert_element_type3A = arith.extui %lt3A_80 : i1 to i32
      %cond3A = arith.constant 0 : i32
      %cond3A_81 = arith.cmpi ne, %convert_element_type3A, %cond3A : i32
      scf.if %cond3A_81 {
        %add3A_110 = arith.constant 2 : i32
        %add3A_111 = arith.addi %mul3A_48, %add3A_110 : i32
        %mul3A_112 = arith.constant 6400 : i32
        %mul3A_113 = arith.muli %add3A_111, %mul3A_112 : i32
        %dma_start3A_114 = tpu.memref_slice %arg4[%mul3A_113] : memref<320000xi32, #tpu.memory_space<hbm>> -> memref<6400xi32, #tpu.memory_space<hbm>>
        %dma_start3A_115 = tpu.memref_slice %arg4[%mul3A_113] : memref<320000xi32, #tpu.memory_space<hbm>> -> memref<6400xi32, #tpu.memory_space<hbm>>
        tpu.enqueue_dma source(%dma_start3A_115 : memref<6400xi32, #tpu.memory_space<hbm>>) target(%arg9 : memref<6400xi32, #tpu.memory_space<vmem>>) target_semaphore(%arg13 : memref<!tpu.dma_semaphore, #tpu.memory_space<semaphore_mem>>)
        %mul3A_116 = arith.constant 6400 : i32
        %mul3A_117 = arith.muli %add3A_111, %mul3A_116 : i32
        %dma_start3A_118 = tpu.memref_slice %arg5[%mul3A_117] : memref<320000xi32, #tpu.memory_space<hbm>> -> memref<6400xi32, #tpu.memory_space<hbm>>
        %dma_start3A_119 = tpu.memref_slice %arg5[%mul3A_117] : memref<320000xi32, #tpu.memory_space<hbm>> -> memref<6400xi32, #tpu.memory_space<hbm>>
        tpu.enqueue_dma source(%dma_start3A_119 : memref<6400xi32, #tpu.memory_space<hbm>>) target(%arg10 : memref<6400xi32, #tpu.memory_space<vmem>>) target_semaphore(%arg13 : memref<!tpu.dma_semaphore, #tpu.memory_space<semaphore_mem>>)
      } else {
      }
      %dma_wait3A_82 = arith.constant 0 : i32
      %dma_wait3A_83 = tpu.memref_slice %arg4[%dma_wait3A_82] : memref<320000xi32, #tpu.memory_space<hbm>> -> memref<6400xi32, #tpu.memory_space<hbm>>
      %dma_wait3A_84 = arith.constant 0 : i32
      %dma_wait3A_85 = tpu.memref_slice %arg4[%dma_wait3A_84] : memref<320000xi32, #tpu.memory_space<hbm>> -> memref<6400xi32, #tpu.memory_space<hbm>>
      tpu.wait_dma2 semaphore(%arg14 : memref<!tpu.dma_semaphore, #tpu.memory_space<semaphore_mem>>) src(%dma_wait3A_85 : memref<6400xi32, #tpu.memory_space<hbm>>) dst(%arg11 : memref<6400xi32, #tpu.memory_space<vmem>>)
      %dma_wait3A_86 = arith.constant 0 : i32
      %dma_wait3A_87 = tpu.memref_slice %arg5[%dma_wait3A_86] : memref<320000xi32, #tpu.memory_space<hbm>> -> memref<6400xi32, #tpu.memory_space<hbm>>
      %dma_wait3A_88 = arith.constant 0 : i32
      %dma_wait3A_89 = tpu.memref_slice %arg5[%dma_wait3A_88] : memref<320000xi32, #tpu.memory_space<hbm>> -> memref<6400xi32, #tpu.memory_space<hbm>>
      tpu.wait_dma2 semaphore(%arg14 : memref<!tpu.dma_semaphore, #tpu.memory_space<semaphore_mem>>) src(%dma_wait3A_89 : memref<6400xi32, #tpu.memory_space<hbm>>) dst(%arg12 : memref<6400xi32, #tpu.memory_space<vmem>>)
      %get3A_90 = arith.constant 0 : index
      %get3A_91 = tpu.vector_load %arg11[%get3A_90] {strides = array<i32>} : memref<6400xi32, #tpu.memory_space<vmem>>, vector<16xi32>,
      %get3A_92 = arith.constant 0 : index
      %get3A_93 = tpu.vector_load %arg12[%get3A_92] {strides = array<i32>} : memref<6400xi32, #tpu.memory_space<vmem>>, vector<16xi32>,
      %broadcast_in_dim3A_94 = arith.constant true
      %broadcast_in_dim3A_95 = vector.broadcast %broadcast_in_dim3A_94 : i1 to vector<16xi1>
      %unique3A_96, %unique3A_97 = tpu.scan_count mask(%broadcast_in_dim3A_95 : vector<16xi1>) value(%get3A_93 : vector<16xi32>) : vector<16xi1>, vector<16xi32>
      %all_reduce_population_count3A_98 = tpu.all_reduce %unique3A_96 {dim = 0 : i64, kind = #tpu.reduction_kind<sum>} : vector<16xi1> -> vector<16xi32>
      %slice3A_99 = vector.extract_strided_slice %all_reduce_population_count3A_98 {offsets = [0], sizes = [1], strides = [1]} : vector<16xi32> to vector<1xi32>
      %squeeze3A_100 = vector.extract %slice3A_99[0] : i32 from vector<1xi32>
      %eq3A_101 = arith.constant 16 : i32
      %eq3A_102 = arith.cmpi eq, %squeeze3A_100, %eq3A_101 : i32
      %scan3A_103 = arith.constant 0 : i32
      %scan3A_104 = arith.constant 100 : i32
      %scan3A_105 = arith.addi %scan3A_103, %scan3A_104 : i32
      %scan3A_106 = arith.constant 1 : i32
      %scan3A_107:3 = scf.for %scan3A_110 = %scan3A_103 to %scan3A_105 step %scan3A_106 iter_args(%scan3A_111 = %get3A_91, %scan3A_112 = %get3A_93, %scan3A_113 = %eq3A_102) -> (vector<16xi32>, vector<16xi32>, i1)  : i32 {
        %mul3A_114 = arith.constant 4 : i32
        %mul3A_115 = arith.muli %mul3A_114, %scan3A_110 : i32
        %add3A_116 = arith.constant 0 : i32
        %add3A_117 = arith.addi %mul3A_115, %add3A_116 : i32
        %add3A_118 = arith.constant 1 : i32
        %add3A_119 = arith.addi %add3A_117, %add3A_118 : i32
        %mul3A_120 = arith.constant 16 : i32
        %mul3A_121 = arith.muli %add3A_119, %mul3A_120 : i32
        %get3A_122 = arith.index_cast %mul3A_121 : i32 to index
        %get3A_123 = tpu.vector_load %arg11[%get3A_122] {strides = array<i32>} : memref<6400xi32, #tpu.memory_space<vmem>>, vector<16xi32>,
        %mul3A_124 = arith.constant 16 : i32
        %mul3A_125 = arith.muli %add3A_119, %mul3A_124 : i32
        %get3A_126 = arith.index_cast %mul3A_125 : i32 to index
        %get3A_127 = tpu.vector_load %arg12[%get3A_126] {strides = array<i32>} : memref<6400xi32, #tpu.memory_space<vmem>>, vector<16xi32>,
        %broadcast_in_dim3A_128 = arith.constant true
        %broadcast_in_dim3A_129 = vector.broadcast %broadcast_in_dim3A_128 : i1 to vector<16xi1>
        %unique3A_130, %unique3A_131 = tpu.scan_count mask(%broadcast_in_dim3A_129 : vector<16xi1>) value(%get3A_127 : vector<16xi32>) : vector<16xi1>, vector<16xi32>
        %all_reduce_population_count3A_132 = tpu.all_reduce %unique3A_130 {dim = 0 : i64, kind = #tpu.reduction_kind<sum>} : vector<16xi1> -> vector<16xi32>
        %slice3A_133 = vector.extract_strided_slice %all_reduce_population_count3A_132 {offsets = [0], sizes = [1], strides = [1]} : vector<16xi32> to vector<1xi32>
        %squeeze3A_134 = vector.extract %slice3A_133[0] : i32 from vector<1xi32>
        %eq3A_135 = arith.constant 16 : i32
        %eq3A_136 = arith.cmpi eq, %squeeze3A_134, %eq3A_135 : i32
        %broadcast_in_dim3A_137 = arith.constant 0 : i32
        %broadcast_in_dim3A_138 = vector.broadcast %broadcast_in_dim3A_137 : i32 to vector<16xi32>
        %gather3A = tpu.vector_load_idx %arg8[%broadcast_in_dim3A_138, %scan3A_111] : memref<4x10240xf32, #tpu.memory_space<vmem>>[vector<16xi32>, vector<16xi32>], vector<16xf32>,
        %broadcast_in_dim3A_139 = arith.constant 1 : i32
        %broadcast_in_dim3A_140 = vector.broadcast %broadcast_in_dim3A_139 : i32 to vector<16xi32>
        %gather3A_141 = tpu.vector_load_idx %arg8[%broadcast_in_dim3A_140, %scan3A_111] : memref<4x10240xf32, #tpu.memory_space<vmem>>[vector<16xi32>, vector<16xi32>], vector<16xf32>,
        %broadcast_in_dim3A_142 = arith.constant 2 : i32
        %broadcast_in_dim3A_143 = vector.broadcast %broadcast_in_dim3A_142 : i32 to vector<16xi32>
        %gather3A_144 = tpu.vector_load_idx %arg8[%broadcast_in_dim3A_143, %scan3A_111] : memref<4x10240xf32, #tpu.memory_space<vmem>>[vector<16xi32>, vector<16xi32>], vector<16xf32>,
        %broadcast_in_dim3A_145 = arith.constant 3 : i32
        %broadcast_in_dim3A_146 = vector.broadcast %broadcast_in_dim3A_145 : i32 to vector<16xi32>
        %gather3A_147 = tpu.vector_load_idx %arg8[%broadcast_in_dim3A_146, %scan3A_111] : memref<4x10240xf32, #tpu.memory_space<vmem>>[vector<16xi32>, vector<16xi32>], vector<16xf32>,
        %broadcast_in_dim3A_148 = arith.constant 0 : i32
        %broadcast_in_dim3A_149 = vector.broadcast %broadcast_in_dim3A_148 : i32 to vector<16xi32>
        %gather3A_150 = tpu.vector_load_idx %arg7[%broadcast_in_dim3A_149, %scan3A_112] : memref<4x10240xf32, #tpu.memory_space<vmem>>[vector<16xi32>, vector<16xi32>], vector<16xf32>,
        %broadcast_in_dim3A_151 = arith.constant 1 : i32
        %broadcast_in_dim3A_152 = vector.broadcast %broadcast_in_dim3A_151 : i32 to vector<16xi32>
        %gather3A_153 = tpu.vector_load_idx %arg7[%broadcast_in_dim3A_152, %scan3A_112] : memref<4x10240xf32, #tpu.memory_space<vmem>>[vector<16xi32>, vector<16xi32>], vector<16xf32>,
        %broadcast_in_dim3A_154 = arith.constant 2 : i32
        %broadcast_in_dim3A_155 = vector.broadcast %broadcast_in_dim3A_154 : i32 to vector<16xi32>
        %gather3A_156 = tpu.vector_load_idx %arg7[%broadcast_in_dim3A_155, %scan3A_112] : memref<4x10240xf32, #tpu.memory_space<vmem>>[vector<16xi32>, vector<16xi32>], vector<16xf32>,
        %broadcast_in_dim3A_157 = arith.constant 3 : i32
        %broadcast_in_dim3A_158 = vector.broadcast %broadcast_in_dim3A_157 : i32 to vector<16xi32>
        %gather3A_159 = tpu.vector_load_idx %arg7[%broadcast_in_dim3A_158, %scan3A_112] : memref<4x10240xf32, #tpu.memory_space<vmem>>[vector<16xi32>, vector<16xi32>], vector<16xf32>,
        %broadcast_in_dim3A_160 = arith.constant 0 : i32
        %broadcast_in_dim3A_161 = vector.broadcast %broadcast_in_dim3A_160 : i32 to vector<16xi32>
        %max3A = arith.maximumf %gather3A_150, %gather3A : vector<16xf32>
        tpu.vector_store_idx %arg7[%broadcast_in_dim3A_161, %scan3A_112], %max3A : memref<4x10240xf32, #tpu.memory_space<vmem>>[vector<16xi32>, vector<16xi32>], vector<16xf32>,
        %broadcast_in_dim3A_162 = arith.constant 1 : i32
        %broadcast_in_dim3A_163 = vector.broadcast %broadcast_in_dim3A_162 : i32 to vector<16xi32>
        %max3A_164 = arith.maximumf %gather3A_153, %gather3A_141 : vector<16xf32>
        tpu.vector_store_idx %arg7[%broadcast_in_dim3A_163, %scan3A_112], %max3A_164 : memref<4x10240xf32, #tpu.memory_space<vmem>>[vector<16xi32>, vector<16xi32>], vector<16xf32>,
        %broadcast_in_dim3A_165 = arith.constant 2 : i32
        %broadcast_in_dim3A_166 = vector.broadcast %broadcast_in_dim3A_165 : i32 to vector<16xi32>
        %max3A_167 = arith.maximumf %gather3A_156, %gather3A_144 : vector<16xf32>
        tpu.vector_store_idx %arg7[%broadcast_in_dim3A_166, %scan3A_112], %max3A_167 : memref<4x10240xf32, #tpu.memory_space<vmem>>[vector<16xi32>, vector<16xi32>], vector<16xf32>,
        %broadcast_in_dim3A_168 = arith.constant 3 : i32
        %broadcast_in_dim3A_169 = vector.broadcast %broadcast_in_dim3A_168 : i32 to vector<16xi32>
        %max3A_170 = arith.maximumf %gather3A_159, %gather3A_147 : vector<16xf32>
        tpu.vector_store_idx %arg7[%broadcast_in_dim3A_169, %scan3A_112], %max3A_170 : memref<4x10240xf32, #tpu.memory_space<vmem>>[vector<16xi32>, vector<16xi32>], vector<16xf32>,
        %not3A = arith.constant true
        %not3A_171 = arith.xori %scan3A_113, %not3A : i1
        %convert_element_type3A_172 = arith.extui %not3A_171 : i1 to i32
        %cond3A_173 = arith.constant 0 : i32
        %cond3A_174 = arith.cmpi ne, %convert_element_type3A_172, %cond3A_173 : i32
        scf.if %cond3A_174 {
          %slice3A_368 = vector.extract_strided_slice %scan3A_111 {offsets = [0], sizes = [1], strides = [1]} : vector<16xi32> to vector<1xi32>
          %squeeze3A_369 = vector.extract %slice3A_368[0] : i32 from vector<1xi32>
          %broadcast_in_dim3A_370 = vector.broadcast %squeeze3A_369 : i32 to vector<16xi32>
          %slice3A_371 = vector.extract_strided_slice %scan3A_112 {offsets = [0], sizes = [1], strides = [1]} : vector<16xi32> to vector<1xi32>
          %squeeze3A_372 = vector.extract %slice3A_371[0] : i32 from vector<1xi32>
          %broadcast_in_dim3A_373 = vector.broadcast %squeeze3A_372 : i32 to vector<16xi32>
          %gather3A_374 = tpu.vector_load_idx %arg8[%select_n3A_17, %broadcast_in_dim3A_370] : memref<4x10240xf32, #tpu.memory_space<vmem>>[vector<16xi32>, vector<16xi32>], vector<16xf32>,
          %gather3A_375 = tpu.vector_load_idx %arg7[%select_n3A_17, %broadcast_in_dim3A_373] : memref<4x10240xf32, #tpu.memory_space<vmem>>[vector<16xi32>, vector<16xi32>], vector<16xf32>,
          %max3A_376 = arith.maximumf %gather3A_375, %gather3A_374 : vector<16xf32>
          tpu.vector_store_idx %arg7[%select_n3A_17, %broadcast_in_dim3A_373], %max3A_376 : memref<4x10240xf32, #tpu.memory_space<vmem>>[vector<16xi32>, vector<16xi32>], vector<16xf32>,
          %slice3A_377 = vector.extract_strided_slice %scan3A_111 {offsets = [1], sizes = [1], strides = [1]} : vector<16xi32> to vector<1xi32>
          %squeeze3A_378 = vector.extract %slice3A_377[0] : i32 from vector<1xi32>
          %broadcast_in_dim3A_379 = vector.broadcast %squeeze3A_378 : i32 to vector<16xi32>
          %slice3A_380 = vector.extract_strided_slice %scan3A_112 {offsets = [1], sizes = [1], strides = [1]} : vector<16xi32> to vector<1xi32>
          %squeeze3A_381 = vector.extract %slice3A_380[0] : i32 from vector<1xi32>
          %broadcast_in_dim3A_382 = vector.broadcast %squeeze3A_381 : i32 to vector<16xi32>
          %gather3A_383 = tpu.vector_load_idx %arg8[%select_n3A_17, %broadcast_in_dim3A_379] : memref<4x10240xf32, #tpu.memory_space<vmem>>[vector<16xi32>, vector<16xi32>], vector<16xf32>,
          %gather3A_384 = tpu.vector_load_idx %arg7[%select_n3A_17, %broadcast_in_dim3A_382] : memref<4x10240xf32, #tpu.memory_space<vmem>>[vector<16xi32>, vector<16xi32>], vector<16xf32>,
          %max3A_385 = arith.maximumf %gather3A_384, %gather3A_383 : vector<16xf32>
          tpu.vector_store_idx %arg7[%select_n3A_17, %broadcast_in_dim3A_382], %max3A_385 : memref<4x10240xf32, #tpu.memory_space<vmem>>[vector<16xi32>, vector<16xi32>], vector<16xf32>,
          %slice3A_386 = vector.extract_strided_slice %scan3A_111 {offsets = [2], sizes = [1], strides = [1]} : vector<16xi32> to vector<1xi32>
          %squeeze3A_387 = vector.extract %slice3A_386[0] : i32 from vector<1xi32>
          %broadcast_in_dim3A_388 = vector.broadcast %squeeze3A_387 : i32 to vector<16xi32>
          %slice3A_389 = vector.extract_strided_slice %scan3A_112 {offsets = [2], sizes = [1], strides = [1]} : vector<16xi32> to vector<1xi32>
          %squeeze3A_390 = vector.extract %slice3A_389[0] : i32 from vector<1xi32>
          %broadcast_in_dim3A_391 = vector.broadcast %squeeze3A_390 : i32 to vector<16xi32>
          %gather3A_392 = tpu.vector_load_idx %arg8[%select_n3A_17, %broadcast_in_dim3A_388] : memref<4x10240xf32, #tpu.memory_space<vmem>>[vector<16xi32>, vector<16xi32>], vector<16xf32>,
          %gather3A_393 = tpu.vector_load_idx %arg7[%select_n3A_17, %broadcast_in_dim3A_391] : memref<4x10240xf32, #tpu.memory_space<vmem>>[vector<16xi32>, vector<16xi32>], vector<16xf32>,
          %max3A_394 = arith.maximumf %gather3A_393, %gather3A_392 : vector<16xf32>
          tpu.vector_store_idx %arg7[%select_n3A_17, %broadcast_in_dim3A_391], %max3A_394 : memref<4x10240xf32, #tpu.memory_space<vmem>>[vector<16xi32>, vector<16xi32>], vector<16xf32>,
          %slice3A_395 = vector.extract_strided_slice %scan3A_111 {offsets = [3], sizes = [1], strides = [1]} : vector<16xi32> to vector<1xi32>
          %squeeze3A_396 = vector.extract %slice3A_395[0] : i32 from vector<1xi32>
          %broadcast_in_dim3A_397 = vector.broadcast %squeeze3A_396 : i32 to vector<16xi32>
          %slice3A_398 = vector.extract_strided_slice %scan3A_112 {offsets = [3], sizes = [1], strides = [1]} : vector<16xi32> to vector<1xi32>
          %squeeze3A_399 = vector.extract %slice3A_398[0] : i32 from vector<1xi32>
          %broadcast_in_dim3A_400 = vector.broadcast %squeeze3A_399 : i32 to vector<16xi32>
          %gather3A_401 = tpu.vector_load_idx %arg8[%select_n3A_17, %broadcast_in_dim3A_397] : memref<4x10240xf32, #tpu.memory_space<vmem>>[vector<16xi32>, vector<16xi32>], vector<16xf32>,
          %gather3A_402 = tpu.vector_load_idx %arg7[%select_n3A_17, %broadcast_in_dim3A_400] : memref<4x10240xf32, #tpu.memory_space<vmem>>[vector<16xi32>, vector<16xi32>], vector<16xf32>,
          %max3A_403 = arith.maximumf %gather3A_402, %gather3A_401 : vector<16xf32>
          tpu.vector_store_idx %arg7[%select_n3A_17, %broadcast_in_dim3A_400], %max3A_403 : memref<4x10240xf32, #tpu.memory_space<vmem>>[vector<16xi32>, vector<16xi32>], vector<16xf32>,
          %slice3A_404 = vector.extract_strided_slice %scan3A_111 {offsets = [4], sizes = [1], strides = [1]} : vector<16xi32> to vector<1xi32>
          %squeeze3A_405 = vector.extract %slice3A_404[0] : i32 from vector<1xi32>
          %broadcast_in_dim3A_406 = vector.broadcast %squeeze3A_405 : i32 to vector<16xi32>
          %slice3A_407 = vector.extract_strided_slice %scan3A_112 {offsets = [4], sizes = [1], strides = [1]} : vector<16xi32> to vector<1xi32>
          %squeeze3A_408 = vector.extract %slice3A_407[0] : i32 from vector<1xi32>
          %broadcast_in_dim3A_409 = vector.broadcast %squeeze3A_408 : i32 to vector<16xi32>
          %gather3A_410 = tpu.vector_load_idx %arg8[%select_n3A_17, %broadcast_in_dim3A_406] : memref<4x10240xf32, #tpu.memory_space<vmem>>[vector<16xi32>, vector<16xi32>], vector<16xf32>,
          %gather3A_411 = tpu.vector_load_idx %arg7[%select_n3A_17, %broadcast_in_dim3A_409] : memref<4x10240xf32, #tpu.memory_space<vmem>>[vector<16xi32>, vector<16xi32>], vector<16xf32>,
          %max3A_412 = arith.maximumf %gather3A_411, %gather3A_410 : vector<16xf32>
          tpu.vector_store_idx %arg7[%select_n3A_17, %broadcast_in_dim3A_409], %max3A_412 : memref<4x10240xf32, #tpu.memory_space<vmem>>[vector<16xi32>, vector<16xi32>], vector<16xf32>,
          %slice3A_413 = vector.extract_strided_slice %scan3A_111 {offsets = [5], sizes = [1], strides = [1]} : vector<16xi32> to vector<1xi32>
          %squeeze3A_414 = vector.extract %slice3A_413[0] : i32 from vector<1xi32>
          %broadcast_in_dim3A_415 = vector.broadcast %squeeze3A_414 : i32 to vector<16xi32>
          %slice3A_416 = vector.extract_strided_slice %scan3A_112 {offsets = [5], sizes = [1], strides = [1]} : vector<16xi32> to vector<1xi32>
          %squeeze3A_417 = vector.extract %slice3A_416[0] : i32 from vector<1xi32>
          %broadcast_in_dim3A_418 = vector.broadcast %squeeze3A_417 : i32 to vector<16xi32>
          %gather3A_419 = tpu.vector_load_idx %arg8[%select_n3A_17, %broadcast_in_dim3A_415] : memref<4x10240xf32, #tpu.memory_space<vmem>>[vector<16xi32>, vector<16xi32>], vector<16xf32>,
          %gather3A_420 = tpu.vector_load_idx %arg7[%select_n3A_17, %broadcast_in_dim3A_418] : memref<4x10240xf32, #tpu.memory_space<vmem>>[vector<16xi32>, vector<16xi32>], vector<16xf32>,
          %max3A_421 = arith.maximumf %gather3A_420, %gather3A_419 : vector<16xf32>
          tpu.vector_store_idx %arg7[%select_n3A_17, %broadcast_in_dim3A_418], %max3A_421 : memref<4x10240xf32, #tpu.memory_space<vmem>>[vector<16xi32>, vector<16xi32>], vector<16xf32>,
          %slice3A_422 = vector.extract_strided_slice %scan3A_111 {offsets = [6], sizes = [1], strides = [1]} : vector<16xi32> to vector<1xi32>
          %squeeze3A_423 = vector.extract %slice3A_422[0] : i32 from vector<1xi32>
          %broadcast_in_dim3A_424 = vector.broadcast %squeeze3A_423 : i32 to vector<16xi32>
          %slice3A_425 = vector.extract_strided_slice %scan3A_112 {offsets = [6], sizes = [1], strides = [1]} : vector<16xi32> to vector<1xi32>
          %squeeze3A_426 = vector.extract %slice3A_425[0] : i32 from vector<1xi32>
          %broadcast_in_dim3A_427 = vector.broadcast %squeeze3A_426 : i32 to vector<16xi32>
          %gather3A_428 = tpu.vector_load_idx %arg8[%select_n3A_17, %broadcast_in_dim3A_424] : memref<4x10240xf32, #tpu.memory_space<vmem>>[vector<16xi32>, vector<16xi32>], vector<16xf32>,
          %gather3A_429 = tpu.vector_load_idx %arg7[%select_n3A_17, %broadcast_in_dim3A_427] : memref<4x10240xf32, #tpu.memory_space<vmem>>[vector<16xi32>, vector<16xi32>], vector<16xf32>,
          %max3A_430 = arith.maximumf %gather3A_429, %gather3A_428 : vector<16xf32>
          tpu.vector_store_idx %arg7[%select_n3A_17, %broadcast_in_dim3A_427], %max3A_430 : memref<4x10240xf32, #tpu.memory_space<vmem>>[vector<16xi32>, vector<16xi32>], vector<16xf32>,
          %slice3A_431 = vector.extract_strided_slice %scan3A_111 {offsets = [7], sizes = [1], strides = [1]} : vector<16xi32> to vector<1xi32>
          %squeeze3A_432 = vector.extract %slice3A_431[0] : i32 from vector<1xi32>
          %broadcast_in_dim3A_433 = vector.broadcast %squeeze3A_432 : i32 to vector<16xi32>
          %slice3A_434 = vector.extract_strided_slice %scan3A_112 {offsets = [7], sizes = [1], strides = [1]} : vector<16xi32> to vector<1xi32>
          %squeeze3A_435 = vector.extract %slice3A_434[0] : i32 from vector<1xi32>
          %broadcast_in_dim3A_436 = vector.broadcast %squeeze3A_435 : i32 to vector<16xi32>
          %gather3A_437 = tpu.vector_load_idx %arg8[%select_n3A_17, %broadcast_in_dim3A_433] : memref<4x10240xf32, #tpu.memory_space<vmem>>[vector<16xi32>, vector<16xi32>], vector<16xf32>,
          %gather3A_438 = tpu.vector_load_idx %arg7[%select_n3A_17, %broadcast_in_dim3A_436] : memref<4x10240xf32, #tpu.memory_space<vmem>>[vector<16xi32>, vector<16xi32>], vector<16xf32>,
          %max3A_439 = arith.maximumf %gather3A_438, %gather3A_437 : vector<16xf32>
          tpu.vector_store_idx %arg7[%select_n3A_17, %broadcast_in_dim3A_436], %max3A_439 : memref<4x10240xf32, #tpu.memory_space<vmem>>[vector<16xi32>, vector<16xi32>], vector<16xf32>,
          %slice3A_440 = vector.extract_strided_slice %scan3A_111 {offsets = [8], sizes = [1], strides = [1]} : vector<16xi32> to vector<1xi32>
          %squeeze3A_441 = vector.extract %slice3A_440[0] : i32 from vector<1xi32>
          %broadcast_in_dim3A_442 = vector.broadcast %squeeze3A_441 : i32 to vector<16xi32>
          %slice3A_443 = vector.extract_strided_slice %scan3A_112 {offsets = [8], sizes = [1], strides = [1]} : vector<16xi32> to vector<1xi32>
          %squeeze3A_444 = vector.extract %slice3A_443[0] : i32 from vector<1xi32>
          %broadcast_in_dim3A_445 = vector.broadcast %squeeze3A_444 : i32 to vector<16xi32>
          %gather3A_446 = tpu.vector_load_idx %arg8[%select_n3A_17, %broadcast_in_dim3A_442] : memref<4x10240xf32, #tpu.memory_space<vmem>>[vector<16xi32>, vector<16xi32>], vector<16xf32>,
          %gather3A_447 = tpu.vector_load_idx %arg7[%select_n3A_17, %broadcast_in_dim3A_445] : memref<4x10240xf32, #tpu.memory_space<vmem>>[vector<16xi32>, vector<16xi32>], vector<16xf32>,
          %max3A_448 = arith.maximumf %gather3A_447, %gather3A_446 : vector<16xf32>
          tpu.vector_store_idx %arg7[%select_n3A_17, %broadcast_in_dim3A_445], %max3A_448 : memref<4x10240xf32, #tpu.memory_space<vmem>>[vector<16xi32>, vector<16xi32>], vector<16xf32>,
          %slice3A_449 = vector.extract_strided_slice %scan3A_111 {offsets = [9], sizes = [1], strides = [1]} : vector<16xi32> to vector<1xi32>
          %squeeze3A_450 = vector.extract %slice3A_449[0] : i32 from vector<1xi32>
          %broadcast_in_dim3A_451 = vector.broadcast %squeeze3A_450 : i32 to vector<16xi32>
          %slice3A_452 = vector.extract_strided_slice %scan3A_112 {offsets = [9], sizes = [1], strides = [1]} : vector<16xi32> to vector<1xi32>
          %squeeze3A_453 = vector.extract %slice3A_452[0] : i32 from vector<1xi32>
          %broadcast_in_dim3A_454 = vector.broadcast %squeeze3A_453 : i32 to vector<16xi32>
          %gather3A_455 = tpu.vector_load_idx %arg8[%select_n3A_17, %broadcast_in_dim3A_451] : memref<4x10240xf32, #tpu.memory_space<vmem>>[vector<16xi32>, vector<16xi32>], vector<16xf32>,
          %gather3A_456 = tpu.vector_load_idx %arg7[%select_n3A_17, %broadcast_in_dim3A_454] : memref<4x10240xf32, #tpu.memory_space<vmem>>[vector<16xi32>, vector<16xi32>], vector<16xf32>,
          %max3A_457 = arith.maximumf %gather3A_456, %gather3A_455 : vector<16xf32>
          tpu.vector_store_idx %arg7[%select_n3A_17, %broadcast_in_dim3A_454], %max3A_457 : memref<4x10240xf32, #tpu.memory_space<vmem>>[vector<16xi32>, vector<16xi32>], vector<16xf32>,
          %slice3A_458 = vector.extract_strided_slice %scan3A_111 {offsets = [10], sizes = [1], strides = [1]} : vector<16xi32> to vector<1xi32>
          %squeeze3A_459 = vector.extract %slice3A_458[0] : i32 from vector<1xi32>
          %broadcast_in_dim3A_460 = vector.broadcast %squeeze3A_459 : i32 to vector<16xi32>
          %slice3A_461 = vector.extract_strided_slice %scan3A_112 {offsets = [10], sizes = [1], strides = [1]} : vector<16xi32> to vector<1xi32>
          %squeeze3A_462 = vector.extract %slice3A_461[0] : i32 from vector<1xi32>
          %broadcast_in_dim3A_463 = vector.broadcast %squeeze3A_462 : i32 to vector<16xi32>
          %gather3A_464 = tpu.vector_load_idx %arg8[%select_n3A_17, %broadcast_in_dim3A_460] : memref<4x10240xf32, #tpu.memory_space<vmem>>[vector<16xi32>, vector<16xi32>], vector<16xf32>,
          %gather3A_465 = tpu.vector_load_idx %arg7[%select_n3A_17, %broadcast_in_dim3A_463] : memref<4x10240xf32, #tpu.memory_space<vmem>>[vector<16xi32>, vector<16xi32>], vector<16xf32>,
          %max3A_466 = arith.maximumf %gather3A_465, %gather3A_464 : vector<16xf32>
          tpu.vector_store_idx %arg7[%select_n3A_17, %broadcast_in_dim3A_463], %max3A_466 : memref<4x10240xf32, #tpu.memory_space<vmem>>[vector<16xi32>, vector<16xi32>], vector<16xf32>,
          %slice3A_467 = vector.extract_strided_slice %scan3A_111 {offsets = [11], sizes = [1], strides = [1]} : vector<16xi32> to vector<1xi32>
          %squeeze3A_468 = vector.extract %slice3A_467[0] : i32 from vector<1xi32>
          %broadcast_in_dim3A_469 = vector.broadcast %squeeze3A_468 : i32 to vector<16xi32>
          %slice3A_470 = vector.extract_strided_slice %scan3A_112 {offsets = [11], sizes = [1], strides = [1]} : vector<16xi32> to vector<1xi32>
          %squeeze3A_471 = vector.extract %slice3A_470[0] : i32 from vector<1xi32>
          %broadcast_in_dim3A_472 = vector.broadcast %squeeze3A_471 : i32 to vector<16xi32>
          %gather3A_473 = tpu.vector_load_idx %arg8[%select_n3A_17, %broadcast_in_dim3A_469] : memref<4x10240xf32, #tpu.memory_space<vmem>>[vector<16xi32>, vector<16xi32>], vector<16xf32>,
          %gather3A_474 = tpu.vector_load_idx %arg7[%select_n3A_17, %broadcast_in_dim3A_472] : memref<4x10240xf32, #tpu.memory_space<vmem>>[vector<16xi32>, vector<16xi32>], vector<16xf32>,
          %max3A_475 = arith.maximumf %gather3A_474, %gather3A_473 : vector<16xf32>
          tpu.vector_store_idx %arg7[%select_n3A_17, %broadcast_in_dim3A_472], %max3A_475 : memref<4x10240xf32, #tpu.memory_space<vmem>>[vector<16xi32>, vector<16xi32>], vector<16xf32>,
          %slice3A_476 = vector.extract_strided_slice %scan3A_111 {offsets = [12], sizes = [1], strides = [1]} : vector<16xi32> to vector<1xi32>
          %squeeze3A_477 = vector.extract %slice3A_476[0] : i32 from vector<1xi32>
          %broadcast_in_dim3A_478 = vector.broadcast %squeeze3A_477 : i32 to vector<16xi32>
          %slice3A_479 = vector.extract_strided_slice %scan3A_112 {offsets = [12], sizes = [1], strides = [1]} : vector<16xi32> to vector<1xi32>
          %squeeze3A_480 = vector.extract %slice3A_479[0] : i32 from vector<1xi32>
          %broadcast_in_dim3A_481 = vector.broadcast %squeeze3A_480 : i32 to vector<16xi32>
          %gather3A_482 = tpu.vector_load_idx %arg8[%select_n3A_17, %broadcast_in_dim3A_478] : memref<4x10240xf32, #tpu.memory_space<vmem>>[vector<16xi32>, vector<16xi32>], vector<16xf32>,
          %gather3A_483 = tpu.vector_load_idx %arg7[%select_n3A_17, %broadcast_in_dim3A_481] : memref<4x10240xf32, #tpu.memory_space<vmem>>[vector<16xi32>, vector<16xi32>], vector<16xf32>,
          %max3A_484 = arith.maximumf %gather3A_483, %gather3A_482 : vector<16xf32>
          tpu.vector_store_idx %arg7[%select_n3A_17, %broadcast_in_dim3A_481], %max3A_484 : memref<4x10240xf32, #tpu.memory_space<vmem>>[vector<16xi32>, vector<16xi32>], vector<16xf32>,
          %slice3A_485 = vector.extract_strided_slice %scan3A_111 {offsets = [13], sizes = [1], strides = [1]} : vector<16xi32> to vector<1xi32>
          %squeeze3A_486 = vector.extract %slice3A_485[0] : i32 from vector<1xi32>
          %broadcast_in_dim3A_487 = vector.broadcast %squeeze3A_486 : i32 to vector<16xi32>
          %slice3A_488 = vector.extract_strided_slice %scan3A_112 {offsets = [13], sizes = [1], strides = [1]} : vector<16xi32> to vector<1xi32>
          %squeeze3A_489 = vector.extract %slice3A_488[0] : i32 from vector<1xi32>
          %broadcast_in_dim3A_490 = vector.broadcast %squeeze3A_489 : i32 to vector<16xi32>
          %gather3A_491 = tpu.vector_load_idx %arg8[%select_n3A_17, %broadcast_in_dim3A_487] : memref<4x10240xf32, #tpu.memory_space<vmem>>[vector<16xi32>, vector<16xi32>], vector<16xf32>,
          %gather3A_492 = tpu.vector_load_idx %arg7[%select_n3A_17, %broadcast_in_dim3A_490] : memref<4x10240xf32, #tpu.memory_space<vmem>>[vector<16xi32>, vector<16xi32>], vector<16xf32>,
          %max3A_493 = arith.maximumf %gather3A_492, %gather3A_491 : vector<16xf32>
          tpu.vector_store_idx %arg7[%select_n3A_17, %broadcast_in_dim3A_490], %max3A_493 : memref<4x10240xf32, #tpu.memory_space<vmem>>[vector<16xi32>, vector<16xi32>], vector<16xf32>,
          %slice3A_494 = vector.extract_strided_slice %scan3A_111 {offsets = [14], sizes = [1], strides = [1]} : vector<16xi32> to vector<1xi32>
          %squeeze3A_495 = vector.extract %slice3A_494[0] : i32 from vector<1xi32>
          %broadcast_in_dim3A_496 = vector.broadcast %squeeze3A_495 : i32 to vector<16xi32>
          %slice3A_497 = vector.extract_strided_slice %scan3A_112 {offsets = [14], sizes = [1], strides = [1]} : vector<16xi32> to vector<1xi32>
          %squeeze3A_498 = vector.extract %slice3A_497[0] : i32 from vector<1xi32>
          %broadcast_in_dim3A_499 = vector.broadcast %squeeze3A_498 : i32 to vector<16xi32>
          %gather3A_500 = tpu.vector_load_idx %arg8[%select_n3A_17, %broadcast_in_dim3A_496] : memref<4x10240xf32, #tpu.memory_space<vmem>>[vector<16xi32>, vector<16xi32>], vector<16xf32>,
          %gather3A_501 = tpu.vector_load_idx %arg7[%select_n3A_17, %broadcast_in_dim3A_499] : memref<4x10240xf32, #tpu.memory_space<vmem>>[vector<16xi32>, vector<16xi32>], vector<16xf32>,
          %max3A_502 = arith.maximumf %gather3A_501, %gather3A_500 : vector<16xf32>
          tpu.vector_store_idx %arg7[%select_n3A_17, %broadcast_in_dim3A_499], %max3A_502 : memref<4x10240xf32, #tpu.memory_space<vmem>>[vector<16xi32>, vector<16xi32>], vector<16xf32>,
          %slice3A_503 = vector.extract_strided_slice %scan3A_111 {offsets = [15], sizes = [1], strides = [1]} : vector<16xi32> to vector<1xi32>
          %squeeze3A_504 = vector.extract %slice3A_503[0] : i32 from vector<1xi32>
          %broadcast_in_dim3A_505 = vector.broadcast %squeeze3A_504 : i32 to vector<16xi32>
          %slice3A_506 = vector.extract_strided_slice %scan3A_112 {offsets = [15], sizes = [1], strides = [1]} : vector<16xi32> to vector<1xi32>
          %squeeze3A_507 = vector.extract %slice3A_506[0] : i32 from vector<1xi32>
          %broadcast_in_dim3A_508 = vector.broadcast %squeeze3A_507 : i32 to vector<16xi32>
          %gather3A_509 = tpu.vector_load_idx %arg8[%select_n3A_17, %broadcast_in_dim3A_505] : memref<4x10240xf32, #tpu.memory_space<vmem>>[vector<16xi32>, vector<16xi32>], vector<16xf32>,
          %gather3A_510 = tpu.vector_load_idx %arg7[%select_n3A_17, %broadcast_in_dim3A_508] : memref<4x10240xf32, #tpu.memory_space<vmem>>[vector<16xi32>, vector<16xi32>], vector<16xf32>,
          %max3A_511 = arith.maximumf %gather3A_510, %gather3A_509 : vector<16xf32>
          tpu.vector_store_idx %arg7[%select_n3A_17, %broadcast_in_dim3A_508], %max3A_511 : memref<4x10240xf32, #tpu.memory_space<vmem>>[vector<16xi32>, vector<16xi32>], vector<16xf32>,
        } else {
        }
        %mul3A_175 = arith.constant 4 : i32
        %mul3A_176 = arith.muli %mul3A_175, %scan3A_110 : i32
        %add3A_177 = arith.constant 1 : i32
        %add3A_178 = arith.addi %mul3A_176, %add3A_177 : i32
        %add3A_179 = arith.constant 1 : i32
        %add3A_180 = arith.addi %add3A_178, %add3A_179 : i32
        %mul3A_181 = arith.constant 16 : i32
        %mul3A_182 = arith.muli %add3A_180, %mul3A_181 : i32
        %get3A_183 = arith.index_cast %mul3A_182 : i32 to index
        %get3A_184 = tpu.vector_load %arg11[%get3A_183] {strides = array<i32>} : memref<6400xi32, #tpu.memory_space<vmem>>, vector<16xi32>,
        %mul3A_185 = arith.constant 16 : i32
        %mul3A_186 = arith.muli %add3A_180, %mul3A_185 : i32
        %get3A_187 = arith.index_cast %mul3A_186 : i32 to index
        %get3A_188 = tpu.vector_load %arg12[%get3A_187] {strides = array<i32>} : memref<6400xi32, #tpu.memory_space<vmem>>, vector<16xi32>,
        %broadcast_in_dim3A_189 = arith.constant true
        %broadcast_in_dim3A_190 = vector.broadcast %broadcast_in_dim3A_189 : i1 to vector<16xi1>
        %unique3A_191, %unique3A_192 = tpu.scan_count mask(%broadcast_in_dim3A_190 : vector<16xi1>) value(%get3A_188 : vector<16xi32>) : vector<16xi1>, vector<16xi32>
        %all_reduce_population_count3A_193 = tpu.all_reduce %unique3A_191 {dim = 0 : i64, kind = #tpu.reduction_kind<sum>} : vector<16xi1> -> vector<16xi32>
        %slice3A_194 = vector.extract_strided_slice %all_reduce_population_count3A_193 {offsets = [0], sizes = [1], strides = [1]} : vector<16xi32> to vector<1xi32>
        %squeeze3A_195 = vector.extract %slice3A_194[0] : i32 from vector<1xi32>
        %eq3A_196 = arith.constant 16 : i32
        %eq3A_197 = arith.cmpi eq, %squeeze3A_195, %eq3A_196 : i32
        %broadcast_in_dim3A_198 = arith.constant 0 : i32
        %broadcast_in_dim3A_199 = vector.broadcast %broadcast_in_dim3A_198 : i32 to vector<16xi32>
        %gather3A_200 = tpu.vector_load_idx %arg8[%broadcast_in_dim3A_199, %get3A_123] : memref<4x10240xf32, #tpu.memory_space<vmem>>[vector<16xi32>, vector<16xi32>], vector<16xf32>,
        %broadcast_in_dim3A_201 = arith.constant 1 : i32
        %broadcast_in_dim3A_202 = vector.broadcast %broadcast_in_dim3A_201 : i32 to vector<16xi32>
        %gather3A_203 = tpu.vector_load_idx %arg8[%broadcast_in_dim3A_202, %get3A_123] : memref<4x10240xf32, #tpu.memory_space<vmem>>[vector<16xi32>, vector<16xi32>], vector<16xf32>,
        %broadcast_in_dim3A_204 = arith.constant 2 : i32
        %broadcast_in_dim3A_205 = vector.broadcast %broadcast_in_dim3A_204 : i32 to vector<16xi32>
        %gather3A_206 = tpu.vector_load_idx %arg8[%broadcast_in_dim3A_205, %get3A_123] : memref<4x10240xf32, #tpu.memory_space<vmem>>[vector<16xi32>, vector<16xi32>], vector<16xf32>,
        %broadcast_in_dim3A_207 = arith.constant 3 : i32
        %broadcast_in_dim3A_208 = vector.broadcast %broadcast_in_dim3A_207 : i32 to vector<16xi32>
        %gather3A_209 = tpu.vector_load_idx %arg8[%broadcast_in_dim3A_208, %get3A_123] : memref<4x10240xf32, #tpu.memory_space<vmem>>[vector<16xi32>, vector<16xi32>], vector<16xf32>,
        %broadcast_in_dim3A_210 = arith.constant 0 : i32
        %broadcast_in_dim3A_211 = vector.broadcast %broadcast_in_dim3A_210 : i32 to vector<16xi32>
        %gather3A_212 = tpu.vector_load_idx %arg7[%broadcast_in_dim3A_211, %get3A_127] : memref<4x10240xf32, #tpu.memory_space<vmem>>[vector<16xi32>, vector<16xi32>], vector<16xf32>,
        %broadcast_in_dim3A_213 = arith.constant 1 : i32
        %broadcast_in_dim3A_214 = vector.broadcast %broadcast_in_dim3A_213 : i32 to vector<16xi32>
        %gather3A_215 = tpu.vector_load_idx %arg7[%broadcast_in_dim3A_214, %get3A_127] : memref<4x10240xf32, #tpu.memory_space<vmem>>[vector<16xi32>, vector<16xi32>], vector<16xf32>,
        %broadcast_in_dim3A_216 = arith.constant 2 : i32
        %broadcast_in_dim3A_217 = vector.broadcast %broadcast_in_dim3A_216 : i32 to vector<16xi32>
        %gather3A_218 = tpu.vector_load_idx %arg7[%broadcast_in_dim3A_217, %get3A_127] : memref<4x10240xf32, #tpu.memory_space<vmem>>[vector<16xi32>, vector<16xi32>], vector<16xf32>,
        %broadcast_in_dim3A_219 = arith.constant 3 : i32
        %broadcast_in_dim3A_220 = vector.broadcast %broadcast_in_dim3A_219 : i32 to vector<16xi32>
        %gather3A_221 = tpu.vector_load_idx %arg7[%broadcast_in_dim3A_220, %get3A_127] : memref<4x10240xf32, #tpu.memory_space<vmem>>[vector<16xi32>, vector<16xi32>], vector<16xf32>,
        %broadcast_in_dim3A_222 = arith.constant 0 : i32
        %broadcast_in_dim3A_223 = vector.broadcast %broadcast_in_dim3A_222 : i32 to vector<16xi32>
        %max3A_224 = arith.maximumf %gather3A_212, %gather3A_200 : vector<16xf32>
        tpu.vector_store_idx %arg7[%broadcast_in_dim3A_223, %get3A_127], %max3A_224 : memref<4x10240xf32, #tpu.memory_space<vmem>>[vector<16xi32>, vector<16xi32>], vector<16xf32>,
        %broadcast_in_dim3A_225 = arith.constant 1 : i32
        %broadcast_in_dim3A_226 = vector.broadcast %broadcast_in_dim3A_225 : i32 to vector<16xi32>
        %max3A_227 = arith.maximumf %gather3A_215, %gather3A_203 : vector<16xf32>
        tpu.vector_store_idx %arg7[%broadcast_in_dim3A_226, %get3A_127], %max3A_227 : memref<4x10240xf32, #tpu.memory_space<vmem>>[vector<16xi32>, vector<16xi32>], vector<16xf32>,
        %broadcast_in_dim3A_228 = arith.constant 2 : i32
        %broadcast_in_dim3A_229 = vector.broadcast %broadcast_in_dim3A_228 : i32 to vector<16xi32>
        %max3A_230 = arith.maximumf %gather3A_218, %gather3A_206 : vector<16xf32>
        tpu.vector_store_idx %arg7[%broadcast_in_dim3A_229, %get3A_127], %max3A_230 : memref<4x10240xf32, #tpu.memory_space<vmem>>[vector<16xi32>, vector<16xi32>], vector<16xf32>,
        %broadcast_in_dim3A_231 = arith.constant 3 : i32
        %broadcast_in_dim3A_232 = vector.broadcast %broadcast_in_dim3A_231 : i32 to vector<16xi32>
        %max3A_233 = arith.maximumf %gather3A_221, %gather3A_209 : vector<16xf32>
        tpu.vector_store_idx %arg7[%broadcast_in_dim3A_232, %get3A_127], %max3A_233 : memref<4x10240xf32, #tpu.memory_space<vmem>>[vector<16xi32>, vector<16xi32>], vector<16xf32>,
        %not3A_234 = arith.constant true
        %not3A_235 = arith.xori %eq3A_136, %not3A_234 : i1
        %convert_element_type3A_236 = arith.extui %not3A_235 : i1 to i32
        %cond3A_237 = arith.constant 0 : i32
        %cond3A_238 = arith.cmpi ne, %convert_element_type3A_236, %cond3A_237 : i32
        scf.if %cond3A_238 {
          %slice3A_368 = vector.extract_strided_slice %get3A_123 {offsets = [0], sizes = [1], strides = [1]} : vector<16xi32> to vector<1xi32>
          %squeeze3A_369 = vector.extract %slice3A_368[0] : i32 from vector<1xi32>
          %broadcast_in_dim3A_370 = vector.broadcast %squeeze3A_369 : i32 to vector<16xi32>
          %slice3A_371 = vector.extract_strided_slice %get3A_127 {offsets = [0], sizes = [1], strides = [1]} : vector<16xi32> to vector<1xi32>
          %squeeze3A_372 = vector.extract %slice3A_371[0] : i32 from vector<1xi32>
          %broadcast_in_dim3A_373 = vector.broadcast %squeeze3A_372 : i32 to vector<16xi32>
          %gather3A_374 = tpu.vector_load_idx %arg8[%select_n3A_17, %broadcast_in_dim3A_370] : memref<4x10240xf32, #tpu.memory_space<vmem>>[vector<16xi32>, vector<16xi32>], vector<16xf32>,
          %gather3A_375 = tpu.vector_load_idx %arg7[%select_n3A_17, %broadcast_in_dim3A_373] : memref<4x10240xf32, #tpu.memory_space<vmem>>[vector<16xi32>, vector<16xi32>], vector<16xf32>,
          %max3A_376 = arith.maximumf %gather3A_375, %gather3A_374 : vector<16xf32>
          tpu.vector_store_idx %arg7[%select_n3A_17, %broadcast_in_dim3A_373], %max3A_376 : memref<4x10240xf32, #tpu.memory_space<vmem>>[vector<16xi32>, vector<16xi32>], vector<16xf32>,
          %slice3A_377 = vector.extract_strided_slice %get3A_123 {offsets = [1], sizes = [1], strides = [1]} : vector<16xi32> to vector<1xi32>
          %squeeze3A_378 = vector.extract %slice3A_377[0] : i32 from vector<1xi32>
          %broadcast_in_dim3A_379 = vector.broadcast %squeeze3A_378 : i32 to vector<16xi32>
          %slice3A_380 = vector.extract_strided_slice %get3A_127 {offsets = [1], sizes = [1], strides = [1]} : vector<16xi32> to vector<1xi32>
          %squeeze3A_381 = vector.extract %slice3A_380[0] : i32 from vector<1xi32>
          %broadcast_in_dim3A_382 = vector.broadcast %squeeze3A_381 : i32 to vector<16xi32>
          %gather3A_383 = tpu.vector_load_idx %arg8[%select_n3A_17, %broadcast_in_dim3A_379] : memref<4x10240xf32, #tpu.memory_space<vmem>>[vector<16xi32>, vector<16xi32>], vector<16xf32>,
          %gather3A_384 = tpu.vector_load_idx %arg7[%select_n3A_17, %broadcast_in_dim3A_382] : memref<4x10240xf32, #tpu.memory_space<vmem>>[vector<16xi32>, vector<16xi32>], vector<16xf32>,
          %max3A_385 = arith.maximumf %gather3A_384, %gather3A_383 : vector<16xf32>
          tpu.vector_store_idx %arg7[%select_n3A_17, %broadcast_in_dim3A_382], %max3A_385 : memref<4x10240xf32, #tpu.memory_space<vmem>>[vector<16xi32>, vector<16xi32>], vector<16xf32>,
          %slice3A_386 = vector.extract_strided_slice %get3A_123 {offsets = [2], sizes = [1], strides = [1]} : vector<16xi32> to vector<1xi32>
          %squeeze3A_387 = vector.extract %slice3A_386[0] : i32 from vector<1xi32>
          %broadcast_in_dim3A_388 = vector.broadcast %squeeze3A_387 : i32 to vector<16xi32>
          %slice3A_389 = vector.extract_strided_slice %get3A_127 {offsets = [2], sizes = [1], strides = [1]} : vector<16xi32> to vector<1xi32>
          %squeeze3A_390 = vector.extract %slice3A_389[0] : i32 from vector<1xi32>
          %broadcast_in_dim3A_391 = vector.broadcast %squeeze3A_390 : i32 to vector<16xi32>
          %gather3A_392 = tpu.vector_load_idx %arg8[%select_n3A_17, %broadcast_in_dim3A_388] : memref<4x10240xf32, #tpu.memory_space<vmem>>[vector<16xi32>, vector<16xi32>], vector<16xf32>,
          %gather3A_393 = tpu.vector_load_idx %arg7[%select_n3A_17, %broadcast_in_dim3A_391] : memref<4x10240xf32, #tpu.memory_space<vmem>>[vector<16xi32>, vector<16xi32>], vector<16xf32>,
          %max3A_394 = arith.maximumf %gather3A_393, %gather3A_392 : vector<16xf32>
          tpu.vector_store_idx %arg7[%select_n3A_17, %broadcast_in_dim3A_391], %max3A_394 : memref<4x10240xf32, #tpu.memory_space<vmem>>[vector<16xi32>, vector<16xi32>], vector<16xf32>,
          %slice3A_395 = vector.extract_strided_slice %get3A_123 {offsets = [3], sizes = [1], strides = [1]} : vector<16xi32> to vector<1xi32>
          %squeeze3A_396 = vector.extract %slice3A_395[0] : i32 from vector<1xi32>
          %broadcast_in_dim3A_397 = vector.broadcast %squeeze3A_396 : i32 to vector<16xi32>
          %slice3A_398 = vector.extract_strided_slice %get3A_127 {offsets = [3], sizes = [1], strides = [1]} : vector<16xi32> to vector<1xi32>
          %squeeze3A_399 = vector.extract %slice3A_398[0] : i32 from vector<1xi32>
          %broadcast_in_dim3A_400 = vector.broadcast %squeeze3A_399 : i32 to vector<16xi32>
          %gather3A_401 = tpu.vector_load_idx %arg8[%select_n3A_17, %broadcast_in_dim3A_397] : memref<4x10240xf32, #tpu.memory_space<vmem>>[vector<16xi32>, vector<16xi32>], vector<16xf32>,
          %gather3A_402 = tpu.vector_load_idx %arg7[%select_n3A_17, %broadcast_in_dim3A_400] : memref<4x10240xf32, #tpu.memory_space<vmem>>[vector<16xi32>, vector<16xi32>], vector<16xf32>,
          %max3A_403 = arith.maximumf %gather3A_402, %gather3A_401 : vector<16xf32>
          tpu.vector_store_idx %arg7[%select_n3A_17, %broadcast_in_dim3A_400], %max3A_403 : memref<4x10240xf32, #tpu.memory_space<vmem>>[vector<16xi32>, vector<16xi32>], vector<16xf32>,
          %slice3A_404 = vector.extract_strided_slice %get3A_123 {offsets = [4], sizes = [1], strides = [1]} : vector<16xi32> to vector<1xi32>
          %squeeze3A_405 = vector.extract %slice3A_404[0] : i32 from vector<1xi32>
          %broadcast_in_dim3A_406 = vector.broadcast %squeeze3A_405 : i32 to vector<16xi32>
          %slice3A_407 = vector.extract_strided_slice %get3A_127 {offsets = [4], sizes = [1], strides = [1]} : vector<16xi32> to vector<1xi32>
          %squeeze3A_408 = vector.extract %slice3A_407[0] : i32 from vector<1xi32>
          %broadcast_in_dim3A_409 = vector.broadcast %squeeze3A_408 : i32 to vector<16xi32>
          %gather3A_410 = tpu.vector_load_idx %arg8[%select_n3A_17, %broadcast_in_dim3A_406] : memref<4x10240xf32, #tpu.memory_space<vmem>>[vector<16xi32>, vector<16xi32>], vector<16xf32>,
          %gather3A_411 = tpu.vector_load_idx %arg7[%select_n3A_17, %broadcast_in_dim3A_409] : memref<4x10240xf32, #tpu.memory_space<vmem>>[vector<16xi32>, vector<16xi32>], vector<16xf32>,
          %max3A_412 = arith.maximumf %gather3A_411, %gather3A_410 : vector<16xf32>
          tpu.vector_store_idx %arg7[%select_n3A_17, %broadcast_in_dim3A_409], %max3A_412 : memref<4x10240xf32, #tpu.memory_space<vmem>>[vector<16xi32>, vector<16xi32>], vector<16xf32>,
          %slice3A_413 = vector.extract_strided_slice %get3A_123 {offsets = [5], sizes = [1], strides = [1]} : vector<16xi32> to vector<1xi32>
          %squeeze3A_414 = vector.extract %slice3A_413[0] : i32 from vector<1xi32>
          %broadcast_in_dim3A_415 = vector.broadcast %squeeze3A_414 : i32 to vector<16xi32>
          %slice3A_416 = vector.extract_strided_slice %get3A_127 {offsets = [5], sizes = [1], strides = [1]} : vector<16xi32> to vector<1xi32>
          %squeeze3A_417 = vector.extract %slice3A_416[0] : i32 from vector<1xi32>
          %broadcast_in_dim3A_418 = vector.broadcast %squeeze3A_417 : i32 to vector<16xi32>
          %gather3A_419 = tpu.vector_load_idx %arg8[%select_n3A_17, %broadcast_in_dim3A_415] : memref<4x10240xf32, #tpu.memory_space<vmem>>[vector<16xi32>, vector<16xi32>], vector<16xf32>,
          %gather3A_420 = tpu.vector_load_idx %arg7[%select_n3A_17, %broadcast_in_dim3A_418] : memref<4x10240xf32, #tpu.memory_space<vmem>>[vector<16xi32>, vector<16xi32>], vector<16xf32>,
          %max3A_421 = arith.maximumf %gather3A_420, %gather3A_419 : vector<16xf32>
          tpu.vector_store_idx %arg7[%select_n3A_17, %broadcast_in_dim3A_418], %max3A_421 : memref<4x10240xf32, #tpu.memory_space<vmem>>[vector<16xi32>, vector<16xi32>], vector<16xf32>,
          %slice3A_422 = vector.extract_strided_slice %get3A_123 {offsets = [6], sizes = [1], strides = [1]} : vector<16xi32> to vector<1xi32>
          %squeeze3A_423 = vector.extract %slice3A_422[0] : i32 from vector<1xi32>
          %broadcast_in_dim3A_424 = vector.broadcast %squeeze3A_423 : i32 to vector<16xi32>
          %slice3A_425 = vector.extract_strided_slice %get3A_127 {offsets = [6], sizes = [1], strides = [1]} : vector<16xi32> to vector<1xi32>
          %squeeze3A_426 = vector.extract %slice3A_425[0] : i32 from vector<1xi32>
          %broadcast_in_dim3A_427 = vector.broadcast %squeeze3A_426 : i32 to vector<16xi32>
          %gather3A_428 = tpu.vector_load_idx %arg8[%select_n3A_17, %broadcast_in_dim3A_424] : memref<4x10240xf32, #tpu.memory_space<vmem>>[vector<16xi32>, vector<16xi32>], vector<16xf32>,
          %gather3A_429 = tpu.vector_load_idx %arg7[%select_n3A_17, %broadcast_in_dim3A_427] : memref<4x10240xf32, #tpu.memory_space<vmem>>[vector<16xi32>, vector<16xi32>], vector<16xf32>,
          %max3A_430 = arith.maximumf %gather3A_429, %gather3A_428 : vector<16xf32>
          tpu.vector_store_idx %arg7[%select_n3A_17, %broadcast_in_dim3A_427], %max3A_430 : memref<4x10240xf32, #tpu.memory_space<vmem>>[vector<16xi32>, vector<16xi32>], vector<16xf32>,
          %slice3A_431 = vector.extract_strided_slice %get3A_123 {offsets = [7], sizes = [1], strides = [1]} : vector<16xi32> to vector<1xi32>
          %squeeze3A_432 = vector.extract %slice3A_431[0] : i32 from vector<1xi32>
          %broadcast_in_dim3A_433 = vector.broadcast %squeeze3A_432 : i32 to vector<16xi32>
          %slice3A_434 = vector.extract_strided_slice %get3A_127 {offsets = [7], sizes = [1], strides = [1]} : vector<16xi32> to vector<1xi32>
          %squeeze3A_435 = vector.extract %slice3A_434[0] : i32 from vector<1xi32>
          %broadcast_in_dim3A_436 = vector.broadcast %squeeze3A_435 : i32 to vector<16xi32>
          %gather3A_437 = tpu.vector_load_idx %arg8[%select_n3A_17, %broadcast_in_dim3A_433] : memref<4x10240xf32, #tpu.memory_space<vmem>>[vector<16xi32>, vector<16xi32>], vector<16xf32>,
          %gather3A_438 = tpu.vector_load_idx %arg7[%select_n3A_17, %broadcast_in_dim3A_436] : memref<4x10240xf32, #tpu.memory_space<vmem>>[vector<16xi32>, vector<16xi32>], vector<16xf32>,
          %max3A_439 = arith.maximumf %gather3A_438, %gather3A_437 : vector<16xf32>
          tpu.vector_store_idx %arg7[%select_n3A_17, %broadcast_in_dim3A_436], %max3A_439 : memref<4x10240xf32, #tpu.memory_space<vmem>>[vector<16xi32>, vector<16xi32>], vector<16xf32>,
          %slice3A_440 = vector.extract_strided_slice %get3A_123 {offsets = [8], sizes = [1], strides = [1]} : vector<16xi32> to vector<1xi32>
          %squeeze3A_441 = vector.extract %slice3A_440[0] : i32 from vector<1xi32>
          %broadcast_in_dim3A_442 = vector.broadcast %squeeze3A_441 : i32 to vector<16xi32>
          %slice3A_443 = vector.extract_strided_slice %get3A_127 {offsets = [8], sizes = [1], strides = [1]} : vector<16xi32> to vector<1xi32>
          %squeeze3A_444 = vector.extract %slice3A_443[0] : i32 from vector<1xi32>
          %broadcast_in_dim3A_445 = vector.broadcast %squeeze3A_444 : i32 to vector<16xi32>
          %gather3A_446 = tpu.vector_load_idx %arg8[%select_n3A_17, %broadcast_in_dim3A_442] : memref<4x10240xf32, #tpu.memory_space<vmem>>[vector<16xi32>, vector<16xi32>], vector<16xf32>,
          %gather3A_447 = tpu.vector_load_idx %arg7[%select_n3A_17, %broadcast_in_dim3A_445] : memref<4x10240xf32, #tpu.memory_space<vmem>>[vector<16xi32>, vector<16xi32>], vector<16xf32>,
          %max3A_448 = arith.maximumf %gather3A_447, %gather3A_446 : vector<16xf32>
          tpu.vector_store_idx %arg7[%select_n3A_17, %broadcast_in_dim3A_445], %max3A_448 : memref<4x10240xf32, #tpu.memory_space<vmem>>[vector<16xi32>, vector<16xi32>], vector<16xf32>,
          %slice3A_449 = vector.extract_strided_slice %get3A_123 {offsets = [9], sizes = [1], strides = [1]} : vector<16xi32> to vector<1xi32>
          %squeeze3A_450 = vector.extract %slice3A_449[0] : i32 from vector<1xi32>
          %broadcast_in_dim3A_451 = vector.broadcast %squeeze3A_450 : i32 to vector<16xi32>
          %slice3A_452 = vector.extract_strided_slice %get3A_127 {offsets = [9], sizes = [1], strides = [1]} : vector<16xi32> to vector<1xi32>
          %squeeze3A_453 = vector.extract %slice3A_452[0] : i32 from vector<1xi32>
          %broadcast_in_dim3A_454 = vector.broadcast %squeeze3A_453 : i32 to vector<16xi32>
          %gather3A_455 = tpu.vector_load_idx %arg8[%select_n3A_17, %broadcast_in_dim3A_451] : memref<4x10240xf32, #tpu.memory_space<vmem>>[vector<16xi32>, vector<16xi32>], vector<16xf32>,
          %gather3A_456 = tpu.vector_load_idx %arg7[%select_n3A_17, %broadcast_in_dim3A_454] : memref<4x10240xf32, #tpu.memory_space<vmem>>[vector<16xi32>, vector<16xi32>], vector<16xf32>,
          %max3A_457 = arith.maximumf %gather3A_456, %gather3A_455 : vector<16xf32>
          tpu.vector_store_idx %arg7[%select_n3A_17, %broadcast_in_dim3A_454], %max3A_457 : memref<4x10240xf32, #tpu.memory_space<vmem>>[vector<16xi32>, vector<16xi32>], vector<16xf32>,
          %slice3A_458 = vector.extract_strided_slice %get3A_123 {offsets = [10], sizes = [1], strides = [1]} : vector<16xi32> to vector<1xi32>
          %squeeze3A_459 = vector.extract %slice3A_458[0] : i32 from vector<1xi32>
          %broadcast_in_dim3A_460 = vector.broadcast %squeeze3A_459 : i32 to vector<16xi32>
          %slice3A_461 = vector.extract_strided_slice %get3A_127 {offsets = [10], sizes = [1], strides = [1]} : vector<16xi32> to vector<1xi32>
          %squeeze3A_462 = vector.extract %slice3A_461[0] : i32 from vector<1xi32>
          %broadcast_in_dim3A_463 = vector.broadcast %squeeze3A_462 : i32 to vector<16xi32>
          %gather3A_464 = tpu.vector_load_idx %arg8[%select_n3A_17, %broadcast_in_dim3A_460] : memref<4x10240xf32, #tpu.memory_space<vmem>>[vector<16xi32>, vector<16xi32>], vector<16xf32>,
          %gather3A_465 = tpu.vector_load_idx %arg7[%select_n3A_17, %broadcast_in_dim3A_463] : memref<4x10240xf32, #tpu.memory_space<vmem>>[vector<16xi32>, vector<16xi32>], vector<16xf32>,
          %max3A_466 = arith.maximumf %gather3A_465, %gather3A_464 : vector<16xf32>
          tpu.vector_store_idx %arg7[%select_n3A_17, %broadcast_in_dim3A_463], %max3A_466 : memref<4x10240xf32, #tpu.memory_space<vmem>>[vector<16xi32>, vector<16xi32>], vector<16xf32>,
          %slice3A_467 = vector.extract_strided_slice %get3A_123 {offsets = [11], sizes = [1], strides = [1]} : vector<16xi32> to vector<1xi32>
          %squeeze3A_468 = vector.extract %slice3A_467[0] : i32 from vector<1xi32>
          %broadcast_in_dim3A_469 = vector.broadcast %squeeze3A_468 : i32 to vector<16xi32>
          %slice3A_470 = vector.extract_strided_slice %get3A_127 {offsets = [11], sizes = [1], strides = [1]} : vector<16xi32> to vector<1xi32>
          %squeeze3A_471 = vector.extract %slice3A_470[0] : i32 from vector<1xi32>
          %broadcast_in_dim3A_472 = vector.broadcast %squeeze3A_471 : i32 to vector<16xi32>
          %gather3A_473 = tpu.vector_load_idx %arg8[%select_n3A_17, %broadcast_in_dim3A_469] : memref<4x10240xf32, #tpu.memory_space<vmem>>[vector<16xi32>, vector<16xi32>], vector<16xf32>,
          %gather3A_474 = tpu.vector_load_idx %arg7[%select_n3A_17, %broadcast_in_dim3A_472] : memref<4x10240xf32, #tpu.memory_space<vmem>>[vector<16xi32>, vector<16xi32>], vector<16xf32>,
          %max3A_475 = arith.maximumf %gather3A_474, %gather3A_473 : vector<16xf32>
          tpu.vector_store_idx %arg7[%select_n3A_17, %broadcast_in_dim3A_472], %max3A_475 : memref<4x10240xf32, #tpu.memory_space<vmem>>[vector<16xi32>, vector<16xi32>], vector<16xf32>,
          %slice3A_476 = vector.extract_strided_slice %get3A_123 {offsets = [12], sizes = [1], strides = [1]} : vector<16xi32> to vector<1xi32>
          %squeeze3A_477 = vector.extract %slice3A_476[0] : i32 from vector<1xi32>
          %broadcast_in_dim3A_478 = vector.broadcast %squeeze3A_477 : i32 to vector<16xi32>
          %slice3A_479 = vector.extract_strided_slice %get3A_127 {offsets = [12], sizes = [1], strides = [1]} : vector<16xi32> to vector<1xi32>
          %squeeze3A_480 = vector.extract %slice3A_479[0] : i32 from vector<1xi32>
          %broadcast_in_dim3A_481 = vector.broadcast %squeeze3A_480 : i32 to vector<16xi32>
          %gather3A_482 = tpu.vector_load_idx %arg8[%select_n3A_17, %broadcast_in_dim3A_478] : memref<4x10240xf32, #tpu.memory_space<vmem>>[vector<16xi32>, vector<16xi32>], vector<16xf32>,
          %gather3A_483 = tpu.vector_load_idx %arg7[%select_n3A_17, %broadcast_in_dim3A_481] : memref<4x10240xf32, #tpu.memory_space<vmem>>[vector<16xi32>, vector<16xi32>], vector<16xf32>,
          %max3A_484 = arith.maximumf %gather3A_483, %gather3A_482 : vector<16xf32>
          tpu.vector_store_idx %arg7[%select_n3A_17, %broadcast_in_dim3A_481], %max3A_484 : memref<4x10240xf32, #tpu.memory_space<vmem>>[vector<16xi32>, vector<16xi32>], vector<16xf32>,
          %slice3A_485 = vector.extract_strided_slice %get3A_123 {offsets = [13], sizes = [1], strides = [1]} : vector<16xi32> to vector<1xi32>
          %squeeze3A_486 = vector.extract %slice3A_485[0] : i32 from vector<1xi32>
          %broadcast_in_dim3A_487 = vector.broadcast %squeeze3A_486 : i32 to vector<16xi32>
          %slice3A_488 = vector.extract_strided_slice %get3A_127 {offsets = [13], sizes = [1], strides = [1]} : vector<16xi32> to vector<1xi32>
          %squeeze3A_489 = vector.extract %slice3A_488[0] : i32 from vector<1xi32>
          %broadcast_in_dim3A_490 = vector.broadcast %squeeze3A_489 : i32 to vector<16xi32>
          %gather3A_491 = tpu.vector_load_idx %arg8[%select_n3A_17, %broadcast_in_dim3A_487] : memref<4x10240xf32, #tpu.memory_space<vmem>>[vector<16xi32>, vector<16xi32>], vector<16xf32>,
          %gather3A_492 = tpu.vector_load_idx %arg7[%select_n3A_17, %broadcast_in_dim3A_490] : memref<4x10240xf32, #tpu.memory_space<vmem>>[vector<16xi32>, vector<16xi32>], vector<16xf32>,
          %max3A_493 = arith.maximumf %gather3A_492, %gather3A_491 : vector<16xf32>
          tpu.vector_store_idx %arg7[%select_n3A_17, %broadcast_in_dim3A_490], %max3A_493 : memref<4x10240xf32, #tpu.memory_space<vmem>>[vector<16xi32>, vector<16xi32>], vector<16xf32>,
          %slice3A_494 = vector.extract_strided_slice %get3A_123 {offsets = [14], sizes = [1], strides = [1]} : vector<16xi32> to vector<1xi32>
          %squeeze3A_495 = vector.extract %slice3A_494[0] : i32 from vector<1xi32>
          %broadcast_in_dim3A_496 = vector.broadcast %squeeze3A_495 : i32 to vector<16xi32>
          %slice3A_497 = vector.extract_strided_slice %get3A_127 {offsets = [14], sizes = [1], strides = [1]} : vector<16xi32> to vector<1xi32>
          %squeeze3A_498 = vector.extract %slice3A_497[0] : i32 from vector<1xi32>
          %broadcast_in_dim3A_499 = vector.broadcast %squeeze3A_498 : i32 to vector<16xi32>
          %gather3A_500 = tpu.vector_load_idx %arg8[%select_n3A_17, %broadcast_in_dim3A_496] : memref<4x10240xf32, #tpu.memory_space<vmem>>[vector<16xi32>, vector<16xi32>], vector<16xf32>,
          %gather3A_501 = tpu.vector_load_idx %arg7[%select_n3A_17, %broadcast_in_dim3A_499] : memref<4x10240xf32, #tpu.memory_space<vmem>>[vector<16xi32>, vector<16xi32>], vector<16xf32>,
          %max3A_502 = arith.maximumf %gather3A_501, %gather3A_500 : vector<16xf32>
          tpu.vector_store_idx %arg7[%select_n3A_17, %broadcast_in_dim3A_499], %max3A_502 : memref<4x10240xf32, #tpu.memory_space<vmem>>[vector<16xi32>, vector<16xi32>], vector<16xf32>,
          %slice3A_503 = vector.extract_strided_slice %get3A_123 {offsets = [15], sizes = [1], strides = [1]} : vector<16xi32> to vector<1xi32>
          %squeeze3A_504 = vector.extract %slice3A_503[0] : i32 from vector<1xi32>
          %broadcast_in_dim3A_505 = vector.broadcast %squeeze3A_504 : i32 to vector<16xi32>
          %slice3A_506 = vector.extract_strided_slice %get3A_127 {offsets = [15], sizes = [1], strides = [1]} : vector<16xi32> to vector<1xi32>
          %squeeze3A_507 = vector.extract %slice3A_506[0] : i32 from vector<1xi32>
          %broadcast_in_dim3A_508 = vector.broadcast %squeeze3A_507 : i32 to vector<16xi32>
          %gather3A_509 = tpu.vector_load_idx %arg8[%select_n3A_17, %broadcast_in_dim3A_505] : memref<4x10240xf32, #tpu.memory_space<vmem>>[vector<16xi32>, vector<16xi32>], vector<16xf32>,
          %gather3A_510 = tpu.vector_load_idx %arg7[%select_n3A_17, %broadcast_in_dim3A_508] : memref<4x10240xf32, #tpu.memory_space<vmem>>[vector<16xi32>, vector<16xi32>], vector<16xf32>,
          %max3A_511 = arith.maximumf %gather3A_510, %gather3A_509 : vector<16xf32>
          tpu.vector_store_idx %arg7[%select_n3A_17, %broadcast_in_dim3A_508], %max3A_511 : memref<4x10240xf32, #tpu.memory_space<vmem>>[vector<16xi32>, vector<16xi32>], vector<16xf32>,
        } else {
        }
        %mul3A_239 = arith.constant 4 : i32
        %mul3A_240 = arith.muli %mul3A_239, %scan3A_110 : i32
        %add3A_241 = arith.constant 2 : i32
        %add3A_242 = arith.addi %mul3A_240, %add3A_241 : i32
        %add3A_243 = arith.constant 1 : i32
        %add3A_244 = arith.addi %add3A_242, %add3A_243 : i32
        %mul3A_245 = arith.constant 16 : i32
        %mul3A_246 = arith.muli %add3A_244, %mul3A_245 : i32
        %get3A_247 = arith.index_cast %mul3A_246 : i32 to index
        %get3A_248 = tpu.vector_load %arg11[%get3A_247] {strides = array<i32>} : memref<6400xi32, #tpu.memory_space<vmem>>, vector<16xi32>,
        %mul3A_249 = arith.constant 16 : i32
        %mul3A_250 = arith.muli %add3A_244, %mul3A_249 : i32
        %get3A_251 = arith.index_cast %mul3A_250 : i32 to index
        %get3A_252 = tpu.vector_load %arg12[%get3A_251] {strides = array<i32>} : memref<6400xi32, #tpu.memory_space<vmem>>, vector<16xi32>,
        %broadcast_in_dim3A_253 = arith.constant true
        %broadcast_in_dim3A_254 = vector.broadcast %broadcast_in_dim3A_253 : i1 to vector<16xi1>
        %unique3A_255, %unique3A_256 = tpu.scan_count mask(%broadcast_in_dim3A_254 : vector<16xi1>) value(%get3A_252 : vector<16xi32>) : vector<16xi1>, vector<16xi32>
        %all_reduce_population_count3A_257 = tpu.all_reduce %unique3A_255 {dim = 0 : i64, kind = #tpu.reduction_kind<sum>} : vector<16xi1> -> vector<16xi32>
        %slice3A_258 = vector.extract_strided_slice %all_reduce_population_count3A_257 {offsets = [0], sizes = [1], strides = [1]} : vector<16xi32> to vector<1xi32>
        %squeeze3A_259 = vector.extract %slice3A_258[0] : i32 from vector<1xi32>
        %eq3A_260 = arith.constant 16 : i32
        %eq3A_261 = arith.cmpi eq, %squeeze3A_259, %eq3A_260 : i32
        %broadcast_in_dim3A_262 = arith.constant 0 : i32
        %broadcast_in_dim3A_263 = vector.broadcast %broadcast_in_dim3A_262 : i32 to vector<16xi32>
        %gather3A_264 = tpu.vector_load_idx %arg8[%broadcast_in_dim3A_263, %get3A_184] : memref<4x10240xf32, #tpu.memory_space<vmem>>[vector<16xi32>, vector<16xi32>], vector<16xf32>,
        %broadcast_in_dim3A_265 = arith.constant 1 : i32
        %broadcast_in_dim3A_266 = vector.broadcast %broadcast_in_dim3A_265 : i32 to vector<16xi32>
        %gather3A_267 = tpu.vector_load_idx %arg8[%broadcast_in_dim3A_266, %get3A_184] : memref<4x10240xf32, #tpu.memory_space<vmem>>[vector<16xi32>, vector<16xi32>], vector<16xf32>,
        %broadcast_in_dim3A_268 = arith.constant 2 : i32
        %broadcast_in_dim3A_269 = vector.broadcast %broadcast_in_dim3A_268 : i32 to vector<16xi32>
        %gather3A_270 = tpu.vector_load_idx %arg8[%broadcast_in_dim3A_269, %get3A_184] : memref<4x10240xf32, #tpu.memory_space<vmem>>[vector<16xi32>, vector<16xi32>], vector<16xf32>,
        %broadcast_in_dim3A_271 = arith.constant 3 : i32
        %broadcast_in_dim3A_272 = vector.broadcast %broadcast_in_dim3A_271 : i32 to vector<16xi32>
        %gather3A_273 = tpu.vector_load_idx %arg8[%broadcast_in_dim3A_272, %get3A_184] : memref<4x10240xf32, #tpu.memory_space<vmem>>[vector<16xi32>, vector<16xi32>], vector<16xf32>,
        %broadcast_in_dim3A_274 = arith.constant 0 : i32
        %broadcast_in_dim3A_275 = vector.broadcast %broadcast_in_dim3A_274 : i32 to vector<16xi32>
        %gather3A_276 = tpu.vector_load_idx %arg7[%broadcast_in_dim3A_275, %get3A_188] : memref<4x10240xf32, #tpu.memory_space<vmem>>[vector<16xi32>, vector<16xi32>], vector<16xf32>,
        %broadcast_in_dim3A_277 = arith.constant 1 : i32
        %broadcast_in_dim3A_278 = vector.broadcast %broadcast_in_dim3A_277 : i32 to vector<16xi32>
        %gather3A_279 = tpu.vector_load_idx %arg7[%broadcast_in_dim3A_278, %get3A_188] : memref<4x10240xf32, #tpu.memory_space<vmem>>[vector<16xi32>, vector<16xi32>], vector<16xf32>,
        %broadcast_in_dim3A_280 = arith.constant 2 : i32
        %broadcast_in_dim3A_281 = vector.broadcast %broadcast_in_dim3A_280 : i32 to vector<16xi32>
        %gather3A_282 = tpu.vector_load_idx %arg7[%broadcast_in_dim3A_281, %get3A_188] : memref<4x10240xf32, #tpu.memory_space<vmem>>[vector<16xi32>, vector<16xi32>], vector<16xf32>,
        %broadcast_in_dim3A_283 = arith.constant 3 : i32
        %broadcast_in_dim3A_284 = vector.broadcast %broadcast_in_dim3A_283 : i32 to vector<16xi32>
        %gather3A_285 = tpu.vector_load_idx %arg7[%broadcast_in_dim3A_284, %get3A_188] : memref<4x10240xf32, #tpu.memory_space<vmem>>[vector<16xi32>, vector<16xi32>], vector<16xf32>,
        %broadcast_in_dim3A_286 = arith.constant 0 : i32
        %broadcast_in_dim3A_287 = vector.broadcast %broadcast_in_dim3A_286 : i32 to vector<16xi32>
        %max3A_288 = arith.maximumf %gather3A_276, %gather3A_264 : vector<16xf32>
        tpu.vector_store_idx %arg7[%broadcast_in_dim3A_287, %get3A_188], %max3A_288 : memref<4x10240xf32, #tpu.memory_space<vmem>>[vector<16xi32>, vector<16xi32>], vector<16xf32>,
        %broadcast_in_dim3A_289 = arith.constant 1 : i32
        %broadcast_in_dim3A_290 = vector.broadcast %broadcast_in_dim3A_289 : i32 to vector<16xi32>
        %max3A_291 = arith.maximumf %gather3A_279, %gather3A_267 : vector<16xf32>
        tpu.vector_store_idx %arg7[%broadcast_in_dim3A_290, %get3A_188], %max3A_291 : memref<4x10240xf32, #tpu.memory_space<vmem>>[vector<16xi32>, vector<16xi32>], vector<16xf32>,
        %broadcast_in_dim3A_292 = arith.constant 2 : i32
        %broadcast_in_dim3A_293 = vector.broadcast %broadcast_in_dim3A_292 : i32 to vector<16xi32>
        %max3A_294 = arith.maximumf %gather3A_282, %gather3A_270 : vector<16xf32>
        tpu.vector_store_idx %arg7[%broadcast_in_dim3A_293, %get3A_188], %max3A_294 : memref<4x10240xf32, #tpu.memory_space<vmem>>[vector<16xi32>, vector<16xi32>], vector<16xf32>,
        %broadcast_in_dim3A_295 = arith.constant 3 : i32
        %broadcast_in_dim3A_296 = vector.broadcast %broadcast_in_dim3A_295 : i32 to vector<16xi32>
        %max3A_297 = arith.maximumf %gather3A_285, %gather3A_273 : vector<16xf32>
        tpu.vector_store_idx %arg7[%broadcast_in_dim3A_296, %get3A_188], %max3A_297 : memref<4x10240xf32, #tpu.memory_space<vmem>>[vector<16xi32>, vector<16xi32>], vector<16xf32>,
        %not3A_298 = arith.constant true
        %not3A_299 = arith.xori %eq3A_197, %not3A_298 : i1
        %convert_element_type3A_300 = arith.extui %not3A_299 : i1 to i32
        %cond3A_301 = arith.constant 0 : i32
        %cond3A_302 = arith.cmpi ne, %convert_element_type3A_300, %cond3A_301 : i32
        scf.if %cond3A_302 {
          %slice3A_368 = vector.extract_strided_slice %get3A_184 {offsets = [0], sizes = [1], strides = [1]} : vector<16xi32> to vector<1xi32>
          %squeeze3A_369 = vector.extract %slice3A_368[0] : i32 from vector<1xi32>
          %broadcast_in_dim3A_370 = vector.broadcast %squeeze3A_369 : i32 to vector<16xi32>
          %slice3A_371 = vector.extract_strided_slice %get3A_188 {offsets = [0], sizes = [1], strides = [1]} : vector<16xi32> to vector<1xi32>
          %squeeze3A_372 = vector.extract %slice3A_371[0] : i32 from vector<1xi32>
          %broadcast_in_dim3A_373 = vector.broadcast %squeeze3A_372 : i32 to vector<16xi32>
          %gather3A_374 = tpu.vector_load_idx %arg8[%select_n3A_17, %broadcast_in_dim3A_370] : memref<4x10240xf32, #tpu.memory_space<vmem>>[vector<16xi32>, vector<16xi32>], vector<16xf32>,
          %gather3A_375 = tpu.vector_load_idx %arg7[%select_n3A_17, %broadcast_in_dim3A_373] : memref<4x10240xf32, #tpu.memory_space<vmem>>[vector<16xi32>, vector<16xi32>], vector<16xf32>,
          %max3A_376 = arith.maximumf %gather3A_375, %gather3A_374 : vector<16xf32>
          tpu.vector_store_idx %arg7[%select_n3A_17, %broadcast_in_dim3A_373], %max3A_376 : memref<4x10240xf32, #tpu.memory_space<vmem>>[vector<16xi32>, vector<16xi32>], vector<16xf32>,
          %slice3A_377 = vector.extract_strided_slice %get3A_184 {offsets = [1], sizes = [1], strides = [1]} : vector<16xi32> to vector<1xi32>
          %squeeze3A_378 = vector.extract %slice3A_377[0] : i32 from vector<1xi32>
          %broadcast_in_dim3A_379 = vector.broadcast %squeeze3A_378 : i32 to vector<16xi32>
          %slice3A_380 = vector.extract_strided_slice %get3A_188 {offsets = [1], sizes = [1], strides = [1]} : vector<16xi32> to vector<1xi32>
          %squeeze3A_381 = vector.extract %slice3A_380[0] : i32 from vector<1xi32>
          %broadcast_in_dim3A_382 = vector.broadcast %squeeze3A_381 : i32 to vector<16xi32>
          %gather3A_383 = tpu.vector_load_idx %arg8[%select_n3A_17, %broadcast_in_dim3A_379] : memref<4x10240xf32, #tpu.memory_space<vmem>>[vector<16xi32>, vector<16xi32>], vector<16xf32>,
          %gather3A_384 = tpu.vector_load_idx %arg7[%select_n3A_17, %broadcast_in_dim3A_382] : memref<4x10240xf32, #tpu.memory_space<vmem>>[vector<16xi32>, vector<16xi32>], vector<16xf32>,
          %max3A_385 = arith.maximumf %gather3A_384, %gather3A_383 : vector<16xf32>
          tpu.vector_store_idx %arg7[%select_n3A_17, %broadcast_in_dim3A_382], %max3A_385 : memref<4x10240xf32, #tpu.memory_space<vmem>>[vector<16xi32>, vector<16xi32>], vector<16xf32>,
          %slice3A_386 = vector.extract_strided_slice %get3A_184 {offsets = [2], sizes = [1], strides = [1]} : vector<16xi32> to vector<1xi32>
          %squeeze3A_387 = vector.extract %slice3A_386[0] : i32 from vector<1xi32>
          %broadcast_in_dim3A_388 = vector.broadcast %squeeze3A_387 : i32 to vector<16xi32>
          %slice3A_389 = vector.extract_strided_slice %get3A_188 {offsets = [2], sizes = [1], strides = [1]} : vector<16xi32> to vector<1xi32>
          %squeeze3A_390 = vector.extract %slice3A_389[0] : i32 from vector<1xi32>
          %broadcast_in_dim3A_391 = vector.broadcast %squeeze3A_390 : i32 to vector<16xi32>
          %gather3A_392 = tpu.vector_load_idx %arg8[%select_n3A_17, %broadcast_in_dim3A_388] : memref<4x10240xf32, #tpu.memory_space<vmem>>[vector<16xi32>, vector<16xi32>], vector<16xf32>,
          %gather3A_393 = tpu.vector_load_idx %arg7[%select_n3A_17, %broadcast_in_dim3A_391] : memref<4x10240xf32, #tpu.memory_space<vmem>>[vector<16xi32>, vector<16xi32>], vector<16xf32>,
          %max3A_394 = arith.maximumf %gather3A_393, %gather3A_392 : vector<16xf32>
          tpu.vector_store_idx %arg7[%select_n3A_17, %broadcast_in_dim3A_391], %max3A_394 : memref<4x10240xf32, #tpu.memory_space<vmem>>[vector<16xi32>, vector<16xi32>], vector<16xf32>,
          %slice3A_395 = vector.extract_strided_slice %get3A_184 {offsets = [3], sizes = [1], strides = [1]} : vector<16xi32> to vector<1xi32>
          %squeeze3A_396 = vector.extract %slice3A_395[0] : i32 from vector<1xi32>
          %broadcast_in_dim3A_397 = vector.broadcast %squeeze3A_396 : i32 to vector<16xi32>
          %slice3A_398 = vector.extract_strided_slice %get3A_188 {offsets = [3], sizes = [1], strides = [1]} : vector<16xi32> to vector<1xi32>
          %squeeze3A_399 = vector.extract %slice3A_398[0] : i32 from vector<1xi32>
          %broadcast_in_dim3A_400 = vector.broadcast %squeeze3A_399 : i32 to vector<16xi32>
          %gather3A_401 = tpu.vector_load_idx %arg8[%select_n3A_17, %broadcast_in_dim3A_397] : memref<4x10240xf32, #tpu.memory_space<vmem>>[vector<16xi32>, vector<16xi32>], vector<16xf32>,
          %gather3A_402 = tpu.vector_load_idx %arg7[%select_n3A_17, %broadcast_in_dim3A_400] : memref<4x10240xf32, #tpu.memory_space<vmem>>[vector<16xi32>, vector<16xi32>], vector<16xf32>,
          %max3A_403 = arith.maximumf %gather3A_402, %gather3A_401 : vector<16xf32>
          tpu.vector_store_idx %arg7[%select_n3A_17, %broadcast_in_dim3A_400], %max3A_403 : memref<4x10240xf32, #tpu.memory_space<vmem>>[vector<16xi32>, vector<16xi32>], vector<16xf32>,
          %slice3A_404 = vector.extract_strided_slice %get3A_184 {offsets = [4], sizes = [1], strides = [1]} : vector<16xi32> to vector<1xi32>
          %squeeze3A_405 = vector.extract %slice3A_404[0] : i32 from vector<1xi32>
          %broadcast_in_dim3A_406 = vector.broadcast %squeeze3A_405 : i32 to vector<16xi32>
          %slice3A_407 = vector.extract_strided_slice %get3A_188 {offsets = [4], sizes = [1], strides = [1]} : vector<16xi32> to vector<1xi32>
          %squeeze3A_408 = vector.extract %slice3A_407[0] : i32 from vector<1xi32>
          %broadcast_in_dim3A_409 = vector.broadcast %squeeze3A_408 : i32 to vector<16xi32>
          %gather3A_410 = tpu.vector_load_idx %arg8[%select_n3A_17, %broadcast_in_dim3A_406] : memref<4x10240xf32, #tpu.memory_space<vmem>>[vector<16xi32>, vector<16xi32>], vector<16xf32>,
          %gather3A_411 = tpu.vector_load_idx %arg7[%select_n3A_17, %broadcast_in_dim3A_409] : memref<4x10240xf32, #tpu.memory_space<vmem>>[vector<16xi32>, vector<16xi32>], vector<16xf32>,
          %max3A_412 = arith.maximumf %gather3A_411, %gather3A_410 : vector<16xf32>
          tpu.vector_store_idx %arg7[%select_n3A_17, %broadcast_in_dim3A_409], %max3A_412 : memref<4x10240xf32, #tpu.memory_space<vmem>>[vector<16xi32>, vector<16xi32>], vector<16xf32>,
          %slice3A_413 = vector.extract_strided_slice %get3A_184 {offsets = [5], sizes = [1], strides = [1]} : vector<16xi32> to vector<1xi32>
          %squeeze3A_414 = vector.extract %slice3A_413[0] : i32 from vector<1xi32>
          %broadcast_in_dim3A_415 = vector.broadcast %squeeze3A_414 : i32 to vector<16xi32>
          %slice3A_416 = vector.extract_strided_slice %get3A_188 {offsets = [5], sizes = [1], strides = [1]} : vector<16xi32> to vector<1xi32>
          %squeeze3A_417 = vector.extract %slice3A_416[0] : i32 from vector<1xi32>
          %broadcast_in_dim3A_418 = vector.broadcast %squeeze3A_417 : i32 to vector<16xi32>
          %gather3A_419 = tpu.vector_load_idx %arg8[%select_n3A_17, %broadcast_in_dim3A_415] : memref<4x10240xf32, #tpu.memory_space<vmem>>[vector<16xi32>, vector<16xi32>], vector<16xf32>,
          %gather3A_420 = tpu.vector_load_idx %arg7[%select_n3A_17, %broadcast_in_dim3A_418] : memref<4x10240xf32, #tpu.memory_space<vmem>>[vector<16xi32>, vector<16xi32>], vector<16xf32>,
          %max3A_421 = arith.maximumf %gather3A_420, %gather3A_419 : vector<16xf32>
          tpu.vector_store_idx %arg7[%select_n3A_17, %broadcast_in_dim3A_418], %max3A_421 : memref<4x10240xf32, #tpu.memory_space<vmem>>[vector<16xi32>, vector<16xi32>], vector<16xf32>,
          %slice3A_422 = vector.extract_strided_slice %get3A_184 {offsets = [6], sizes = [1], strides = [1]} : vector<16xi32> to vector<1xi32>
          %squeeze3A_423 = vector.extract %slice3A_422[0] : i32 from vector<1xi32>
          %broadcast_in_dim3A_424 = vector.broadcast %squeeze3A_423 : i32 to vector<16xi32>
          %slice3A_425 = vector.extract_strided_slice %get3A_188 {offsets = [6], sizes = [1], strides = [1]} : vector<16xi32> to vector<1xi32>
          %squeeze3A_426 = vector.extract %slice3A_425[0] : i32 from vector<1xi32>
          %broadcast_in_dim3A_427 = vector.broadcast %squeeze3A_426 : i32 to vector<16xi32>
          %gather3A_428 = tpu.vector_load_idx %arg8[%select_n3A_17, %broadcast_in_dim3A_424] : memref<4x10240xf32, #tpu.memory_space<vmem>>[vector<16xi32>, vector<16xi32>], vector<16xf32>,
          %gather3A_429 = tpu.vector_load_idx %arg7[%select_n3A_17, %broadcast_in_dim3A_427] : memref<4x10240xf32, #tpu.memory_space<vmem>>[vector<16xi32>, vector<16xi32>], vector<16xf32>,
          %max3A_430 = arith.maximumf %gather3A_429, %gather3A_428 : vector<16xf32>
          tpu.vector_store_idx %arg7[%select_n3A_17, %broadcast_in_dim3A_427], %max3A_430 : memref<4x10240xf32, #tpu.memory_space<vmem>>[vector<16xi32>, vector<16xi32>], vector<16xf32>,
          %slice3A_431 = vector.extract_strided_slice %get3A_184 {offsets = [7], sizes = [1], strides = [1]} : vector<16xi32> to vector<1xi32>
          %squeeze3A_432 = vector.extract %slice3A_431[0] : i32 from vector<1xi32>
          %broadcast_in_dim3A_433 = vector.broadcast %squeeze3A_432 : i32 to vector<16xi32>
          %slice3A_434 = vector.extract_strided_slice %get3A_188 {offsets = [7], sizes = [1], strides = [1]} : vector<16xi32> to vector<1xi32>
          %squeeze3A_435 = vector.extract %slice3A_434[0] : i32 from vector<1xi32>
          %broadcast_in_dim3A_436 = vector.broadcast %squeeze3A_435 : i32 to vector<16xi32>
          %gather3A_437 = tpu.vector_load_idx %arg8[%select_n3A_17, %broadcast_in_dim3A_433] : memref<4x10240xf32, #tpu.memory_space<vmem>>[vector<16xi32>, vector<16xi32>], vector<16xf32>,
          %gather3A_438 = tpu.vector_load_idx %arg7[%select_n3A_17, %broadcast_in_dim3A_436] : memref<4x10240xf32, #tpu.memory_space<vmem>>[vector<16xi32>, vector<16xi32>], vector<16xf32>,
          %max3A_439 = arith.maximumf %gather3A_438, %gather3A_437 : vector<16xf32>
          tpu.vector_store_idx %arg7[%select_n3A_17, %broadcast_in_dim3A_436], %max3A_439 : memref<4x10240xf32, #tpu.memory_space<vmem>>[vector<16xi32>, vector<16xi32>], vector<16xf32>,
          %slice3A_440 = vector.extract_strided_slice %get3A_184 {offsets = [8], sizes = [1], strides = [1]} : vector<16xi32> to vector<1xi32>
          %squeeze3A_441 = vector.extract %slice3A_440[0] : i32 from vector<1xi32>
          %broadcast_in_dim3A_442 = vector.broadcast %squeeze3A_441 : i32 to vector<16xi32>
          %slice3A_443 = vector.extract_strided_slice %get3A_188 {offsets = [8], sizes = [1], strides = [1]} : vector<16xi32> to vector<1xi32>
          %squeeze3A_444 = vector.extract %slice3A_443[0] : i32 from vector<1xi32>
          %broadcast_in_dim3A_445 = vector.broadcast %squeeze3A_444 : i32 to vector<16xi32>
          %gather3A_446 = tpu.vector_load_idx %arg8[%select_n3A_17, %broadcast_in_dim3A_442] : memref<4x10240xf32, #tpu.memory_space<vmem>>[vector<16xi32>, vector<16xi32>], vector<16xf32>,
          %gather3A_447 = tpu.vector_load_idx %arg7[%select_n3A_17, %broadcast_in_dim3A_445] : memref<4x10240xf32, #tpu.memory_space<vmem>>[vector<16xi32>, vector<16xi32>], vector<16xf32>,
          %max3A_448 = arith.maximumf %gather3A_447, %gather3A_446 : vector<16xf32>
          tpu.vector_store_idx %arg7[%select_n3A_17, %broadcast_in_dim3A_445], %max3A_448 : memref<4x10240xf32, #tpu.memory_space<vmem>>[vector<16xi32>, vector<16xi32>], vector<16xf32>,
          %slice3A_449 = vector.extract_strided_slice %get3A_184 {offsets = [9], sizes = [1], strides = [1]} : vector<16xi32> to vector<1xi32>
          %squeeze3A_450 = vector.extract %slice3A_449[0] : i32 from vector<1xi32>
          %broadcast_in_dim3A_451 = vector.broadcast %squeeze3A_450 : i32 to vector<16xi32>
          %slice3A_452 = vector.extract_strided_slice %get3A_188 {offsets = [9], sizes = [1], strides = [1]} : vector<16xi32> to vector<1xi32>
          %squeeze3A_453 = vector.extract %slice3A_452[0] : i32 from vector<1xi32>
          %broadcast_in_dim3A_454 = vector.broadcast %squeeze3A_453 : i32 to vector<16xi32>
          %gather3A_455 = tpu.vector_load_idx %arg8[%select_n3A_17, %broadcast_in_dim3A_451] : memref<4x10240xf32, #tpu.memory_space<vmem>>[vector<16xi32>, vector<16xi32>], vector<16xf32>,
          %gather3A_456 = tpu.vector_load_idx %arg7[%select_n3A_17, %broadcast_in_dim3A_454] : memref<4x10240xf32, #tpu.memory_space<vmem>>[vector<16xi32>, vector<16xi32>], vector<16xf32>,
          %max3A_457 = arith.maximumf %gather3A_456, %gather3A_455 : vector<16xf32>
          tpu.vector_store_idx %arg7[%select_n3A_17, %broadcast_in_dim3A_454], %max3A_457 : memref<4x10240xf32, #tpu.memory_space<vmem>>[vector<16xi32>, vector<16xi32>], vector<16xf32>,
          %slice3A_458 = vector.extract_strided_slice %get3A_184 {offsets = [10], sizes = [1], strides = [1]} : vector<16xi32> to vector<1xi32>
          %squeeze3A_459 = vector.extract %slice3A_458[0] : i32 from vector<1xi32>
          %broadcast_in_dim3A_460 = vector.broadcast %squeeze3A_459 : i32 to vector<16xi32>
          %slice3A_461 = vector.extract_strided_slice %get3A_188 {offsets = [10], sizes = [1], strides = [1]} : vector<16xi32> to vector<1xi32>
          %squeeze3A_462 = vector.extract %slice3A_461[0] : i32 from vector<1xi32>
          %broadcast_in_dim3A_463 = vector.broadcast %squeeze3A_462 : i32 to vector<16xi32>
          %gather3A_464 = tpu.vector_load_idx %arg8[%select_n3A_17, %broadcast_in_dim3A_460] : memref<4x10240xf32, #tpu.memory_space<vmem>>[vector<16xi32>, vector<16xi32>], vector<16xf32>,
          %gather3A_465 = tpu.vector_load_idx %arg7[%select_n3A_17, %broadcast_in_dim3A_463] : memref<4x10240xf32, #tpu.memory_space<vmem>>[vector<16xi32>, vector<16xi32>], vector<16xf32>,
          %max3A_466 = arith.maximumf %gather3A_465, %gather3A_464 : vector<16xf32>
          tpu.vector_store_idx %arg7[%select_n3A_17, %broadcast_in_dim3A_463], %max3A_466 : memref<4x10240xf32, #tpu.memory_space<vmem>>[vector<16xi32>, vector<16xi32>], vector<16xf32>,
          %slice3A_467 = vector.extract_strided_slice %get3A_184 {offsets = [11], sizes = [1], strides = [1]} : vector<16xi32> to vector<1xi32>
          %squeeze3A_468 = vector.extract %slice3A_467[0] : i32 from vector<1xi32>
          %broadcast_in_dim3A_469 = vector.broadcast %squeeze3A_468 : i32 to vector<16xi32>
          %slice3A_470 = vector.extract_strided_slice %get3A_188 {offsets = [11], sizes = [1], strides = [1]} : vector<16xi32> to vector<1xi32>
          %squeeze3A_471 = vector.extract %slice3A_470[0] : i32 from vector<1xi32>
          %broadcast_in_dim3A_472 = vector.broadcast %squeeze3A_471 : i32 to vector<16xi32>
          %gather3A_473 = tpu.vector_load_idx %arg8[%select_n3A_17, %broadcast_in_dim3A_469] : memref<4x10240xf32, #tpu.memory_space<vmem>>[vector<16xi32>, vector<16xi32>], vector<16xf32>,
          %gather3A_474 = tpu.vector_load_idx %arg7[%select_n3A_17, %broadcast_in_dim3A_472] : memref<4x10240xf32, #tpu.memory_space<vmem>>[vector<16xi32>, vector<16xi32>], vector<16xf32>,
          %max3A_475 = arith.maximumf %gather3A_474, %gather3A_473 : vector<16xf32>
          tpu.vector_store_idx %arg7[%select_n3A_17, %broadcast_in_dim3A_472], %max3A_475 : memref<4x10240xf32, #tpu.memory_space<vmem>>[vector<16xi32>, vector<16xi32>], vector<16xf32>,
          %slice3A_476 = vector.extract_strided_slice %get3A_184 {offsets = [12], sizes = [1], strides = [1]} : vector<16xi32> to vector<1xi32>
          %squeeze3A_477 = vector.extract %slice3A_476[0] : i32 from vector<1xi32>
          %broadcast_in_dim3A_478 = vector.broadcast %squeeze3A_477 : i32 to vector<16xi32>
          %slice3A_479 = vector.extract_strided_slice %get3A_188 {offsets = [12], sizes = [1], strides = [1]} : vector<16xi32> to vector<1xi32>
          %squeeze3A_480 = vector.extract %slice3A_479[0] : i32 from vector<1xi32>
          %broadcast_in_dim3A_481 = vector.broadcast %squeeze3A_480 : i32 to vector<16xi32>
          %gather3A_482 = tpu.vector_load_idx %arg8[%select_n3A_17, %broadcast_in_dim3A_478] : memref<4x10240xf32, #tpu.memory_space<vmem>>[vector<16xi32>, vector<16xi32>], vector<16xf32>,
          %gather3A_483 = tpu.vector_load_idx %arg7[%select_n3A_17, %broadcast_in_dim3A_481] : memref<4x10240xf32, #tpu.memory_space<vmem>>[vector<16xi32>, vector<16xi32>], vector<16xf32>,
          %max3A_484 = arith.maximumf %gather3A_483, %gather3A_482 : vector<16xf32>
          tpu.vector_store_idx %arg7[%select_n3A_17, %broadcast_in_dim3A_481], %max3A_484 : memref<4x10240xf32, #tpu.memory_space<vmem>>[vector<16xi32>, vector<16xi32>], vector<16xf32>,
          %slice3A_485 = vector.extract_strided_slice %get3A_184 {offsets = [13], sizes = [1], strides = [1]} : vector<16xi32> to vector<1xi32>
          %squeeze3A_486 = vector.extract %slice3A_485[0] : i32 from vector<1xi32>
          %broadcast_in_dim3A_487 = vector.broadcast %squeeze3A_486 : i32 to vector<16xi32>
          %slice3A_488 = vector.extract_strided_slice %get3A_188 {offsets = [13], sizes = [1], strides = [1]} : vector<16xi32> to vector<1xi32>
          %squeeze3A_489 = vector.extract %slice3A_488[0] : i32 from vector<1xi32>
          %broadcast_in_dim3A_490 = vector.broadcast %squeeze3A_489 : i32 to vector<16xi32>
          %gather3A_491 = tpu.vector_load_idx %arg8[%select_n3A_17, %broadcast_in_dim3A_487] : memref<4x10240xf32, #tpu.memory_space<vmem>>[vector<16xi32>, vector<16xi32>], vector<16xf32>,
          %gather3A_492 = tpu.vector_load_idx %arg7[%select_n3A_17, %broadcast_in_dim3A_490] : memref<4x10240xf32, #tpu.memory_space<vmem>>[vector<16xi32>, vector<16xi32>], vector<16xf32>,
          %max3A_493 = arith.maximumf %gather3A_492, %gather3A_491 : vector<16xf32>
          tpu.vector_store_idx %arg7[%select_n3A_17, %broadcast_in_dim3A_490], %max3A_493 : memref<4x10240xf32, #tpu.memory_space<vmem>>[vector<16xi32>, vector<16xi32>], vector<16xf32>,
          %slice3A_494 = vector.extract_strided_slice %get3A_184 {offsets = [14], sizes = [1], strides = [1]} : vector<16xi32> to vector<1xi32>
          %squeeze3A_495 = vector.extract %slice3A_494[0] : i32 from vector<1xi32>
          %broadcast_in_dim3A_496 = vector.broadcast %squeeze3A_495 : i32 to vector<16xi32>
          %slice3A_497 = vector.extract_strided_slice %get3A_188 {offsets = [14], sizes = [1], strides = [1]} : vector<16xi32> to vector<1xi32>
          %squeeze3A_498 = vector.extract %slice3A_497[0] : i32 from vector<1xi32>
          %broadcast_in_dim3A_499 = vector.broadcast %squeeze3A_498 : i32 to vector<16xi32>
          %gather3A_500 = tpu.vector_load_idx %arg8[%select_n3A_17, %broadcast_in_dim3A_496] : memref<4x10240xf32, #tpu.memory_space<vmem>>[vector<16xi32>, vector<16xi32>], vector<16xf32>,
          %gather3A_501 = tpu.vector_load_idx %arg7[%select_n3A_17, %broadcast_in_dim3A_499] : memref<4x10240xf32, #tpu.memory_space<vmem>>[vector<16xi32>, vector<16xi32>], vector<16xf32>,
          %max3A_502 = arith.maximumf %gather3A_501, %gather3A_500 : vector<16xf32>
          tpu.vector_store_idx %arg7[%select_n3A_17, %broadcast_in_dim3A_499], %max3A_502 : memref<4x10240xf32, #tpu.memory_space<vmem>>[vector<16xi32>, vector<16xi32>], vector<16xf32>,
          %slice3A_503 = vector.extract_strided_slice %get3A_184 {offsets = [15], sizes = [1], strides = [1]} : vector<16xi32> to vector<1xi32>
          %squeeze3A_504 = vector.extract %slice3A_503[0] : i32 from vector<1xi32>
          %broadcast_in_dim3A_505 = vector.broadcast %squeeze3A_504 : i32 to vector<16xi32>
          %slice3A_506 = vector.extract_strided_slice %get3A_188 {offsets = [15], sizes = [1], strides = [1]} : vector<16xi32> to vector<1xi32>
          %squeeze3A_507 = vector.extract %slice3A_506[0] : i32 from vector<1xi32>
          %broadcast_in_dim3A_508 = vector.broadcast %squeeze3A_507 : i32 to vector<16xi32>
          %gather3A_509 = tpu.vector_load_idx %arg8[%select_n3A_17, %broadcast_in_dim3A_505] : memref<4x10240xf32, #tpu.memory_space<vmem>>[vector<16xi32>, vector<16xi32>], vector<16xf32>,
          %gather3A_510 = tpu.vector_load_idx %arg7[%select_n3A_17, %broadcast_in_dim3A_508] : memref<4x10240xf32, #tpu.memory_space<vmem>>[vector<16xi32>, vector<16xi32>], vector<16xf32>,
          %max3A_511 = arith.maximumf %gather3A_510, %gather3A_509 : vector<16xf32>
          tpu.vector_store_idx %arg7[%select_n3A_17, %broadcast_in_dim3A_508], %max3A_511 : memref<4x10240xf32, #tpu.memory_space<vmem>>[vector<16xi32>, vector<16xi32>], vector<16xf32>,
        } else {
        }
        %mul3A_303 = arith.constant 4 : i32
        %mul3A_304 = arith.muli %mul3A_303, %scan3A_110 : i32
        %add3A_305 = arith.constant 3 : i32
        %add3A_306 = arith.addi %mul3A_304, %add3A_305 : i32
        %add3A_307 = arith.constant 1 : i32
        %add3A_308 = arith.addi %add3A_306, %add3A_307 : i32
        %min3A = arith.constant 399 : i32
        %min3A_309 = arith.minsi %add3A_308, %min3A : i32
        %mul3A_310 = arith.constant 16 : i32
        %mul3A_311 = arith.muli %min3A_309, %mul3A_310 : i32
        %get3A_312 = arith.index_cast %mul3A_311 : i32 to index
        %get3A_313 = tpu.vector_load %arg11[%get3A_312] {strides = array<i32>} : memref<6400xi32, #tpu.memory_space<vmem>>, vector<16xi32>,
        %mul3A_314 = arith.constant 16 : i32
        %mul3A_315 = arith.muli %min3A_309, %mul3A_314 : i32
        %get3A_316 = arith.index_cast %mul3A_315 : i32 to index
        %get3A_317 = tpu.vector_load %arg12[%get3A_316] {strides = array<i32>} : memref<6400xi32, #tpu.memory_space<vmem>>, vector<16xi32>,
        %broadcast_in_dim3A_318 = arith.constant true
        %broadcast_in_dim3A_319 = vector.broadcast %broadcast_in_dim3A_318 : i1 to vector<16xi1>
        %unique3A_320, %unique3A_321 = tpu.scan_count mask(%broadcast_in_dim3A_319 : vector<16xi1>) value(%get3A_317 : vector<16xi32>) : vector<16xi1>, vector<16xi32>
        %all_reduce_population_count3A_322 = tpu.all_reduce %unique3A_320 {dim = 0 : i64, kind = #tpu.reduction_kind<sum>} : vector<16xi1> -> vector<16xi32>
        %slice3A_323 = vector.extract_strided_slice %all_reduce_population_count3A_322 {offsets = [0], sizes = [1], strides = [1]} : vector<16xi32> to vector<1xi32>
        %squeeze3A_324 = vector.extract %slice3A_323[0] : i32 from vector<1xi32>
        %eq3A_325 = arith.constant 16 : i32
        %eq3A_326 = arith.cmpi eq, %squeeze3A_324, %eq3A_325 : i32
        %broadcast_in_dim3A_327 = arith.constant 0 : i32
        %broadcast_in_dim3A_328 = vector.broadcast %broadcast_in_dim3A_327 : i32 to vector<16xi32>
        %gather3A_329 = tpu.vector_load_idx %arg8[%broadcast_in_dim3A_328, %get3A_248] : memref<4x10240xf32, #tpu.memory_space<vmem>>[vector<16xi32>, vector<16xi32>], vector<16xf32>,
        %broadcast_in_dim3A_330 = arith.constant 1 : i32
        %broadcast_in_dim3A_331 = vector.broadcast %broadcast_in_dim3A_330 : i32 to vector<16xi32>
        %gather3A_332 = tpu.vector_load_idx %arg8[%broadcast_in_dim3A_331, %get3A_248] : memref<4x10240xf32, #tpu.memory_space<vmem>>[vector<16xi32>, vector<16xi32>], vector<16xf32>,
        %broadcast_in_dim3A_333 = arith.constant 2 : i32
        %broadcast_in_dim3A_334 = vector.broadcast %broadcast_in_dim3A_333 : i32 to vector<16xi32>
        %gather3A_335 = tpu.vector_load_idx %arg8[%broadcast_in_dim3A_334, %get3A_248] : memref<4x10240xf32, #tpu.memory_space<vmem>>[vector<16xi32>, vector<16xi32>], vector<16xf32>,
        %broadcast_in_dim3A_336 = arith.constant 3 : i32
        %broadcast_in_dim3A_337 = vector.broadcast %broadcast_in_dim3A_336 : i32 to vector<16xi32>
        %gather3A_338 = tpu.vector_load_idx %arg8[%broadcast_in_dim3A_337, %get3A_248] : memref<4x10240xf32, #tpu.memory_space<vmem>>[vector<16xi32>, vector<16xi32>], vector<16xf32>,
        %broadcast_in_dim3A_339 = arith.constant 0 : i32
        %broadcast_in_dim3A_340 = vector.broadcast %broadcast_in_dim3A_339 : i32 to vector<16xi32>
        %gather3A_341 = tpu.vector_load_idx %arg7[%broadcast_in_dim3A_340, %get3A_252] : memref<4x10240xf32, #tpu.memory_space<vmem>>[vector<16xi32>, vector<16xi32>], vector<16xf32>,
        %broadcast_in_dim3A_342 = arith.constant 1 : i32
        %broadcast_in_dim3A_343 = vector.broadcast %broadcast_in_dim3A_342 : i32 to vector<16xi32>
        %gather3A_344 = tpu.vector_load_idx %arg7[%broadcast_in_dim3A_343, %get3A_252] : memref<4x10240xf32, #tpu.memory_space<vmem>>[vector<16xi32>, vector<16xi32>], vector<16xf32>,
        %broadcast_in_dim3A_345 = arith.constant 2 : i32
        %broadcast_in_dim3A_346 = vector.broadcast %broadcast_in_dim3A_345 : i32 to vector<16xi32>
        %gather3A_347 = tpu.vector_load_idx %arg7[%broadcast_in_dim3A_346, %get3A_252] : memref<4x10240xf32, #tpu.memory_space<vmem>>[vector<16xi32>, vector<16xi32>], vector<16xf32>,
        %broadcast_in_dim3A_348 = arith.constant 3 : i32
        %broadcast_in_dim3A_349 = vector.broadcast %broadcast_in_dim3A_348 : i32 to vector<16xi32>
        %gather3A_350 = tpu.vector_load_idx %arg7[%broadcast_in_dim3A_349, %get3A_252] : memref<4x10240xf32, #tpu.memory_space<vmem>>[vector<16xi32>, vector<16xi32>], vector<16xf32>,
        %broadcast_in_dim3A_351 = arith.constant 0 : i32
        %broadcast_in_dim3A_352 = vector.broadcast %broadcast_in_dim3A_351 : i32 to vector<16xi32>
        %max3A_353 = arith.maximumf %gather3A_341, %gather3A_329 : vector<16xf32>
        tpu.vector_store_idx %arg7[%broadcast_in_dim3A_352, %get3A_252], %max3A_353 : memref<4x10240xf32, #tpu.memory_space<vmem>>[vector<16xi32>, vector<16xi32>], vector<16xf32>,
        %broadcast_in_dim3A_354 = arith.constant 1 : i32
        %broadcast_in_dim3A_355 = vector.broadcast %broadcast_in_dim3A_354 : i32 to vector<16xi32>
        %max3A_356 = arith.maximumf %gather3A_344, %gather3A_332 : vector<16xf32>
        tpu.vector_store_idx %arg7[%broadcast_in_dim3A_355, %get3A_252], %max3A_356 : memref<4x10240xf32, #tpu.memory_space<vmem>>[vector<16xi32>, vector<16xi32>], vector<16xf32>,
        %broadcast_in_dim3A_357 = arith.constant 2 : i32
        %broadcast_in_dim3A_358 = vector.broadcast %broadcast_in_dim3A_357 : i32 to vector<16xi32>
        %max3A_359 = arith.maximumf %gather3A_347, %gather3A_335 : vector<16xf32>
        tpu.vector_store_idx %arg7[%broadcast_in_dim3A_358, %get3A_252], %max3A_359 : memref<4x10240xf32, #tpu.memory_space<vmem>>[vector<16xi32>, vector<16xi32>], vector<16xf32>,
        %broadcast_in_dim3A_360 = arith.constant 3 : i32
        %broadcast_in_dim3A_361 = vector.broadcast %broadcast_in_dim3A_360 : i32 to vector<16xi32>
        %max3A_362 = arith.maximumf %gather3A_350, %gather3A_338 : vector<16xf32>
        tpu.vector_store_idx %arg7[%broadcast_in_dim3A_361, %get3A_252], %max3A_362 : memref<4x10240xf32, #tpu.memory_space<vmem>>[vector<16xi32>, vector<16xi32>], vector<16xf32>,
        %not3A_363 = arith.constant true
        %not3A_364 = arith.xori %eq3A_261, %not3A_363 : i1
        %convert_element_type3A_365 = arith.extui %not3A_364 : i1 to i32
        %cond3A_366 = arith.constant 0 : i32
        %cond3A_367 = arith.cmpi ne, %convert_element_type3A_365, %cond3A_366 : i32
        scf.if %cond3A_367 {
          %slice3A_368 = vector.extract_strided_slice %get3A_248 {offsets = [0], sizes = [1], strides = [1]} : vector<16xi32> to vector<1xi32>
          %squeeze3A_369 = vector.extract %slice3A_368[0] : i32 from vector<1xi32>
          %broadcast_in_dim3A_370 = vector.broadcast %squeeze3A_369 : i32 to vector<16xi32>
          %slice3A_371 = vector.extract_strided_slice %get3A_252 {offsets = [0], sizes = [1], strides = [1]} : vector<16xi32> to vector<1xi32>
          %squeeze3A_372 = vector.extract %slice3A_371[0] : i32 from vector<1xi32>
          %broadcast_in_dim3A_373 = vector.broadcast %squeeze3A_372 : i32 to vector<16xi32>
          %gather3A_374 = tpu.vector_load_idx %arg8[%select_n3A_17, %broadcast_in_dim3A_370] : memref<4x10240xf32, #tpu.memory_space<vmem>>[vector<16xi32>, vector<16xi32>], vector<16xf32>,
          %gather3A_375 = tpu.vector_load_idx %arg7[%select_n3A_17, %broadcast_in_dim3A_373] : memref<4x10240xf32, #tpu.memory_space<vmem>>[vector<16xi32>, vector<16xi32>], vector<16xf32>,
          %max3A_376 = arith.maximumf %gather3A_375, %gather3A_374 : vector<16xf32>
          tpu.vector_store_idx %arg7[%select_n3A_17, %broadcast_in_dim3A_373], %max3A_376 : memref<4x10240xf32, #tpu.memory_space<vmem>>[vector<16xi32>, vector<16xi32>], vector<16xf32>,
          %slice3A_377 = vector.extract_strided_slice %get3A_248 {offsets = [1], sizes = [1], strides = [1]} : vector<16xi32> to vector<1xi32>
          %squeeze3A_378 = vector.extract %slice3A_377[0] : i32 from vector<1xi32>
          %broadcast_in_dim3A_379 = vector.broadcast %squeeze3A_378 : i32 to vector<16xi32>
          %slice3A_380 = vector.extract_strided_slice %get3A_252 {offsets = [1], sizes = [1], strides = [1]} : vector<16xi32> to vector<1xi32>
          %squeeze3A_381 = vector.extract %slice3A_380[0] : i32 from vector<1xi32>
          %broadcast_in_dim3A_382 = vector.broadcast %squeeze3A_381 : i32 to vector<16xi32>
          %gather3A_383 = tpu.vector_load_idx %arg8[%select_n3A_17, %broadcast_in_dim3A_379] : memref<4x10240xf32, #tpu.memory_space<vmem>>[vector<16xi32>, vector<16xi32>], vector<16xf32>,
          %gather3A_384 = tpu.vector_load_idx %arg7[%select_n3A_17, %broadcast_in_dim3A_382] : memref<4x10240xf32, #tpu.memory_space<vmem>>[vector<16xi32>, vector<16xi32>], vector<16xf32>,
          %max3A_385 = arith.maximumf %gather3A_384, %gather3A_383 : vector<16xf32>
          tpu.vector_store_idx %arg7[%select_n3A_17, %broadcast_in_dim3A_382], %max3A_385 : memref<4x10240xf32, #tpu.memory_space<vmem>>[vector<16xi32>, vector<16xi32>], vector<16xf32>,
          %slice3A_386 = vector.extract_strided_slice %get3A_248 {offsets = [2], sizes = [1], strides = [1]} : vector<16xi32> to vector<1xi32>
          %squeeze3A_387 = vector.extract %slice3A_386[0] : i32 from vector<1xi32>
          %broadcast_in_dim3A_388 = vector.broadcast %squeeze3A_387 : i32 to vector<16xi32>
          %slice3A_389 = vector.extract_strided_slice %get3A_252 {offsets = [2], sizes = [1], strides = [1]} : vector<16xi32> to vector<1xi32>
          %squeeze3A_390 = vector.extract %slice3A_389[0] : i32 from vector<1xi32>
          %broadcast_in_dim3A_391 = vector.broadcast %squeeze3A_390 : i32 to vector<16xi32>
          %gather3A_392 = tpu.vector_load_idx %arg8[%select_n3A_17, %broadcast_in_dim3A_388] : memref<4x10240xf32, #tpu.memory_space<vmem>>[vector<16xi32>, vector<16xi32>], vector<16xf32>,
          %gather3A_393 = tpu.vector_load_idx %arg7[%select_n3A_17, %broadcast_in_dim3A_391] : memref<4x10240xf32, #tpu.memory_space<vmem>>[vector<16xi32>, vector<16xi32>], vector<16xf32>,
          %max3A_394 = arith.maximumf %gather3A_393, %gather3A_392 : vector<16xf32>
          tpu.vector_store_idx %arg7[%select_n3A_17, %broadcast_in_dim3A_391], %max3A_394 : memref<4x10240xf32, #tpu.memory_space<vmem>>[vector<16xi32>, vector<16xi32>], vector<16xf32>,
          %slice3A_395 = vector.extract_strided_slice %get3A_248 {offsets = [3], sizes = [1], strides = [1]} : vector<16xi32> to vector<1xi32>
          %squeeze3A_396 = vector.extract %slice3A_395[0] : i32 from vector<1xi32>
          %broadcast_in_dim3A_397 = vector.broadcast %squeeze3A_396 : i32 to vector<16xi32>
          %slice3A_398 = vector.extract_strided_slice %get3A_252 {offsets = [3], sizes = [1], strides = [1]} : vector<16xi32> to vector<1xi32>
          %squeeze3A_399 = vector.extract %slice3A_398[0] : i32 from vector<1xi32>
          %broadcast_in_dim3A_400 = vector.broadcast %squeeze3A_399 : i32 to vector<16xi32>
          %gather3A_401 = tpu.vector_load_idx %arg8[%select_n3A_17, %broadcast_in_dim3A_397] : memref<4x10240xf32, #tpu.memory_space<vmem>>[vector<16xi32>, vector<16xi32>], vector<16xf32>,
          %gather3A_402 = tpu.vector_load_idx %arg7[%select_n3A_17, %broadcast_in_dim3A_400] : memref<4x10240xf32, #tpu.memory_space<vmem>>[vector<16xi32>, vector<16xi32>], vector<16xf32>,
          %max3A_403 = arith.maximumf %gather3A_402, %gather3A_401 : vector<16xf32>
          tpu.vector_store_idx %arg7[%select_n3A_17, %broadcast_in_dim3A_400], %max3A_403 : memref<4x10240xf32, #tpu.memory_space<vmem>>[vector<16xi32>, vector<16xi32>], vector<16xf32>,
          %slice3A_404 = vector.extract_strided_slice %get3A_248 {offsets = [4], sizes = [1], strides = [1]} : vector<16xi32> to vector<1xi32>
          %squeeze3A_405 = vector.extract %slice3A_404[0] : i32 from vector<1xi32>
          %broadcast_in_dim3A_406 = vector.broadcast %squeeze3A_405 : i32 to vector<16xi32>
          %slice3A_407 = vector.extract_strided_slice %get3A_252 {offsets = [4], sizes = [1], strides = [1]} : vector<16xi32> to vector<1xi32>
          %squeeze3A_408 = vector.extract %slice3A_407[0] : i32 from vector<1xi32>
          %broadcast_in_dim3A_409 = vector.broadcast %squeeze3A_408 : i32 to vector<16xi32>
          %gather3A_410 = tpu.vector_load_idx %arg8[%select_n3A_17, %broadcast_in_dim3A_406] : memref<4x10240xf32, #tpu.memory_space<vmem>>[vector<16xi32>, vector<16xi32>], vector<16xf32>,
          %gather3A_411 = tpu.vector_load_idx %arg7[%select_n3A_17, %broadcast_in_dim3A_409] : memref<4x10240xf32, #tpu.memory_space<vmem>>[vector<16xi32>, vector<16xi32>], vector<16xf32>,
          %max3A_412 = arith.maximumf %gather3A_411, %gather3A_410 : vector<16xf32>
          tpu.vector_store_idx %arg7[%select_n3A_17, %broadcast_in_dim3A_409], %max3A_412 : memref<4x10240xf32, #tpu.memory_space<vmem>>[vector<16xi32>, vector<16xi32>], vector<16xf32>,
          %slice3A_413 = vector.extract_strided_slice %get3A_248 {offsets = [5], sizes = [1], strides = [1]} : vector<16xi32> to vector<1xi32>
          %squeeze3A_414 = vector.extract %slice3A_413[0] : i32 from vector<1xi32>
          %broadcast_in_dim3A_415 = vector.broadcast %squeeze3A_414 : i32 to vector<16xi32>
          %slice3A_416 = vector.extract_strided_slice %get3A_252 {offsets = [5], sizes = [1], strides = [1]} : vector<16xi32> to vector<1xi32>
          %squeeze3A_417 = vector.extract %slice3A_416[0] : i32 from vector<1xi32>
          %broadcast_in_dim3A_418 = vector.broadcast %squeeze3A_417 : i32 to vector<16xi32>
          %gather3A_419 = tpu.vector_load_idx %arg8[%select_n3A_17, %broadcast_in_dim3A_415] : memref<4x10240xf32, #tpu.memory_space<vmem>>[vector<16xi32>, vector<16xi32>], vector<16xf32>,
          %gather3A_420 = tpu.vector_load_idx %arg7[%select_n3A_17, %broadcast_in_dim3A_418] : memref<4x10240xf32, #tpu.memory_space<vmem>>[vector<16xi32>, vector<16xi32>], vector<16xf32>,
          %max3A_421 = arith.maximumf %gather3A_420, %gather3A_419 : vector<16xf32>
          tpu.vector_store_idx %arg7[%select_n3A_17, %broadcast_in_dim3A_418], %max3A_421 : memref<4x10240xf32, #tpu.memory_space<vmem>>[vector<16xi32>, vector<16xi32>], vector<16xf32>,
          %slice3A_422 = vector.extract_strided_slice %get3A_248 {offsets = [6], sizes = [1], strides = [1]} : vector<16xi32> to vector<1xi32>
          %squeeze3A_423 = vector.extract %slice3A_422[0] : i32 from vector<1xi32>
          %broadcast_in_dim3A_424 = vector.broadcast %squeeze3A_423 : i32 to vector<16xi32>
          %slice3A_425 = vector.extract_strided_slice %get3A_252 {offsets = [6], sizes = [1], strides = [1]} : vector<16xi32> to vector<1xi32>
          %squeeze3A_426 = vector.extract %slice3A_425[0] : i32 from vector<1xi32>
          %broadcast_in_dim3A_427 = vector.broadcast %squeeze3A_426 : i32 to vector<16xi32>
          %gather3A_428 = tpu.vector_load_idx %arg8[%select_n3A_17, %broadcast_in_dim3A_424] : memref<4x10240xf32, #tpu.memory_space<vmem>>[vector<16xi32>, vector<16xi32>], vector<16xf32>,
          %gather3A_429 = tpu.vector_load_idx %arg7[%select_n3A_17, %broadcast_in_dim3A_427] : memref<4x10240xf32, #tpu.memory_space<vmem>>[vector<16xi32>, vector<16xi32>], vector<16xf32>,
          %max3A_430 = arith.maximumf %gather3A_429, %gather3A_428 : vector<16xf32>
          tpu.vector_store_idx %arg7[%select_n3A_17, %broadcast_in_dim3A_427], %max3A_430 : memref<4x10240xf32, #tpu.memory_space<vmem>>[vector<16xi32>, vector<16xi32>], vector<16xf32>,
          %slice3A_431 = vector.extract_strided_slice %get3A_248 {offsets = [7], sizes = [1], strides = [1]} : vector<16xi32> to vector<1xi32>
          %squeeze3A_432 = vector.extract %slice3A_431[0] : i32 from vector<1xi32>
          %broadcast_in_dim3A_433 = vector.broadcast %squeeze3A_432 : i32 to vector<16xi32>
          %slice3A_434 = vector.extract_strided_slice %get3A_252 {offsets = [7], sizes = [1], strides = [1]} : vector<16xi32> to vector<1xi32>
          %squeeze3A_435 = vector.extract %slice3A_434[0] : i32 from vector<1xi32>
          %broadcast_in_dim3A_436 = vector.broadcast %squeeze3A_435 : i32 to vector<16xi32>
          %gather3A_437 = tpu.vector_load_idx %arg8[%select_n3A_17, %broadcast_in_dim3A_433] : memref<4x10240xf32, #tpu.memory_space<vmem>>[vector<16xi32>, vector<16xi32>], vector<16xf32>,
          %gather3A_438 = tpu.vector_load_idx %arg7[%select_n3A_17, %broadcast_in_dim3A_436] : memref<4x10240xf32, #tpu.memory_space<vmem>>[vector<16xi32>, vector<16xi32>], vector<16xf32>,
          %max3A_439 = arith.maximumf %gather3A_438, %gather3A_437 : vector<16xf32>
          tpu.vector_store_idx %arg7[%select_n3A_17, %broadcast_in_dim3A_436], %max3A_439 : memref<4x10240xf32, #tpu.memory_space<vmem>>[vector<16xi32>, vector<16xi32>], vector<16xf32>,
          %slice3A_440 = vector.extract_strided_slice %get3A_248 {offsets = [8], sizes = [1], strides = [1]} : vector<16xi32> to vector<1xi32>
          %squeeze3A_441 = vector.extract %slice3A_440[0] : i32 from vector<1xi32>
          %broadcast_in_dim3A_442 = vector.broadcast %squeeze3A_441 : i32 to vector<16xi32>
          %slice3A_443 = vector.extract_strided_slice %get3A_252 {offsets = [8], sizes = [1], strides = [1]} : vector<16xi32> to vector<1xi32>
          %squeeze3A_444 = vector.extract %slice3A_443[0] : i32 from vector<1xi32>
          %broadcast_in_dim3A_445 = vector.broadcast %squeeze3A_444 : i32 to vector<16xi32>
          %gather3A_446 = tpu.vector_load_idx %arg8[%select_n3A_17, %broadcast_in_dim3A_442] : memref<4x10240xf32, #tpu.memory_space<vmem>>[vector<16xi32>, vector<16xi32>], vector<16xf32>,
          %gather3A_447 = tpu.vector_load_idx %arg7[%select_n3A_17, %broadcast_in_dim3A_445] : memref<4x10240xf32, #tpu.memory_space<vmem>>[vector<16xi32>, vector<16xi32>], vector<16xf32>,
          %max3A_448 = arith.maximumf %gather3A_447, %gather3A_446 : vector<16xf32>
          tpu.vector_store_idx %arg7[%select_n3A_17, %broadcast_in_dim3A_445], %max3A_448 : memref<4x10240xf32, #tpu.memory_space<vmem>>[vector<16xi32>, vector<16xi32>], vector<16xf32>,
          %slice3A_449 = vector.extract_strided_slice %get3A_248 {offsets = [9], sizes = [1], strides = [1]} : vector<16xi32> to vector<1xi32>
          %squeeze3A_450 = vector.extract %slice3A_449[0] : i32 from vector<1xi32>
          %broadcast_in_dim3A_451 = vector.broadcast %squeeze3A_450 : i32 to vector<16xi32>
          %slice3A_452 = vector.extract_strided_slice %get3A_252 {offsets = [9], sizes = [1], strides = [1]} : vector<16xi32> to vector<1xi32>
          %squeeze3A_453 = vector.extract %slice3A_452[0] : i32 from vector<1xi32>
          %broadcast_in_dim3A_454 = vector.broadcast %squeeze3A_453 : i32 to vector<16xi32>
          %gather3A_455 = tpu.vector_load_idx %arg8[%select_n3A_17, %broadcast_in_dim3A_451] : memref<4x10240xf32, #tpu.memory_space<vmem>>[vector<16xi32>, vector<16xi32>], vector<16xf32>,
          %gather3A_456 = tpu.vector_load_idx %arg7[%select_n3A_17, %broadcast_in_dim3A_454] : memref<4x10240xf32, #tpu.memory_space<vmem>>[vector<16xi32>, vector<16xi32>], vector<16xf32>,
          %max3A_457 = arith.maximumf %gather3A_456, %gather3A_455 : vector<16xf32>
          tpu.vector_store_idx %arg7[%select_n3A_17, %broadcast_in_dim3A_454], %max3A_457 : memref<4x10240xf32, #tpu.memory_space<vmem>>[vector<16xi32>, vector<16xi32>], vector<16xf32>,
          %slice3A_458 = vector.extract_strided_slice %get3A_248 {offsets = [10], sizes = [1], strides = [1]} : vector<16xi32> to vector<1xi32>
          %squeeze3A_459 = vector.extract %slice3A_458[0] : i32 from vector<1xi32>
          %broadcast_in_dim3A_460 = vector.broadcast %squeeze3A_459 : i32 to vector<16xi32>
          %slice3A_461 = vector.extract_strided_slice %get3A_252 {offsets = [10], sizes = [1], strides = [1]} : vector<16xi32> to vector<1xi32>
          %squeeze3A_462 = vector.extract %slice3A_461[0] : i32 from vector<1xi32>
          %broadcast_in_dim3A_463 = vector.broadcast %squeeze3A_462 : i32 to vector<16xi32>
          %gather3A_464 = tpu.vector_load_idx %arg8[%select_n3A_17, %broadcast_in_dim3A_460] : memref<4x10240xf32, #tpu.memory_space<vmem>>[vector<16xi32>, vector<16xi32>], vector<16xf32>,
          %gather3A_465 = tpu.vector_load_idx %arg7[%select_n3A_17, %broadcast_in_dim3A_463] : memref<4x10240xf32, #tpu.memory_space<vmem>>[vector<16xi32>, vector<16xi32>], vector<16xf32>,
          %max3A_466 = arith.maximumf %gather3A_465, %gather3A_464 : vector<16xf32>
          tpu.vector_store_idx %arg7[%select_n3A_17, %broadcast_in_dim3A_463], %max3A_466 : memref<4x10240xf32, #tpu.memory_space<vmem>>[vector<16xi32>, vector<16xi32>], vector<16xf32>,
          %slice3A_467 = vector.extract_strided_slice %get3A_248 {offsets = [11], sizes = [1], strides = [1]} : vector<16xi32> to vector<1xi32>
          %squeeze3A_468 = vector.extract %slice3A_467[0] : i32 from vector<1xi32>
          %broadcast_in_dim3A_469 = vector.broadcast %squeeze3A_468 : i32 to vector<16xi32>
          %slice3A_470 = vector.extract_strided_slice %get3A_252 {offsets = [11], sizes = [1], strides = [1]} : vector<16xi32> to vector<1xi32>
          %squeeze3A_471 = vector.extract %slice3A_470[0] : i32 from vector<1xi32>
          %broadcast_in_dim3A_472 = vector.broadcast %squeeze3A_471 : i32 to vector<16xi32>
          %gather3A_473 = tpu.vector_load_idx %arg8[%select_n3A_17, %broadcast_in_dim3A_469] : memref<4x10240xf32, #tpu.memory_space<vmem>>[vector<16xi32>, vector<16xi32>], vector<16xf32>,
          %gather3A_474 = tpu.vector_load_idx %arg7[%select_n3A_17, %broadcast_in_dim3A_472] : memref<4x10240xf32, #tpu.memory_space<vmem>>[vector<16xi32>, vector<16xi32>], vector<16xf32>,
          %max3A_475 = arith.maximumf %gather3A_474, %gather3A_473 : vector<16xf32>
          tpu.vector_store_idx %arg7[%select_n3A_17, %broadcast_in_dim3A_472], %max3A_475 : memref<4x10240xf32, #tpu.memory_space<vmem>>[vector<16xi32>, vector<16xi32>], vector<16xf32>,
          %slice3A_476 = vector.extract_strided_slice %get3A_248 {offsets = [12], sizes = [1], strides = [1]} : vector<16xi32> to vector<1xi32>
          %squeeze3A_477 = vector.extract %slice3A_476[0] : i32 from vector<1xi32>
          %broadcast_in_dim3A_478 = vector.broadcast %squeeze3A_477 : i32 to vector<16xi32>
          %slice3A_479 = vector.extract_strided_slice %get3A_252 {offsets = [12], sizes = [1], strides = [1]} : vector<16xi32> to vector<1xi32>
          %squeeze3A_480 = vector.extract %slice3A_479[0] : i32 from vector<1xi32>
          %broadcast_in_dim3A_481 = vector.broadcast %squeeze3A_480 : i32 to vector<16xi32>
          %gather3A_482 = tpu.vector_load_idx %arg8[%select_n3A_17, %broadcast_in_dim3A_478] : memref<4x10240xf32, #tpu.memory_space<vmem>>[vector<16xi32>, vector<16xi32>], vector<16xf32>,
          %gather3A_483 = tpu.vector_load_idx %arg7[%select_n3A_17, %broadcast_in_dim3A_481] : memref<4x10240xf32, #tpu.memory_space<vmem>>[vector<16xi32>, vector<16xi32>], vector<16xf32>,
          %max3A_484 = arith.maximumf %gather3A_483, %gather3A_482 : vector<16xf32>
          tpu.vector_store_idx %arg7[%select_n3A_17, %broadcast_in_dim3A_481], %max3A_484 : memref<4x10240xf32, #tpu.memory_space<vmem>>[vector<16xi32>, vector<16xi32>], vector<16xf32>,
          %slice3A_485 = vector.extract_strided_slice %get3A_248 {offsets = [13], sizes = [1], strides = [1]} : vector<16xi32> to vector<1xi32>
          %squeeze3A_486 = vector.extract %slice3A_485[0] : i32 from vector<1xi32>
          %broadcast_in_dim3A_487 = vector.broadcast %squeeze3A_486 : i32 to vector<16xi32>
          %slice3A_488 = vector.extract_strided_slice %get3A_252 {offsets = [13], sizes = [1], strides = [1]} : vector<16xi32> to vector<1xi32>
          %squeeze3A_489 = vector.extract %slice3A_488[0] : i32 from vector<1xi32>
          %broadcast_in_dim3A_490 = vector.broadcast %squeeze3A_489 : i32 to vector<16xi32>
          %gather3A_491 = tpu.vector_load_idx %arg8[%select_n3A_17, %broadcast_in_dim3A_487] : memref<4x10240xf32, #tpu.memory_space<vmem>>[vector<16xi32>, vector<16xi32>], vector<16xf32>,
          %gather3A_492 = tpu.vector_load_idx %arg7[%select_n3A_17, %broadcast_in_dim3A_490] : memref<4x10240xf32, #tpu.memory_space<vmem>>[vector<16xi32>, vector<16xi32>], vector<16xf32>,
          %max3A_493 = arith.maximumf %gather3A_492, %gather3A_491 : vector<16xf32>
          tpu.vector_store_idx %arg7[%select_n3A_17, %broadcast_in_dim3A_490], %max3A_493 : memref<4x10240xf32, #tpu.memory_space<vmem>>[vector<16xi32>, vector<16xi32>], vector<16xf32>,
          %slice3A_494 = vector.extract_strided_slice %get3A_248 {offsets = [14], sizes = [1], strides = [1]} : vector<16xi32> to vector<1xi32>
          %squeeze3A_495 = vector.extract %slice3A_494[0] : i32 from vector<1xi32>
          %broadcast_in_dim3A_496 = vector.broadcast %squeeze3A_495 : i32 to vector<16xi32>
          %slice3A_497 = vector.extract_strided_slice %get3A_252 {offsets = [14], sizes = [1], strides = [1]} : vector<16xi32> to vector<1xi32>
          %squeeze3A_498 = vector.extract %slice3A_497[0] : i32 from vector<1xi32>
          %broadcast_in_dim3A_499 = vector.broadcast %squeeze3A_498 : i32 to vector<16xi32>
          %gather3A_500 = tpu.vector_load_idx %arg8[%select_n3A_17, %broadcast_in_dim3A_496] : memref<4x10240xf32, #tpu.memory_space<vmem>>[vector<16xi32>, vector<16xi32>], vector<16xf32>,
          %gather3A_501 = tpu.vector_load_idx %arg7[%select_n3A_17, %broadcast_in_dim3A_499] : memref<4x10240xf32, #tpu.memory_space<vmem>>[vector<16xi32>, vector<16xi32>], vector<16xf32>,
          %max3A_502 = arith.maximumf %gather3A_501, %gather3A_500 : vector<16xf32>
          tpu.vector_store_idx %arg7[%select_n3A_17, %broadcast_in_dim3A_499], %max3A_502 : memref<4x10240xf32, #tpu.memory_space<vmem>>[vector<16xi32>, vector<16xi32>], vector<16xf32>,
          %slice3A_503 = vector.extract_strided_slice %get3A_248 {offsets = [15], sizes = [1], strides = [1]} : vector<16xi32> to vector<1xi32>
          %squeeze3A_504 = vector.extract %slice3A_503[0] : i32 from vector<1xi32>
          %broadcast_in_dim3A_505 = vector.broadcast %squeeze3A_504 : i32 to vector<16xi32>
          %slice3A_506 = vector.extract_strided_slice %get3A_252 {offsets = [15], sizes = [1], strides = [1]} : vector<16xi32> to vector<1xi32>
          %squeeze3A_507 = vector.extract %slice3A_506[0] : i32 from vector<1xi32>
          %broadcast_in_dim3A_508 = vector.broadcast %squeeze3A_507 : i32 to vector<16xi32>
          %gather3A_509 = tpu.vector_load_idx %arg8[%select_n3A_17, %broadcast_in_dim3A_505] : memref<4x10240xf32, #tpu.memory_space<vmem>>[vector<16xi32>, vector<16xi32>], vector<16xf32>,
          %gather3A_510 = tpu.vector_load_idx %arg7[%select_n3A_17, %broadcast_in_dim3A_508] : memref<4x10240xf32, #tpu.memory_space<vmem>>[vector<16xi32>, vector<16xi32>], vector<16xf32>,
          %max3A_511 = arith.maximumf %gather3A_510, %gather3A_509 : vector<16xf32>
          tpu.vector_store_idx %arg7[%select_n3A_17, %broadcast_in_dim3A_508], %max3A_511 : memref<4x10240xf32, #tpu.memory_space<vmem>>[vector<16xi32>, vector<16xi32>], vector<16xf32>,
        } else {
        }
        scf.yield %get3A_313, %get3A_317, %eq3A_326 : vector<16xi32>, vector<16xi32>, i1
      }
      %scan3A_108 = arith.constant 100 : i32
      %scan3A_109 = arith.constant 0 : i32
      scf.yield %scan3A_109 : i32
    }
    %scan3A_37 = arith.constant 25 : i32
    "tpu.region"() ({
      %run_scoped3A = tpu.sem_alloc : memref<!tpu.dma_semaphore, #tpu.memory_space<semaphore_mem>>
      %dma_start3A_45 = arith.constant 0 : i32
      %dma_start3A_46 = tpu.memref_slice %arg2[%mul3A_2, %dma_start3A_45] : memref<128x10240xf32, #tpu.memory_space<hbm>> -> memref<4x10240xf32, #tpu.memory_space<hbm>>
      %dma_start3A_47 = arith.constant 0 : i32
      %dma_start3A_48 = tpu.memref_slice %arg2[%mul3A_2, %dma_start3A_47] : memref<128x10240xf32, #tpu.memory_space<hbm>> -> memref<4x10240xf32, #tpu.memory_space<hbm>>
      tpu.enqueue_dma source(%dma_start3A_48 : memref<4x10240xf32, #tpu.memory_space<hbm>>) target(%arg8 : memref<4x10240xf32, #tpu.memory_space<vmem>>) target_semaphore(%run_scoped3A : memref<!tpu.dma_semaphore, #tpu.memory_space<semaphore_mem>>)
      %dma_wait3A = arith.constant 0 : i32
      %dma_wait3A_49 = tpu.memref_slice %arg2[%mul3A_2, %dma_wait3A] : memref<128x10240xf32, #tpu.memory_space<hbm>> -> memref<4x10240xf32, #tpu.memory_space<hbm>>
      %dma_wait3A_50 = arith.constant 0 : i32
      %dma_wait3A_51 = tpu.memref_slice %arg2[%mul3A_2, %dma_wait3A_50] : memref<128x10240xf32, #tpu.memory_space<hbm>> -> memref<4x10240xf32, #tpu.memory_space<hbm>>
      tpu.wait_dma2 semaphore(%run_scoped3A : memref<!tpu.dma_semaphore, #tpu.memory_space<semaphore_mem>>) src(%dma_wait3A_51 : memref<4x10240xf32, #tpu.memory_space<hbm>>) dst(%arg8 : memref<4x10240xf32, #tpu.memory_space<vmem>>)
      tpu.yield
    }) : () -> ()
    %scan3A_38 = arith.constant 0 : i32
    %scan3A_39 = arith.constant 0 : i32
    %scan3A_40 = arith.constant 640 : i32
    %scan3A_41 = arith.addi %scan3A_39, %scan3A_40 : i32
    %scan3A_42 = arith.constant 1 : i32
    %scan3A_43 = scf.for %scan3A_45 = %scan3A_39 to %scan3A_41 step %scan3A_42 iter_args(%scan3A_46 = %scan3A_38) -> (i32)  : i32 {
      %mul3A_47 = arith.constant 16 : i32
      %mul3A_48 = arith.muli %scan3A_45, %mul3A_47 : i32
      %get3A = arith.constant 0 : i32
      %get3A_49 = arith.index_cast %get3A : i32 to index
      %get3A_50 = arith.index_cast %mul3A_48 : i32 to index
      %get3A_51 = tpu.vector_load %arg7[%get3A_49, %get3A_50] {strides = array<i32>} : memref<4x10240xf32, #tpu.memory_space<vmem>>, vector<16xf32>,
      %get3A_52 = arith.constant 0 : i32
      %get3A_53 = arith.index_cast %get3A_52 : i32 to index
      %get3A_54 = arith.index_cast %mul3A_48 : i32 to index
      %get3A_55 = tpu.vector_load %arg8[%get3A_53, %get3A_54] {strides = array<i32>} : memref<4x10240xf32, #tpu.memory_space<vmem>>, vector<16xf32>,
      %add3A_56 = arith.addf %get3A_51, %get3A_55 : vector<16xf32>
      %max3A = arith.constant 0.000000e+00 : f32
      %max3A_57 = vector.broadcast %max3A : f32 to vector<16xf32>
      %max3A_58 = arith.maximumf %add3A_56, %max3A_57 : vector<16xf32>
      %swap3A = arith.constant 0 : i32
      %swap3A_59 = arith.index_cast %swap3A : i32 to index
      %swap3A_60 = arith.index_cast %mul3A_48 : i32 to index
      %swap3A_61 = tpu.vector_load %arg7[%swap3A_59, %swap3A_60] {strides = array<i32>} : memref<4x10240xf32, #tpu.memory_space<vmem>>, vector<16xf32>,
      tpu.vector_store %arg7[%swap3A_59, %swap3A_60], %max3A_58 {strides = array<i32>} : memref<4x10240xf32, #tpu.memory_space<vmem>>, vector<16xf32>,
      %get3A_62 = arith.constant 1 : i32
      %get3A_63 = arith.index_cast %get3A_62 : i32 to index
      %get3A_64 = arith.index_cast %mul3A_48 : i32 to index
      %get3A_65 = tpu.vector_load %arg7[%get3A_63, %get3A_64] {strides = array<i32>} : memref<4x10240xf32, #tpu.memory_space<vmem>>, vector<16xf32>,
      %get3A_66 = arith.constant 1 : i32
      %get3A_67 = arith.index_cast %get3A_66 : i32 to index
      %get3A_68 = arith.index_cast %mul3A_48 : i32 to index
      %get3A_69 = tpu.vector_load %arg8[%get3A_67, %get3A_68] {strides = array<i32>} : memref<4x10240xf32, #tpu.memory_space<vmem>>, vector<16xf32>,
      %add3A_70 = arith.addf %get3A_65, %get3A_69 : vector<16xf32>
      %max3A_71 = arith.constant 0.000000e+00 : f32
      %max3A_72 = vector.broadcast %max3A_71 : f32 to vector<16xf32>
      %max3A_73 = arith.maximumf %add3A_70, %max3A_72 : vector<16xf32>
      %swap3A_74 = arith.constant 1 : i32
      %swap3A_75 = arith.index_cast %swap3A_74 : i32 to index
      %swap3A_76 = arith.index_cast %mul3A_48 : i32 to index
      %swap3A_77 = tpu.vector_load %arg7[%swap3A_75, %swap3A_76] {strides = array<i32>} : memref<4x10240xf32, #tpu.memory_space<vmem>>, vector<16xf32>,
      tpu.vector_store %arg7[%swap3A_75, %swap3A_76], %max3A_73 {strides = array<i32>} : memref<4x10240xf32, #tpu.memory_space<vmem>>, vector<16xf32>,
      %get3A_78 = arith.constant 2 : i32
      %get3A_79 = arith.index_cast %get3A_78 : i32 to index
      %get3A_80 = arith.index_cast %mul3A_48 : i32 to index
      %get3A_81 = tpu.vector_load %arg7[%get3A_79, %get3A_80] {strides = array<i32>} : memref<4x10240xf32, #tpu.memory_space<vmem>>, vector<16xf32>,
      %get3A_82 = arith.constant 2 : i32
      %get3A_83 = arith.index_cast %get3A_82 : i32 to index
      %get3A_84 = arith.index_cast %mul3A_48 : i32 to index
      %get3A_85 = tpu.vector_load %arg8[%get3A_83, %get3A_84] {strides = array<i32>} : memref<4x10240xf32, #tpu.memory_space<vmem>>, vector<16xf32>,
      %add3A_86 = arith.addf %get3A_81, %get3A_85 : vector<16xf32>
      %max3A_87 = arith.constant 0.000000e+00 : f32
      %max3A_88 = vector.broadcast %max3A_87 : f32 to vector<16xf32>
      %max3A_89 = arith.maximumf %add3A_86, %max3A_88 : vector<16xf32>
      %swap3A_90 = arith.constant 2 : i32
      %swap3A_91 = arith.index_cast %swap3A_90 : i32 to index
      %swap3A_92 = arith.index_cast %mul3A_48 : i32 to index
      %swap3A_93 = tpu.vector_load %arg7[%swap3A_91, %swap3A_92] {strides = array<i32>} : memref<4x10240xf32, #tpu.memory_space<vmem>>, vector<16xf32>,
      tpu.vector_store %arg7[%swap3A_91, %swap3A_92], %max3A_89 {strides = array<i32>} : memref<4x10240xf32, #tpu.memory_space<vmem>>, vector<16xf32>,
      %get3A_94 = arith.constant 3 : i32
      %get3A_95 = arith.index_cast %get3A_94 : i32 to index
      %get3A_96 = arith.index_cast %mul3A_48 : i32 to index
      %get3A_97 = tpu.vector_load %arg7[%get3A_95, %get3A_96] {strides = array<i32>} : memref<4x10240xf32, #tpu.memory_space<vmem>>, vector<16xf32>,
      %get3A_98 = arith.constant 3 : i32
      %get3A_99 = arith.index_cast %get3A_98 : i32 to index
      %get3A_100 = arith.index_cast %mul3A_48 : i32 to index
      %get3A_101 = tpu.vector_load %arg8[%get3A_99, %get3A_100] {strides = array<i32>} : memref<4x10240xf32, #tpu.memory_space<vmem>>, vector<16xf32>,
      %add3A_102 = arith.addf %get3A_97, %get3A_101 : vector<16xf32>
      %max3A_103 = arith.constant 0.000000e+00 : f32
      %max3A_104 = vector.broadcast %max3A_103 : f32 to vector<16xf32>
      %max3A_105 = arith.maximumf %add3A_102, %max3A_104 : vector<16xf32>
      %swap3A_106 = arith.constant 3 : i32
      %swap3A_107 = arith.index_cast %swap3A_106 : i32 to index
      %swap3A_108 = arith.index_cast %mul3A_48 : i32 to index
      %swap3A_109 = tpu.vector_load %arg7[%swap3A_107, %swap3A_108] {strides = array<i32>} : memref<4x10240xf32, #tpu.memory_space<vmem>>, vector<16xf32>,
      tpu.vector_store %arg7[%swap3A_107, %swap3A_108], %max3A_105 {strides = array<i32>} : memref<4x10240xf32, #tpu.memory_space<vmem>>, vector<16xf32>,
      %scan3A_110 = arith.constant 0 : i32
      scf.yield %scan3A_110 : i32
    }
    %scan3A_44 = arith.constant 640 : i32
    "tpu.region"() ({
      %run_scoped3A = tpu.sem_alloc : memref<!tpu.dma_semaphore, #tpu.memory_space<semaphore_mem>>
      %dma_start3A_45 = arith.constant 0 : i32
      %dma_start3A_46 = tpu.memref_slice %arg6[%mul3A_2, %dma_start3A_45] : memref<128x10240xf32, #tpu.memory_space<hbm>> -> memref<4x10240xf32, #tpu.memory_space<hbm>>
      %dma_start3A_47 = arith.constant 0 : i32
      %dma_start3A_48 = tpu.memref_slice %arg6[%mul3A_2, %dma_start3A_47] : memref<128x10240xf32, #tpu.memory_space<hbm>> -> memref<4x10240xf32, #tpu.memory_space<hbm>>
      tpu.enqueue_dma source(%arg7 : memref<4x10240xf32, #tpu.memory_space<vmem>>) target(%dma_start3A_48 : memref<4x10240xf32, #tpu.memory_space<hbm>>) target_semaphore(%run_scoped3A : memref<!tpu.dma_semaphore, #tpu.memory_space<semaphore_mem>>)
      %dma_wait3A = arith.constant 0 : i32
      %dma_wait3A_49 = tpu.memref_slice %arg6[%mul3A_2, %dma_wait3A] : memref<128x10240xf32, #tpu.memory_space<hbm>> -> memref<4x10240xf32, #tpu.memory_space<hbm>>
      %dma_wait3A_50 = arith.constant 0 : i32
      %dma_wait3A_51 = tpu.memref_slice %arg6[%mul3A_2, %dma_wait3A_50] : memref<128x10240xf32, #tpu.memory_space<hbm>> -> memref<4x10240xf32, #tpu.memory_space<hbm>>
      tpu.wait_dma2 semaphore(%run_scoped3A : memref<!tpu.dma_semaphore, #tpu.memory_space<semaphore_mem>>) src(%arg7 : memref<4x10240xf32, #tpu.memory_space<vmem>>) dst(%dma_wait3A_51 : memref<4x10240xf32, #tpu.memory_space<hbm>>)
      tpu.yield
    }) : () -> ()
    return
  }
}

module attributes {stable_mosaic.version = 14 : i64} {
  func.func @_matmul_body(%arg0: i32, %arg1: memref<128x1280xf32, #tpu.memory_space<vmem>>, %arg2: memref<128x128xf32, #tpu.memory_space<vmem>>, %arg3: memref<128x128xf32, #tpu.memory_space<vmem>>, %arg4: memref<128x1xf32, #tpu.memory_space<vmem>>, %arg5: memref<128x1280xf32, #tpu.memory_space<vmem>>, %arg6: memref<128x1280xf32, #tpu.memory_space<vmem>>) attributes {dimension_semantics = [#tpu.dimension_semantics<arbitrary>], iteration_bounds = array<i64: 8>, scalar_prefetch = 0 : i64, scratch_operands = 0 : i64, tpu.core_type = #tpu.core_type<tc>, window_params = [{transform_indices = @transform_0, window_bounds = array<i64: 128, 1280>}, {pipeline_mode = #tpu.pipeline_mode<synchronous>, transform_indices = @transform_1, window_bounds = array<i64: 128, 128>}, {pipeline_mode = #tpu.pipeline_mode<synchronous>, transform_indices = @transform_2, window_bounds = array<i64: 128, 128>}, {pipeline_mode = #tpu.pipeline_mode<synchronous>, transform_indices = @transform_3, window_bounds = array<i64: 128, 1>}, {transform_indices = @transform_4, window_bounds = array<i64: 128, 1280>}, {transform_indices = @transform_5, window_bounds = array<i64: 128, 1280>}]} {
    %get3A = arith.constant 0 : index
    %get3A_0 = arith.constant 0 : index
    %get3A_1 = vector.load %arg1[%get3A, %get3A_0] : memref<128x1280xf32, #tpu.memory_space<vmem>>, vector<128x1280xf32>
    %get3A_2 = arith.constant 0 : index
    %get3A_3 = arith.constant 0 : index
    %get3A_4 = vector.load %arg2[%get3A_2, %get3A_3] : memref<128x128xf32, #tpu.memory_space<vmem>>, vector<128x128xf32>
    %dot_general3A = arith.constant dense<0.000000e+00> : vector<128x1280xf32>
    %dot_general3A_5 = tpu.matmul %get3A_4, %get3A_1, %dot_general3A {dimension_numbers = #tpu.dot_dimension_numbers<[1], [0], [0], [1], [0, 0, 1, 1], [], []>, transpose_lhs_hint = false} : vector<128x128xf32>, vector<128x1280xf32>, vector<128x1280xf32> -> vector<128x1280xf32>
    %get3A_6 = arith.constant 0 : index
    %get3A_7 = arith.constant 0 : index
    %get3A_8 = vector.load %arg4[%get3A_6, %get3A_7] : memref<128x1xf32, #tpu.memory_space<vmem>>, vector<128x1xf32>
    %add3A = vector.broadcast %get3A_8 : vector<128x1xf32> to vector<128x1280xf32>
    %add3A_9 = arith.addf %dot_general3A_5, %add3A : vector<128x1280xf32>
    %swap3A = arith.constant 0 : index
    %swap3A_10 = arith.constant 0 : index
    %swap3A_11 = vector.load %arg5[%swap3A, %swap3A_10] : memref<128x1280xf32, #tpu.memory_space<vmem>>, vector<128x1280xf32>
    tpu.vector_store %arg5[%swap3A, %swap3A_10], %add3A_9 {strides = array<i32>} : memref<128x1280xf32, #tpu.memory_space<vmem>>, vector<128x1280xf32>,
    %get3A_12 = arith.constant 0 : index
    %get3A_13 = arith.constant 0 : index
    %get3A_14 = vector.load %arg3[%get3A_12, %get3A_13] : memref<128x128xf32, #tpu.memory_space<vmem>>, vector<128x128xf32>
    %dot_general3A_15 = arith.constant dense<0.000000e+00> : vector<128x1280xf32>
    %dot_general3A_16 = tpu.matmul %get3A_14, %get3A_1, %dot_general3A_15 {dimension_numbers = #tpu.dot_dimension_numbers<[1], [0], [0], [1], [0, 0, 1, 1], [], []>, transpose_lhs_hint = false} : vector<128x128xf32>, vector<128x1280xf32>, vector<128x1280xf32> -> vector<128x1280xf32>
    %swap3A_17 = arith.constant 0 : index
    %swap3A_18 = arith.constant 0 : index
    %swap3A_19 = vector.load %arg6[%swap3A_17, %swap3A_18] : memref<128x1280xf32, #tpu.memory_space<vmem>>, vector<128x1280xf32>
    tpu.vector_store %arg6[%swap3A_17, %swap3A_18], %dot_general3A_16 {strides = array<i32>} : memref<128x1280xf32, #tpu.memory_space<vmem>>, vector<128x1280xf32>,
    return
  }
  func.func @transform_0(%arg0: i32) -> (i32, i32) {
    %c0_i32 = arith.constant 0 : i32
    %c0_i32_0 = arith.constant 0 : i32
    return %c0_i32, %arg0 : i32, i32
  }
  func.func @transform_1(%arg0: i32) -> (i32, i32) {
    %c0_i32 = arith.constant 0 : i32
    %c0_i32_0 = arith.constant 0 : i32
    %c0_i32_1 = arith.constant 0 : i32
    return %c0_i32, %c0_i32_0 : i32, i32
  }
  func.func @transform_2(%arg0: i32) -> (i32, i32) {
    %c0_i32 = arith.constant 0 : i32
    %c0_i32_0 = arith.constant 0 : i32
    %c0_i32_1 = arith.constant 0 : i32
    return %c0_i32, %c0_i32_0 : i32, i32
  }
  func.func @transform_3(%arg0: i32) -> (i32, i32) {
    %c0_i32 = arith.constant 0 : i32
    %c0_i32_0 = arith.constant 0 : i32
    %c0_i32_1 = arith.constant 0 : i32
    return %c0_i32, %c0_i32_0 : i32, i32
  }
  func.func @transform_4(%arg0: i32) -> (i32, i32) {
    %c0_i32 = arith.constant 0 : i32
    %c0_i32_0 = arith.constant 0 : i32
    return %c0_i32, %arg0 : i32, i32
  }
  func.func @transform_5(%arg0: i32) -> (i32, i32) {
    %c0_i32 = arith.constant 0 : i32
    %c0_i32_0 = arith.constant 0 : i32
    return %c0_i32, %arg0 : i32, i32
  }
}

</mosaic_0001>

<sc_bundles>
// kernel: kernel.4.cloned.1.call-start
scs
__scs_entry_jumppad:
0x0: {  	(pc) =	sbr.rel $0x88, $3  }
0x1: {  	(tag) =	ssettag $0x0;
	lr =	simm.s32 $0x1  }
0x2: {  	[smem:$0x3F9D] =	sst lr;
	_ =	strace $0xD0000000  }
0x3: {  	_ = 	snop  }
0x4: {  	_ = 	snop  }
0x5: {  	_ = 	snop  }
0x6: {  	_ = 	snop  }
0x7: {  	_ = 	snop  }
__scs_overlays_trampoline_lowered:
0x8: {  	[smem:$0x3FAC] =	sst s0  }
0x9: {  	[smem:$0x3FAD] =	sst s1  }
0xa: {  	[smem:$0x3FAE] =	sst s2  }
0xb: {  	[smem:$0x3FAF] =	sst s3  }
0xc: {  	[smem:$0x3FB0] =	sst s4  }
0xd: {  	[smem:$0x3FB1] =	sst s5  }
0xe: {  	[smem:$0x3FB2] =	sst s6  }
0xf: {  	[smem:$0x3FB3] =	sst s7  }
0x10: {  	[smem:$0x3FB4] =	sst s8  }
0x11: {  	[smem:$0x3FB5] =	sst s9;
	s0 =	simm.s32 @!p0 $0x0  }
0x12: {  	s1 =	sld [smem:$0x3F9B];
	s0 =	simm.s32 @p0 $0x1  }
0x13: {  	[smem:$0x3FB6] =	sst s0;
	s0 =	simm.s32 @!p1 $0x0  }
0x14: {  	s2 =	sld [smem:$0x3F9A];
	s0 =	simm.s32 @p1 $0x1  }
0x15: {  	[smem:$0x3FB7] =	sst s0;
	s0 =	simm.s32 @!p2 $0x0  }
0x16: {  	s3 =	sld [smem:$0x3FDB];
	s0 =	simm.s32 @p2 $0x1  }
0x17: {  	s4 =	simm.s32 $0x1BF5;
	[smem:$0x3FB9] =	sst s0  }
0x18: {  	s0 =	sld [smem:$0x3F9C];
	_ =	swait.ge [sflag:s4], $0x0  }
0x19: {  	s7 =	sld [smem:$0x3F9D]  }
0x1a: {  	s8 =	sadd.s32 $0xFFFFE003, lr  }
0x1b: {  	s9 =	sadd.s32 $0xFFFFFEF7, lr;
	s5 =	simm.s32 $0xFFFFFFFF;
	p2 =	slt.u32 s8, $0xFFFFF086  }
0x1c: {  	p1 =	slt.u32 s9, $0xF7A;
	s5 =	simm.s32 @!p2 $0x0  }
0x1d: {  	s5 =	simm.s32 @p1 $0x1;
	p0 =	seq.s32 s7, s2  }
0x1e: {  	s7 =	smul.u32 @!p0 $0xF7A, s2;
	p2 =	seq.s32 @!p0 s5, $0x0  }
0x1f: {  	s9 =	smul.u32 $0xF7A, s1;
	s8 =	simm.s32 @!p0 $0x1BF5;
	p2 =	por !p2, p0  }
0x20: {  	[sflag:s8] =	ssyncset.s32 @!p0 $0xFFFFF086;
	s6 =	sadd.s32 @!p0 s3, s7;
	s7 =	simm.s32 @!p0 $0x108  }
0x21: {  	s3 =	sadd.s32 s3, s9;
	s6 =	sadd.s32 @!p0 $0x88, s6;
	s7 =	simm.s32 @p2 $0x1082  }
0x22: {  	[simem:s7], [sflag:s8] =	dma.local @!p0 [hbm:s6], $0xF7A  }
0x23: {  	s9 =	sor.u32 $0xD0000000, s2;
	s6 =	simm.s32 $0x108;
	_ =	swait.ge @!p0 [sflag:s8], $0x0  }
0x24: {  	s3 =	sadd.s32 $0x88, s3;
	s6 =	simm.s32 @!p1 $0x1082;
	[sflag:s4] =	ssyncset.s32 $0xFFFFF086  }
0x25: {  	[simem:s6], [sflag:s4] =	dma.local [hbm:s3], $0xF7A  }
0x26: {  	[smem:$0x3F9D] =	sst s1;
	(tag) =	ssettag s2;
	_ =	strace s9  }
0x27: {  	s1 =	sld [smem:$0x3FAD]  }
0x28: {  	s2 =	sld [smem:$0x3FAE]  }
0x29: {  	s4 =	sld [smem:$0x3FB0]  }
0x2a: {  	p0 =	seq.s32 s5, $0x0;
	s5 =	sld [smem:$0x3FB1]  }
0x2b: {  	s6 =	sld [smem:$0x3FB2]  }
0x2c: {  	s7 =	sld [smem:$0x3FB3]  }
0x2d: {  	s3 =	simm.s32 $0x108;
	s8 =	sld [smem:$0x3FB4]  }
0x2e: {  	s3 =	simm.s32 @!p0 $0x1082;
	s9 =	sld [smem:$0x3FB5]  }
0x2f: {  	lr =	sadd.s32 s0, s3;
	s0 =	sld [smem:$0x3FAC]  }
0x30: {  	s3 =	sld [smem:$0x3FAF]  }
0x31: {  	[smem:$0x3FB8] =	sst s10  }
0x32: {  	s10 =	sld [smem:$0x3FB6];
	_ =	sdelay $0x3  }
0x33: {  	p0 =	seq.s32 s10, $0x1;
	s10 =	sld [smem:$0x3FB8];
	_ =	sdelay $0x3  }
0x34: {  	[smem:$0x3FB8] =	sst s10  }
0x35: {  	s10 =	sld [smem:$0x3FB7];
	_ =	sdelay $0x3  }
0x36: {  	p1 =	seq.s32 s10, $0x1;
	s10 =	sld [smem:$0x3FB8];
	_ =	sdelay $0x3  }
0x37: {  	[smem:$0x3FB8] =	sst s10  }
0x38: {  	s10 =	sld [smem:$0x3FB9]  }
0x39: {  	_ = 	snop;
	(pc) =	sbr.ind lr, $3  }
0x3a: {  	_ = 	snop  }
0x3b: {  	_ = 	snop  }
0x3c: {  	p2 =	seq.s32 s10, $0x1;
	s10 =	sld [smem:$0x3FB8]  }
0x3d: {  	_ =	shalt  }
0x3e: {  	_ =	shalt  }
0x3f: {  	_ =	shalt  }
0x40: {  	_ =	shalt  }
0x41: {  	_ =	shalt  }
0x42: {  	_ =	shalt  }
0x43: {  	_ =	shalt  }
0x44: {  	_ =	shalt  }
0x45: {  	_ =	shalt  }
0x46: {  	_ =	shalt  }
0x47: {  	_ =	shalt  }
0x48: {  	_ =	shalt  }
0x49: {  	_ =	shalt  }
0x4a: {  	_ =	shalt  }
0x4b: {  	_ =	shalt  }
0x4c: {  	_ =	shalt  }
0x4d: {  	_ =	shalt  }
0x4e: {  	_ =	shalt  }
0x4f: {  	_ =	shalt  }
0x50: {  	_ =	shalt  }
0x51: {  	_ =	shalt  }
0x52: {  	_ =	shalt  }
0x53: {  	_ =	shalt  }
0x54: {  	_ =	shalt  }
0x55: {  	_ =	shalt  }
0x56: {  	_ =	shalt  }
0x57: {  	_ =	shalt  }
0x58: {  	_ =	shalt  }
0x59: {  	_ =	shalt  }
0x5a: {  	_ =	shalt  }
0x5b: {  	_ =	shalt  }
0x5c: {  	_ =	shalt  }
0x5d: {  	_ =	shalt  }
0x5e: {  	_ =	shalt  }
0x5f: {  	_ =	shalt  }
0x60: {  	_ =	shalt  }
0x61: {  	_ =	shalt  }
0x62: {  	_ =	shalt  }
0x63: {  	_ =	shalt  }
0x64: {  	_ =	shalt  }
0x65: {  	_ =	shalt  }
0x66: {  	_ =	shalt  }
0x67: {  	_ =	shalt  }
0x68: {  	_ =	shalt  }
0x69: {  	_ =	shalt  }
0x6a: {  	_ =	shalt  }
0x6b: {  	_ =	shalt  }
0x6c: {  	_ =	shalt  }
0x6d: {  	_ =	shalt  }
0x6e: {  	_ =	shalt  }
0x6f: {  	_ =	shalt  }
0x70: {  	_ =	shalt  }
0x71: {  	_ =	shalt  }
0x72: {  	_ =	shalt  }
0x73: {  	_ =	shalt  }
0x74: {  	_ =	shalt  }
0x75: {  	_ =	shalt  }
0x76: {  	_ =	shalt  }
0x77: {  	_ =	shalt  }
0x78: {  	_ =	shalt  }
0x79: {  	_ =	shalt  }
0x7a: {  	_ =	shalt  }
0x7b: {  	_ =	shalt  }
0x7c: {  	_ =	shalt  }
0x7d: {  	_ =	shalt  }
0x7e: {  	_ =	shalt  }
0x7f: {  	_ =	shalt  }
0x80: {  	_ =	shalt  }
0x81: {  	_ =	shalt  }
0x82: {  	_ =	shalt  }
0x83: {  	_ =	shalt  }
0x84: {  	_ =	shalt  }
0x85: {  	_ =	shalt  }
0x86: {  	_ =	shalt  }
0x87: {  	_ =	shalt  }
.Lfunc_end0:
.L_simem_size_0:
called_computation_lowered:
.L_overlay_start_0:
0x88: {  	s2 =	sld [smem:$0x3FD9]  }
0x89: {  	s3 =	sld [smem:$0x3FFE];
	_ =	sdelay $0x1  }
0x8a: {  	s1 =	srdreg.scid  }
0x8b: {  	s0 =	sand.u32 $0x1, s1  }
0x8c: {  	s17 =	sshll.u32 s0, $0xA;
	s2 =	sadd.s32 s3, s2  }
0x8d: {  	s2 =	sadd.s32 s2, s17  }
0x8e: {  	[smem:$0x3FC4] =	sst s2  }
0x8f: {  	_ = 	snop  }
0x90: {  	s2 =	sld [smem:$0x3FD0];
	(tm) =	ssettm $0x1  }
0x91: {  	s18 =	sld [smem:$0x3FFB];
	_ =	sdelay $0x3  }
0x92: {  	_ =	strace s18  }
0x93: {  	s3 =	sld [smem:$0x3FFC];
	_ =	sdelay $0x3  }
0x94: {  	_ =	strace s3  }
0x95: {  	s3 =	sld [smem:$0x3FFD];
	_ =	sdelay $0x3  }
0x96: {  	_ =	strace s3  }
0x97: {  	_ =	strace $0x8FFFFFFF  }
0x98: {  	s19 =	sld [smem:$0x3FDB];
	_ =	sdelay $0x1  }
0x99: {  	s4 =	simm.s32 $_scs_section_size  }
0x9a: {  	s5 =	simm.s32 $_size__tile_overlayer_lowered;
	s6 =	simm.s32 $_tile_overlayer_lowered  }
0x9b: {  	s22 =	simm.s32 $0x1BFF;
	s21 =	sshll.u32 s6, $0x1;
	s3 =	sadd.s32 s4, s19  }
0x9c: {  	s7 =	simm.s32 $0x0;
	s20 =	sshll.u32 s5, $0x1;
	s5 =	sadd.s32 s21, s3  }
0x9d: {  	[timem:s7], [sflag:s22] =	dma.local [hbm:s5], s20  }
0x9e: {  	_ =	swait.ge [sflag:s22], s20  }
0x9f: {  	s4 =	ssub.s32 $0x0, s20;
	[sflag:s22] =	ssyncset.done $0x0  }
0xa0: {  	[sflag:s22] =	ssyncadd.s32 s4;
	_ =	sdelay $0x1  }
0xa1: {  	s23 =	simm.s32 $0x1B8B  }
0xa2: {  	_ =	swait.ge [sflag:s23], $0x1  }
0xa3: {  	[sflag:s23] =	ssyncset.done $0x0  }
0xa4: {  	s25 =	simm.s32 $0x1B8E;
	s24 =	sld [smem:$0x3FFE];
	[sflag:s23] =	ssyncadd.s32 $0xFFFFFFFF  }
0xa5: {  	s26 =	simm.s32 $execute0_lowered;
	[smem:$0x3FD2] =	sst s25  }
0xa6: {  	s5 =	sshll.u32 s26, $0x1;
	_ =	strace $0x80000046;
	[dreg:$0x1] =	wrdreg $0xFFFFFFFF  }
0xa7: {  	s28 =	simm.s32 $_size_execute0_lowered;
	s3 =	sadd.s32 s3, s5;
	[dreg:$0x0] =	wrdreg $0x0  }
0xa8: {  	s5 =	sshll.u32 s28, $0x1;
	[dreg:$0x2] =	wrdreg s3  }
0xa9: {  	[dreg:$0x3] =	wrdreg s5  }
0xaa: {  	[dreg:$0x4] =	wrdreg $0xC0  }
0xab: {  	_ =	task [dreg:s7], $0x5FFFF  }
0xac: {  	[dreg:$0x1] =	wrdreg $0xFFFFFFFF  }
0xad: {  	[dreg:$0x0] =	wrdreg $0x60  }
0xae: {  	[dreg:$0x2] =	wrdreg s24  }
0xaf: {  	[dreg:$0x3] =	wrdreg s2  }
0xb0: {  	[dreg:$0x4] =	wrdreg $0x9  }
0xb1: {  	_ =	task.clear_ibuf [dreg:s7], $0x5FFFF;
	_ =	strace $0x90000046  }
0xb2: {  	s29 =	simm.s32 $0x9;
	_ =	strace $0x80000048  }
0xb3: {  	_ =	swait.ge [sflag:s29], $0x1  }
0xb4: {  	[sflag:s29] =	ssyncadd.s32 $0xFFFFFFFF  }
0xb5: {  	_ =	strace $0x90000048  }
0xb6: {  	_ =	sfence  }
0xb7: {  	s30 =	sld [smem:$0x0];
	_ =	sdelay $0x2  }
0xb8: {  	s31 =	sshll.u32 s1, $0xD;
	s1 =	sshrl.u32 s1, $0x2  }
0xb9: {  	s3 =	sand.u32 $0x4000, s31;
	s1 =	sadd.s32 s1, s30  }
0xba: {  	s0 =	sor.u32 s3, s0;
	s1 =	sshll.u32 s1, $0x11  }
0xbb: {  	s0 =	sor.u32 s1, s0  }
0xbc: {  	s0 =	sadd.s32 $0x8F2B, s0  }
0xbd: {  	[sflag:s0] =	ssyncadd.remote.s32 $0x1  }
0xbe: {  	_ =	sfence.sel $0xFFFF  }
0xbf: {  	[dreg:$0x0] =	wrdreg $0xFFFFFFFF;
	(pc) =	sbr.abs _section_cstart, $3  }
0xc0: {  	[dreg:$0x1] =	wrdreg $0xFFFFFFFF  }
0xc1: {  	_ =	task.clear_ibuf [dreg:s7], $0x2FFFF;
	_ =	strace $0x9FFFFFFF  }
0xc2: {  	(tm) =	ssettm $0x7FFFFFFF  }
0xc3: {  	_ =	shalt  }
tec
execute0_lowered:
.L_overlay_start_1:
0x0: {  	(tag) =	ssettag $0x1  }
0x1: {  	s5 =	rddreg [dreg:$0x0]  }
0x2: {  	s1 =	srdreg.scid;
	s0 =	stileid.u32  }
0x3: {  	s2 =	rddreg [dreg:$0x1];
	s3 =	simm.s32 $0x0;
	s10 =	simm.s32 $0x400  }
0x4: {  	s11 =	simm.s32 $0xA000;
	s12 =	simm.s32 $0x3;
	s13 =	simm.s32 $0x14000  }
0x5: {  	s14 =	simm.s32 $0x15900;
	s15 =	simm.s32 $0x17200;
	s16 =	simm.s32 $0x18B00  }
0x6: {  	s17 =	simm.s32 $0x1;
	s4 =	sand.u32 $0x1, s1;
	s6 =	smul.u32 $0x14000, s0  }
0x7: {  	s18 =	simm.s32 $0x2;
	s19 =	simm.s32 $0x0;
	s7 =	sshll.u32 s4, $0x9  }
0x8: {  	s1 =	rddreg [dreg:$0x2];
	s31 =	ssub.s32 $0x2, s4;
	s6 =	sor.u32 s7, s6  }
0x9: {  	[smem:$0x7FF] =	sst s3;
	s8 =	sshrl.u32 s31, $0x1;
	s6 =	sshrl.u32 s6, $0x3  }
0xa: {  	v0 =	vlaneseq.u32;
	_ =	strace $0x80000047;
	s8 =	ssub.s32 s31, s8;
	s9 =	sadd.s32 s6, s5  }
0xb: {  	v1 =	vand.u32 $0x3, v0;
	s4 =	sadd.s32 $0x800, s5;
	s8 =	smax.u32 s8, $0x1;
	s5 =	sadd.s32 $0x32600, s9  }
0xc: {  	v0 =	vimm.f32 $-Inf;
	v1 =	vmul.u32 $0x80, v1;
	s6 =	sadd.s32 $0xA600, s9;
	s7 =	sadd.s32 $0x5A600, s9;
	s9 =	simm.s32 $0x200  }
.LBB2_1:
0xd: {  	[tilespmem:s11], [sflag:$0x3] =	stream.strided.gather [hbm4b:s5+s9], $0xA000, s10, s9, $0x38;
	[tilespmem:$0x1A400] =	vst v63  }
0xe: {  	_ =	swait.ge [sflag:s12], $0xA000  }
0xf: {  	s20 =	sand.u32 $0x70, s3;
	s21 =	sand.u32 $0xFE00, s3;
	[sflag:s12] =	ssyncset.done $0x0  }
0x10: {  	s22 =	sor.u32 s20, s21;
	[sflag:s12] =	ssyncadd.s32 $0xFFFF6000  }
0x11: {  	[tilespmem:s22+$0x180] =	vst v0  }
0x12: {  	[tilespmem:s22+$0x0] =	vst v0  }
0x13: {  	s20 =	simm.s32 $0x10;
	s21 =	simm.s32 $0x0;
	[tilespmem:s22+$0x80] =	vst v0  }
.LBB2_2:
0x14: {  	s23 =	sand.u32 $0x70, s20;
	[tilespmem:s22+$0x100] =	vst v0;
	s21 =	sadd.s32 $0x40, s21;
	p0 =	sne.s32 s20, $0x27F0  }
.Ltmp0:
0x15: {  	s20 =	sadd.s32 $0x10, s20;
	s22 =	sand.u32 $0xFE00, s21;
	(pc) =	sbr.rel @p0 .LBB2_2-.Ltmp0, $4  }
0x16: {  	s22 =	sor.u32 s23, s22  }
0x17: {  	[tilespmem:s22+$0x180] =	vst v0  }
0x18: {  	[tilespmem:s22+$0x0] =	vst v0  }
0x19: {  	[tilespmem:s22+$0x80] =	vst v0  }
.Ltmp1:
0x1a: {  	(pc) =	sbr.rel .LBB2_4-.Ltmp1, $4  }
0x1b: {  	[tilespmem:s22+$0x100] =	vst v0;
	s20 =	simm.s32 $0x0  }
0x1c: {  	[tilespmem:s13], [sflag:$0x1] =	stream.linear.gather [hbm4b:s4+s20], $0x1900, $0x38;
	[tilespmem:$0x1A400] =	vst v63  }
0x1d: {  	s21 =	simm.s32 $0x0  }
0x1e: {  	[tilespmem:s14], [sflag:$0x1] =	stream.linear.gather [hbm4b:s2+s20], $0x1900, $0x38;
	[tilespmem:$0x1A400] =	vst v63  }
.LBB2_24:
0x1f: {  	s21 =	sadd.s32 $0x1, s21  }
0x20: {  	p0 =	sne.s32 s21, $0x19  }
.Ltmp2:
0x21: {  	_ = 	snop;
	(pc) =	sbr.rel @!p0 .LBB2_25-.Ltmp2, $1  }
0x22: {  	_ =	sdelay $0x3  }
.LBB2_4:
0x23: {  	s22 =	smul.u32 $0x3200, s21;
	_ =	sdelay $0x1  }
0x24: {  	s23 =	sshrl.u32 s22, $0x3  }
0x25: {  	s23 =	sadd.s32 $0x320, s23  }
0x26: {  	s24 =	sadd.s32 s4, s23  }
0x27: {  	[tilespmem:s15], [sflag:$0x2] =	stream.linear.gather [hbm4b:s24+s20], $0x1900, $0x38;
	[tilespmem:$0x1A400] =	vst v63  }
0x28: {  	s23 =	sadd.s32 s2, s23  }
0x29: {  	[tilespmem:s16], [sflag:$0x2] =	stream.linear.gather [hbm4b:s23+s20], $0x1900, $0x38;
	[tilespmem:$0x1A400] =	vst v63  }
0x2a: {  	_ =	swait.ge [sflag:s17], $0x1900  }
0x2b: {  	[sflag:s17] =	ssyncset.done $0x0  }
0x2c: {  	[sflag:s17] =	ssyncadd.s32 $0xFFFFE700  }
0x2d: {  	_ =	swait.ge [sflag:s17], $0x1900  }
0x2e: {  	[sflag:s17] =	ssyncset.done $0x0  }
0x2f: {  	[sflag:s17] =	ssyncadd.s32 $0xFFFFE700  }
0x30: {  	v2 =	vld [tilespmem:$0x15900];
	_ =	sdelay $0x4  }
0x31: {  	(xrf1) =	vunique.msk.u32 $0xffff, v2;
	_ =	sdelay $0xd  }
0x32: {  	_, v3, vm0 =	vpop (xrf1)  }
0x33: {  	v3 =	vmpcnt.ones.xlane vm0;
	_ =	sdelay $0x1  }
0x34: {  	(v2sf) =	vpush v3, $0x0;
	_ =	sdelay $0xa  }
.Ltmp3:
0x35: {  	_ = 	snop;
	(pc) =	sbr.rel .LBB2_5-.Ltmp3, $3  }
0x36: {  	_ =	sdelay $0x1  }
0x37: {  	s25 =	simm.s32 $0x0  }
0x38: {  	s24 =	simm.s32 $0x15920;
	s23 =	simm.s32 $0x14020;
	v4 =	vld [tilespmem:$0x14000];
	s26 =	spop (v2sf)  }
.LBB2_13:
0x39: {  	s25 =	sadd.s32 $0x4, s25  }
0x3a: {  	p0 =	sne.s32 s25, $0x190  }
.Ltmp4:
0x3b: {  	_ = 	snop;
	(pc) =	sbr.rel @!p0 .LBB2_14-.Ltmp4, $2  }
0x3c: {  	_ =	sdelay $0x2  }
0x3d: {  	s23 =	sadd.s32 $0x40, s23;
	s24 =	sadd.s32 $0x40, s24  }
.LBB2_5:
0x3e: {  	v3 =	vld [tilespmem:s24+$0xFFFFFFF0];
	_ =	sdelay $0x4  }
0x3f: {  	(xrf1) =	vunique.msk.u32 $0xffff, v3;
	_ =	sdelay $0xb  }
0x40: {  	v8 =	vshll.u32 v2, $0x2  }
0x41: {  	v10 =	vand.u32 $0x7F, v2;
	v8 =	vand.u32 $0xFFFFFE00, v8  }
0x42: {  	v8 =	vor.u32 v10, v8;
	_, v6, vm0 =	vpop (xrf1)  }
0x43: {  	v11 =	vor.u32 $0x80, v8;
	v7 =	vmpcnt.ones.xlane vm0  }
0x44: {  	v12 =	vor.u32 $0x100, v8;
	v13 =	vor.u32 $0x180, v8;
	v5 =	vshll.u32 v4, $0x2  }
0x45: {  	v5 =	vand.u32 $0xFFFFFE00, v5;
	v6 =	vand.u32 $0x7F, v4;
	(v2sf) =	vpush v7, $0x0  }
0x46: {  	v5 =	vor.u32 v6, v5  }
0x47: {  	v14 =	vld.idx.msk [tilespmem:v8+s3+$0x0], $0xffff;
	v6 =	vor.u32 $0x80, v5  }
0x48: {  	v15 =	vld.idx.msk [tilespmem:v11+s3+$0x0], $0xffff;
	v7 =	vor.u32 $0x100, v5  }
0x49: {  	v16 =	vld.idx.msk [tilespmem:v12+s3+$0x0], $0xffff;
	v9 =	vor.u32 $0x180, v5  }
0x4a: {  	v17 =	vld.idx.msk [tilespmem:v13+s3+$0x0], $0xffff  }
0x4b: {  	v63 =	vld.idx.msk [tilespmem:v5+s11+$0x0], $0xffff  }
0x4c: {  	v6 =	vld.idx.msk [tilespmem:v6+s11+$0x0], $0xffff  }
0x4d: {  	v7 =	vld.idx.msk [tilespmem:v7+s11+$0x0], $0xffff  }
0x4e: {  	v9 =	vld.idx.msk [tilespmem:v9+s11+$0x0], $0xffff  }
0x4f: {  	p0 =	seq.s32 s26, $0x10  }
.Ltmp5:
0x50: {  	v10 =	vmax.f32 v14, v63;
	(pc) =	sbr.rel @p0 .LBB2_7-.Ltmp5, $4  }
0x51: {  	v5 =	vld [tilespmem:s23+$0xFFFFFFF0];
	[tilespmem:v8+s3+$0x0] =	vst.idx.msk $0xffff, v10;
	v6 =	vmax.f32 v15, v6  }
0x52: {  	[tilespmem:v11+s3+$0x0] =	vst.idx.msk $0xffff, v6;
	v6 =	vmax.f32 v16, v7  }
0x53: {  	[tilespmem:v12+s3+$0x0] =	vst.idx.msk $0xffff, v6;
	v6 =	vmax.f32 v17, v9  }
0x54: {  	[tilespmem:v13+s3+$0x0] =	vst.idx.msk $0xffff, v6;
	s26 =	spop (v2sf)  }
0x55: {  	v6 =	vbroadcast v4, $0x0  }
0x56: {  	v7 =	vbroadcast v2, $0x0  }
0x57: {  	v8 =	vshll.u32 v6, $0x2  }
0x58: {  	v6 =	vand.u32 $0x7F, v6;
	v9 =	vshll.u32 v7, $0x2;
	v8 =	vand.u32 $0xFFFFFE00, v8  }
0x59: {  	v7 =	vand.u32 $0x7F, v7;
	v41 =	vand.u32 $0xFFFFFE00, v9;
	v6 =	vor.u32 v8, v6  }
0x5a: {  	v7 =	vor.u32 v41, v7;
	v6 =	vor.u32 v1, v6  }
0x5b: {  	v7 =	vor.u32 v1, v7;
	_ =	sdelay $0x1  }
0x5c: {  	v42 =	vbroadcast v4, $0x1  }
0x5d: {  	v43 =	vbroadcast v2, $0x1  }
0x5e: {  	v10 =	vshll.u32 v42, $0x2;
	v6 =	vld.idx.msk [tilespmem:v6+s11+$0x0], $0xffff  }
0x5f: {  	v12 =	vshll.u32 v43, $0x2;
	v10 =	vand.u32 $0xFFFFFE00, v10;
	v8 =	vand.u32 $0x7F, v42;
	v11 =	vld.idx.msk [tilespmem:v7+s3+$0x0], $0xffff  }
0x60: {  	v9 =	vand.u32 $0x7F, v43;
	v44 =	vand.u32 $0xFFFFFE00, v12;
	v8 =	vor.u32 v10, v8  }
0x61: {  	v9 =	vor.u32 v44, v9;
	v8 =	vor.u32 v1, v8  }
0x62: {  	v9 =	vor.u32 v1, v9;
	_ =	sdelay $0x1  }
0x63: {  	v45 =	vbroadcast v4, $0x2;
	v6 =	vmax.f32 v11, v6  }
0x64: {  	[tilespmem:v7+s3+$0x0] =	vst.idx.msk $0xffff, v6;
	v6 =	vbroadcast v2, $0x2  }
0x65: {  	v46 =	vshll.u32 v45, $0x2;
	v7 =	vld.idx.msk [tilespmem:v8+s11+$0x0], $0xffff  }
0x66: {  	v10 =	vand.u32 $0x7F, v45;
	v47 =	vld.idx.msk [tilespmem:v9+s3+$0x0], $0xffff;
	v8 =	vand.u32 $0xFFFFFE00, v46;
	v48 =	vshll.u32 v6, $0x2  }
0x67: {  	v8 =	vor.u32 v8, v10;
	v6 =	vand.u32 $0x7F, v6;
	v49 =	vand.u32 $0xFFFFFE00, v48  }
0x68: {  	v8 =	vor.u32 v1, v8;
	v6 =	vor.u32 v49, v6  }
0x69: {  	v6 =	vor.u32 v1, v6;
	_ =	sdelay $0x1  }
0x6a: {  	v50 =	vbroadcast v4, $0x3;
	v7 =	vmax.f32 v47, v7  }
0x6b: {  	[tilespmem:v9+s3+$0x0] =	vst.idx.msk $0xffff, v7;
	v7 =	vbroadcast v2, $0x3  }
0x6c: {  	v51 =	vshll.u32 v50, $0x2;
	v8 =	vld.idx.msk [tilespmem:v8+s11+$0x0], $0xffff  }
0x6d: {  	v10 =	vand.u32 $0x7F, v50;
	v9 =	vand.u32 $0xFFFFFE00, v51;
	v53 =	vshll.u32 v7, $0x2;
	v52 =	vld.idx.msk [tilespmem:v6+s3+$0x0], $0xffff  }
0x6e: {  	v9 =	vor.u32 v9, v10;
	v7 =	vand.u32 $0x7F, v7;
	v54 =	vand.u32 $0xFFFFFE00, v53  }
0x6f: {  	v9 =	vor.u32 v1, v9;
	v7 =	vor.u32 v54, v7  }
0x70: {  	v7 =	vor.u32 v1, v7;
	_ =	sdelay $0x1  }
0x71: {  	v55 =	vbroadcast v4, $0x4;
	v8 =	vmax.f32 v52, v8  }
0x72: {  	[tilespmem:v6+s3+$0x0] =	vst.idx.msk $0xffff, v8;
	v6 =	vbroadcast v2, $0x4  }
0x73: {  	v56 =	vshll.u32 v55, $0x2;
	v8 =	vld.idx.msk [tilespmem:v9+s11+$0x0], $0xffff  }
0x74: {  	v10 =	vand.u32 $0x7F, v55;
	v57 =	vld.idx.msk [tilespmem:v7+s3+$0x0], $0xffff;
	v9 =	vand.u32 $0xFFFFFE00, v56;
	v58 =	vshll.u32 v6, $0x2  }
0x75: {  	v9 =	vor.u32 v9, v10;
	v6 =	vand.u32 $0x7F, v6;
	v59 =	vand.u32 $0xFFFFFE00, v58  }
0x76: {  	v9 =	vor.u32 v1, v9;
	v6 =	vor.u32 v59, v6  }
0x77: {  	v6 =	vor.u32 v1, v6;
	_ =	sdelay $0x1  }
0x78: {  	v60 =	vbroadcast v4, $0x5;
	v8 =	vmax.f32 v57, v8  }
0x79: {  	[tilespmem:v7+s3+$0x0] =	vst.idx.msk $0xffff, v8;
	v7 =	vbroadcast v2, $0x5  }
0x7a: {  	v61 =	vshll.u32 v60, $0x2;
	v8 =	vld.idx.msk [tilespmem:v9+s11+$0x0], $0xffff  }
0x7b: {  	v10 =	vand.u32 $0x7F, v60;
	v9 =	vand.u32 $0xFFFFFE00, v61;
	v63 =	vshll.u32 v7, $0x2;
	v62 =	vld.idx.msk [tilespmem:v6+s3+$0x0], $0xffff  }
0x7c: {  	v9 =	vor.u32 v9, v10;
	v7 =	vand.u32 $0x7F, v7;
	v14 =	vand.u32 $0xFFFFFE00, v63  }
0x7d: {  	v9 =	vor.u32 v1, v9;
	v7 =	vor.u32 v14, v7  }
0x7e: {  	v7 =	vor.u32 v1, v7;
	_ =	sdelay $0x1  }
0x7f: {  	v15 =	vbroadcast v4, $0x6;
	v8 =	vmax.f32 v62, v8  }
0x80: {  	[tilespmem:v6+s3+$0x0] =	vst.idx.msk $0xffff, v8;
	v6 =	vbroadcast v2, $0x6  }
0x81: {  	v16 =	vshll.u32 v15, $0x2;
	v8 =	vld.idx.msk [tilespmem:v9+s11+$0x0], $0xffff  }
0x82: {  	v10 =	vand.u32 $0x7F, v15;
	v17 =	vld.idx.msk [tilespmem:v7+s3+$0x0], $0xffff;
	v9 =	vand.u32 $0xFFFFFE00, v16;
	v18 =	vshll.u32 v6, $0x2  }
0x83: {  	v9 =	vor.u32 v9, v10;
	v6 =	vand.u32 $0x7F, v6;
	v19 =	vand.u32 $0xFFFFFE00, v18  }
0x84: {  	v9 =	vor.u32 v1, v9;
	v6 =	vor.u32 v19, v6  }
0x85: {  	v6 =	vor.u32 v1, v6;
	_ =	sdelay $0x1  }
0x86: {  	v20 =	vbroadcast v4, $0x7;
	v8 =	vmax.f32 v17, v8  }
0x87: {  	[tilespmem:v7+s3+$0x0] =	vst.idx.msk $0xffff, v8;
	v7 =	vbroadcast v2, $0x7  }
0x88: {  	v21 =	vshll.u32 v20, $0x2;
	v8 =	vld.idx.msk [tilespmem:v9+s11+$0x0], $0xffff  }
0x89: {  	v10 =	vand.u32 $0x7F, v20;
	v9 =	vand.u32 $0xFFFFFE00, v21;
	v23 =	vshll.u32 v7, $0x2;
	v22 =	vld.idx.msk [tilespmem:v6+s3+$0x0], $0xffff  }
0x8a: {  	v9 =	vor.u32 v9, v10;
	v7 =	vand.u32 $0x7F, v7;
	v24 =	vand.u32 $0xFFFFFE00, v23  }
0x8b: {  	v9 =	vor.u32 v1, v9;
	v7 =	vor.u32 v24, v7  }
0x8c: {  	v7 =	vor.u32 v1, v7;
	_ =	sdelay $0x1  }
0x8d: {  	v25 =	vbroadcast v4, $0x8;
	v8 =	vmax.f32 v22, v8  }
0x8e: {  	[tilespmem:v6+s3+$0x0] =	vst.idx.msk $0xffff, v8;
	v6 =	vbroadcast v2, $0x8  }
0x8f: {  	v26 =	vshll.u32 v25, $0x2;
	v8 =	vld.idx.msk [tilespmem:v9+s11+$0x0], $0xffff  }
0x90: {  	v10 =	vand.u32 $0x7F, v25;
	v27 =	vld.idx.msk [tilespmem:v7+s3+$0x0], $0xffff;
	v9 =	vand.u32 $0xFFFFFE00, v26;
	v28 =	vshll.u32 v6, $0x2  }
0x91: {  	v9 =	vor.u32 v9, v10;
	v6 =	vand.u32 $0x7F, v6;
	v29 =	vand.u32 $0xFFFFFE00, v28  }
0x92: {  	v9 =	vor.u32 v1, v9;
	v6 =	vor.u32 v29, v6  }
0x93: {  	v6 =	vor.u32 v1, v6;
	_ =	sdelay $0x1  }
0x94: {  	v30 =	vbroadcast v4, $0x9;
	v8 =	vmax.f32 v27, v8  }
0x95: {  	[tilespmem:v7+s3+$0x0] =	vst.idx.msk $0xffff, v8;
	v7 =	vbroadcast v2, $0x9  }
0x96: {  	v31 =	vshll.u32 v30, $0x2;
	v8 =	vld.idx.msk [tilespmem:v9+s11+$0x0], $0xffff  }
0x97: {  	v10 =	vand.u32 $0x7F, v30;
	v9 =	vand.u32 $0xFFFFFE00, v31;
	v33 =	vshll.u32 v7, $0x2;
	v32 =	vld.idx.msk [tilespmem:v6+s3+$0x0], $0xffff  }
0x98: {  	v9 =	vor.u32 v9, v10;
	v7 =	vand.u32 $0x7F, v7;
	v34 =	vand.u32 $0xFFFFFE00, v33  }
0x99: {  	v9 =	vor.u32 v1, v9;
	v7 =	vor.u32 v34, v7  }
0x9a: {  	v7 =	vor.u32 v1, v7;
	_ =	sdelay $0x1  }
0x9b: {  	v35 =	vbroadcast v4, $0xA;
	v8 =	vmax.f32 v32, v8  }
0x9c: {  	[tilespmem:v6+s3+$0x0] =	vst.idx.msk $0xffff, v8;
	v6 =	vbroadcast v2, $0xA  }
0x9d: {  	v36 =	vshll.u32 v35, $0x2;
	v8 =	vld.idx.msk [tilespmem:v9+s11+$0x0], $0xffff  }
0x9e: {  	v10 =	vand.u32 $0x7F, v35;
	v37 =	vld.idx.msk [tilespmem:v7+s3+$0x0], $0xffff;
	v9 =	vand.u32 $0xFFFFFE00, v36;
	v38 =	vshll.u32 v6, $0x2  }
0x9f: {  	v9 =	vor.u32 v9, v10;
	v6 =	vand.u32 $0x7F, v6;
	v39 =	vand.u32 $0xFFFFFE00, v38  }
0xa0: {  	v9 =	vor.u32 v1, v9;
	v6 =	vor.u32 v39, v6  }
0xa1: {  	v6 =	vor.u32 v1, v6;
	_ =	sdelay $0x1  }
0xa2: {  	v40 =	vbroadcast v4, $0xB;
	v8 =	vmax.f32 v37, v8  }
0xa3: {  	[tilespmem:v7+s3+$0x0] =	vst.idx.msk $0xffff, v8;
	v7 =	vbroadcast v2, $0xB  }
0xa4: {  	v41 =	vshll.u32 v40, $0x2;
	v8 =	vld.idx.msk [tilespmem:v9+s11+$0x0], $0xffff  }
0xa5: {  	v10 =	vand.u32 $0x7F, v40;
	v9 =	vand.u32 $0xFFFFFE00, v41;
	v43 =	vshll.u32 v7, $0x2;
	v42 =	vld.idx.msk [tilespmem:v6+s3+$0x0], $0xffff  }
0xa6: {  	v9 =	vor.u32 v9, v10;
	v7 =	vand.u32 $0x7F, v7;
	v44 =	vand.u32 $0xFFFFFE00, v43  }
0xa7: {  	v9 =	vor.u32 v1, v9;
	v7 =	vor.u32 v44, v7  }
0xa8: {  	v7 =	vor.u32 v1, v7;
	_ =	sdelay $0x1  }
0xa9: {  	v45 =	vbroadcast v4, $0xC;
	v8 =	vmax.f32 v42, v8  }
0xaa: {  	[tilespmem:v6+s3+$0x0] =	vst.idx.msk $0xffff, v8;
	v6 =	vbroadcast v2, $0xC  }
0xab: {  	v46 =	vshll.u32 v45, $0x2;
	v8 =	vld.idx.msk [tilespmem:v9+s11+$0x0], $0xffff  }
0xac: {  	v10 =	vand.u32 $0x7F, v45;
	v47 =	vld.idx.msk [tilespmem:v7+s3+$0x0], $0xffff;
	v9 =	vand.u32 $0xFFFFFE00, v46;
	v48 =	vshll.u32 v6, $0x2  }
0xad: {  	v9 =	vor.u32 v9, v10;
	v6 =	vand.u32 $0x7F, v6;
	v49 =	vand.u32 $0xFFFFFE00, v48  }
0xae: {  	v9 =	vor.u32 v1, v9;
	v6 =	vor.u32 v49, v6  }
0xaf: {  	v6 =	vor.u32 v1, v6;
	_ =	sdelay $0x1  }
0xb0: {  	v50 =	vbroadcast v4, $0xD;
	v8 =	vmax.f32 v47, v8  }
0xb1: {  	[tilespmem:v7+s3+$0x0] =	vst.idx.msk $0xffff, v8;
	v7 =	vbroadcast v2, $0xD  }
0xb2: {  	v51 =	vshll.u32 v50, $0x2;
	v8 =	vld.idx.msk [tilespmem:v9+s11+$0x0], $0xffff  }
0xb3: {  	v10 =	vand.u32 $0x7F, v50;
	v9 =	vand.u32 $0xFFFFFE00, v51;
	v53 =	vshll.u32 v7, $0x2;
	v52 =	vld.idx.msk [tilespmem:v6+s3+$0x0], $0xffff  }
0xb4: {  	v9 =	vor.u32 v9, v10;
	v7 =	vand.u32 $0x7F, v7;
	v54 =	vand.u32 $0xFFFFFE00, v53  }
0xb5: {  	v9 =	vor.u32 v1, v9;
	v7 =	vor.u32 v54, v7  }
0xb6: {  	v7 =	vor.u32 v1, v7;
	_ =	sdelay $0x1  }
0xb7: {  	v55 =	vbroadcast v4, $0xE;
	v8 =	vmax.f32 v52, v8  }
0xb8: {  	[tilespmem:v6+s3+$0x0] =	vst.idx.msk $0xffff, v8;
	v6 =	vbroadcast v2, $0xE  }
0xb9: {  	v56 =	vshll.u32 v55, $0x2;
	v8 =	vld.idx.msk [tilespmem:v9+s11+$0x0], $0xffff  }
0xba: {  	v10 =	vand.u32 $0x7F, v55;
	v57 =	vld.idx.msk [tilespmem:v7+s3+$0x0], $0xffff;
	v9 =	vand.u32 $0xFFFFFE00, v56;
	v58 =	vshll.u32 v6, $0x2  }
0xbb: {  	v9 =	vor.u32 v9, v10;
	v6 =	vand.u32 $0x7F, v6;
	v59 =	vand.u32 $0xFFFFFE00, v58  }
0xbc: {  	v9 =	vor.u32 v1, v9;
	v6 =	vor.u32 v59, v6  }
0xbd: {  	v6 =	vor.u32 v1, v6;
	_ =	sdelay $0x1  }
0xbe: {  	v4 =	vbroadcast v4, $0xF;
	v8 =	vmax.f32 v57, v8  }
0xbf: {  	v2 =	vbroadcast v2, $0xF;
	[tilespmem:v7+s3+$0x0] =	vst.idx.msk $0xffff, v8  }
0xc0: {  	v60 =	vshll.u32 v4, $0x2;
	v7 =	vld.idx.msk [tilespmem:v9+s11+$0x0], $0xffff  }
0xc1: {  	v4 =	vand.u32 $0x7F, v4;
	v62 =	vshll.u32 v2, $0x2;
	v8 =	vand.u32 $0xFFFFFE00, v60;
	v61 =	vld.idx.msk [tilespmem:v6+s3+$0x0], $0xffff  }
0xc2: {  	v2 =	vand.u32 $0x7F, v2;
	v63 =	vand.u32 $0xFFFFFE00, v62;
	v4 =	vor.u32 v8, v4  }
0xc3: {  	v2 =	vor.u32 v63, v2;
	v4 =	vor.u32 v1, v4  }
0xc4: {  	v2 =	vor.u32 v1, v2;
	_ =	sdelay $0x1  }
0xc5: {  	v7 =	vmax.f32 v61, v7  }
0xc6: {  	[tilespmem:v6+s3+$0x0] =	vst.idx.msk $0xffff, v7  }
0xc7: {  	v4 =	vld.idx.msk [tilespmem:v4+s11+$0x0], $0xffff  }
0xc8: {  	v6 =	vld.idx.msk [tilespmem:v2+s3+$0x0], $0xffff;
	_ =	sdelay $0x4  }
0xc9: {  	v4 =	vmax.f32 v6, v4  }
0xca: {  	[tilespmem:v2+s3+$0x0] =	vst.idx.msk $0xffff, v4  }
.LBB2_7:
0xcb: {  	v2 =	vld [tilespmem:s24+$0x0];
	_ =	sdelay $0x4  }
0xcc: {  	(xrf1) =	vunique.msk.u32 $0xffff, v2;
	_ =	sdelay $0xb  }
0xcd: {  	v8 =	vshll.u32 v3, $0x2  }
0xce: {  	v10 =	vand.u32 $0x7F, v3;
	v8 =	vand.u32 $0xFFFFFE00, v8  }
0xcf: {  	v8 =	vor.u32 v10, v8;
	_, v6, vm0 =	vpop (xrf1)  }
0xd0: {  	v4 =	vshll.u32 v5, $0x2;
	v11 =	vor.u32 $0x80, v8;
	v7 =	vmpcnt.ones.xlane vm0  }
0xd1: {  	v4 =	vand.u32 $0xFFFFFE00, v4;
	v12 =	vor.u32 $0x100, v8  }
0xd2: {  	v13 =	vor.u32 $0x180, v8;
	v6 =	vand.u32 $0x7F, v5;
	(v2sf) =	vpush v7, $0x0  }
0xd3: {  	v4 =	vor.u32 v6, v4  }
0xd4: {  	v14 =	vld.idx.msk [tilespmem:v8+s3+$0x0], $0xffff;
	v6 =	vor.u32 $0x80, v4  }
0xd5: {  	v15 =	vld.idx.msk [tilespmem:v11+s3+$0x0], $0xffff;
	v7 =	vor.u32 $0x100, v4  }
0xd6: {  	v16 =	vld.idx.msk [tilespmem:v12+s3+$0x0], $0xffff;
	v9 =	vor.u32 $0x180, v4  }
0xd7: {  	v17 =	vld.idx.msk [tilespmem:v13+s3+$0x0], $0xffff  }
0xd8: {  	v63 =	vld.idx.msk [tilespmem:v4+s11+$0x0], $0xffff  }
0xd9: {  	v6 =	vld.idx.msk [tilespmem:v6+s11+$0x0], $0xffff  }
0xda: {  	v7 =	vld.idx.msk [tilespmem:v7+s11+$0x0], $0xffff  }
0xdb: {  	v9 =	vld.idx.msk [tilespmem:v9+s11+$0x0], $0xffff  }
0xdc: {  	p0 =	seq.s32 s26, $0x10  }
.Ltmp6:
0xdd: {  	v10 =	vmax.f32 v14, v63;
	(pc) =	sbr.rel @p0 .LBB2_9-.Ltmp6, $4  }
0xde: {  	v4 =	vld [tilespmem:s23+$0x0];
	[tilespmem:v8+s3+$0x0] =	vst.idx.msk $0xffff, v10;
	v6 =	vmax.f32 v15, v6  }
0xdf: {  	[tilespmem:v11+s3+$0x0] =	vst.idx.msk $0xffff, v6;
	v6 =	vmax.f32 v16, v7  }
0xe0: {  	[tilespmem:v12+s3+$0x0] =	vst.idx.msk $0xffff, v6;
	v6 =	vmax.f32 v17, v9  }
0xe1: {  	[tilespmem:v13+s3+$0x0] =	vst.idx.msk $0xffff, v6;
	s26 =	spop (v2sf)  }
0xe2: {  	v6 =	vbroadcast v5, $0x0  }
0xe3: {  	v7 =	vbroadcast v3, $0x0  }
0xe4: {  	v8 =	vshll.u32 v6, $0x2  }
0xe5: {  	v6 =	vand.u32 $0x7F, v6;
	v9 =	vshll.u32 v7, $0x2;
	v8 =	vand.u32 $0xFFFFFE00, v8  }
0xe6: {  	v7 =	vand.u32 $0x7F, v7;
	v41 =	vand.u32 $0xFFFFFE00, v9;
	v6 =	vor.u32 v8, v6  }
0xe7: {  	v7 =	vor.u32 v41, v7;
	v6 =	vor.u32 v1, v6  }
0xe8: {  	v7 =	vor.u32 v1, v7;
	_ =	sdelay $0x1  }
0xe9: {  	v42 =	vbroadcast v5, $0x1  }
0xea: {  	v43 =	vbroadcast v3, $0x1  }
0xeb: {  	v10 =	vshll.u32 v42, $0x2;
	v6 =	vld.idx.msk [tilespmem:v6+s11+$0x0], $0xffff  }
0xec: {  	v12 =	vshll.u32 v43, $0x2;
	v10 =	vand.u32 $0xFFFFFE00, v10;
	v8 =	vand.u32 $0x7F, v42;
	v11 =	vld.idx.msk [tilespmem:v7+s3+$0x0], $0xffff  }
0xed: {  	v9 =	vand.u32 $0x7F, v43;
	v44 =	vand.u32 $0xFFFFFE00, v12;
	v8 =	vor.u32 v10, v8  }
0xee: {  	v9 =	vor.u32 v44, v9;
	v8 =	vor.u32 v1, v8  }
0xef: {  	v9 =	vor.u32 v1, v9;
	_ =	sdelay $0x1  }
0xf0: {  	v45 =	vbroadcast v5, $0x2;
	v6 =	vmax.f32 v11, v6  }
0xf1: {  	[tilespmem:v7+s3+$0x0] =	vst.idx.msk $0xffff, v6;
	v6 =	vbroadcast v3, $0x2  }
0xf2: {  	v46 =	vshll.u32 v45, $0x2;
	v7 =	vld.idx.msk [tilespmem:v8+s11+$0x0], $0xffff  }
0xf3: {  	v10 =	vand.u32 $0x7F, v45;
	v47 =	vld.idx.msk [tilespmem:v9+s3+$0x0], $0xffff;
	v8 =	vand.u32 $0xFFFFFE00, v46;
	v48 =	vshll.u32 v6, $0x2  }
0xf4: {  	v8 =	vor.u32 v8, v10;
	v6 =	vand.u32 $0x7F, v6;
	v49 =	vand.u32 $0xFFFFFE00, v48  }
0xf5: {  	v8 =	vor.u32 v1, v8;
	v6 =	vor.u32 v49, v6  }
0xf6: {  	v6 =	vor.u32 v1, v6;
	_ =	sdelay $0x1  }
0xf7: {  	v50 =	vbroadcast v5, $0x3;
	v7 =	vmax.f32 v47, v7  }
0xf8: {  	[tilespmem:v9+s3+$0x0] =	vst.idx.msk $0xffff, v7;
	v7 =	vbroadcast v3, $0x3  }
0xf9: {  	v51 =	vshll.u32 v50, $0x2;
	v8 =	vld.idx.msk [tilespmem:v8+s11+$0x0], $0xffff  }
0xfa: {  	v10 =	vand.u32 $0x7F, v50;
	v9 =	vand.u32 $0xFFFFFE00, v51;
	v53 =	vshll.u32 v7, $0x2;
	v52 =	vld.idx.msk [tilespmem:v6+s3+$0x0], $0xffff  }
0xfb: {  	v9 =	vor.u32 v9, v10;
	v7 =	vand.u32 $0x7F, v7;
	v54 =	vand.u32 $0xFFFFFE00, v53  }
0xfc: {  	v9 =	vor.u32 v1, v9;
	v7 =	vor.u32 v54, v7  }
0xfd: {  	v7 =	vor.u32 v1, v7;
	_ =	sdelay $0x1  }
0xfe: {  	v55 =	vbroadcast v5, $0x4;
	v8 =	vmax.f32 v52, v8  }
0xff: {  	[tilespmem:v6+s3+$0x0] =	vst.idx.msk $0xffff, v8;
	v6 =	vbroadcast v3, $0x4  }
0x100: {  	v56 =	vshll.u32 v55, $0x2;
	v8 =	vld.idx.msk [tilespmem:v9+s11+$0x0], $0xffff  }
0x101: {  	v10 =	vand.u32 $0x7F, v55;
	v57 =	vld.idx.msk [tilespmem:v7+s3+$0x0], $0xffff;
	v9 =	vand.u32 $0xFFFFFE00, v56;
	v58 =	vshll.u32 v6, $0x2  }
0x102: {  	v9 =	vor.u32 v9, v10;
	v6 =	vand.u32 $0x7F, v6;
	v59 =	vand.u32 $0xFFFFFE00, v58  }
0x103: {  	v9 =	vor.u32 v1, v9;
	v6 =	vor.u32 v59, v6  }
0x104: {  	v6 =	vor.u32 v1, v6;
	_ =	sdelay $0x1  }
0x105: {  	v60 =	vbroadcast v5, $0x5;
	v8 =	vmax.f32 v57, v8  }
0x106: {  	[tilespmem:v7+s3+$0x0] =	vst.idx.msk $0xffff, v8;
	v7 =	vbroadcast v3, $0x5  }
0x107: {  	v61 =	vshll.u32 v60, $0x2;
	v8 =	vld.idx.msk [tilespmem:v9+s11+$0x0], $0xffff  }
0x108: {  	v10 =	vand.u32 $0x7F, v60;
	v9 =	vand.u32 $0xFFFFFE00, v61;
	v63 =	vshll.u32 v7, $0x2;
	v62 =	vld.idx.msk [tilespmem:v6+s3+$0x0], $0xffff  }
0x109: {  	v9 =	vor.u32 v9, v10;
	v7 =	vand.u32 $0x7F, v7;
	v14 =	vand.u32 $0xFFFFFE00, v63  }
0x10a: {  	v9 =	vor.u32 v1, v9;
	v7 =	vor.u32 v14, v7  }
0x10b: {  	v7 =	vor.u32 v1, v7;
	_ =	sdelay $0x1  }
0x10c: {  	v15 =	vbroadcast v5, $0x6;
	v8 =	vmax.f32 v62, v8  }
0x10d: {  	[tilespmem:v6+s3+$0x0] =	vst.idx.msk $0xffff, v8;
	v6 =	vbroadcast v3, $0x6  }
0x10e: {  	v16 =	vshll.u32 v15, $0x2;
	v8 =	vld.idx.msk [tilespmem:v9+s11+$0x0], $0xffff  }
0x10f: {  	v10 =	vand.u32 $0x7F, v15;
	v17 =	vld.idx.msk [tilespmem:v7+s3+$0x0], $0xffff;
	v9 =	vand.u32 $0xFFFFFE00, v16;
	v18 =	vshll.u32 v6, $0x2  }
0x110: {  	v9 =	vor.u32 v9, v10;
	v6 =	vand.u32 $0x7F, v6;
	v19 =	vand.u32 $0xFFFFFE00, v18  }
0x111: {  	v9 =	vor.u32 v1, v9;
	v6 =	vor.u32 v19, v6  }
0x112: {  	v6 =	vor.u32 v1, v6;
	_ =	sdelay $0x1  }
0x113: {  	v20 =	vbroadcast v5, $0x7;
	v8 =	vmax.f32 v17, v8  }
0x114: {  	[tilespmem:v7+s3+$0x0] =	vst.idx.msk $0xffff, v8;
	v7 =	vbroadcast v3, $0x7  }
0x115: {  	v21 =	vshll.u32 v20, $0x2;
	v8 =	vld.idx.msk [tilespmem:v9+s11+$0x0], $0xffff  }
0x116: {  	v10 =	vand.u32 $0x7F, v20;
	v9 =	vand.u32 $0xFFFFFE00, v21;
	v23 =	vshll.u32 v7, $0x2;
	v22 =	vld.idx.msk [tilespmem:v6+s3+$0x0], $0xffff  }
0x117: {  	v9 =	vor.u32 v9, v10;
	v7 =	vand.u32 $0x7F, v7;
	v24 =	vand.u32 $0xFFFFFE00, v23  }
0x118: {  	v9 =	vor.u32 v1, v9;
	v7 =	vor.u32 v24, v7  }
0x119: {  	v7 =	vor.u32 v1, v7;
	_ =	sdelay $0x1  }
0x11a: {  	v25 =	vbroadcast v5, $0x8;
	v8 =	vmax.f32 v22, v8  }
0x11b: {  	[tilespmem:v6+s3+$0x0] =	vst.idx.msk $0xffff, v8;
	v6 =	vbroadcast v3, $0x8  }
0x11c: {  	v26 =	vshll.u32 v25, $0x2;
	v8 =	vld.idx.msk [tilespmem:v9+s11+$0x0], $0xffff  }
0x11d: {  	v10 =	vand.u32 $0x7F, v25;
	v27 =	vld.idx.msk [tilespmem:v7+s3+$0x0], $0xffff;
	v9 =	vand.u32 $0xFFFFFE00, v26;
	v28 =	vshll.u32 v6, $0x2  }
0x11e: {  	v9 =	vor.u32 v9, v10;
	v6 =	vand.u32 $0x7F, v6;
	v29 =	vand.u32 $0xFFFFFE00, v28  }
0x11f: {  	v9 =	vor.u32 v1, v9;
	v6 =	vor.u32 v29, v6  }
0x120: {  	v6 =	vor.u32 v1, v6;
	_ =	sdelay $0x1  }
0x121: {  	v30 =	vbroadcast v5, $0x9;
	v8 =	vmax.f32 v27, v8  }
0x122: {  	[tilespmem:v7+s3+$0x0] =	vst.idx.msk $0xffff, v8;
	v7 =	vbroadcast v3, $0x9  }
0x123: {  	v31 =	vshll.u32 v30, $0x2;
	v8 =	vld.idx.msk [tilespmem:v9+s11+$0x0], $0xffff  }
0x124: {  	v10 =	vand.u32 $0x7F, v30;
	v9 =	vand.u32 $0xFFFFFE00, v31;
	v33 =	vshll.u32 v7, $0x2;
	v32 =	vld.idx.msk [tilespmem:v6+s3+$0x0], $0xffff  }
0x125: {  	v9 =	vor.u32 v9, v10;
	v7 =	vand.u32 $0x7F, v7;
	v34 =	vand.u32 $0xFFFFFE00, v33  }
0x126: {  	v9 =	vor.u32 v1, v9;
	v7 =	vor.u32 v34, v7  }
0x127: {  	v7 =	vor.u32 v1, v7;
	_ =	sdelay $0x1  }
0x128: {  	v35 =	vbroadcast v5, $0xA;
	v8 =	vmax.f32 v32, v8  }
0x129: {  	[tilespmem:v6+s3+$0x0] =	vst.idx.msk $0xffff, v8;
	v6 =	vbroadcast v3, $0xA  }
0x12a: {  	v36 =	vshll.u32 v35, $0x2;
	v8 =	vld.idx.msk [tilespmem:v9+s11+$0x0], $0xffff  }
0x12b: {  	v10 =	vand.u32 $0x7F, v35;
	v37 =	vld.idx.msk [tilespmem:v7+s3+$0x0], $0xffff;
	v9 =	vand.u32 $0xFFFFFE00, v36;
	v38 =	vshll.u32 v6, $0x2  }
0x12c: {  	v9 =	vor.u32 v9, v10;
	v6 =	vand.u32 $0x7F, v6;
	v39 =	vand.u32 $0xFFFFFE00, v38  }
0x12d: {  	v9 =	vor.u32 v1, v9;
	v6 =	vor.u32 v39, v6  }
0x12e: {  	v6 =	vor.u32 v1, v6;
	_ =	sdelay $0x1  }
0x12f: {  	v40 =	vbroadcast v5, $0xB;
	v8 =	vmax.f32 v37, v8  }
0x130: {  	[tilespmem:v7+s3+$0x0] =	vst.idx.msk $0xffff, v8;
	v7 =	vbroadcast v3, $0xB  }
0x131: {  	v41 =	vshll.u32 v40, $0x2;
	v8 =	vld.idx.msk [tilespmem:v9+s11+$0x0], $0xffff  }
0x132: {  	v10 =	vand.u32 $0x7F, v40;
	v9 =	vand.u32 $0xFFFFFE00, v41;
	v43 =	vshll.u32 v7, $0x2;
	v42 =	vld.idx.msk [tilespmem:v6+s3+$0x0], $0xffff  }
0x133: {  	v9 =	vor.u32 v9, v10;
	v7 =	vand.u32 $0x7F, v7;
	v44 =	vand.u32 $0xFFFFFE00, v43  }
0x134: {  	v9 =	vor.u32 v1, v9;
	v7 =	vor.u32 v44, v7  }
0x135: {  	v7 =	vor.u32 v1, v7;
	_ =	sdelay $0x1  }
0x136: {  	v45 =	vbroadcast v5, $0xC;
	v8 =	vmax.f32 v42, v8  }
0x137: {  	[tilespmem:v6+s3+$0x0] =	vst.idx.msk $0xffff, v8;
	v6 =	vbroadcast v3, $0xC  }
0x138: {  	v46 =	vshll.u32 v45, $0x2;
	v8 =	vld.idx.msk [tilespmem:v9+s11+$0x0], $0xffff  }
0x139: {  	v10 =	vand.u32 $0x7F, v45;
	v47 =	vld.idx.msk [tilespmem:v7+s3+$0x0], $0xffff;
	v9 =	vand.u32 $0xFFFFFE00, v46;
	v48 =	vshll.u32 v6, $0x2  }
0x13a: {  	v9 =	vor.u32 v9, v10;
	v6 =	vand.u32 $0x7F, v6;
	v49 =	vand.u32 $0xFFFFFE00, v48  }
0x13b: {  	v9 =	vor.u32 v1, v9;
	v6 =	vor.u32 v49, v6  }
0x13c: {  	v6 =	vor.u32 v1, v6;
	_ =	sdelay $0x1  }
0x13d: {  	v50 =	vbroadcast v5, $0xD;
	v8 =	vmax.f32 v47, v8  }
0x13e: {  	[tilespmem:v7+s3+$0x0] =	vst.idx.msk $0xffff, v8;
	v7 =	vbroadcast v3, $0xD  }
0x13f: {  	v51 =	vshll.u32 v50, $0x2;
	v8 =	vld.idx.msk [tilespmem:v9+s11+$0x0], $0xffff  }
0x140: {  	v10 =	vand.u32 $0x7F, v50;
	v9 =	vand.u32 $0xFFFFFE00, v51;
	v53 =	vshll.u32 v7, $0x2;
	v52 =	vld.idx.msk [tilespmem:v6+s3+$0x0], $0xffff  }
0x141: {  	v9 =	vor.u32 v9, v10;
	v7 =	vand.u32 $0x7F, v7;
	v54 =	vand.u32 $0xFFFFFE00, v53  }
0x142: {  	v9 =	vor.u32 v1, v9;
	v7 =	vor.u32 v54, v7  }
0x143: {  	v7 =	vor.u32 v1, v7;
	_ =	sdelay $0x1  }
0x144: {  	v55 =	vbroadcast v5, $0xE;
	v8 =	vmax.f32 v52, v8  }
0x145: {  	[tilespmem:v6+s3+$0x0] =	vst.idx.msk $0xffff, v8;
	v6 =	vbroadcast v3, $0xE  }
0x146: {  	v56 =	vshll.u32 v55, $0x2;
	v8 =	vld.idx.msk [tilespmem:v9+s11+$0x0], $0xffff  }
0x147: {  	v10 =	vand.u32 $0x7F, v55;
	v57 =	vld.idx.msk [tilespmem:v7+s3+$0x0], $0xffff;
	v9 =	vand.u32 $0xFFFFFE00, v56;
	v58 =	vshll.u32 v6, $0x2  }
0x148: {  	v9 =	vor.u32 v9, v10;
	v6 =	vand.u32 $0x7F, v6;
	v59 =	vand.u32 $0xFFFFFE00, v58  }
0x149: {  	v9 =	vor.u32 v1, v9;
	v6 =	vor.u32 v59, v6  }
0x14a: {  	v6 =	vor.u32 v1, v6;
	_ =	sdelay $0x1  }
0x14b: {  	v5 =	vbroadcast v5, $0xF;
	v8 =	vmax.f32 v57, v8  }
0x14c: {  	v3 =	vbroadcast v3, $0xF;
	[tilespmem:v7+s3+$0x0] =	vst.idx.msk $0xffff, v8  }
0x14d: {  	v60 =	vshll.u32 v5, $0x2;
	v7 =	vld.idx.msk [tilespmem:v9+s11+$0x0], $0xffff  }
0x14e: {  	v5 =	vand.u32 $0x7F, v5;
	v62 =	vshll.u32 v3, $0x2;
	v8 =	vand.u32 $0xFFFFFE00, v60;
	v61 =	vld.idx.msk [tilespmem:v6+s3+$0x0], $0xffff  }
0x14f: {  	v3 =	vand.u32 $0x7F, v3;
	v63 =	vand.u32 $0xFFFFFE00, v62;
	v5 =	vor.u32 v8, v5  }
0x150: {  	v3 =	vor.u32 v63, v3;
	v5 =	vor.u32 v1, v5  }
0x151: {  	v3 =	vor.u32 v1, v3;
	_ =	sdelay $0x1  }
0x152: {  	v7 =	vmax.f32 v61, v7  }
0x153: {  	[tilespmem:v6+s3+$0x0] =	vst.idx.msk $0xffff, v7  }
0x154: {  	v5 =	vld.idx.msk [tilespmem:v5+s11+$0x0], $0xffff  }
0x155: {  	v6 =	vld.idx.msk [tilespmem:v3+s3+$0x0], $0xffff;
	_ =	sdelay $0x4  }
0x156: {  	v5 =	vmax.f32 v6, v5  }
0x157: {  	[tilespmem:v3+s3+$0x0] =	vst.idx.msk $0xffff, v5  }
.LBB2_9:
0x158: {  	v3 =	vld [tilespmem:s24+$0x10];
	_ =	sdelay $0x4  }
0x159: {  	(xrf1) =	vunique.msk.u32 $0xffff, v3;
	_ =	sdelay $0xb  }
0x15a: {  	v8 =	vshll.u32 v2, $0x2  }
0x15b: {  	v10 =	vand.u32 $0x7F, v2;
	v8 =	vand.u32 $0xFFFFFE00, v8  }
0x15c: {  	v8 =	vor.u32 v10, v8;
	_, v6, vm0 =	vpop (xrf1)  }
0x15d: {  	v5 =	vshll.u32 v4, $0x2;
	v11 =	vor.u32 $0x80, v8;
	v7 =	vmpcnt.ones.xlane vm0  }
0x15e: {  	v5 =	vand.u32 $0xFFFFFE00, v5;
	v12 =	vor.u32 $0x100, v8  }
0x15f: {  	v13 =	vor.u32 $0x180, v8;
	v6 =	vand.u32 $0x7F, v4;
	(v2sf) =	vpush v7, $0x0  }
0x160: {  	v5 =	vor.u32 v6, v5  }
0x161: {  	v14 =	vld.idx.msk [tilespmem:v8+s3+$0x0], $0xffff;
	v6 =	vor.u32 $0x80, v5  }
0x162: {  	v15 =	vld.idx.msk [tilespmem:v11+s3+$0x0], $0xffff;
	v7 =	vor.u32 $0x100, v5  }
0x163: {  	v16 =	vld.idx.msk [tilespmem:v12+s3+$0x0], $0xffff;
	v9 =	vor.u32 $0x180, v5  }
0x164: {  	v17 =	vld.idx.msk [tilespmem:v13+s3+$0x0], $0xffff  }
0x165: {  	v63 =	vld.idx.msk [tilespmem:v5+s11+$0x0], $0xffff  }
0x166: {  	v6 =	vld.idx.msk [tilespmem:v6+s11+$0x0], $0xffff  }
0x167: {  	v7 =	vld.idx.msk [tilespmem:v7+s11+$0x0], $0xffff  }
0x168: {  	v9 =	vld.idx.msk [tilespmem:v9+s11+$0x0], $0xffff  }
0x169: {  	p0 =	seq.s32 s26, $0x10  }
.Ltmp7:
0x16a: {  	v10 =	vmax.f32 v14, v63;
	(pc) =	sbr.rel @p0 .LBB2_11-.Ltmp7, $4  }
0x16b: {  	v5 =	vld [tilespmem:s23+$0x10];
	[tilespmem:v8+s3+$0x0] =	vst.idx.msk $0xffff, v10;
	v6 =	vmax.f32 v15, v6  }
0x16c: {  	[tilespmem:v11+s3+$0x0] =	vst.idx.msk $0xffff, v6;
	v6 =	vmax.f32 v16, v7  }
0x16d: {  	[tilespmem:v12+s3+$0x0] =	vst.idx.msk $0xffff, v6;
	v6 =	vmax.f32 v17, v9  }
0x16e: {  	[tilespmem:v13+s3+$0x0] =	vst.idx.msk $0xffff, v6;
	s26 =	spop (v2sf)  }
0x16f: {  	v6 =	vbroadcast v4, $0x0  }
0x170: {  	v7 =	vbroadcast v2, $0x0  }
0x171: {  	v8 =	vshll.u32 v6, $0x2  }
0x172: {  	v6 =	vand.u32 $0x7F, v6;
	v9 =	vshll.u32 v7, $0x2;
	v8 =	vand.u32 $0xFFFFFE00, v8  }
0x173: {  	v7 =	vand.u32 $0x7F, v7;
	v41 =	vand.u32 $0xFFFFFE00, v9;
	v6 =	vor.u32 v8, v6  }
0x174: {  	v7 =	vor.u32 v41, v7;
	v6 =	vor.u32 v1, v6  }
0x175: {  	v7 =	vor.u32 v1, v7;
	_ =	sdelay $0x1  }
0x176: {  	v42 =	vbroadcast v4, $0x1  }
0x177: {  	v43 =	vbroadcast v2, $0x1  }
0x178: {  	v10 =	vshll.u32 v42, $0x2;
	v6 =	vld.idx.msk [tilespmem:v6+s11+$0x0], $0xffff  }
0x179: {  	v12 =	vshll.u32 v43, $0x2;
	v10 =	vand.u32 $0xFFFFFE00, v10;
	v8 =	vand.u32 $0x7F, v42;
	v11 =	vld.idx.msk [tilespmem:v7+s3+$0x0], $0xffff  }
0x17a: {  	v9 =	vand.u32 $0x7F, v43;
	v44 =	vand.u32 $0xFFFFFE00, v12;
	v8 =	vor.u32 v10, v8  }
0x17b: {  	v9 =	vor.u32 v44, v9;
	v8 =	vor.u32 v1, v8  }
0x17c: {  	v9 =	vor.u32 v1, v9;
	_ =	sdelay $0x1  }
0x17d: {  	v45 =	vbroadcast v4, $0x2;
	v6 =	vmax.f32 v11, v6  }
0x17e: {  	[tilespmem:v7+s3+$0x0] =	vst.idx.msk $0xffff, v6;
	v6 =	vbroadcast v2, $0x2  }
0x17f: {  	v46 =	vshll.u32 v45, $0x2;
	v7 =	vld.idx.msk [tilespmem:v8+s11+$0x0], $0xffff  }
0x180: {  	v10 =	vand.u32 $0x7F, v45;
	v47 =	vld.idx.msk [tilespmem:v9+s3+$0x0], $0xffff;
	v8 =	vand.u32 $0xFFFFFE00, v46;
	v48 =	vshll.u32 v6, $0x2  }
0x181: {  	v8 =	vor.u32 v8, v10;
	v6 =	vand.u32 $0x7F, v6;
	v49 =	vand.u32 $0xFFFFFE00, v48  }
0x182: {  	v8 =	vor.u32 v1, v8;
	v6 =	vor.u32 v49, v6  }
0x183: {  	v6 =	vor.u32 v1, v6;
	_ =	sdelay $0x1  }
0x184: {  	v50 =	vbroadcast v4, $0x3;
	v7 =	vmax.f32 v47, v7  }
0x185: {  	[tilespmem:v9+s3+$0x0] =	vst.idx.msk $0xffff, v7;
	v7 =	vbroadcast v2, $0x3  }
0x186: {  	v51 =	vshll.u32 v50, $0x2;
	v8 =	vld.idx.msk [tilespmem:v8+s11+$0x0], $0xffff  }
0x187: {  	v10 =	vand.u32 $0x7F, v50;
	v9 =	vand.u32 $0xFFFFFE00, v51;
	v53 =	vshll.u32 v7, $0x2;
	v52 =	vld.idx.msk [tilespmem:v6+s3+$0x0], $0xffff  }
0x188: {  	v9 =	vor.u32 v9, v10;
	v7 =	vand.u32 $0x7F, v7;
	v54 =	vand.u32 $0xFFFFFE00, v53  }
0x189: {  	v9 =	vor.u32 v1, v9;
	v7 =	vor.u32 v54, v7  }
0x18a: {  	v7 =	vor.u32 v1, v7;
	_ =	sdelay $0x1  }
0x18b: {  	v55 =	vbroadcast v4, $0x4;
	v8 =	vmax.f32 v52, v8  }
0x18c: {  	[tilespmem:v6+s3+$0x0] =	vst.idx.msk $0xffff, v8;
	v6 =	vbroadcast v2, $0x4  }
0x18d: {  	v56 =	vshll.u32 v55, $0x2;
	v8 =	vld.idx.msk [tilespmem:v9+s11+$0x0], $0xffff  }
0x18e: {  	v10 =	vand.u32 $0x7F, v55;
	v57 =	vld.idx.msk [tilespmem:v7+s3+$0x0], $0xffff;
	v9 =	vand.u32 $0xFFFFFE00, v56;
	v58 =	vshll.u32 v6, $0x2  }
0x18f: {  	v9 =	vor.u32 v9, v10;
	v6 =	vand.u32 $0x7F, v6;
	v59 =	vand.u32 $0xFFFFFE00, v58  }
0x190: {  	v9 =	vor.u32 v1, v9;
	v6 =	vor.u32 v59, v6  }
0x191: {  	v6 =	vor.u32 v1, v6;
	_ =	sdelay $0x1  }
0x192: {  	v60 =	vbroadcast v4, $0x5;
	v8 =	vmax.f32 v57, v8  }
0x193: {  	[tilespmem:v7+s3+$0x0] =	vst.idx.msk $0xffff, v8;
	v7 =	vbroadcast v2, $0x5  }
0x194: {  	v61 =	vshll.u32 v60, $0x2;
	v8 =	vld.idx.msk [tilespmem:v9+s11+$0x0], $0xffff  }
0x195: {  	v10 =	vand.u32 $0x7F, v60;
	v9 =	vand.u32 $0xFFFFFE00, v61;
	v63 =	vshll.u32 v7, $0x2;
	v62 =	vld.idx.msk [tilespmem:v6+s3+$0x0], $0xffff  }
0x196: {  	v9 =	vor.u32 v9, v10;
	v7 =	vand.u32 $0x7F, v7;
	v14 =	vand.u32 $0xFFFFFE00, v63  }
0x197: {  	v9 =	vor.u32 v1, v9;
	v7 =	vor.u32 v14, v7  }
0x198: {  	v7 =	vor.u32 v1, v7;
	_ =	sdelay $0x1  }
0x199: {  	v15 =	vbroadcast v4, $0x6;
	v8 =	vmax.f32 v62, v8  }
0x19a: {  	[tilespmem:v6+s3+$0x0] =	vst.idx.msk $0xffff, v8;
	v6 =	vbroadcast v2, $0x6  }
0x19b: {  	v16 =	vshll.u32 v15, $0x2;
	v8 =	vld.idx.msk [tilespmem:v9+s11+$0x0], $0xffff  }
0x19c: {  	v10 =	vand.u32 $0x7F, v15;
	v17 =	vld.idx.msk [tilespmem:v7+s3+$0x0], $0xffff;
	v9 =	vand.u32 $0xFFFFFE00, v16;
	v18 =	vshll.u32 v6, $0x2  }
0x19d: {  	v9 =	vor.u32 v9, v10;
	v6 =	vand.u32 $0x7F, v6;
	v19 =	vand.u32 $0xFFFFFE00, v18  }
0x19e: {  	v9 =	vor.u32 v1, v9;
	v6 =	vor.u32 v19, v6  }
0x19f: {  	v6 =	vor.u32 v1, v6;
	_ =	sdelay $0x1  }
0x1a0: {  	v20 =	vbroadcast v4, $0x7;
	v8 =	vmax.f32 v17, v8  }
0x1a1: {  	[tilespmem:v7+s3+$0x0] =	vst.idx.msk $0xffff, v8;
	v7 =	vbroadcast v2, $0x7  }
0x1a2: {  	v21 =	vshll.u32 v20, $0x2;
	v8 =	vld.idx.msk [tilespmem:v9+s11+$0x0], $0xffff  }
0x1a3: {  	v10 =	vand.u32 $0x7F, v20;
	v9 =	vand.u32 $0xFFFFFE00, v21;
	v23 =	vshll.u32 v7, $0x2;
	v22 =	vld.idx.msk [tilespmem:v6+s3+$0x0], $0xffff  }
0x1a4: {  	v9 =	vor.u32 v9, v10;
	v7 =	vand.u32 $0x7F, v7;
	v24 =	vand.u32 $0xFFFFFE00, v23  }
0x1a5: {  	v9 =	vor.u32 v1, v9;
	v7 =	vor.u32 v24, v7  }
0x1a6: {  	v7 =	vor.u32 v1, v7;
	_ =	sdelay $0x1  }
0x1a7: {  	v25 =	vbroadcast v4, $0x8;
	v8 =	vmax.f32 v22, v8  }
0x1a8: {  	[tilespmem:v6+s3+$0x0] =	vst.idx.msk $0xffff, v8;
	v6 =	vbroadcast v2, $0x8  }
0x1a9: {  	v26 =	vshll.u32 v25, $0x2;
	v8 =	vld.idx.msk [tilespmem:v9+s11+$0x0], $0xffff  }
0x1aa: {  	v10 =	vand.u32 $0x7F, v25;
	v27 =	vld.idx.msk [tilespmem:v7+s3+$0x0], $0xffff;
	v9 =	vand.u32 $0xFFFFFE00, v26;
	v28 =	vshll.u32 v6, $0x2  }
0x1ab: {  	v9 =	vor.u32 v9, v10;
	v6 =	vand.u32 $0x7F, v6;
	v29 =	vand.u32 $0xFFFFFE00, v28  }
0x1ac: {  	v9 =	vor.u32 v1, v9;
	v6 =	vor.u32 v29, v6  }
0x1ad: {  	v6 =	vor.u32 v1, v6;
	_ =	sdelay $0x1  }
0x1ae: {  	v30 =	vbroadcast v4, $0x9;
	v8 =	vmax.f32 v27, v8  }
0x1af: {  	[tilespmem:v7+s3+$0x0] =	vst.idx.msk $0xffff, v8;
	v7 =	vbroadcast v2, $0x9  }
0x1b0: {  	v31 =	vshll.u32 v30, $0x2;
	v8 =	vld.idx.msk [tilespmem:v9+s11+$0x0], $0xffff  }
0x1b1: {  	v10 =	vand.u32 $0x7F, v30;
	v9 =	vand.u32 $0xFFFFFE00, v31;
	v33 =	vshll.u32 v7, $0x2;
	v32 =	vld.idx.msk [tilespmem:v6+s3+$0x0], $0xffff  }
0x1b2: {  	v9 =	vor.u32 v9, v10;
	v7 =	vand.u32 $0x7F, v7;
	v34 =	vand.u32 $0xFFFFFE00, v33  }
0x1b3: {  	v9 =	vor.u32 v1, v9;
	v7 =	vor.u32 v34, v7  }
0x1b4: {  	v7 =	vor.u32 v1, v7;
	_ =	sdelay $0x1  }
0x1b5: {  	v35 =	vbroadcast v4, $0xA;
	v8 =	vmax.f32 v32, v8  }
0x1b6: {  	[tilespmem:v6+s3+$0x0] =	vst.idx.msk $0xffff, v8;
	v6 =	vbroadcast v2, $0xA  }
0x1b7: {  	v36 =	vshll.u32 v35, $0x2;
	v8 =	vld.idx.msk [tilespmem:v9+s11+$0x0], $0xffff  }
0x1b8: {  	v10 =	vand.u32 $0x7F, v35;
	v37 =	vld.idx.msk [tilespmem:v7+s3+$0x0], $0xffff;
	v9 =	vand.u32 $0xFFFFFE00, v36;
	v38 =	vshll.u32 v6, $0x2  }
0x1b9: {  	v9 =	vor.u32 v9, v10;
	v6 =	vand.u32 $0x7F, v6;
	v39 =	vand.u32 $0xFFFFFE00, v38  }
0x1ba: {  	v9 =	vor.u32 v1, v9;
	v6 =	vor.u32 v39, v6  }
0x1bb: {  	v6 =	vor.u32 v1, v6;
	_ =	sdelay $0x1  }
0x1bc: {  	v40 =	vbroadcast v4, $0xB;
	v8 =	vmax.f32 v37, v8  }
0x1bd: {  	[tilespmem:v7+s3+$0x0] =	vst.idx.msk $0xffff, v8;
	v7 =	vbroadcast v2, $0xB  }
0x1be: {  	v41 =	vshll.u32 v40, $0x2;
	v8 =	vld.idx.msk [tilespmem:v9+s11+$0x0], $0xffff  }
0x1bf: {  	v10 =	vand.u32 $0x7F, v40;
	v9 =	vand.u32 $0xFFFFFE00, v41;
	v43 =	vshll.u32 v7, $0x2;
	v42 =	vld.idx.msk [tilespmem:v6+s3+$0x0], $0xffff  }
0x1c0: {  	v9 =	vor.u32 v9, v10;
	v7 =	vand.u32 $0x7F, v7;
	v44 =	vand.u32 $0xFFFFFE00, v43  }
0x1c1: {  	v9 =	vor.u32 v1, v9;
	v7 =	vor.u32 v44, v7  }
0x1c2: {  	v7 =	vor.u32 v1, v7;
	_ =	sdelay $0x1  }
0x1c3: {  	v45 =	vbroadcast v4, $0xC;
	v8 =	vmax.f32 v42, v8  }
0x1c4: {  	[tilespmem:v6+s3+$0x0] =	vst.idx.msk $0xffff, v8;
	v6 =	vbroadcast v2, $0xC  }
0x1c5: {  	v46 =	vshll.u32 v45, $0x2;
	v8 =	vld.idx.msk [tilespmem:v9+s11+$0x0], $0xffff  }
0x1c6: {  	v10 =	vand.u32 $0x7F, v45;
	v47 =	vld.idx.msk [tilespmem:v7+s3+$0x0], $0xffff;
	v9 =	vand.u32 $0xFFFFFE00, v46;
	v48 =	vshll.u32 v6, $0x2  }
0x1c7: {  	v9 =	vor.u32 v9, v10;
	v6 =	vand.u32 $0x7F, v6;
	v49 =	vand.u32 $0xFFFFFE00, v48  }
0x1c8: {  	v9 =	vor.u32 v1, v9;
	v6 =	vor.u32 v49, v6  }
0x1c9: {  	v6 =	vor.u32 v1, v6;
	_ =	sdelay $0x1  }
0x1ca: {  	v50 =	vbroadcast v4, $0xD;
	v8 =	vmax.f32 v47, v8  }
0x1cb: {  	[tilespmem:v7+s3+$0x0] =	vst.idx.msk $0xffff, v8;
	v7 =	vbroadcast v2, $0xD  }
0x1cc: {  	v51 =	vshll.u32 v50, $0x2;
	v8 =	vld.idx.msk [tilespmem:v9+s11+$0x0], $0xffff  }
0x1cd: {  	v10 =	vand.u32 $0x7F, v50;
	v9 =	vand.u32 $0xFFFFFE00, v51;
	v53 =	vshll.u32 v7, $0x2;
	v52 =	vld.idx.msk [tilespmem:v6+s3+$0x0], $0xffff  }
0x1ce: {  	v9 =	vor.u32 v9, v10;
	v7 =	vand.u32 $0x7F, v7;
	v54 =	vand.u32 $0xFFFFFE00, v53  }
0x1cf: {  	v9 =	vor.u32 v1, v9;
	v7 =	vor.u32 v54, v7  }
0x1d0: {  	v7 =	vor.u32 v1, v7;
	_ =	sdelay $0x1  }
0x1d1: {  	v55 =	vbroadcast v4, $0xE;
	v8 =	vmax.f32 v52, v8  }
0x1d2: {  	[tilespmem:v6+s3+$0x0] =	vst.idx.msk $0xffff, v8;
	v6 =	vbroadcast v2, $0xE  }
0x1d3: {  	v56 =	vshll.u32 v55, $0x2;
	v8 =	vld.idx.msk [tilespmem:v9+s11+$0x0], $0xffff  }
0x1d4: {  	v10 =	vand.u32 $0x7F, v55;
	v57 =	vld.idx.msk [tilespmem:v7+s3+$0x0], $0xffff;
	v9 =	vand.u32 $0xFFFFFE00, v56;
	v58 =	vshll.u32 v6, $0x2  }
0x1d5: {  	v9 =	vor.u32 v9, v10;
	v6 =	vand.u32 $0x7F, v6;
	v59 =	vand.u32 $0xFFFFFE00, v58  }
0x1d6: {  	v9 =	vor.u32 v1, v9;
	v6 =	vor.u32 v59, v6  }
0x1d7: {  	v6 =	vor.u32 v1, v6;
	_ =	sdelay $0x1  }
0x1d8: {  	v4 =	vbroadcast v4, $0xF;
	v8 =	vmax.f32 v57, v8  }
0x1d9: {  	v2 =	vbroadcast v2, $0xF;
	[tilespmem:v7+s3+$0x0] =	vst.idx.msk $0xffff, v8  }
0x1da: {  	v60 =	vshll.u32 v4, $0x2;
	v7 =	vld.idx.msk [tilespmem:v9+s11+$0x0], $0xffff  }
0x1db: {  	v4 =	vand.u32 $0x7F, v4;
	v62 =	vshll.u32 v2, $0x2;
	v8 =	vand.u32 $0xFFFFFE00, v60;
	v61 =	vld.idx.msk [tilespmem:v6+s3+$0x0], $0xffff  }
0x1dc: {  	v2 =	vand.u32 $0x7F, v2;
	v63 =	vand.u32 $0xFFFFFE00, v62;
	v4 =	vor.u32 v8, v4  }
0x1dd: {  	v2 =	vor.u32 v63, v2;
	v4 =	vor.u32 v1, v4  }
0x1de: {  	v2 =	vor.u32 v1, v2;
	_ =	sdelay $0x1  }
0x1df: {  	v7 =	vmax.f32 v61, v7  }
0x1e0: {  	[tilespmem:v6+s3+$0x0] =	vst.idx.msk $0xffff, v7  }
0x1e1: {  	v4 =	vld.idx.msk [tilespmem:v4+s11+$0x0], $0xffff  }
0x1e2: {  	v6 =	vld.idx.msk [tilespmem:v2+s3+$0x0], $0xffff;
	_ =	sdelay $0x4  }
0x1e3: {  	v4 =	vmax.f32 v6, v4  }
0x1e4: {  	[tilespmem:v2+s3+$0x0] =	vst.idx.msk $0xffff, v4  }
.LBB2_11:
0x1e5: {  	s28 =	smin.u32 s25, $0x18B  }
0x1e6: {  	s28 =	sshll.u32 s28, $0x4  }
0x1e7: {  	v2 =	vld [tilespmem:s28+$0x15940];
	_ =	sdelay $0x4  }
0x1e8: {  	(xrf1) =	vunique.msk.u32 $0xffff, v2;
	_ =	sdelay $0xb  }
0x1e9: {  	v8 =	vshll.u32 v3, $0x2  }
0x1ea: {  	v10 =	vand.u32 $0x7F, v3;
	v8 =	vand.u32 $0xFFFFFE00, v8  }
0x1eb: {  	v8 =	vor.u32 v10, v8;
	_, v6, vm0 =	vpop (xrf1)  }
0x1ec: {  	v4 =	vshll.u32 v5, $0x2;
	v11 =	vor.u32 $0x80, v8;
	v7 =	vmpcnt.ones.xlane vm0  }
0x1ed: {  	v4 =	vand.u32 $0xFFFFFE00, v4;
	v12 =	vor.u32 $0x100, v8  }
0x1ee: {  	v13 =	vor.u32 $0x180, v8;
	v6 =	vand.u32 $0x7F, v5;
	(v2sf) =	vpush v7, $0x0  }
0x1ef: {  	v4 =	vor.u32 v6, v4  }
0x1f0: {  	v14 =	vld.idx.msk [tilespmem:v8+s3+$0x0], $0xffff;
	v6 =	vor.u32 $0x80, v4  }
0x1f1: {  	v15 =	vld.idx.msk [tilespmem:v11+s3+$0x0], $0xffff;
	v7 =	vor.u32 $0x100, v4  }
0x1f2: {  	v16 =	vld.idx.msk [tilespmem:v12+s3+$0x0], $0xffff;
	v9 =	vor.u32 $0x180, v4  }
0x1f3: {  	v17 =	vld.idx.msk [tilespmem:v13+s3+$0x0], $0xffff  }
0x1f4: {  	v63 =	vld.idx.msk [tilespmem:v4+s11+$0x0], $0xffff  }
0x1f5: {  	v6 =	vld.idx.msk [tilespmem:v6+s11+$0x0], $0xffff  }
0x1f6: {  	v7 =	vld.idx.msk [tilespmem:v7+s11+$0x0], $0xffff  }
0x1f7: {  	v9 =	vld.idx.msk [tilespmem:v9+s11+$0x0], $0xffff  }
0x1f8: {  	p0 =	seq.s32 s26, $0x10  }
.Ltmp8:
0x1f9: {  	v10 =	vmax.f32 v14, v63;
	(pc) =	sbr.rel @p0 .LBB2_13-.Ltmp8, $4  }
0x1fa: {  	v4 =	vld [tilespmem:s28+$0x14040];
	[tilespmem:v8+s3+$0x0] =	vst.idx.msk $0xffff, v10;
	v6 =	vmax.f32 v15, v6  }
0x1fb: {  	[tilespmem:v11+s3+$0x0] =	vst.idx.msk $0xffff, v6;
	v6 =	vmax.f32 v16, v7  }
0x1fc: {  	[tilespmem:v12+s3+$0x0] =	vst.idx.msk $0xffff, v6;
	v6 =	vmax.f32 v17, v9  }
0x1fd: {  	[tilespmem:v13+s3+$0x0] =	vst.idx.msk $0xffff, v6;
	s26 =	spop (v2sf)  }
0x1fe: {  	v6 =	vbroadcast v5, $0x0  }
0x1ff: {  	v7 =	vbroadcast v3, $0x0  }
0x200: {  	v8 =	vshll.u32 v6, $0x2  }
0x201: {  	v6 =	vand.u32 $0x7F, v6;
	v9 =	vshll.u32 v7, $0x2;
	v8 =	vand.u32 $0xFFFFFE00, v8  }
0x202: {  	v7 =	vand.u32 $0x7F, v7;
	v41 =	vand.u32 $0xFFFFFE00, v9;
	v6 =	vor.u32 v8, v6  }
0x203: {  	v7 =	vor.u32 v41, v7;
	v6 =	vor.u32 v1, v6  }
0x204: {  	v7 =	vor.u32 v1, v7;
	_ =	sdelay $0x1  }
0x205: {  	v42 =	vbroadcast v5, $0x1  }
0x206: {  	v43 =	vbroadcast v3, $0x1  }
0x207: {  	v10 =	vshll.u32 v42, $0x2;
	v6 =	vld.idx.msk [tilespmem:v6+s11+$0x0], $0xffff  }
0x208: {  	v12 =	vshll.u32 v43, $0x2;
	v10 =	vand.u32 $0xFFFFFE00, v10;
	v8 =	vand.u32 $0x7F, v42;
	v11 =	vld.idx.msk [tilespmem:v7+s3+$0x0], $0xffff  }
0x209: {  	v9 =	vand.u32 $0x7F, v43;
	v44 =	vand.u32 $0xFFFFFE00, v12;
	v8 =	vor.u32 v10, v8  }
0x20a: {  	v9 =	vor.u32 v44, v9;
	v8 =	vor.u32 v1, v8  }
0x20b: {  	v9 =	vor.u32 v1, v9;
	_ =	sdelay $0x1  }
0x20c: {  	v45 =	vbroadcast v5, $0x2;
	v6 =	vmax.f32 v11, v6  }
0x20d: {  	[tilespmem:v7+s3+$0x0] =	vst.idx.msk $0xffff, v6;
	v6 =	vbroadcast v3, $0x2  }
0x20e: {  	v46 =	vshll.u32 v45, $0x2;
	v7 =	vld.idx.msk [tilespmem:v8+s11+$0x0], $0xffff  }
0x20f: {  	v10 =	vand.u32 $0x7F, v45;
	v47 =	vld.idx.msk [tilespmem:v9+s3+$0x0], $0xffff;
	v8 =	vand.u32 $0xFFFFFE00, v46;
	v48 =	vshll.u32 v6, $0x2  }
0x210: {  	v8 =	vor.u32 v8, v10;
	v6 =	vand.u32 $0x7F, v6;
	v49 =	vand.u32 $0xFFFFFE00, v48  }
0x211: {  	v8 =	vor.u32 v1, v8;
	v6 =	vor.u32 v49, v6  }
0x212: {  	v6 =	vor.u32 v1, v6;
	_ =	sdelay $0x1  }
0x213: {  	v50 =	vbroadcast v5, $0x3;
	v7 =	vmax.f32 v47, v7  }
0x214: {  	[tilespmem:v9+s3+$0x0] =	vst.idx.msk $0xffff, v7;
	v7 =	vbroadcast v3, $0x3  }
0x215: {  	v51 =	vshll.u32 v50, $0x2;
	v8 =	vld.idx.msk [tilespmem:v8+s11+$0x0], $0xffff  }
0x216: {  	v10 =	vand.u32 $0x7F, v50;
	v9 =	vand.u32 $0xFFFFFE00, v51;
	v53 =	vshll.u32 v7, $0x2;
	v52 =	vld.idx.msk [tilespmem:v6+s3+$0x0], $0xffff  }
0x217: {  	v9 =	vor.u32 v9, v10;
	v7 =	vand.u32 $0x7F, v7;
	v54 =	vand.u32 $0xFFFFFE00, v53  }
0x218: {  	v9 =	vor.u32 v1, v9;
	v7 =	vor.u32 v54, v7  }
0x219: {  	v7 =	vor.u32 v1, v7;
	_ =	sdelay $0x1  }
0x21a: {  	v55 =	vbroadcast v5, $0x4;
	v8 =	vmax.f32 v52, v8  }
0x21b: {  	[tilespmem:v6+s3+$0x0] =	vst.idx.msk $0xffff, v8;
	v6 =	vbroadcast v3, $0x4  }
0x21c: {  	v56 =	vshll.u32 v55, $0x2;
	v8 =	vld.idx.msk [tilespmem:v9+s11+$0x0], $0xffff  }
0x21d: {  	v10 =	vand.u32 $0x7F, v55;
	v57 =	vld.idx.msk [tilespmem:v7+s3+$0x0], $0xffff;
	v9 =	vand.u32 $0xFFFFFE00, v56;
	v58 =	vshll.u32 v6, $0x2  }
0x21e: {  	v9 =	vor.u32 v9, v10;
	v6 =	vand.u32 $0x7F, v6;
	v59 =	vand.u32 $0xFFFFFE00, v58  }
0x21f: {  	v9 =	vor.u32 v1, v9;
	v6 =	vor.u32 v59, v6  }
0x220: {  	v6 =	vor.u32 v1, v6;
	_ =	sdelay $0x1  }
0x221: {  	v60 =	vbroadcast v5, $0x5;
	v8 =	vmax.f32 v57, v8  }
0x222: {  	[tilespmem:v7+s3+$0x0] =	vst.idx.msk $0xffff, v8;
	v7 =	vbroadcast v3, $0x5  }
0x223: {  	v61 =	vshll.u32 v60, $0x2;
	v8 =	vld.idx.msk [tilespmem:v9+s11+$0x0], $0xffff  }
0x224: {  	v10 =	vand.u32 $0x7F, v60;
	v9 =	vand.u32 $0xFFFFFE00, v61;
	v63 =	vshll.u32 v7, $0x2;
	v62 =	vld.idx.msk [tilespmem:v6+s3+$0x0], $0xffff  }
0x225: {  	v9 =	vor.u32 v9, v10;
	v7 =	vand.u32 $0x7F, v7;
	v14 =	vand.u32 $0xFFFFFE00, v63  }
0x226: {  	v9 =	vor.u32 v1, v9;
	v7 =	vor.u32 v14, v7  }
0x227: {  	v7 =	vor.u32 v1, v7;
	_ =	sdelay $0x1  }
0x228: {  	v15 =	vbroadcast v5, $0x6;
	v8 =	vmax.f32 v62, v8  }
0x229: {  	[tilespmem:v6+s3+$0x0] =	vst.idx.msk $0xffff, v8;
	v6 =	vbroadcast v3, $0x6  }
0x22a: {  	v16 =	vshll.u32 v15, $0x2;
	v8 =	vld.idx.msk [tilespmem:v9+s11+$0x0], $0xffff  }
0x22b: {  	v10 =	vand.u32 $0x7F, v15;
	v17 =	vld.idx.msk [tilespmem:v7+s3+$0x0], $0xffff;
	v9 =	vand.u32 $0xFFFFFE00, v16;
	v18 =	vshll.u32 v6, $0x2  }
0x22c: {  	v9 =	vor.u32 v9, v10;
	v6 =	vand.u32 $0x7F, v6;
	v19 =	vand.u32 $0xFFFFFE00, v18  }
0x22d: {  	v9 =	vor.u32 v1, v9;
	v6 =	vor.u32 v19, v6  }
0x22e: {  	v6 =	vor.u32 v1, v6;
	_ =	sdelay $0x1  }
0x22f: {  	v20 =	vbroadcast v5, $0x7;
	v8 =	vmax.f32 v17, v8  }
0x230: {  	[tilespmem:v7+s3+$0x0] =	vst.idx.msk $0xffff, v8;
	v7 =	vbroadcast v3, $0x7  }
0x231: {  	v21 =	vshll.u32 v20, $0x2;
	v8 =	vld.idx.msk [tilespmem:v9+s11+$0x0], $0xffff  }
0x232: {  	v10 =	vand.u32 $0x7F, v20;
	v9 =	vand.u32 $0xFFFFFE00, v21;
	v23 =	vshll.u32 v7, $0x2;
	v22 =	vld.idx.msk [tilespmem:v6+s3+$0x0], $0xffff  }
0x233: {  	v9 =	vor.u32 v9, v10;
	v7 =	vand.u32 $0x7F, v7;
	v24 =	vand.u32 $0xFFFFFE00, v23  }
0x234: {  	v9 =	vor.u32 v1, v9;
	v7 =	vor.u32 v24, v7  }
0x235: {  	v7 =	vor.u32 v1, v7;
	_ =	sdelay $0x1  }
0x236: {  	v25 =	vbroadcast v5, $0x8;
	v8 =	vmax.f32 v22, v8  }
0x237: {  	[tilespmem:v6+s3+$0x0] =	vst.idx.msk $0xffff, v8;
	v6 =	vbroadcast v3, $0x8  }
0x238: {  	v26 =	vshll.u32 v25, $0x2;
	v8 =	vld.idx.msk [tilespmem:v9+s11+$0x0], $0xffff  }
0x239: {  	v10 =	vand.u32 $0x7F, v25;
	v27 =	vld.idx.msk [tilespmem:v7+s3+$0x0], $0xffff;
	v9 =	vand.u32 $0xFFFFFE00, v26;
	v28 =	vshll.u32 v6, $0x2  }
0x23a: {  	v9 =	vor.u32 v9, v10;
	v6 =	vand.u32 $0x7F, v6;
	v29 =	vand.u32 $0xFFFFFE00, v28  }
0x23b: {  	v9 =	vor.u32 v1, v9;
	v6 =	vor.u32 v29, v6  }
0x23c: {  	v6 =	vor.u32 v1, v6;
	_ =	sdelay $0x1  }
0x23d: {  	v30 =	vbroadcast v5, $0x9;
	v8 =	vmax.f32 v27, v8  }
0x23e: {  	[tilespmem:v7+s3+$0x0] =	vst.idx.msk $0xffff, v8;
	v7 =	vbroadcast v3, $0x9  }
0x23f: {  	v31 =	vshll.u32 v30, $0x2;
	v8 =	vld.idx.msk [tilespmem:v9+s11+$0x0], $0xffff  }
0x240: {  	v10 =	vand.u32 $0x7F, v30;
	v9 =	vand.u32 $0xFFFFFE00, v31;
	v33 =	vshll.u32 v7, $0x2;
	v32 =	vld.idx.msk [tilespmem:v6+s3+$0x0], $0xffff  }
0x241: {  	v9 =	vor.u32 v9, v10;
	v7 =	vand.u32 $0x7F, v7;
	v34 =	vand.u32 $0xFFFFFE00, v33  }
0x242: {  	v9 =	vor.u32 v1, v9;
	v7 =	vor.u32 v34, v7  }
0x243: {  	v7 =	vor.u32 v1, v7;
	_ =	sdelay $0x1  }
0x244: {  	v35 =	vbroadcast v5, $0xA;
	v8 =	vmax.f32 v32, v8  }
0x245: {  	[tilespmem:v6+s3+$0x0] =	vst.idx.msk $0xffff, v8;
	v6 =	vbroadcast v3, $0xA  }
0x246: {  	v36 =	vshll.u32 v35, $0x2;
	v8 =	vld.idx.msk [tilespmem:v9+s11+$0x0], $0xffff  }
0x247: {  	v10 =	vand.u32 $0x7F, v35;
	v37 =	vld.idx.msk [tilespmem:v7+s3+$0x0], $0xffff;
	v9 =	vand.u32 $0xFFFFFE00, v36;
	v38 =	vshll.u32 v6, $0x2  }
0x248: {  	v9 =	vor.u32 v9, v10;
	v6 =	vand.u32 $0x7F, v6;
	v39 =	vand.u32 $0xFFFFFE00, v38  }
0x249: {  	v9 =	vor.u32 v1, v9;
	v6 =	vor.u32 v39, v6  }
0x24a: {  	v6 =	vor.u32 v1, v6;
	_ =	sdelay $0x1  }
0x24b: {  	v40 =	vbroadcast v5, $0xB;
	v8 =	vmax.f32 v37, v8  }
0x24c: {  	[tilespmem:v7+s3+$0x0] =	vst.idx.msk $0xffff, v8;
	v7 =	vbroadcast v3, $0xB  }
0x24d: {  	v41 =	vshll.u32 v40, $0x2;
	v8 =	vld.idx.msk [tilespmem:v9+s11+$0x0], $0xffff  }
0x24e: {  	v10 =	vand.u32 $0x7F, v40;
	v9 =	vand.u32 $0xFFFFFE00, v41;
	v43 =	vshll.u32 v7, $0x2;
	v42 =	vld.idx.msk [tilespmem:v6+s3+$0x0], $0xffff  }
0x24f: {  	v9 =	vor.u32 v9, v10;
	v7 =	vand.u32 $0x7F, v7;
	v44 =	vand.u32 $0xFFFFFE00, v43  }
0x250: {  	v9 =	vor.u32 v1, v9;
	v7 =	vor.u32 v44, v7  }
0x251: {  	v7 =	vor.u32 v1, v7;
	_ =	sdelay $0x1  }
0x252: {  	v45 =	vbroadcast v5, $0xC;
	v8 =	vmax.f32 v42, v8  }
0x253: {  	[tilespmem:v6+s3+$0x0] =	vst.idx.msk $0xffff, v8;
	v6 =	vbroadcast v3, $0xC  }
0x254: {  	v46 =	vshll.u32 v45, $0x2;
	v8 =	vld.idx.msk [tilespmem:v9+s11+$0x0], $0xffff  }
0x255: {  	v10 =	vand.u32 $0x7F, v45;
	v47 =	vld.idx.msk [tilespmem:v7+s3+$0x0], $0xffff;
	v9 =	vand.u32 $0xFFFFFE00, v46;
	v48 =	vshll.u32 v6, $0x2  }
0x256: {  	v9 =	vor.u32 v9, v10;
	v6 =	vand.u32 $0x7F, v6;
	v49 =	vand.u32 $0xFFFFFE00, v48  }
0x257: {  	v9 =	vor.u32 v1, v9;
	v6 =	vor.u32 v49, v6  }
0x258: {  	v6 =	vor.u32 v1, v6;
	_ =	sdelay $0x1  }
0x259: {  	v50 =	vbroadcast v5, $0xD;
	v8 =	vmax.f32 v47, v8  }
0x25a: {  	[tilespmem:v7+s3+$0x0] =	vst.idx.msk $0xffff, v8;
	v7 =	vbroadcast v3, $0xD  }
0x25b: {  	v51 =	vshll.u32 v50, $0x2;
	v8 =	vld.idx.msk [tilespmem:v9+s11+$0x0], $0xffff  }
0x25c: {  	v10 =	vand.u32 $0x7F, v50;
	v9 =	vand.u32 $0xFFFFFE00, v51;
	v53 =	vshll.u32 v7, $0x2;
	v52 =	vld.idx.msk [tilespmem:v6+s3+$0x0], $0xffff  }
0x25d: {  	v9 =	vor.u32 v9, v10;
	v7 =	vand.u32 $0x7F, v7;
	v54 =	vand.u32 $0xFFFFFE00, v53  }
0x25e: {  	v9 =	vor.u32 v1, v9;
	v7 =	vor.u32 v54, v7  }
0x25f: {  	v7 =	vor.u32 v1, v7;
	_ =	sdelay $0x1  }
0x260: {  	v55 =	vbroadcast v5, $0xE;
	v8 =	vmax.f32 v52, v8  }
0x261: {  	[tilespmem:v6+s3+$0x0] =	vst.idx.msk $0xffff, v8;
	v6 =	vbroadcast v3, $0xE  }
0x262: {  	v56 =	vshll.u32 v55, $0x2;
	v8 =	vld.idx.msk [tilespmem:v9+s11+$0x0], $0xffff  }
0x263: {  	v10 =	vand.u32 $0x7F, v55;
	v57 =	vld.idx.msk [tilespmem:v7+s3+$0x0], $0xffff;
	v9 =	vand.u32 $0xFFFFFE00, v56;
	v58 =	vshll.u32 v6, $0x2  }
0x264: {  	v9 =	vor.u32 v9, v10;
	v6 =	vand.u32 $0x7F, v6;
	v59 =	vand.u32 $0xFFFFFE00, v58  }
0x265: {  	v9 =	vor.u32 v1, v9;
	v6 =	vor.u32 v59, v6  }
0x266: {  	v6 =	vor.u32 v1, v6;
	_ =	sdelay $0x1  }
0x267: {  	v5 =	vbroadcast v5, $0xF;
	v8 =	vmax.f32 v57, v8  }
0x268: {  	v3 =	vbroadcast v3, $0xF;
	[tilespmem:v7+s3+$0x0] =	vst.idx.msk $0xffff, v8  }
0x269: {  	v60 =	vshll.u32 v5, $0x2;
	v7 =	vld.idx.msk [tilespmem:v9+s11+$0x0], $0xffff  }
0x26a: {  	v5 =	vand.u32 $0x7F, v5;
	v62 =	vshll.u32 v3, $0x2;
	v8 =	vand.u32 $0xFFFFFE00, v60;
	v61 =	vld.idx.msk [tilespmem:v6+s3+$0x0], $0xffff  }
0x26b: {  	v3 =	vand.u32 $0x7F, v3;
	v63 =	vand.u32 $0xFFFFFE00, v62;
	v5 =	vor.u32 v8, v5  }
0x26c: {  	v3 =	vor.u32 v63, v3;
	v5 =	vor.u32 v1, v5  }
0x26d: {  	v3 =	vor.u32 v1, v3;
	_ =	sdelay $0x1  }
0x26e: {  	v7 =	vmax.f32 v61, v7  }
0x26f: {  	[tilespmem:v6+s3+$0x0] =	vst.idx.msk $0xffff, v7  }
0x270: {  	v5 =	vld.idx.msk [tilespmem:v5+s11+$0x0], $0xffff  }
0x271: {  	v6 =	vld.idx.msk [tilespmem:v3+s3+$0x0], $0xffff;
	_ =	sdelay $0x1  }
.Ltmp9:
0x272: {  	_ = 	snop;
	(pc) =	sbr.rel .LBB2_13-.Ltmp9, $3  }
0x273: {  	_ =	sdelay $0x1  }
0x274: {  	v5 =	vmax.f32 v6, v5  }
0x275: {  	[tilespmem:v3+s3+$0x0] =	vst.idx.msk $0xffff, v5  }
.LBB2_14:
0x276: {  	p0 =	seq.s32 s21, $0x18  }
0x277: {  	s22 =	sshrl.u32 @!p0 s22, $0x3  }
0x278: {  	s22 =	sadd.s32 @!p0 $0x640, s22  }
0x279: {  	s24 =	simm.s32 @!p0 $0x0;
	s25 =	simm.s32 @!p0 $0x14000;
	s23 =	sadd.s32 @!p0 s4, s22  }
0x27a: {  	[tilespmem:s25], [sflag:$0x1] =	stream.linear.gather @!p0 [hbm4b:s23+s24], $0x1900, $0x38;
	[tilespmem:$0x1A400] =	vst v63  }
0x27b: {  	s22 =	sadd.s32 @!p0 s2, s22;
	s23 =	simm.s32 @!p0 $0x15900  }
0x27c: {  	[tilespmem:s23], [sflag:$0x1] =	stream.linear.gather @!p0 [hbm4b:s22+s24], $0x1900, $0x38;
	[tilespmem:$0x1A400] =	vst v63  }
0x27d: {  	_ =	swait.ge [sflag:s18], $0x1900  }
0x27e: {  	[sflag:s18] =	ssyncset.done $0x0  }
0x27f: {  	[sflag:s18] =	ssyncadd.s32 $0xFFFFE700  }
0x280: {  	_ =	swait.ge [sflag:s18], $0x1900  }
0x281: {  	[sflag:s18] =	ssyncset.done $0x0  }
0x282: {  	[sflag:s18] =	ssyncadd.s32 $0xFFFFE700  }
0x283: {  	v2 =	vld [tilespmem:$0x18B00];
	_ =	sdelay $0x4  }
0x284: {  	(xrf1) =	vunique.msk.u32 $0xffff, v2;
	_ =	sdelay $0xd  }
0x285: {  	_, v3, vm0 =	vpop (xrf1)  }
0x286: {  	v3 =	vmpcnt.ones.xlane vm0;
	_ =	sdelay $0x1  }
0x287: {  	(v2sf) =	vpush v3, $0x0;
	_ =	sdelay $0xa  }
.Ltmp10:
0x288: {  	_ = 	snop;
	(pc) =	sbr.rel .LBB2_15-.Ltmp10, $3  }
0x289: {  	_ =	sdelay $0x1  }
0x28a: {  	s22 =	simm.s32 $0x0  }
0x28b: {  	s23 =	simm.s32 $0x17220;
	s24 =	simm.s32 $0x18B20;
	v4 =	vld [tilespmem:$0x17200];
	s25 =	spop (v2sf)  }
.LBB2_23:
0x28c: {  	s22 =	sadd.s32 $0x4, s22  }
0x28d: {  	p0 =	sne.s32 s22, $0x190  }
.Ltmp11:
0x28e: {  	_ = 	snop;
	(pc) =	sbr.rel @!p0 .LBB2_24-.Ltmp11, $2  }
0x28f: {  	_ =	sdelay $0x2  }
0x290: {  	s23 =	sadd.s32 $0x40, s23;
	s24 =	sadd.s32 $0x40, s24  }
.LBB2_15:
0x291: {  	v3 =	vld [tilespmem:s24+$0xFFFFFFF0];
	_ =	sdelay $0x4  }
0x292: {  	(xrf1) =	vunique.msk.u32 $0xffff, v3;
	_ =	sdelay $0xb  }
0x293: {  	v8 =	vshll.u32 v2, $0x2  }
0x294: {  	v10 =	vand.u32 $0x7F, v2;
	v8 =	vand.u32 $0xFFFFFE00, v8  }
0x295: {  	v8 =	vor.u32 v10, v8;
	_, v6, vm0 =	vpop (xrf1)  }
0x296: {  	v11 =	vor.u32 $0x80, v8;
	v7 =	vmpcnt.ones.xlane vm0  }
0x297: {  	v12 =	vor.u32 $0x100, v8;
	v13 =	vor.u32 $0x180, v8;
	v5 =	vshll.u32 v4, $0x2  }
0x298: {  	v5 =	vand.u32 $0xFFFFFE00, v5;
	v6 =	vand.u32 $0x7F, v4;
	(v2sf) =	vpush v7, $0x0  }
0x299: {  	v5 =	vor.u32 v6, v5  }
0x29a: {  	v14 =	vld.idx.msk [tilespmem:v8+s3+$0x0], $0xffff;
	v6 =	vor.u32 $0x80, v5  }
0x29b: {  	v15 =	vld.idx.msk [tilespmem:v11+s3+$0x0], $0xffff;
	v7 =	vor.u32 $0x100, v5  }
0x29c: {  	v16 =	vld.idx.msk [tilespmem:v12+s3+$0x0], $0xffff;
	v9 =	vor.u32 $0x180, v5  }
0x29d: {  	v17 =	vld.idx.msk [tilespmem:v13+s3+$0x0], $0xffff  }
0x29e: {  	v63 =	vld.idx.msk [tilespmem:v5+s11+$0x0], $0xffff  }
0x29f: {  	v6 =	vld.idx.msk [tilespmem:v6+s11+$0x0], $0xffff  }
0x2a0: {  	v7 =	vld.idx.msk [tilespmem:v7+s11+$0x0], $0xffff  }
0x2a1: {  	v9 =	vld.idx.msk [tilespmem:v9+s11+$0x0], $0xffff  }
0x2a2: {  	p0 =	seq.s32 s25, $0x10  }
.Ltmp12:
0x2a3: {  	v10 =	vmax.f32 v14, v63;
	(pc) =	sbr.rel @p0 .LBB2_17-.Ltmp12, $4  }
0x2a4: {  	v5 =	vld [tilespmem:s23+$0xFFFFFFF0];
	[tilespmem:v8+s3+$0x0] =	vst.idx.msk $0xffff, v10;
	v6 =	vmax.f32 v15, v6  }
0x2a5: {  	[tilespmem:v11+s3+$0x0] =	vst.idx.msk $0xffff, v6;
	v6 =	vmax.f32 v16, v7  }
0x2a6: {  	[tilespmem:v12+s3+$0x0] =	vst.idx.msk $0xffff, v6;
	v6 =	vmax.f32 v17, v9  }
0x2a7: {  	[tilespmem:v13+s3+$0x0] =	vst.idx.msk $0xffff, v6;
	s25 =	spop (v2sf)  }
0x2a8: {  	v6 =	vbroadcast v4, $0x0  }
0x2a9: {  	v7 =	vbroadcast v2, $0x0  }
0x2aa: {  	v8 =	vshll.u32 v6, $0x2  }
0x2ab: {  	v6 =	vand.u32 $0x7F, v6;
	v9 =	vshll.u32 v7, $0x2;
	v8 =	vand.u32 $0xFFFFFE00, v8  }
0x2ac: {  	v7 =	vand.u32 $0x7F, v7;
	v41 =	vand.u32 $0xFFFFFE00, v9;
	v6 =	vor.u32 v8, v6  }
0x2ad: {  	v7 =	vor.u32 v41, v7;
	v6 =	vor.u32 v1, v6  }
0x2ae: {  	v7 =	vor.u32 v1, v7;
	_ =	sdelay $0x1  }
0x2af: {  	v42 =	vbroadcast v4, $0x1  }
0x2b0: {  	v43 =	vbroadcast v2, $0x1  }
0x2b1: {  	v10 =	vshll.u32 v42, $0x2;
	v6 =	vld.idx.msk [tilespmem:v6+s11+$0x0], $0xffff  }
0x2b2: {  	v12 =	vshll.u32 v43, $0x2;
	v10 =	vand.u32 $0xFFFFFE00, v10;
	v8 =	vand.u32 $0x7F, v42;
	v11 =	vld.idx.msk [tilespmem:v7+s3+$0x0], $0xffff  }
0x2b3: {  	v9 =	vand.u32 $0x7F, v43;
	v44 =	vand.u32 $0xFFFFFE00, v12;
	v8 =	vor.u32 v10, v8  }
0x2b4: {  	v9 =	vor.u32 v44, v9;
	v8 =	vor.u32 v1, v8  }
0x2b5: {  	v9 =	vor.u32 v1, v9;
	_ =	sdelay $0x1  }
0x2b6: {  	v45 =	vbroadcast v4, $0x2;
	v6 =	vmax.f32 v11, v6  }
0x2b7: {  	[tilespmem:v7+s3+$0x0] =	vst.idx.msk $0xffff, v6;
	v6 =	vbroadcast v2, $0x2  }
0x2b8: {  	v46 =	vshll.u32 v45, $0x2;
	v7 =	vld.idx.msk [tilespmem:v8+s11+$0x0], $0xffff  }
0x2b9: {  	v10 =	vand.u32 $0x7F, v45;
	v47 =	vld.idx.msk [tilespmem:v9+s3+$0x0], $0xffff;
	v8 =	vand.u32 $0xFFFFFE00, v46;
	v48 =	vshll.u32 v6, $0x2  }
0x2ba: {  	v8 =	vor.u32 v8, v10;
	v6 =	vand.u32 $0x7F, v6;
	v49 =	vand.u32 $0xFFFFFE00, v48  }
0x2bb: {  	v8 =	vor.u32 v1, v8;
	v6 =	vor.u32 v49, v6  }
0x2bc: {  	v6 =	vor.u32 v1, v6;
	_ =	sdelay $0x1  }
0x2bd: {  	v50 =	vbroadcast v4, $0x3;
	v7 =	vmax.f32 v47, v7  }
0x2be: {  	[tilespmem:v9+s3+$0x0] =	vst.idx.msk $0xffff, v7;
	v7 =	vbroadcast v2, $0x3  }
0x2bf: {  	v51 =	vshll.u32 v50, $0x2;
	v8 =	vld.idx.msk [tilespmem:v8+s11+$0x0], $0xffff  }
0x2c0: {  	v10 =	vand.u32 $0x7F, v50;
	v9 =	vand.u32 $0xFFFFFE00, v51;
	v53 =	vshll.u32 v7, $0x2;
	v52 =	vld.idx.msk [tilespmem:v6+s3+$0x0], $0xffff  }
0x2c1: {  	v9 =	vor.u32 v9, v10;
	v7 =	vand.u32 $0x7F, v7;
	v54 =	vand.u32 $0xFFFFFE00, v53  }
0x2c2: {  	v9 =	vor.u32 v1, v9;
	v7 =	vor.u32 v54, v7  }
0x2c3: {  	v7 =	vor.u32 v1, v7;
	_ =	sdelay $0x1  }
0x2c4: {  	v55 =	vbroadcast v4, $0x4;
	v8 =	vmax.f32 v52, v8  }
0x2c5: {  	[tilespmem:v6+s3+$0x0] =	vst.idx.msk $0xffff, v8;
	v6 =	vbroadcast v2, $0x4  }
0x2c6: {  	v56 =	vshll.u32 v55, $0x2;
	v8 =	vld.idx.msk [tilespmem:v9+s11+$0x0], $0xffff  }
0x2c7: {  	v10 =	vand.u32 $0x7F, v55;
	v57 =	vld.idx.msk [tilespmem:v7+s3+$0x0], $0xffff;
	v9 =	vand.u32 $0xFFFFFE00, v56;
	v58 =	vshll.u32 v6, $0x2  }
0x2c8: {  	v9 =	vor.u32 v9, v10;
	v6 =	vand.u32 $0x7F, v6;
	v59 =	vand.u32 $0xFFFFFE00, v58  }
0x2c9: {  	v9 =	vor.u32 v1, v9;
	v6 =	vor.u32 v59, v6  }
0x2ca: {  	v6 =	vor.u32 v1, v6;
	_ =	sdelay $0x1  }
0x2cb: {  	v60 =	vbroadcast v4, $0x5;
	v8 =	vmax.f32 v57, v8  }
0x2cc: {  	[tilespmem:v7+s3+$0x0] =	vst.idx.msk $0xffff, v8;
	v7 =	vbroadcast v2, $0x5  }
0x2cd: {  	v61 =	vshll.u32 v60, $0x2;
	v8 =	vld.idx.msk [tilespmem:v9+s11+$0x0], $0xffff  }
0x2ce: {  	v10 =	vand.u32 $0x7F, v60;
	v9 =	vand.u32 $0xFFFFFE00, v61;
	v63 =	vshll.u32 v7, $0x2;
	v62 =	vld.idx.msk [tilespmem:v6+s3+$0x0], $0xffff  }
0x2cf: {  	v9 =	vor.u32 v9, v10;
	v7 =	vand.u32 $0x7F, v7;
	v14 =	vand.u32 $0xFFFFFE00, v63  }
0x2d0: {  	v9 =	vor.u32 v1, v9;
	v7 =	vor.u32 v14, v7  }
0x2d1: {  	v7 =	vor.u32 v1, v7;
	_ =	sdelay $0x1  }
0x2d2: {  	v15 =	vbroadcast v4, $0x6;
	v8 =	vmax.f32 v62, v8  }
0x2d3: {  	[tilespmem:v6+s3+$0x0] =	vst.idx.msk $0xffff, v8;
	v6 =	vbroadcast v2, $0x6  }
0x2d4: {  	v16 =	vshll.u32 v15, $0x2;
	v8 =	vld.idx.msk [tilespmem:v9+s11+$0x0], $0xffff  }
0x2d5: {  	v10 =	vand.u32 $0x7F, v15;
	v17 =	vld.idx.msk [tilespmem:v7+s3+$0x0], $0xffff;
	v9 =	vand.u32 $0xFFFFFE00, v16;
	v18 =	vshll.u32 v6, $0x2  }
0x2d6: {  	v9 =	vor.u32 v9, v10;
	v6 =	vand.u32 $0x7F, v6;
	v19 =	vand.u32 $0xFFFFFE00, v18  }
0x2d7: {  	v9 =	vor.u32 v1, v9;
	v6 =	vor.u32 v19, v6  }
0x2d8: {  	v6 =	vor.u32 v1, v6;
	_ =	sdelay $0x1  }
0x2d9: {  	v20 =	vbroadcast v4, $0x7;
	v8 =	vmax.f32 v17, v8  }
0x2da: {  	[tilespmem:v7+s3+$0x0] =	vst.idx.msk $0xffff, v8;
	v7 =	vbroadcast v2, $0x7  }
0x2db: {  	v21 =	vshll.u32 v20, $0x2;
	v8 =	vld.idx.msk [tilespmem:v9+s11+$0x0], $0xffff  }
0x2dc: {  	v10 =	vand.u32 $0x7F, v20;
	v9 =	vand.u32 $0xFFFFFE00, v21;
	v23 =	vshll.u32 v7, $0x2;
	v22 =	vld.idx.msk [tilespmem:v6+s3+$0x0], $0xffff  }
0x2dd: {  	v9 =	vor.u32 v9, v10;
	v7 =	vand.u32 $0x7F, v7;
	v24 =	vand.u32 $0xFFFFFE00, v23  }
0x2de: {  	v9 =	vor.u32 v1, v9;
	v7 =	vor.u32 v24, v7  }
0x2df: {  	v7 =	vor.u32 v1, v7;
	_ =	sdelay $0x1  }
0x2e0: {  	v25 =	vbroadcast v4, $0x8;
	v8 =	vmax.f32 v22, v8  }
0x2e1: {  	[tilespmem:v6+s3+$0x0] =	vst.idx.msk $0xffff, v8;
	v6 =	vbroadcast v2, $0x8  }
0x2e2: {  	v26 =	vshll.u32 v25, $0x2;
	v8 =	vld.idx.msk [tilespmem:v9+s11+$0x0], $0xffff  }
0x2e3: {  	v10 =	vand.u32 $0x7F, v25;
	v27 =	vld.idx.msk [tilespmem:v7+s3+$0x0], $0xffff;
	v9 =	vand.u32 $0xFFFFFE00, v26;
	v28 =	vshll.u32 v6, $0x2  }
0x2e4: {  	v9 =	vor.u32 v9, v10;
	v6 =	vand.u32 $0x7F, v6;
	v29 =	vand.u32 $0xFFFFFE00, v28  }
0x2e5: {  	v9 =	vor.u32 v1, v9;
	v6 =	vor.u32 v29, v6  }
0x2e6: {  	v6 =	vor.u32 v1, v6;
	_ =	sdelay $0x1  }
0x2e7: {  	v30 =	vbroadcast v4, $0x9;
	v8 =	vmax.f32 v27, v8  }
0x2e8: {  	[tilespmem:v7+s3+$0x0] =	vst.idx.msk $0xffff, v8;
	v7 =	vbroadcast v2, $0x9  }
0x2e9: {  	v31 =	vshll.u32 v30, $0x2;
	v8 =	vld.idx.msk [tilespmem:v9+s11+$0x0], $0xffff  }
0x2ea: {  	v10 =	vand.u32 $0x7F, v30;
	v9 =	vand.u32 $0xFFFFFE00, v31;
	v33 =	vshll.u32 v7, $0x2;
	v32 =	vld.idx.msk [tilespmem:v6+s3+$0x0], $0xffff  }
0x2eb: {  	v9 =	vor.u32 v9, v10;
	v7 =	vand.u32 $0x7F, v7;
	v34 =	vand.u32 $0xFFFFFE00, v33  }
0x2ec: {  	v9 =	vor.u32 v1, v9;
	v7 =	vor.u32 v34, v7  }
0x2ed: {  	v7 =	vor.u32 v1, v7;
	_ =	sdelay $0x1  }
0x2ee: {  	v35 =	vbroadcast v4, $0xA;
	v8 =	vmax.f32 v32, v8  }
0x2ef: {  	[tilespmem:v6+s3+$0x0] =	vst.idx.msk $0xffff, v8;
	v6 =	vbroadcast v2, $0xA  }
0x2f0: {  	v36 =	vshll.u32 v35, $0x2;
	v8 =	vld.idx.msk [tilespmem:v9+s11+$0x0], $0xffff  }
0x2f1: {  	v10 =	vand.u32 $0x7F, v35;
	v37 =	vld.idx.msk [tilespmem:v7+s3+$0x0], $0xffff;
	v9 =	vand.u32 $0xFFFFFE00, v36;
	v38 =	vshll.u32 v6, $0x2  }
0x2f2: {  	v9 =	vor.u32 v9, v10;
	v6 =	vand.u32 $0x7F, v6;
	v39 =	vand.u32 $0xFFFFFE00, v38  }
0x2f3: {  	v9 =	vor.u32 v1, v9;
	v6 =	vor.u32 v39, v6  }
0x2f4: {  	v6 =	vor.u32 v1, v6;
	_ =	sdelay $0x1  }
0x2f5: {  	v40 =	vbroadcast v4, $0xB;
	v8 =	vmax.f32 v37, v8  }
0x2f6: {  	[tilespmem:v7+s3+$0x0] =	vst.idx.msk $0xffff, v8;
	v7 =	vbroadcast v2, $0xB  }
0x2f7: {  	v41 =	vshll.u32 v40, $0x2;
	v8 =	vld.idx.msk [tilespmem:v9+s11+$0x0], $0xffff  }
0x2f8: {  	v10 =	vand.u32 $0x7F, v40;
	v9 =	vand.u32 $0xFFFFFE00, v41;
	v43 =	vshll.u32 v7, $0x2;
	v42 =	vld.idx.msk [tilespmem:v6+s3+$0x0], $0xffff  }
0x2f9: {  	v9 =	vor.u32 v9, v10;
	v7 =	vand.u32 $0x7F, v7;
	v44 =	vand.u32 $0xFFFFFE00, v43  }
0x2fa: {  	v9 =	vor.u32 v1, v9;
	v7 =	vor.u32 v44, v7  }
0x2fb: {  	v7 =	vor.u32 v1, v7;
	_ =	sdelay $0x1  }
0x2fc: {  	v45 =	vbroadcast v4, $0xC;
	v8 =	vmax.f32 v42, v8  }
0x2fd: {  	[tilespmem:v6+s3+$0x0] =	vst.idx.msk $0xffff, v8;
	v6 =	vbroadcast v2, $0xC  }
0x2fe: {  	v46 =	vshll.u32 v45, $0x2;
	v8 =	vld.idx.msk [tilespmem:v9+s11+$0x0], $0xffff  }
0x2ff: {  	v10 =	vand.u32 $0x7F, v45;
	v47 =	vld.idx.msk [tilespmem:v7+s3+$0x0], $0xffff;
	v9 =	vand.u32 $0xFFFFFE00, v46;
	v48 =	vshll.u32 v6, $0x2  }
0x300: {  	v9 =	vor.u32 v9, v10;
	v6 =	vand.u32 $0x7F, v6;
	v49 =	vand.u32 $0xFFFFFE00, v48  }
0x301: {  	v9 =	vor.u32 v1, v9;
	v6 =	vor.u32 v49, v6  }
0x302: {  	v6 =	vor.u32 v1, v6;
	_ =	sdelay $0x1  }
0x303: {  	v50 =	vbroadcast v4, $0xD;
	v8 =	vmax.f32 v47, v8  }
0x304: {  	[tilespmem:v7+s3+$0x0] =	vst.idx.msk $0xffff, v8;
	v7 =	vbroadcast v2, $0xD  }
0x305: {  	v51 =	vshll.u32 v50, $0x2;
	v8 =	vld.idx.msk [tilespmem:v9+s11+$0x0], $0xffff  }
0x306: {  	v10 =	vand.u32 $0x7F, v50;
	v9 =	vand.u32 $0xFFFFFE00, v51;
	v53 =	vshll.u32 v7, $0x2;
	v52 =	vld.idx.msk [tilespmem:v6+s3+$0x0], $0xffff  }
0x307: {  	v9 =	vor.u32 v9, v10;
	v7 =	vand.u32 $0x7F, v7;
	v54 =	vand.u32 $0xFFFFFE00, v53  }
0x308: {  	v9 =	vor.u32 v1, v9;
	v7 =	vor.u32 v54, v7  }
0x309: {  	v7 =	vor.u32 v1, v7;
	_ =	sdelay $0x1  }
0x30a: {  	v55 =	vbroadcast v4, $0xE;
	v8 =	vmax.f32 v52, v8  }
0x30b: {  	[tilespmem:v6+s3+$0x0] =	vst.idx.msk $0xffff, v8;
	v6 =	vbroadcast v2, $0xE  }
0x30c: {  	v56 =	vshll.u32 v55, $0x2;
	v8 =	vld.idx.msk [tilespmem:v9+s11+$0x0], $0xffff  }
0x30d: {  	v10 =	vand.u32 $0x7F, v55;
	v57 =	vld.idx.msk [tilespmem:v7+s3+$0x0], $0xffff;
	v9 =	vand.u32 $0xFFFFFE00, v56;
	v58 =	vshll.u32 v6, $0x2  }
0x30e: {  	v9 =	vor.u32 v9, v10;
	v6 =	vand.u32 $0x7F, v6;
	v59 =	vand.u32 $0xFFFFFE00, v58  }
0x30f: {  	v9 =	vor.u32 v1, v9;
	v6 =	vor.u32 v59, v6  }
0x310: {  	v6 =	vor.u32 v1, v6;
	_ =	sdelay $0x1  }
0x311: {  	v4 =	vbroadcast v4, $0xF;
	v8 =	vmax.f32 v57, v8  }
0x312: {  	v2 =	vbroadcast v2, $0xF;
	[tilespmem:v7+s3+$0x0] =	vst.idx.msk $0xffff, v8  }
0x313: {  	v60 =	vshll.u32 v4, $0x2;
	v7 =	vld.idx.msk [tilespmem:v9+s11+$0x0], $0xffff  }
0x314: {  	v4 =	vand.u32 $0x7F, v4;
	v62 =	vshll.u32 v2, $0x2;
	v8 =	vand.u32 $0xFFFFFE00, v60;
	v61 =	vld.idx.msk [tilespmem:v6+s3+$0x0], $0xffff  }
0x315: {  	v2 =	vand.u32 $0x7F, v2;
	v63 =	vand.u32 $0xFFFFFE00, v62;
	v4 =	vor.u32 v8, v4  }
0x316: {  	v2 =	vor.u32 v63, v2;
	v4 =	vor.u32 v1, v4  }
0x317: {  	v2 =	vor.u32 v1, v2;
	_ =	sdelay $0x1  }
0x318: {  	v7 =	vmax.f32 v61, v7  }
0x319: {  	[tilespmem:v6+s3+$0x0] =	vst.idx.msk $0xffff, v7  }
0x31a: {  	v4 =	vld.idx.msk [tilespmem:v4+s11+$0x0], $0xffff  }
0x31b: {  	v6 =	vld.idx.msk [tilespmem:v2+s3+$0x0], $0xffff;
	_ =	sdelay $0x4  }
0x31c: {  	v4 =	vmax.f32 v6, v4  }
0x31d: {  	[tilespmem:v2+s3+$0x0] =	vst.idx.msk $0xffff, v4  }
.LBB2_17:
0x31e: {  	v2 =	vld [tilespmem:s24+$0x0];
	_ =	sdelay $0x4  }
0x31f: {  	(xrf1) =	vunique.msk.u32 $0xffff, v2;
	_ =	sdelay $0xb  }
0x320: {  	v8 =	vshll.u32 v3, $0x2  }
0x321: {  	v10 =	vand.u32 $0x7F, v3;
	v8 =	vand.u32 $0xFFFFFE00, v8  }
0x322: {  	v8 =	vor.u32 v10, v8;
	_, v6, vm0 =	vpop (xrf1)  }
0x323: {  	v4 =	vshll.u32 v5, $0x2;
	v11 =	vor.u32 $0x80, v8;
	v7 =	vmpcnt.ones.xlane vm0  }
0x324: {  	v4 =	vand.u32 $0xFFFFFE00, v4;
	v12 =	vor.u32 $0x100, v8  }
0x325: {  	v13 =	vor.u32 $0x180, v8;
	v6 =	vand.u32 $0x7F, v5;
	(v2sf) =	vpush v7, $0x0  }
0x326: {  	v4 =	vor.u32 v6, v4  }
0x327: {  	v14 =	vld.idx.msk [tilespmem:v8+s3+$0x0], $0xffff;
	v6 =	vor.u32 $0x80, v4  }
0x328: {  	v15 =	vld.idx.msk [tilespmem:v11+s3+$0x0], $0xffff;
	v7 =	vor.u32 $0x100, v4  }
0x329: {  	v16 =	vld.idx.msk [tilespmem:v12+s3+$0x0], $0xffff;
	v9 =	vor.u32 $0x180, v4  }
0x32a: {  	v17 =	vld.idx.msk [tilespmem:v13+s3+$0x0], $0xffff  }
0x32b: {  	v63 =	vld.idx.msk [tilespmem:v4+s11+$0x0], $0xffff  }
0x32c: {  	v6 =	vld.idx.msk [tilespmem:v6+s11+$0x0], $0xffff  }
0x32d: {  	v7 =	vld.idx.msk [tilespmem:v7+s11+$0x0], $0xffff  }
0x32e: {  	v9 =	vld.idx.msk [tilespmem:v9+s11+$0x0], $0xffff  }
0x32f: {  	p0 =	seq.s32 s25, $0x10  }
.Ltmp13:
0x330: {  	v10 =	vmax.f32 v14, v63;
	(pc) =	sbr.rel @p0 .LBB2_19-.Ltmp13, $4  }
0x331: {  	v4 =	vld [tilespmem:s23+$0x0];
	[tilespmem:v8+s3+$0x0] =	vst.idx.msk $0xffff, v10;
	v6 =	vmax.f32 v15, v6  }
0x332: {  	[tilespmem:v11+s3+$0x0] =	vst.idx.msk $0xffff, v6;
	v6 =	vmax.f32 v16, v7  }
0x333: {  	[tilespmem:v12+s3+$0x0] =	vst.idx.msk $0xffff, v6;
	v6 =	vmax.f32 v17, v9  }
0x334: {  	[tilespmem:v13+s3+$0x0] =	vst.idx.msk $0xffff, v6;
	s25 =	spop (v2sf)  }
0x335: {  	v6 =	vbroadcast v5, $0x0  }
0x336: {  	v7 =	vbroadcast v3, $0x0  }
0x337: {  	v8 =	vshll.u32 v6, $0x2  }
0x338: {  	v6 =	vand.u32 $0x7F, v6;
	v9 =	vshll.u32 v7, $0x2;
	v8 =	vand.u32 $0xFFFFFE00, v8  }
0x339: {  	v7 =	vand.u32 $0x7F, v7;
	v41 =	vand.u32 $0xFFFFFE00, v9;
	v6 =	vor.u32 v8, v6  }
0x33a: {  	v7 =	vor.u32 v41, v7;
	v6 =	vor.u32 v1, v6  }
0x33b: {  	v7 =	vor.u32 v1, v7;
	_ =	sdelay $0x1  }
0x33c: {  	v42 =	vbroadcast v5, $0x1  }
0x33d: {  	v43 =	vbroadcast v3, $0x1  }
0x33e: {  	v10 =	vshll.u32 v42, $0x2;
	v6 =	vld.idx.msk [tilespmem:v6+s11+$0x0], $0xffff  }
0x33f: {  	v12 =	vshll.u32 v43, $0x2;
	v10 =	vand.u32 $0xFFFFFE00, v10;
	v8 =	vand.u32 $0x7F, v42;
	v11 =	vld.idx.msk [tilespmem:v7+s3+$0x0], $0xffff  }
0x340: {  	v9 =	vand.u32 $0x7F, v43;
	v44 =	vand.u32 $0xFFFFFE00, v12;
	v8 =	vor.u32 v10, v8  }
0x341: {  	v9 =	vor.u32 v44, v9;
	v8 =	vor.u32 v1, v8  }
0x342: {  	v9 =	vor.u32 v1, v9;
	_ =	sdelay $0x1  }
0x343: {  	v45 =	vbroadcast v5, $0x2;
	v6 =	vmax.f32 v11, v6  }
0x344: {  	[tilespmem:v7+s3+$0x0] =	vst.idx.msk $0xffff, v6;
	v6 =	vbroadcast v3, $0x2  }
0x345: {  	v46 =	vshll.u32 v45, $0x2;
	v7 =	vld.idx.msk [tilespmem:v8+s11+$0x0], $0xffff  }
0x346: {  	v10 =	vand.u32 $0x7F, v45;
	v47 =	vld.idx.msk [tilespmem:v9+s3+$0x0], $0xffff;
	v8 =	vand.u32 $0xFFFFFE00, v46;
	v48 =	vshll.u32 v6, $0x2  }
0x347: {  	v8 =	vor.u32 v8, v10;
	v6 =	vand.u32 $0x7F, v6;
	v49 =	vand.u32 $0xFFFFFE00, v48  }
0x348: {  	v8 =	vor.u32 v1, v8;
	v6 =	vor.u32 v49, v6  }
0x349: {  	v6 =	vor.u32 v1, v6;
	_ =	sdelay $0x1  }
0x34a: {  	v50 =	vbroadcast v5, $0x3;
	v7 =	vmax.f32 v47, v7  }
0x34b: {  	[tilespmem:v9+s3+$0x0] =	vst.idx.msk $0xffff, v7;
	v7 =	vbroadcast v3, $0x3  }
0x34c: {  	v51 =	vshll.u32 v50, $0x2;
	v8 =	vld.idx.msk [tilespmem:v8+s11+$0x0], $0xffff  }
0x34d: {  	v10 =	vand.u32 $0x7F, v50;
	v9 =	vand.u32 $0xFFFFFE00, v51;
	v53 =	vshll.u32 v7, $0x2;
	v52 =	vld.idx.msk [tilespmem:v6+s3+$0x0], $0xffff  }
0x34e: {  	v9 =	vor.u32 v9, v10;
	v7 =	vand.u32 $0x7F, v7;
	v54 =	vand.u32 $0xFFFFFE00, v53  }
0x34f: {  	v9 =	vor.u32 v1, v9;
	v7 =	vor.u32 v54, v7  }
0x350: {  	v7 =	vor.u32 v1, v7;
	_ =	sdelay $0x1  }
0x351: {  	v55 =	vbroadcast v5, $0x4;
	v8 =	vmax.f32 v52, v8  }
0x352: {  	[tilespmem:v6+s3+$0x0] =	vst.idx.msk $0xffff, v8;
	v6 =	vbroadcast v3, $0x4  }
0x353: {  	v56 =	vshll.u32 v55, $0x2;
	v8 =	vld.idx.msk [tilespmem:v9+s11+$0x0], $0xffff  }
0x354: {  	v10 =	vand.u32 $0x7F, v55;
	v57 =	vld.idx.msk [tilespmem:v7+s3+$0x0], $0xffff;
	v9 =	vand.u32 $0xFFFFFE00, v56;
	v58 =	vshll.u32 v6, $0x2  }
0x355: {  	v9 =	vor.u32 v9, v10;
	v6 =	vand.u32 $0x7F, v6;
	v59 =	vand.u32 $0xFFFFFE00, v58  }
0x356: {  	v9 =	vor.u32 v1, v9;
	v6 =	vor.u32 v59, v6  }
0x357: {  	v6 =	vor.u32 v1, v6;
	_ =	sdelay $0x1  }
0x358: {  	v60 =	vbroadcast v5, $0x5;
	v8 =	vmax.f32 v57, v8  }
0x359: {  	[tilespmem:v7+s3+$0x0] =	vst.idx.msk $0xffff, v8;
	v7 =	vbroadcast v3, $0x5  }
0x35a: {  	v61 =	vshll.u32 v60, $0x2;
	v8 =	vld.idx.msk [tilespmem:v9+s11+$0x0], $0xffff  }
0x35b: {  	v10 =	vand.u32 $0x7F, v60;
	v9 =	vand.u32 $0xFFFFFE00, v61;
	v63 =	vshll.u32 v7, $0x2;
	v62 =	vld.idx.msk [tilespmem:v6+s3+$0x0], $0xffff  }
0x35c: {  	v9 =	vor.u32 v9, v10;
	v7 =	vand.u32 $0x7F, v7;
	v14 =	vand.u32 $0xFFFFFE00, v63  }
0x35d: {  	v9 =	vor.u32 v1, v9;
	v7 =	vor.u32 v14, v7  }
0x35e: {  	v7 =	vor.u32 v1, v7;
	_ =	sdelay $0x1  }
0x35f: {  	v15 =	vbroadcast v5, $0x6;
	v8 =	vmax.f32 v62, v8  }
0x360: {  	[tilespmem:v6+s3+$0x0] =	vst.idx.msk $0xffff, v8;
	v6 =	vbroadcast v3, $0x6  }
0x361: {  	v16 =	vshll.u32 v15, $0x2;
	v8 =	vld.idx.msk [tilespmem:v9+s11+$0x0], $0xffff  }
0x362: {  	v10 =	vand.u32 $0x7F, v15;
	v17 =	vld.idx.msk [tilespmem:v7+s3+$0x0], $0xffff;
	v9 =	vand.u32 $0xFFFFFE00, v16;
	v18 =	vshll.u32 v6, $0x2  }
0x363: {  	v9 =	vor.u32 v9, v10;
	v6 =	vand.u32 $0x7F, v6;
	v19 =	vand.u32 $0xFFFFFE00, v18  }
0x364: {  	v9 =	vor.u32 v1, v9;
	v6 =	vor.u32 v19, v6  }
0x365: {  	v6 =	vor.u32 v1, v6;
	_ =	sdelay $0x1  }
0x366: {  	v20 =	vbroadcast v5, $0x7;
	v8 =	vmax.f32 v17, v8  }
0x367: {  	[tilespmem:v7+s3+$0x0] =	vst.idx.msk $0xffff, v8;
	v7 =	vbroadcast v3, $0x7  }
0x368: {  	v21 =	vshll.u32 v20, $0x2;
	v8 =	vld.idx.msk [tilespmem:v9+s11+$0x0], $0xffff  }
0x369: {  	v10 =	vand.u32 $0x7F, v20;
	v9 =	vand.u32 $0xFFFFFE00, v21;
	v23 =	vshll.u32 v7, $0x2;
	v22 =	vld.idx.msk [tilespmem:v6+s3+$0x0], $0xffff  }
0x36a: {  	v9 =	vor.u32 v9, v10;
	v7 =	vand.u32 $0x7F, v7;
	v24 =	vand.u32 $0xFFFFFE00, v23  }
0x36b: {  	v9 =	vor.u32 v1, v9;
	v7 =	vor.u32 v24, v7  }
0x36c: {  	v7 =	vor.u32 v1, v7;
	_ =	sdelay $0x1  }
0x36d: {  	v25 =	vbroadcast v5, $0x8;
	v8 =	vmax.f32 v22, v8  }
0x36e: {  	[tilespmem:v6+s3+$0x0] =	vst.idx.msk $0xffff, v8;
	v6 =	vbroadcast v3, $0x8  }
0x36f: {  	v26 =	vshll.u32 v25, $0x2;
	v8 =	vld.idx.msk [tilespmem:v9+s11+$0x0], $0xffff  }
0x370: {  	v10 =	vand.u32 $0x7F, v25;
	v27 =	vld.idx.msk [tilespmem:v7+s3+$0x0], $0xffff;
	v9 =	vand.u32 $0xFFFFFE00, v26;
	v28 =	vshll.u32 v6, $0x2  }
0x371: {  	v9 =	vor.u32 v9, v10;
	v6 =	vand.u32 $0x7F, v6;
	v29 =	vand.u32 $0xFFFFFE00, v28  }
0x372: {  	v9 =	vor.u32 v1, v9;
	v6 =	vor.u32 v29, v6  }
0x373: {  	v6 =	vor.u32 v1, v6;
	_ =	sdelay $0x1  }
0x374: {  	v30 =	vbroadcast v5, $0x9;
	v8 =	vmax.f32 v27, v8  }
0x375: {  	[tilespmem:v7+s3+$0x0] =	vst.idx.msk $0xffff, v8;
	v7 =	vbroadcast v3, $0x9  }
0x376: {  	v31 =	vshll.u32 v30, $0x2;
	v8 =	vld.idx.msk [tilespmem:v9+s11+$0x0], $0xffff  }
0x377: {  	v10 =	vand.u32 $0x7F, v30;
	v9 =	vand.u32 $0xFFFFFE00, v31;
	v33 =	vshll.u32 v7, $0x2;
	v32 =	vld.idx.msk [tilespmem:v6+s3+$0x0], $0xffff  }
0x378: {  	v9 =	vor.u32 v9, v10;
	v7 =	vand.u32 $0x7F, v7;
	v34 =	vand.u32 $0xFFFFFE00, v33  }
0x379: {  	v9 =	vor.u32 v1, v9;
	v7 =	vor.u32 v34, v7  }
0x37a: {  	v7 =	vor.u32 v1, v7;
	_ =	sdelay $0x1  }
0x37b: {  	v35 =	vbroadcast v5, $0xA;
	v8 =	vmax.f32 v32, v8  }
0x37c: {  	[tilespmem:v6+s3+$0x0] =	vst.idx.msk $0xffff, v8;
	v6 =	vbroadcast v3, $0xA  }
0x37d: {  	v36 =	vshll.u32 v35, $0x2;
	v8 =	vld.idx.msk [tilespmem:v9+s11+$0x0], $0xffff  }
0x37e: {  	v10 =	vand.u32 $0x7F, v35;
	v37 =	vld.idx.msk [tilespmem:v7+s3+$0x0], $0xffff;
	v9 =	vand.u32 $0xFFFFFE00, v36;
	v38 =	vshll.u32 v6, $0x2  }
0x37f: {  	v9 =	vor.u32 v9, v10;
	v6 =	vand.u32 $0x7F, v6;
	v39 =	vand.u32 $0xFFFFFE00, v38  }
0x380: {  	v9 =	vor.u32 v1, v9;
	v6 =	vor.u32 v39, v6  }
0x381: {  	v6 =	vor.u32 v1, v6;
	_ =	sdelay $0x1  }
0x382: {  	v40 =	vbroadcast v5, $0xB;
	v8 =	vmax.f32 v37, v8  }
0x383: {  	[tilespmem:v7+s3+$0x0] =	vst.idx.msk $0xffff, v8;
	v7 =	vbroadcast v3, $0xB  }
0x384: {  	v41 =	vshll.u32 v40, $0x2;
	v8 =	vld.idx.msk [tilespmem:v9+s11+$0x0], $0xffff  }
0x385: {  	v10 =	vand.u32 $0x7F, v40;
	v9 =	vand.u32 $0xFFFFFE00, v41;
	v43 =	vshll.u32 v7, $0x2;
	v42 =	vld.idx.msk [tilespmem:v6+s3+$0x0], $0xffff  }
0x386: {  	v9 =	vor.u32 v9, v10;
	v7 =	vand.u32 $0x7F, v7;
	v44 =	vand.u32 $0xFFFFFE00, v43  }
0x387: {  	v9 =	vor.u32 v1, v9;
	v7 =	vor.u32 v44, v7  }
0x388: {  	v7 =	vor.u32 v1, v7;
	_ =	sdelay $0x1  }
0x389: {  	v45 =	vbroadcast v5, $0xC;
	v8 =	vmax.f32 v42, v8  }
0x38a: {  	[tilespmem:v6+s3+$0x0] =	vst.idx.msk $0xffff, v8;
	v6 =	vbroadcast v3, $0xC  }
0x38b: {  	v46 =	vshll.u32 v45, $0x2;
	v8 =	vld.idx.msk [tilespmem:v9+s11+$0x0], $0xffff  }
0x38c: {  	v10 =	vand.u32 $0x7F, v45;
	v47 =	vld.idx.msk [tilespmem:v7+s3+$0x0], $0xffff;
	v9 =	vand.u32 $0xFFFFFE00, v46;
	v48 =	vshll.u32 v6, $0x2  }
0x38d: {  	v9 =	vor.u32 v9, v10;
	v6 =	vand.u32 $0x7F, v6;
	v49 =	vand.u32 $0xFFFFFE00, v48  }
0x38e: {  	v9 =	vor.u32 v1, v9;
	v6 =	vor.u32 v49, v6  }
0x38f: {  	v6 =	vor.u32 v1, v6;
	_ =	sdelay $0x1  }
0x390: {  	v50 =	vbroadcast v5, $0xD;
	v8 =	vmax.f32 v47, v8  }
0x391: {  	[tilespmem:v7+s3+$0x0] =	vst.idx.msk $0xffff, v8;
	v7 =	vbroadcast v3, $0xD  }
0x392: {  	v51 =	vshll.u32 v50, $0x2;
	v8 =	vld.idx.msk [tilespmem:v9+s11+$0x0], $0xffff  }
0x393: {  	v10 =	vand.u32 $0x7F, v50;
	v9 =	vand.u32 $0xFFFFFE00, v51;
	v53 =	vshll.u32 v7, $0x2;
	v52 =	vld.idx.msk [tilespmem:v6+s3+$0x0], $0xffff  }
0x394: {  	v9 =	vor.u32 v9, v10;
	v7 =	vand.u32 $0x7F, v7;
	v54 =	vand.u32 $0xFFFFFE00, v53  }
0x395: {  	v9 =	vor.u32 v1, v9;
	v7 =	vor.u32 v54, v7  }
0x396: {  	v7 =	vor.u32 v1, v7;
	_ =	sdelay $0x1  }
0x397: {  	v55 =	vbroadcast v5, $0xE;
	v8 =	vmax.f32 v52, v8  }
0x398: {  	[tilespmem:v6+s3+$0x0] =	vst.idx.msk $0xffff, v8;
	v6 =	vbroadcast v3, $0xE  }
0x399: {  	v56 =	vshll.u32 v55, $0x2;
	v8 =	vld.idx.msk [tilespmem:v9+s11+$0x0], $0xffff  }
0x39a: {  	v10 =	vand.u32 $0x7F, v55;
	v57 =	vld.idx.msk [tilespmem:v7+s3+$0x0], $0xffff;
	v9 =	vand.u32 $0xFFFFFE00, v56;
	v58 =	vshll.u32 v6, $0x2  }
0x39b: {  	v9 =	vor.u32 v9, v10;
	v6 =	vand.u32 $0x7F, v6;
	v59 =	vand.u32 $0xFFFFFE00, v58  }
0x39c: {  	v9 =	vor.u32 v1, v9;
	v6 =	vor.u32 v59, v6  }
0x39d: {  	v6 =	vor.u32 v1, v6;
	_ =	sdelay $0x1  }
0x39e: {  	v5 =	vbroadcast v5, $0xF;
	v8 =	vmax.f32 v57, v8  }
0x39f: {  	v3 =	vbroadcast v3, $0xF;
	[tilespmem:v7+s3+$0x0] =	vst.idx.msk $0xffff, v8  }
0x3a0: {  	v60 =	vshll.u32 v5, $0x2;
	v7 =	vld.idx.msk [tilespmem:v9+s11+$0x0], $0xffff  }
0x3a1: {  	v5 =	vand.u32 $0x7F, v5;
	v62 =	vshll.u32 v3, $0x2;
	v8 =	vand.u32 $0xFFFFFE00, v60;
	v61 =	vld.idx.msk [tilespmem:v6+s3+$0x0], $0xffff  }
0x3a2: {  	v3 =	vand.u32 $0x7F, v3;
	v63 =	vand.u32 $0xFFFFFE00, v62;
	v5 =	vor.u32 v8, v5  }
0x3a3: {  	v3 =	vor.u32 v63, v3;
	v5 =	vor.u32 v1, v5  }
0x3a4: {  	v3 =	vor.u32 v1, v3;
	_ =	sdelay $0x1  }
0x3a5: {  	v7 =	vmax.f32 v61, v7  }
0x3a6: {  	[tilespmem:v6+s3+$0x0] =	vst.idx.msk $0xffff, v7  }
0x3a7: {  	v5 =	vld.idx.msk [tilespmem:v5+s11+$0x0], $0xffff  }
0x3a8: {  	v6 =	vld.idx.msk [tilespmem:v3+s3+$0x0], $0xffff;
	_ =	sdelay $0x4  }
0x3a9: {  	v5 =	vmax.f32 v6, v5  }
0x3aa: {  	[tilespmem:v3+s3+$0x0] =	vst.idx.msk $0xffff, v5  }
.LBB2_19:
0x3ab: {  	v3 =	vld [tilespmem:s24+$0x10];
	_ =	sdelay $0x4  }
0x3ac: {  	(xrf1) =	vunique.msk.u32 $0xffff, v3;
	_ =	sdelay $0xb  }
0x3ad: {  	v8 =	vshll.u32 v2, $0x2  }
0x3ae: {  	v10 =	vand.u32 $0x7F, v2;
	v8 =	vand.u32 $0xFFFFFE00, v8  }
0x3af: {  	v8 =	vor.u32 v10, v8;
	_, v6, vm0 =	vpop (xrf1)  }
0x3b0: {  	v5 =	vshll.u32 v4, $0x2;
	v11 =	vor.u32 $0x80, v8;
	v7 =	vmpcnt.ones.xlane vm0  }
0x3b1: {  	v5 =	vand.u32 $0xFFFFFE00, v5;
	v12 =	vor.u32 $0x100, v8  }
0x3b2: {  	v13 =	vor.u32 $0x180, v8;
	v6 =	vand.u32 $0x7F, v4;
	(v2sf) =	vpush v7, $0x0  }
0x3b3: {  	v5 =	vor.u32 v6, v5  }
0x3b4: {  	v14 =	vld.idx.msk [tilespmem:v8+s3+$0x0], $0xffff;
	v6 =	vor.u32 $0x80, v5  }
0x3b5: {  	v15 =	vld.idx.msk [tilespmem:v11+s3+$0x0], $0xffff;
	v7 =	vor.u32 $0x100, v5  }
0x3b6: {  	v16 =	vld.idx.msk [tilespmem:v12+s3+$0x0], $0xffff;
	v9 =	vor.u32 $0x180, v5  }
0x3b7: {  	v17 =	vld.idx.msk [tilespmem:v13+s3+$0x0], $0xffff  }
0x3b8: {  	v63 =	vld.idx.msk [tilespmem:v5+s11+$0x0], $0xffff  }
0x3b9: {  	v6 =	vld.idx.msk [tilespmem:v6+s11+$0x0], $0xffff  }
0x3ba: {  	v7 =	vld.idx.msk [tilespmem:v7+s11+$0x0], $0xffff  }
0x3bb: {  	v9 =	vld.idx.msk [tilespmem:v9+s11+$0x0], $0xffff  }
0x3bc: {  	p0 =	seq.s32 s25, $0x10  }
.Ltmp14:
0x3bd: {  	v10 =	vmax.f32 v14, v63;
	(pc) =	sbr.rel @p0 .LBB2_21-.Ltmp14, $4  }
0x3be: {  	v5 =	vld [tilespmem:s23+$0x10];
	[tilespmem:v8+s3+$0x0] =	vst.idx.msk $0xffff, v10;
	v6 =	vmax.f32 v15, v6  }
0x3bf: {  	[tilespmem:v11+s3+$0x0] =	vst.idx.msk $0xffff, v6;
	v6 =	vmax.f32 v16, v7  }
0x3c0: {  	[tilespmem:v12+s3+$0x0] =	vst.idx.msk $0xffff, v6;
	v6 =	vmax.f32 v17, v9  }
0x3c1: {  	[tilespmem:v13+s3+$0x0] =	vst.idx.msk $0xffff, v6;
	s25 =	spop (v2sf)  }
0x3c2: {  	v6 =	vbroadcast v4, $0x0  }
0x3c3: {  	v7 =	vbroadcast v2, $0x0  }
0x3c4: {  	v8 =	vshll.u32 v6, $0x2  }
0x3c5: {  	v6 =	vand.u32 $0x7F, v6;
	v9 =	vshll.u32 v7, $0x2;
	v8 =	vand.u32 $0xFFFFFE00, v8  }
0x3c6: {  	v7 =	vand.u32 $0x7F, v7;
	v41 =	vand.u32 $0xFFFFFE00, v9;
	v6 =	vor.u32 v8, v6  }
0x3c7: {  	v7 =	vor.u32 v41, v7;
	v6 =	vor.u32 v1, v6  }
0x3c8: {  	v7 =	vor.u32 v1, v7;
	_ =	sdelay $0x1  }
0x3c9: {  	v42 =	vbroadcast v4, $0x1  }
0x3ca: {  	v43 =	vbroadcast v2, $0x1  }
0x3cb: {  	v10 =	vshll.u32 v42, $0x2;
	v6 =	vld.idx.msk [tilespmem:v6+s11+$0x0], $0xffff  }
0x3cc: {  	v12 =	vshll.u32 v43, $0x2;
	v10 =	vand.u32 $0xFFFFFE00, v10;
	v8 =	vand.u32 $0x7F, v42;
	v11 =	vld.idx.msk [tilespmem:v7+s3+$0x0], $0xffff  }
0x3cd: {  	v9 =	vand.u32 $0x7F, v43;
	v44 =	vand.u32 $0xFFFFFE00, v12;
	v8 =	vor.u32 v10, v8  }
0x3ce: {  	v9 =	vor.u32 v44, v9;
	v8 =	vor.u32 v1, v8  }
0x3cf: {  	v9 =	vor.u32 v1, v9;
	_ =	sdelay $0x1  }
0x3d0: {  	v45 =	vbroadcast v4, $0x2;
	v6 =	vmax.f32 v11, v6  }
0x3d1: {  	[tilespmem:v7+s3+$0x0] =	vst.idx.msk $0xffff, v6;
	v6 =	vbroadcast v2, $0x2  }
0x3d2: {  	v46 =	vshll.u32 v45, $0x2;
	v7 =	vld.idx.msk [tilespmem:v8+s11+$0x0], $0xffff  }
0x3d3: {  	v10 =	vand.u32 $0x7F, v45;
	v47 =	vld.idx.msk [tilespmem:v9+s3+$0x0], $0xffff;
	v8 =	vand.u32 $0xFFFFFE00, v46;
	v48 =	vshll.u32 v6, $0x2  }
0x3d4: {  	v8 =	vor.u32 v8, v10;
	v6 =	vand.u32 $0x7F, v6;
	v49 =	vand.u32 $0xFFFFFE00, v48  }
0x3d5: {  	v8 =	vor.u32 v1, v8;
	v6 =	vor.u32 v49, v6  }
0x3d6: {  	v6 =	vor.u32 v1, v6;
	_ =	sdelay $0x1  }
0x3d7: {  	v50 =	vbroadcast v4, $0x3;
	v7 =	vmax.f32 v47, v7  }
0x3d8: {  	[tilespmem:v9+s3+$0x0] =	vst.idx.msk $0xffff, v7;
	v7 =	vbroadcast v2, $0x3  }
0x3d9: {  	v51 =	vshll.u32 v50, $0x2;
	v8 =	vld.idx.msk [tilespmem:v8+s11+$0x0], $0xffff  }
0x3da: {  	v10 =	vand.u32 $0x7F, v50;
	v9 =	vand.u32 $0xFFFFFE00, v51;
	v53 =	vshll.u32 v7, $0x2;
	v52 =	vld.idx.msk [tilespmem:v6+s3+$0x0], $0xffff  }
0x3db: {  	v9 =	vor.u32 v9, v10;
	v7 =	vand.u32 $0x7F, v7;
	v54 =	vand.u32 $0xFFFFFE00, v53  }
0x3dc: {  	v9 =	vor.u32 v1, v9;
	v7 =	vor.u32 v54, v7  }
0x3dd: {  	v7 =	vor.u32 v1, v7;
	_ =	sdelay $0x1  }
0x3de: {  	v55 =	vbroadcast v4, $0x4;
	v8 =	vmax.f32 v52, v8  }
0x3df: {  	[tilespmem:v6+s3+$0x0] =	vst.idx.msk $0xffff, v8;
	v6 =	vbroadcast v2, $0x4  }
0x3e0: {  	v56 =	vshll.u32 v55, $0x2;
	v8 =	vld.idx.msk [tilespmem:v9+s11+$0x0], $0xffff  }
0x3e1: {  	v10 =	vand.u32 $0x7F, v55;
	v57 =	vld.idx.msk [tilespmem:v7+s3+$0x0], $0xffff;
	v9 =	vand.u32 $0xFFFFFE00, v56;
	v58 =	vshll.u32 v6, $0x2  }
0x3e2: {  	v9 =	vor.u32 v9, v10;
	v6 =	vand.u32 $0x7F, v6;
	v59 =	vand.u32 $0xFFFFFE00, v58  }
0x3e3: {  	v9 =	vor.u32 v1, v9;
	v6 =	vor.u32 v59, v6  }
0x3e4: {  	v6 =	vor.u32 v1, v6;
	_ =	sdelay $0x1  }
0x3e5: {  	v60 =	vbroadcast v4, $0x5;
	v8 =	vmax.f32 v57, v8  }
0x3e6: {  	[tilespmem:v7+s3+$0x0] =	vst.idx.msk $0xffff, v8;
	v7 =	vbroadcast v2, $0x5  }
0x3e7: {  	v61 =	vshll.u32 v60, $0x2;
	v8 =	vld.idx.msk [tilespmem:v9+s11+$0x0], $0xffff  }
0x3e8: {  	v10 =	vand.u32 $0x7F, v60;
	v9 =	vand.u32 $0xFFFFFE00, v61;
	v63 =	vshll.u32 v7, $0x2;
	v62 =	vld.idx.msk [tilespmem:v6+s3+$0x0], $0xffff  }
0x3e9: {  	v9 =	vor.u32 v9, v10;
	v7 =	vand.u32 $0x7F, v7;
	v14 =	vand.u32 $0xFFFFFE00, v63  }
0x3ea: {  	v9 =	vor.u32 v1, v9;
	v7 =	vor.u32 v14, v7  }
0x3eb: {  	v7 =	vor.u32 v1, v7;
	_ =	sdelay $0x1  }
0x3ec: {  	v15 =	vbroadcast v4, $0x6;
	v8 =	vmax.f32 v62, v8  }
0x3ed: {  	[tilespmem:v6+s3+$0x0] =	vst.idx.msk $0xffff, v8;
	v6 =	vbroadcast v2, $0x6  }
0x3ee: {  	v16 =	vshll.u32 v15, $0x2;
	v8 =	vld.idx.msk [tilespmem:v9+s11+$0x0], $0xffff  }
0x3ef: {  	v10 =	vand.u32 $0x7F, v15;
	v17 =	vld.idx.msk [tilespmem:v7+s3+$0x0], $0xffff;
	v9 =	vand.u32 $0xFFFFFE00, v16;
	v18 =	vshll.u32 v6, $0x2  }
0x3f0: {  	v9 =	vor.u32 v9, v10;
	v6 =	vand.u32 $0x7F, v6;
	v19 =	vand.u32 $0xFFFFFE00, v18  }
0x3f1: {  	v9 =	vor.u32 v1, v9;
	v6 =	vor.u32 v19, v6  }
0x3f2: {  	v6 =	vor.u32 v1, v6;
	_ =	sdelay $0x1  }
0x3f3: {  	v20 =	vbroadcast v4, $0x7;
	v8 =	vmax.f32 v17, v8  }
0x3f4: {  	[tilespmem:v7+s3+$0x0] =	vst.idx.msk $0xffff, v8;
	v7 =	vbroadcast v2, $0x7  }
0x3f5: {  	v21 =	vshll.u32 v20, $0x2;
	v8 =	vld.idx.msk [tilespmem:v9+s11+$0x0], $0xffff  }
0x3f6: {  	v10 =	vand.u32 $0x7F, v20;
	v9 =	vand.u32 $0xFFFFFE00, v21;
	v23 =	vshll.u32 v7, $0x2;
	v22 =	vld.idx.msk [tilespmem:v6+s3+$0x0], $0xffff  }
0x3f7: {  	v9 =	vor.u32 v9, v10;
	v7 =	vand.u32 $0x7F, v7;
	v24 =	vand.u32 $0xFFFFFE00, v23  }
0x3f8: {  	v9 =	vor.u32 v1, v9;
	v7 =	vor.u32 v24, v7  }
0x3f9: {  	v7 =	vor.u32 v1, v7;
	_ =	sdelay $0x1  }
0x3fa: {  	v25 =	vbroadcast v4, $0x8;
	v8 =	vmax.f32 v22, v8  }
0x3fb: {  	[tilespmem:v6+s3+$0x0] =	vst.idx.msk $0xffff, v8;
	v6 =	vbroadcast v2, $0x8  }
0x3fc: {  	v26 =	vshll.u32 v25, $0x2;
	v8 =	vld.idx.msk [tilespmem:v9+s11+$0x0], $0xffff  }
0x3fd: {  	v10 =	vand.u32 $0x7F, v25;
	v27 =	vld.idx.msk [tilespmem:v7+s3+$0x0], $0xffff;
	v9 =	vand.u32 $0xFFFFFE00, v26;
	v28 =	vshll.u32 v6, $0x2  }
0x3fe: {  	v9 =	vor.u32 v9, v10;
	v6 =	vand.u32 $0x7F, v6;
	v29 =	vand.u32 $0xFFFFFE00, v28  }
0x3ff: {  	v9 =	vor.u32 v1, v9;
	v6 =	vor.u32 v29, v6  }
0x400: {  	v6 =	vor.u32 v1, v6;
	_ =	sdelay $0x1  }
0x401: {  	v30 =	vbroadcast v4, $0x9;
	v8 =	vmax.f32 v27, v8  }
0x402: {  	[tilespmem:v7+s3+$0x0] =	vst.idx.msk $0xffff, v8;
	v7 =	vbroadcast v2, $0x9  }
0x403: {  	v31 =	vshll.u32 v30, $0x2;
	v8 =	vld.idx.msk [tilespmem:v9+s11+$0x0], $0xffff  }
0x404: {  	v10 =	vand.u32 $0x7F, v30;
	v9 =	vand.u32 $0xFFFFFE00, v31;
	v33 =	vshll.u32 v7, $0x2;
	v32 =	vld.idx.msk [tilespmem:v6+s3+$0x0], $0xffff  }
0x405: {  	v9 =	vor.u32 v9, v10;
	v7 =	vand.u32 $0x7F, v7;
	v34 =	vand.u32 $0xFFFFFE00, v33  }
0x406: {  	v9 =	vor.u32 v1, v9;
	v7 =	vor.u32 v34, v7  }
0x407: {  	v7 =	vor.u32 v1, v7;
	_ =	sdelay $0x1  }
0x408: {  	v35 =	vbroadcast v4, $0xA;
	v8 =	vmax.f32 v32, v8  }
0x409: {  	[tilespmem:v6+s3+$0x0] =	vst.idx.msk $0xffff, v8;
	v6 =	vbroadcast v2, $0xA  }
0x40a: {  	v36 =	vshll.u32 v35, $0x2;
	v8 =	vld.idx.msk [tilespmem:v9+s11+$0x0], $0xffff  }
0x40b: {  	v10 =	vand.u32 $0x7F, v35;
	v37 =	vld.idx.msk [tilespmem:v7+s3+$0x0], $0xffff;
	v9 =	vand.u32 $0xFFFFFE00, v36;
	v38 =	vshll.u32 v6, $0x2  }
0x40c: {  	v9 =	vor.u32 v9, v10;
	v6 =	vand.u32 $0x7F, v6;
	v39 =	vand.u32 $0xFFFFFE00, v38  }
0x40d: {  	v9 =	vor.u32 v1, v9;
	v6 =	vor.u32 v39, v6  }
0x40e: {  	v6 =	vor.u32 v1, v6;
	_ =	sdelay $0x1  }
0x40f: {  	v40 =	vbroadcast v4, $0xB;
	v8 =	vmax.f32 v37, v8  }
0x410: {  	[tilespmem:v7+s3+$0x0] =	vst.idx.msk $0xffff, v8;
	v7 =	vbroadcast v2, $0xB  }
0x411: {  	v41 =	vshll.u32 v40, $0x2;
	v8 =	vld.idx.msk [tilespmem:v9+s11+$0x0], $0xffff  }
0x412: {  	v10 =	vand.u32 $0x7F, v40;
	v9 =	vand.u32 $0xFFFFFE00, v41;
	v43 =	vshll.u32 v7, $0x2;
	v42 =	vld.idx.msk [tilespmem:v6+s3+$0x0], $0xffff  }
0x413: {  	v9 =	vor.u32 v9, v10;
	v7 =	vand.u32 $0x7F, v7;
	v44 =	vand.u32 $0xFFFFFE00, v43  }
0x414: {  	v9 =	vor.u32 v1, v9;
	v7 =	vor.u32 v44, v7  }
0x415: {  	v7 =	vor.u32 v1, v7;
	_ =	sdelay $0x1  }
0x416: {  	v45 =	vbroadcast v4, $0xC;
	v8 =	vmax.f32 v42, v8  }
0x417: {  	[tilespmem:v6+s3+$0x0] =	vst.idx.msk $0xffff, v8;
	v6 =	vbroadcast v2, $0xC  }
0x418: {  	v46 =	vshll.u32 v45, $0x2;
	v8 =	vld.idx.msk [tilespmem:v9+s11+$0x0], $0xffff  }
0x419: {  	v10 =	vand.u32 $0x7F, v45;
	v47 =	vld.idx.msk [tilespmem:v7+s3+$0x0], $0xffff;
	v9 =	vand.u32 $0xFFFFFE00, v46;
	v48 =	vshll.u32 v6, $0x2  }
0x41a: {  	v9 =	vor.u32 v9, v10;
	v6 =	vand.u32 $0x7F, v6;
	v49 =	vand.u32 $0xFFFFFE00, v48  }
0x41b: {  	v9 =	vor.u32 v1, v9;
	v6 =	vor.u32 v49, v6  }
0x41c: {  	v6 =	vor.u32 v1, v6;
	_ =	sdelay $0x1  }
0x41d: {  	v50 =	vbroadcast v4, $0xD;
	v8 =	vmax.f32 v47, v8  }
0x41e: {  	[tilespmem:v7+s3+$0x0] =	vst.idx.msk $0xffff, v8;
	v7 =	vbroadcast v2, $0xD  }
0x41f: {  	v51 =	vshll.u32 v50, $0x2;
	v8 =	vld.idx.msk [tilespmem:v9+s11+$0x0], $0xffff  }
0x420: {  	v10 =	vand.u32 $0x7F, v50;
	v9 =	vand.u32 $0xFFFFFE00, v51;
	v53 =	vshll.u32 v7, $0x2;
	v52 =	vld.idx.msk [tilespmem:v6+s3+$0x0], $0xffff  }
0x421: {  	v9 =	vor.u32 v9, v10;
	v7 =	vand.u32 $0x7F, v7;
	v54 =	vand.u32 $0xFFFFFE00, v53  }
0x422: {  	v9 =	vor.u32 v1, v9;
	v7 =	vor.u32 v54, v7  }
0x423: {  	v7 =	vor.u32 v1, v7;
	_ =	sdelay $0x1  }
0x424: {  	v55 =	vbroadcast v4, $0xE;
	v8 =	vmax.f32 v52, v8  }
0x425: {  	[tilespmem:v6+s3+$0x0] =	vst.idx.msk $0xffff, v8;
	v6 =	vbroadcast v2, $0xE  }
0x426: {  	v56 =	vshll.u32 v55, $0x2;
	v8 =	vld.idx.msk [tilespmem:v9+s11+$0x0], $0xffff  }
0x427: {  	v10 =	vand.u32 $0x7F, v55;
	v57 =	vld.idx.msk [tilespmem:v7+s3+$0x0], $0xffff;
	v9 =	vand.u32 $0xFFFFFE00, v56;
	v58 =	vshll.u32 v6, $0x2  }
0x428: {  	v9 =	vor.u32 v9, v10;
	v6 =	vand.u32 $0x7F, v6;
	v59 =	vand.u32 $0xFFFFFE00, v58  }
0x429: {  	v9 =	vor.u32 v1, v9;
	v6 =	vor.u32 v59, v6  }
0x42a: {  	v6 =	vor.u32 v1, v6;
	_ =	sdelay $0x1  }
0x42b: {  	v4 =	vbroadcast v4, $0xF;
	v8 =	vmax.f32 v57, v8  }
0x42c: {  	v2 =	vbroadcast v2, $0xF;
	[tilespmem:v7+s3+$0x0] =	vst.idx.msk $0xffff, v8  }
0x42d: {  	v60 =	vshll.u32 v4, $0x2;
	v7 =	vld.idx.msk [tilespmem:v9+s11+$0x0], $0xffff  }
0x42e: {  	v4 =	vand.u32 $0x7F, v4;
	v62 =	vshll.u32 v2, $0x2;
	v8 =	vand.u32 $0xFFFFFE00, v60;
	v61 =	vld.idx.msk [tilespmem:v6+s3+$0x0], $0xffff  }
0x42f: {  	v2 =	vand.u32 $0x7F, v2;
	v63 =	vand.u32 $0xFFFFFE00, v62;
	v4 =	vor.u32 v8, v4  }
0x430: {  	v2 =	vor.u32 v63, v2;
	v4 =	vor.u32 v1, v4  }
0x431: {  	v2 =	vor.u32 v1, v2;
	_ =	sdelay $0x1  }
0x432: {  	v7 =	vmax.f32 v61, v7  }
0x433: {  	[tilespmem:v6+s3+$0x0] =	vst.idx.msk $0xffff, v7  }
0x434: {  	v4 =	vld.idx.msk [tilespmem:v4+s11+$0x0], $0xffff  }
0x435: {  	v6 =	vld.idx.msk [tilespmem:v2+s3+$0x0], $0xffff;
	_ =	sdelay $0x4  }
0x436: {  	v4 =	vmax.f32 v6, v4  }
0x437: {  	[tilespmem:v2+s3+$0x0] =	vst.idx.msk $0xffff, v4  }
.LBB2_21:
0x438: {  	s26 =	smin.u32 s22, $0x18B  }
0x439: {  	s26 =	sshll.u32 s26, $0x4  }
0x43a: {  	v2 =	vld [tilespmem:s26+$0x18B40];
	_ =	sdelay $0x4  }
0x43b: {  	(xrf1) =	vunique.msk.u32 $0xffff, v2;
	_ =	sdelay $0xb  }
0x43c: {  	v8 =	vshll.u32 v3, $0x2  }
0x43d: {  	v10 =	vand.u32 $0x7F, v3;
	v8 =	vand.u32 $0xFFFFFE00, v8  }
0x43e: {  	v8 =	vor.u32 v10, v8;
	_, v6, vm0 =	vpop (xrf1)  }
0x43f: {  	v4 =	vshll.u32 v5, $0x2;
	v11 =	vor.u32 $0x80, v8;
	v7 =	vmpcnt.ones.xlane vm0  }
0x440: {  	v4 =	vand.u32 $0xFFFFFE00, v4;
	v12 =	vor.u32 $0x100, v8  }
0x441: {  	v13 =	vor.u32 $0x180, v8;
	v6 =	vand.u32 $0x7F, v5;
	(v2sf) =	vpush v7, $0x0  }
0x442: {  	v4 =	vor.u32 v6, v4  }
0x443: {  	v14 =	vld.idx.msk [tilespmem:v8+s3+$0x0], $0xffff;
	v6 =	vor.u32 $0x80, v4  }
0x444: {  	v15 =	vld.idx.msk [tilespmem:v11+s3+$0x0], $0xffff;
	v7 =	vor.u32 $0x100, v4  }
0x445: {  	v16 =	vld.idx.msk [tilespmem:v12+s3+$0x0], $0xffff;
	v9 =	vor.u32 $0x180, v4  }
0x446: {  	v17 =	vld.idx.msk [tilespmem:v13+s3+$0x0], $0xffff  }
0x447: {  	v63 =	vld.idx.msk [tilespmem:v4+s11+$0x0], $0xffff  }
0x448: {  	v6 =	vld.idx.msk [tilespmem:v6+s11+$0x0], $0xffff  }
0x449: {  	v7 =	vld.idx.msk [tilespmem:v7+s11+$0x0], $0xffff  }
0x44a: {  	v9 =	vld.idx.msk [tilespmem:v9+s11+$0x0], $0xffff  }
0x44b: {  	p0 =	seq.s32 s25, $0x10  }
.Ltmp15:
0x44c: {  	v10 =	vmax.f32 v14, v63;
	(pc) =	sbr.rel @p0 .LBB2_23-.Ltmp15, $4  }
0x44d: {  	v4 =	vld [tilespmem:s26+$0x17240];
	[tilespmem:v8+s3+$0x0] =	vst.idx.msk $0xffff, v10;
	v6 =	vmax.f32 v15, v6  }
0x44e: {  	[tilespmem:v11+s3+$0x0] =	vst.idx.msk $0xffff, v6;
	v6 =	vmax.f32 v16, v7  }
0x44f: {  	[tilespmem:v12+s3+$0x0] =	vst.idx.msk $0xffff, v6;
	v6 =	vmax.f32 v17, v9  }
0x450: {  	[tilespmem:v13+s3+$0x0] =	vst.idx.msk $0xffff, v6;
	s25 =	spop (v2sf)  }
0x451: {  	v6 =	vbroadcast v5, $0x0  }
0x452: {  	v7 =	vbroadcast v3, $0x0  }
0x453: {  	v8 =	vshll.u32 v6, $0x2  }
0x454: {  	v6 =	vand.u32 $0x7F, v6;
	v9 =	vshll.u32 v7, $0x2;
	v8 =	vand.u32 $0xFFFFFE00, v8  }
0x455: {  	v7 =	vand.u32 $0x7F, v7;
	v41 =	vand.u32 $0xFFFFFE00, v9;
	v6 =	vor.u32 v8, v6  }
0x456: {  	v7 =	vor.u32 v41, v7;
	v6 =	vor.u32 v1, v6  }
0x457: {  	v7 =	vor.u32 v1, v7;
	_ =	sdelay $0x1  }
0x458: {  	v42 =	vbroadcast v5, $0x1  }
0x459: {  	v43 =	vbroadcast v3, $0x1  }
0x45a: {  	v10 =	vshll.u32 v42, $0x2;
	v6 =	vld.idx.msk [tilespmem:v6+s11+$0x0], $0xffff  }
0x45b: {  	v12 =	vshll.u32 v43, $0x2;
	v10 =	vand.u32 $0xFFFFFE00, v10;
	v8 =	vand.u32 $0x7F, v42;
	v11 =	vld.idx.msk [tilespmem:v7+s3+$0x0], $0xffff  }
0x45c: {  	v9 =	vand.u32 $0x7F, v43;
	v44 =	vand.u32 $0xFFFFFE00, v12;
	v8 =	vor.u32 v10, v8  }
0x45d: {  	v9 =	vor.u32 v44, v9;
	v8 =	vor.u32 v1, v8  }
0x45e: {  	v9 =	vor.u32 v1, v9;
	_ =	sdelay $0x1  }
0x45f: {  	v45 =	vbroadcast v5, $0x2;
	v6 =	vmax.f32 v11, v6  }
0x460: {  	[tilespmem:v7+s3+$0x0] =	vst.idx.msk $0xffff, v6;
	v6 =	vbroadcast v3, $0x2  }
0x461: {  	v46 =	vshll.u32 v45, $0x2;
	v7 =	vld.idx.msk [tilespmem:v8+s11+$0x0], $0xffff  }
0x462: {  	v10 =	vand.u32 $0x7F, v45;
	v47 =	vld.idx.msk [tilespmem:v9+s3+$0x0], $0xffff;
	v8 =	vand.u32 $0xFFFFFE00, v46;
	v48 =	vshll.u32 v6, $0x2  }
0x463: {  	v8 =	vor.u32 v8, v10;
	v6 =	vand.u32 $0x7F, v6;
	v49 =	vand.u32 $0xFFFFFE00, v48  }
0x464: {  	v8 =	vor.u32 v1, v8;
	v6 =	vor.u32 v49, v6  }
0x465: {  	v6 =	vor.u32 v1, v6;
	_ =	sdelay $0x1  }
0x466: {  	v50 =	vbroadcast v5, $0x3;
	v7 =	vmax.f32 v47, v7  }
0x467: {  	[tilespmem:v9+s3+$0x0] =	vst.idx.msk $0xffff, v7;
	v7 =	vbroadcast v3, $0x3  }
0x468: {  	v51 =	vshll.u32 v50, $0x2;
	v8 =	vld.idx.msk [tilespmem:v8+s11+$0x0], $0xffff  }
0x469: {  	v10 =	vand.u32 $0x7F, v50;
	v9 =	vand.u32 $0xFFFFFE00, v51;
	v53 =	vshll.u32 v7, $0x2;
	v52 =	vld.idx.msk [tilespmem:v6+s3+$0x0], $0xffff  }
0x46a: {  	v9 =	vor.u32 v9, v10;
	v7 =	vand.u32 $0x7F, v7;
	v54 =	vand.u32 $0xFFFFFE00, v53  }
0x46b: {  	v9 =	vor.u32 v1, v9;
	v7 =	vor.u32 v54, v7  }
0x46c: {  	v7 =	vor.u32 v1, v7;
	_ =	sdelay $0x1  }
0x46d: {  	v55 =	vbroadcast v5, $0x4;
	v8 =	vmax.f32 v52, v8  }
0x46e: {  	[tilespmem:v6+s3+$0x0] =	vst.idx.msk $0xffff, v8;
	v6 =	vbroadcast v3, $0x4  }
0x46f: {  	v56 =	vshll.u32 v55, $0x2;
	v8 =	vld.idx.msk [tilespmem:v9+s11+$0x0], $0xffff  }
0x470: {  	v10 =	vand.u32 $0x7F, v55;
	v57 =	vld.idx.msk [tilespmem:v7+s3+$0x0], $0xffff;
	v9 =	vand.u32 $0xFFFFFE00, v56;
	v58 =	vshll.u32 v6, $0x2  }
0x471: {  	v9 =	vor.u32 v9, v10;
	v6 =	vand.u32 $0x7F, v6;
	v59 =	vand.u32 $0xFFFFFE00, v58  }
0x472: {  	v9 =	vor.u32 v1, v9;
	v6 =	vor.u32 v59, v6  }
0x473: {  	v6 =	vor.u32 v1, v6;
	_ =	sdelay $0x1  }
0x474: {  	v60 =	vbroadcast v5, $0x5;
	v8 =	vmax.f32 v57, v8  }
0x475: {  	[tilespmem:v7+s3+$0x0] =	vst.idx.msk $0xffff, v8;
	v7 =	vbroadcast v3, $0x5  }
0x476: {  	v61 =	vshll.u32 v60, $0x2;
	v8 =	vld.idx.msk [tilespmem:v9+s11+$0x0], $0xffff  }
0x477: {  	v10 =	vand.u32 $0x7F, v60;
	v9 =	vand.u32 $0xFFFFFE00, v61;
	v63 =	vshll.u32 v7, $0x2;
	v62 =	vld.idx.msk [tilespmem:v6+s3+$0x0], $0xffff  }
0x478: {  	v9 =	vor.u32 v9, v10;
	v7 =	vand.u32 $0x7F, v7;
	v14 =	vand.u32 $0xFFFFFE00, v63  }
0x479: {  	v9 =	vor.u32 v1, v9;
	v7 =	vor.u32 v14, v7  }
0x47a: {  	v7 =	vor.u32 v1, v7;
	_ =	sdelay $0x1  }
0x47b: {  	v15 =	vbroadcast v5, $0x6;
	v8 =	vmax.f32 v62, v8  }
0x47c: {  	[tilespmem:v6+s3+$0x0] =	vst.idx.msk $0xffff, v8;
	v6 =	vbroadcast v3, $0x6  }
0x47d: {  	v16 =	vshll.u32 v15, $0x2;
	v8 =	vld.idx.msk [tilespmem:v9+s11+$0x0], $0xffff  }
0x47e: {  	v10 =	vand.u32 $0x7F, v15;
	v17 =	vld.idx.msk [tilespmem:v7+s3+$0x0], $0xffff;
	v9 =	vand.u32 $0xFFFFFE00, v16;
	v18 =	vshll.u32 v6, $0x2  }
0x47f: {  	v9 =	vor.u32 v9, v10;
	v6 =	vand.u32 $0x7F, v6;
	v19 =	vand.u32 $0xFFFFFE00, v18  }
0x480: {  	v9 =	vor.u32 v1, v9;
	v6 =	vor.u32 v19, v6  }
0x481: {  	v6 =	vor.u32 v1, v6;
	_ =	sdelay $0x1  }
0x482: {  	v20 =	vbroadcast v5, $0x7;
	v8 =	vmax.f32 v17, v8  }
0x483: {  	[tilespmem:v7+s3+$0x0] =	vst.idx.msk $0xffff, v8;
	v7 =	vbroadcast v3, $0x7  }
0x484: {  	v21 =	vshll.u32 v20, $0x2;
	v8 =	vld.idx.msk [tilespmem:v9+s11+$0x0], $0xffff  }
0x485: {  	v10 =	vand.u32 $0x7F, v20;
	v9 =	vand.u32 $0xFFFFFE00, v21;
	v23 =	vshll.u32 v7, $0x2;
	v22 =	vld.idx.msk [tilespmem:v6+s3+$0x0], $0xffff  }
0x486: {  	v9 =	vor.u32 v9, v10;
	v7 =	vand.u32 $0x7F, v7;
	v24 =	vand.u32 $0xFFFFFE00, v23  }
0x487: {  	v9 =	vor.u32 v1, v9;
	v7 =	vor.u32 v24, v7  }
0x488: {  	v7 =	vor.u32 v1, v7;
	_ =	sdelay $0x1  }
0x489: {  	v25 =	vbroadcast v5, $0x8;
	v8 =	vmax.f32 v22, v8  }
0x48a: {  	[tilespmem:v6+s3+$0x0] =	vst.idx.msk $0xffff, v8;
	v6 =	vbroadcast v3, $0x8  }
0x48b: {  	v26 =	vshll.u32 v25, $0x2;
	v8 =	vld.idx.msk [tilespmem:v9+s11+$0x0], $0xffff  }
0x48c: {  	v10 =	vand.u32 $0x7F, v25;
	v27 =	vld.idx.msk [tilespmem:v7+s3+$0x0], $0xffff;
	v9 =	vand.u32 $0xFFFFFE00, v26;
	v28 =	vshll.u32 v6, $0x2  }
0x48d: {  	v9 =	vor.u32 v9, v10;
	v6 =	vand.u32 $0x7F, v6;
	v29 =	vand.u32 $0xFFFFFE00, v28  }
0x48e: {  	v9 =	vor.u32 v1, v9;
	v6 =	vor.u32 v29, v6  }
0x48f: {  	v6 =	vor.u32 v1, v6;
	_ =	sdelay $0x1  }
0x490: {  	v30 =	vbroadcast v5, $0x9;
	v8 =	vmax.f32 v27, v8  }
0x491: {  	[tilespmem:v7+s3+$0x0] =	vst.idx.msk $0xffff, v8;
	v7 =	vbroadcast v3, $0x9  }
0x492: {  	v31 =	vshll.u32 v30, $0x2;
	v8 =	vld.idx.msk [tilespmem:v9+s11+$0x0], $0xffff  }
0x493: {  	v10 =	vand.u32 $0x7F, v30;
	v9 =	vand.u32 $0xFFFFFE00, v31;
	v33 =	vshll.u32 v7, $0x2;
	v32 =	vld.idx.msk [tilespmem:v6+s3+$0x0], $0xffff  }
0x494: {  	v9 =	vor.u32 v9, v10;
	v7 =	vand.u32 $0x7F, v7;
	v34 =	vand.u32 $0xFFFFFE00, v33  }
0x495: {  	v9 =	vor.u32 v1, v9;
	v7 =	vor.u32 v34, v7  }
0x496: {  	v7 =	vor.u32 v1, v7;
	_ =	sdelay $0x1  }
0x497: {  	v35 =	vbroadcast v5, $0xA;
	v8 =	vmax.f32 v32, v8  }
0x498: {  	[tilespmem:v6+s3+$0x0] =	vst.idx.msk $0xffff, v8;
	v6 =	vbroadcast v3, $0xA  }
0x499: {  	v36 =	vshll.u32 v35, $0x2;
	v8 =	vld.idx.msk [tilespmem:v9+s11+$0x0], $0xffff  }
0x49a: {  	v10 =	vand.u32 $0x7F, v35;
	v37 =	vld.idx.msk [tilespmem:v7+s3+$0x0], $0xffff;
	v9 =	vand.u32 $0xFFFFFE00, v36;
	v38 =	vshll.u32 v6, $0x2  }
0x49b: {  	v9 =	vor.u32 v9, v10;
	v6 =	vand.u32 $0x7F, v6;
	v39 =	vand.u32 $0xFFFFFE00, v38  }
0x49c: {  	v9 =	vor.u32 v1, v9;
	v6 =	vor.u32 v39, v6  }
0x49d: {  	v6 =	vor.u32 v1, v6;
	_ =	sdelay $0x1  }
0x49e: {  	v40 =	vbroadcast v5, $0xB;
	v8 =	vmax.f32 v37, v8  }
0x49f: {  	[tilespmem:v7+s3+$0x0] =	vst.idx.msk $0xffff, v8;
	v7 =	vbroadcast v3, $0xB  }
0x4a0: {  	v41 =	vshll.u32 v40, $0x2;
	v8 =	vld.idx.msk [tilespmem:v9+s11+$0x0], $0xffff  }
0x4a1: {  	v10 =	vand.u32 $0x7F, v40;
	v9 =	vand.u32 $0xFFFFFE00, v41;
	v43 =	vshll.u32 v7, $0x2;
	v42 =	vld.idx.msk [tilespmem:v6+s3+$0x0], $0xffff  }
0x4a2: {  	v9 =	vor.u32 v9, v10;
	v7 =	vand.u32 $0x7F, v7;
	v44 =	vand.u32 $0xFFFFFE00, v43  }
0x4a3: {  	v9 =	vor.u32 v1, v9;
	v7 =	vor.u32 v44, v7  }
0x4a4: {  	v7 =	vor.u32 v1, v7;
	_ =	sdelay $0x1  }
0x4a5: {  	v45 =	vbroadcast v5, $0xC;
	v8 =	vmax.f32 v42, v8  }
0x4a6: {  	[tilespmem:v6+s3+$0x0] =	vst.idx.msk $0xffff, v8;
	v6 =	vbroadcast v3, $0xC  }
0x4a7: {  	v46 =	vshll.u32 v45, $0x2;
	v8 =	vld.idx.msk [tilespmem:v9+s11+$0x0], $0xffff  }
0x4a8: {  	v10 =	vand.u32 $0x7F, v45;
	v47 =	vld.idx.msk [tilespmem:v7+s3+$0x0], $0xffff;
	v9 =	vand.u32 $0xFFFFFE00, v46;
	v48 =	vshll.u32 v6, $0x2  }
0x4a9: {  	v9 =	vor.u32 v9, v10;
	v6 =	vand.u32 $0x7F, v6;
	v49 =	vand.u32 $0xFFFFFE00, v48  }
0x4aa: {  	v9 =	vor.u32 v1, v9;
	v6 =	vor.u32 v49, v6  }
0x4ab: {  	v6 =	vor.u32 v1, v6;
	_ =	sdelay $0x1  }
0x4ac: {  	v50 =	vbroadcast v5, $0xD;
	v8 =	vmax.f32 v47, v8  }
0x4ad: {  	[tilespmem:v7+s3+$0x0] =	vst.idx.msk $0xffff, v8;
	v7 =	vbroadcast v3, $0xD  }
0x4ae: {  	v51 =	vshll.u32 v50, $0x2;
	v8 =	vld.idx.msk [tilespmem:v9+s11+$0x0], $0xffff  }
0x4af: {  	v10 =	vand.u32 $0x7F, v50;
	v9 =	vand.u32 $0xFFFFFE00, v51;
	v53 =	vshll.u32 v7, $0x2;
	v52 =	vld.idx.msk [tilespmem:v6+s3+$0x0], $0xffff  }
0x4b0: {  	v9 =	vor.u32 v9, v10;
	v7 =	vand.u32 $0x7F, v7;
	v54 =	vand.u32 $0xFFFFFE00, v53  }
0x4b1: {  	v9 =	vor.u32 v1, v9;
	v7 =	vor.u32 v54, v7  }
0x4b2: {  	v7 =	vor.u32 v1, v7;
	_ =	sdelay $0x1  }
0x4b3: {  	v55 =	vbroadcast v5, $0xE;
	v8 =	vmax.f32 v52, v8  }
0x4b4: {  	[tilespmem:v6+s3+$0x0] =	vst.idx.msk $0xffff, v8;
	v6 =	vbroadcast v3, $0xE  }
0x4b5: {  	v56 =	vshll.u32 v55, $0x2;
	v8 =	vld.idx.msk [tilespmem:v9+s11+$0x0], $0xffff  }
0x4b6: {  	v10 =	vand.u32 $0x7F, v55;
	v57 =	vld.idx.msk [tilespmem:v7+s3+$0x0], $0xffff;
	v9 =	vand.u32 $0xFFFFFE00, v56;
	v58 =	vshll.u32 v6, $0x2  }
0x4b7: {  	v9 =	vor.u32 v9, v10;
	v6 =	vand.u32 $0x7F, v6;
	v59 =	vand.u32 $0xFFFFFE00, v58  }
0x4b8: {  	v9 =	vor.u32 v1, v9;
	v6 =	vor.u32 v59, v6  }
0x4b9: {  	v6 =	vor.u32 v1, v6;
	_ =	sdelay $0x1  }
0x4ba: {  	v5 =	vbroadcast v5, $0xF;
	v8 =	vmax.f32 v57, v8  }
0x4bb: {  	v3 =	vbroadcast v3, $0xF;
	[tilespmem:v7+s3+$0x0] =	vst.idx.msk $0xffff, v8  }
0x4bc: {  	v60 =	vshll.u32 v5, $0x2;
	v7 =	vld.idx.msk [tilespmem:v9+s11+$0x0], $0xffff  }
0x4bd: {  	v5 =	vand.u32 $0x7F, v5;
	v62 =	vshll.u32 v3, $0x2;
	v8 =	vand.u32 $0xFFFFFE00, v60;
	v61 =	vld.idx.msk [tilespmem:v6+s3+$0x0], $0xffff  }
0x4be: {  	v3 =	vand.u32 $0x7F, v3;
	v63 =	vand.u32 $0xFFFFFE00, v62;
	v5 =	vor.u32 v8, v5  }
0x4bf: {  	v3 =	vor.u32 v63, v3;
	v5 =	vor.u32 v1, v5  }
0x4c0: {  	v3 =	vor.u32 v1, v3;
	_ =	sdelay $0x1  }
0x4c1: {  	v7 =	vmax.f32 v61, v7  }
0x4c2: {  	[tilespmem:v6+s3+$0x0] =	vst.idx.msk $0xffff, v7  }
0x4c3: {  	v5 =	vld.idx.msk [tilespmem:v5+s11+$0x0], $0xffff  }
0x4c4: {  	v6 =	vld.idx.msk [tilespmem:v3+s3+$0x0], $0xffff;
	_ =	sdelay $0x1  }
.Ltmp16:
0x4c5: {  	_ = 	snop;
	(pc) =	sbr.rel .LBB2_23-.Ltmp16, $3  }
0x4c6: {  	_ =	sdelay $0x1  }
0x4c7: {  	v5 =	vmax.f32 v6, v5  }
0x4c8: {  	[tilespmem:v3+s3+$0x0] =	vst.idx.msk $0xffff, v5  }
.LBB2_25:
0x4c9: {  	[tilespmem:s11], [sflag:$0x3] =	stream.strided.gather [hbm4b:s6+s9], $0xA000, s10, s9, $0x38;
	[tilespmem:$0x1A400] =	vst v63  }
0x4ca: {  	s20 =	simm.s32 $0x0;
	_ =	swait.ge [sflag:s12], $0xA000  }
0x4cb: {  	s21 =	sand.u32 $0x70, s20;
	s20 =	sand.u32 $0xFE00, s20;
	[sflag:s12] =	ssyncset.done $0x0  }
0x4cc: {  	s20 =	sor.u32 s21, s20;
	[sflag:s12] =	ssyncadd.s32 $0xFFFF6000  }
0x4cd: {  	v3 =	vld [tilespmem:s20+$0xA000]  }
0x4ce: {  	v4 =	vld [tilespmem:s20+$0xA080]  }
0x4cf: {  	v5 =	vld [tilespmem:s20+$0xA100]  }
0x4d0: {  	v6 =	vld [tilespmem:s20+$0xA180]  }
0x4d1: {  	v7 =	vld [tilespmem:s20+$0x0]  }
0x4d2: {  	v8 =	vld [tilespmem:s20+$0x80]  }
0x4d3: {  	s31 =	simm.s32 $0x10;
	s22 =	simm.s32 $0x40;
	v9 =	vld [tilespmem:s20+$0x100]  }
0x4d4: {  	s23 =	sand.u32 $0xFE00, s22;
	s21 =	sand.u32 $0x70, s31;
	v10 =	vld [tilespmem:s20+$0x180]  }
0x4d5: {  	s21 =	sor.u32 s21, s23  }
0x4d6: {  	v2 =	vld [tilespmem:s21+$0xA000];
	v7 =	vadd.f32 v3, v7  }
0x4d7: {  	v3 =	vld [tilespmem:s21+$0xA080];
	v8 =	vadd.f32 v4, v8  }
0x4d8: {  	v4 =	vld [tilespmem:s21+$0xA100];
	v9 =	vadd.f32 v5, v9;
	v7 =	vmax.f32 v7, $0.0e+00  }
0x4d9: {  	v5 =	vld [tilespmem:s21+$0xA180];
	[tilespmem:s20+$0x0] =	vst v7;
	v7 =	vmax.f32 v8, $0.0e+00;
	v8 =	vadd.f32 v6, v10  }
0x4da: {  	v9 =	vmax.f32 v9, $0.0e+00;
	v6 =	vld [tilespmem:s21+$0x0];
	[tilespmem:s20+$0x80] =	vst v7  }
0x4db: {  	s23 =	simm.s32 $0x20;
	[tilespmem:s20+$0x100] =	vst v9;
	v7 =	vld [tilespmem:s21+$0x80];
	v8 =	vmax.f32 v8, $0.0e+00  }
.LBB2_26:
0x4dc: {  	p0 =	sne.s32 s23, $0x27F0;
	v9 =	vld [tilespmem:s21+$0x100];
	s22 =	sadd.s32 $0x40, s22;
	[tilespmem:s20+$0x180] =	vst v8;
	s20 =	smov.u32 s21  }
0x4dd: {  	s21 =	sand.u32 $0x70, s23;
	s24 =	sand.u32 $0xFE00, s22;
	v8 =	vld [tilespmem:s20+$0x180]  }
0x4de: {  	s21 =	sor.u32 s21, s24  }
0x4df: {  	v6 =	vadd.f32 v2, v6;
	v2 =	vld [tilespmem:s21+$0xA000]  }
.Ltmp17:
0x4e0: {  	v7 =	vadd.f32 v3, v7;
	v3 =	vld [tilespmem:s21+$0xA080];
	(pc) =	sbr.rel @p0 .LBB2_26-.Ltmp17, $4  }
0x4e1: {  	v6 =	vmax.f32 v6, $0.0e+00;
	v9 =	vadd.f32 v4, v9;
	v4 =	vld [tilespmem:s21+$0xA100]  }
0x4e2: {  	[tilespmem:s20+$0x0] =	vst v6;
	v7 =	vmax.f32 v7, $0.0e+00;
	v8 =	vadd.f32 v5, v8;
	v5 =	vld [tilespmem:s21+$0xA180]  }
0x4e3: {  	v6 =	vld [tilespmem:s21+$0x0];
	[tilespmem:s20+$0x80] =	vst v7;
	v9 =	vmax.f32 v9, $0.0e+00  }
0x4e4: {  	s23 =	sadd.s32 $0x10, s23;
	v7 =	vld [tilespmem:s21+$0x80];
	[tilespmem:s20+$0x100] =	vst v9;
	v8 =	vmax.f32 v8, $0.0e+00  }
0x4e5: {  	v9 =	vld [tilespmem:s21+$0x100];
	[tilespmem:s20+$0x180] =	vst v8  }
0x4e6: {  	v8 =	vld [tilespmem:s21+$0x180];
	_ =	sdelay $0x1  }
0x4e7: {  	v2 =	vadd.f32 v2, v6  }
0x4e8: {  	v3 =	vadd.f32 v3, v7  }
0x4e9: {  	v2 =	vmax.f32 v2, $0.0e+00;
	v4 =	vadd.f32 v4, v9  }
0x4ea: {  	[tilespmem:s21+$0x0] =	vst v2;
	v2 =	vmax.f32 v3, $0.0e+00;
	v3 =	vadd.f32 v5, v8  }
0x4eb: {  	s19 =	sadd.s32 $0x1, s19;
	[tilespmem:s21+$0x80] =	vst v2;
	v2 =	vmax.f32 v4, $0.0e+00  }
0x4ec: {  	p0 =	sne.s32 s19, s8;
	[tilespmem:s21+$0x100] =	vst v2;
	v2 =	vmax.f32 v3, $0.0e+00  }
.Ltmp18:
0x4ed: {  	[tilespmem:s21+$0x180] =	vst v2;
	(pc) =	sbr.rel @p0 .LBB2_1-.Ltmp18, $4  }
0x4ee: {  	[hbm4b:s7+s9] =	stream.strided.scatter [tilespmem:s3], [sflag:$0x3], $0xA000, s10, s9, $0x38;
	[tilespmem:$0x1A400] =	vst v63  }
0x4ef: {  	_ =	swait.ge [sflag:s12], $0xA000  }
0x4f0: {  	[sflag:s12] =	ssyncset.done $0x0  }
0x4f1: {  	[sflag:s12] =	ssyncadd.s32 $0xFFFF6000  }
0x4f2: {  	_ =	sfence.sel $0x180000  }
0x4f3: {  	[bflag:$0x0] =	sbarrier.arrive $0xFFFF  }
0x4f4: {  	p0 =	sne.s32 s0, $0x0;
	_ =	strace $0x90000047  }
0x4f5: {  	s0 =	sadd.s32 @!p0 $0x100000, s1;
	[bflag:$0x2] =	sbarrier.arrive $0xFFFF  }
0x4f6: {  	[sflag:s0] =	ssyncadd.tile.s32 @!p0 $0x1;
	_ =	shalt  }
.Lfunc_end2:
_tile_overlayer_lowered:
.L_overlay_start_2:
0x4f7: {  	(tag) =	ssettag $0x2  }
0x4f8: {  	s0 =	rddreg [dreg:$0x0];
	s2 =	stileid.u32  }
0x4f9: {  	s1 =	rddreg [dreg:$0x1];
	p0 =	sne.s32 s2, $0x0  }
0x4fa: {  	s3 =	rddreg [dreg:$0x2];
	[bflag:$0x3] =	sbarrier.arrive $0xFFFF;
	s2 =	simm.s32 @!p0 $0x1C03  }
0x4fb: {  	[timem:s3], [sflag:s2] =	dma.local @!p0 [hbm:s0], s1  }
0x4fc: {  	s0 =	simm.s32 @!p0 $0x3  }
0x4fd: {  	_ =	swait.ge @!p0 [sflag:s0], s1  }
0x4fe: {  	s1 =	ssub.s32 @!p0 $0x0, s1;
	[sflag:s0] =	ssyncset.done @!p0 $0x0  }
0x4ff: {  	[sflag:s0] =	ssyncadd.s32 @!p0 s1  }
0x500: {  	[bflag:$0x3] =	sbarrier.arrive $0xFFFF  }
0x501: {  	_ =	shalt  }

</sc_bundles>
